<compile_context>
chip_gen: v7x
topology: tpu7x:2x2x1
jax: 0.10.2.dev20260603
libtpu: 0.0.44.dev20260713+nightly
codegen_flags: <defaults>
</compile_context>

<pallas_src>
import functools

import jax
import jax.numpy as jnp
import numpy as np
from jax import lax
from jax.experimental import pallas as pl
from jax.experimental.pallas import tpu as pltpu
from jax.experimental.pallas import tpu_sc as plsc

NC = 2
NS = 16
NW = NC * NS
K = 128
D = 128


@functools.lru_cache(maxsize=None)
def _make_sc_gather(n, ncw):
  ep = NW * ncw * K
  mesh = plsc.VectorSubcoreMesh(core_axis_name="c", subcore_axis_name="s")

  def body(xl_hbm, xr_hbm, src_hbm, dst_hbm, gj_hbm, gi_hbm,
           bsa, bda, bsb, bdb, bja, bia, bjb, bib, gsem):
    c = lax.axis_index("c")
    s = lax.axis_index("s")
    wid = s * NC + c

    def idx(k, bs, bd):
      pltpu.sync_copy(src_hbm.at[wid, k], bs)
      pltpu.sync_copy(dst_hbm.at[wid, k], bd)

    idx(0, bsa, bda)
    g1 = pltpu.async_copy(xl_hbm.at[bsa], bja, gsem)
    g2 = pltpu.async_copy(xr_hbm.at[bda], bia, gsem)
    g1.wait()
    g2.wait()

    def step(kg, bs, bd, bjg, big, bjw, biw, kw):
      idx(kg, bs, bd)
      cg1 = pltpu.async_copy(xl_hbm.at[bs], bjg, gsem)
      cg2 = pltpu.async_copy(xr_hbm.at[bd], big, gsem)
      r0 = (wid * ncw + kw) * K
      pltpu.sync_copy(bjw, gj_hbm.at[pl.ds(r0, K)])
      pltpu.sync_copy(biw, gi_hbm.at[pl.ds(r0, K)])
      cg1.wait()
      cg2.wait()

    def pair(kk, _):
      k0 = 2 * kk
      step(k0 + 1, bsb, bdb, bjb, bib, bja, bia, k0)
      step(k0 + 2, bsa, bda, bja, bia, bjb, bib, k0 + 1)
      return 0

    lax.fori_loop(0, ncw // 2, pair, 0)

  return pl.kernel(
      body,
      out_type=(jax.ShapeDtypeStruct((ep, D), jnp.float32),
                jax.ShapeDtypeStruct((ep, D), jnp.float32)),
      mesh=mesh,
      scratch_types=(
          pltpu.MemorySpace.VMEM((K,), jnp.int32),
          pltpu.MemorySpace.VMEM((K,), jnp.int32),
          pltpu.MemorySpace.VMEM((K,), jnp.int32),
          pltpu.MemorySpace.VMEM((K,), jnp.int32),
          pltpu.MemorySpace.VMEM((K, D), jnp.float32),
          pltpu.MemorySpace.VMEM((K, D), jnp.float32),
          pltpu.MemorySpace.VMEM((K, D), jnp.float32),
          pltpu.MemorySpace.VMEM((K, D), jnp.float32),
          pltpu.SemaphoreType.DMA,
      ),
  )


@functools.lru_cache(maxsize=None)
def _make_sc_scatter(n, npad, nch):
  nchf = NW * nch
  cps = nchf // NS
  nps = npad // NS
  nzc = nps // K
  mesh = plsc.VectorSubcoreMesh(core_axis_name="c", subcore_axis_name="s")

  def body(yx_hbm, dst_hbm, z_hbm, out, spm, bidx, bv):
    c = lax.axis_index("c")
    s = lax.axis_index("s")
    r = s * nps

    pltpu.sync_copy(z_hbm, bv)

    def zchunk(j, _):
      pltpu.sync_copy(bv, spm.at[pl.ds(r + j * K, K)])
      return 0

    lax.fori_loop(0, nzc, zchunk, 0)
    plsc.subcore_barrier()

    def chunk(k, _):
      pltpu.sync_copy(dst_hbm.at[k], bidx)
      pltpu.sync_copy(yx_hbm.at[c, pl.ds(k * K, K)], bv)
      pltpu.sync_copy(bv, spm.at[bidx], add=True)
      return 0

    lax.fori_loop(s * cps, (s + 1) * cps, chunk, 0)
    plsc.subcore_barrier()

    def ochunk(j, _):
      pltpu.sync_copy(spm.at[pl.ds(r + j * K, K)], bv)
      pltpu.sync_copy(bv, out.at[c, pl.ds(r + j * K, K)])
      return 0

    lax.fori_loop(0, nzc, ochunk, 0)

  return pl.kernel(
      body,
      out_type=jax.ShapeDtypeStruct((NC, npad, D), jnp.float32),
      mesh=mesh,
      scratch_types=(
          pltpu.MemorySpace.VMEM_SHARED((npad, D), jnp.float32),
          pltpu.MemorySpace.VMEM((K,), jnp.int32),
          pltpu.MemorySpace.VMEM((K, D), jnp.float32),
      ),
  )


@functools.lru_cache(maxsize=None)
def _make_tc_first(n):
  R = 1000
  grid = n // R

  def body(x_ref, wl_ref, wr_ref, xl_ref, xr_ref):
    xb = x_ref[...]
    xl_ref[...] = jnp.dot(xb, wl_ref[...], preferred_element_type=jnp.float32)
    xr_ref[...] = jnp.dot(xb, wr_ref[...], preferred_element_type=jnp.float32)

  return pl.pallas_call(
      body,
      grid=(grid,),
      in_specs=[
          pl.BlockSpec((R, D), lambda i: (i, 0)),
          pl.BlockSpec((D, D), lambda i: (0, 0)),
          pl.BlockSpec((D, D), lambda i: (0, 0)),
      ],
      out_specs=[
          pl.BlockSpec((R, D), lambda i: (i, 0)),
          pl.BlockSpec((R, D), lambda i: (i, 0)),
      ],
      out_shape=[jax.ShapeDtypeStruct((n, D), jnp.float32),
                 jax.ShapeDtypeStruct((n, D), jnp.float32)],
  )


@functools.lru_cache(maxsize=None)
def _make_tc_edge(ep):
  RE = NW * K
  grid = ep // RE

  def body(gj_ref, gi_ref, att_ref, s_ref, yx_ref):
    gj = gj_ref[...]
    gi = gi_ref[...]
    u = gi + gj
    lr = jnp.maximum(u, 0.2 * u)
    v = lr * att_ref[...]
    ab = jnp.dot(v, s_ref[...], preferred_element_type=jnp.float32)
    exb = jnp.exp(ab)
    yx_ref[...] = jnp.stack([gj * exb, exb])

  return pl.pallas_call(
      body,
      grid=(grid,),
      in_specs=[
          pl.BlockSpec((RE, D), lambda i: (i, 0)),
          pl.BlockSpec((RE, D), lambda i: (i, 0)),
          pl.BlockSpec((1, D), lambda i: (0, 0)),
          pl.BlockSpec((D, D), lambda i: (0, 0)),
      ],
      out_specs=pl.BlockSpec((NC, RE, D), lambda i: (0, i, 0)),
      out_shape=jax.ShapeDtypeStruct((NC, ep, D), jnp.float32),
  )


@functools.lru_cache(maxsize=None)
def _make_tc_mid(n, relu, residual):
  R = 1000
  grid = n // R

  def body(*refs):
    if residual:
      (nd_ref, b_ref, res_ref, wl_ref, wr_ref,
       h_ref, xl_ref, xr_ref) = refs
    else:
      (nd_ref, b_ref, wl_ref, wr_ref,
       h_ref, xl_ref, xr_ref) = refs
    h = nd_ref[0] / (nd_ref[1] + 1e-16) + b_ref[...]
    if relu:
      h = jnp.maximum(h, 0.0)
    if residual:
      h = h + res_ref[...]
    h_ref[...] = h
    xl_ref[...] = jnp.dot(h, wl_ref[...], preferred_element_type=jnp.float32)
    xr_ref[...] = jnp.dot(h, wr_ref[...], preferred_element_type=jnp.float32)

  in_specs = [
      pl.BlockSpec((NC, R, D), lambda i: (0, i, 0)),
      pl.BlockSpec((1, D), lambda i: (0, 0)),
  ]
  if residual:
    in_specs.append(pl.BlockSpec((R, D), lambda i: (i, 0)))
  in_specs += [
      pl.BlockSpec((D, D), lambda i: (0, 0)),
      pl.BlockSpec((D, D), lambda i: (0, 0)),
  ]

  return pl.pallas_call(
      body,
      grid=(grid,),
      in_specs=in_specs,
      out_specs=[
          pl.BlockSpec((R, D), lambda i: (i, 0)),
          pl.BlockSpec((R, D), lambda i: (i, 0)),
          pl.BlockSpec((R, D), lambda i: (i, 0)),
      ],
      out_shape=[jax.ShapeDtypeStruct((n, D), jnp.float32)] * 3,
  )


@functools.lru_cache(maxsize=None)
def _make_tc_final(n):
  R = 1000
  grid = n // R

  def body(nd_ref, b_ref, out_ref):
    out_ref[...] = nd_ref[0] / (nd_ref[1] + 1e-16) + b_ref[...]

  return pl.pallas_call(
      body,
      grid=(grid,),
      in_specs=[
          pl.BlockSpec((NC, R, D), lambda i: (0, i, 0)),
          pl.BlockSpec((1, D), lambda i: (0, 0)),
      ],
      out_specs=pl.BlockSpec((R, D), lambda i: (i, 0)),
      out_shape=jax.ShapeDtypeStruct((n, D), jnp.float32),
  )


def _head_mat(heads):
  ch = D // heads
  return jnp.asarray(np.kron(np.eye(heads), np.ones((ch, ch))),
                     dtype=jnp.float32)


@jax.jit
def kernel(x, edge_index, W1l, W1r, att1, b1, W2l, W2r, att2, b2,
           W3l, W3r, att3, b3):
  n = x.shape[0]
  e = edge_index.shape[1]
  npad = -(-(n + 1) // (NS * K)) * (NS * K)
  nch = -(-e // (NW * K))
  ncw = nch + (nch % 2)
  nct = ncw + 1
  ep = NW * ncw * K
  pad = ep - e

  padchunk = jnp.zeros((NW, 1, K), edge_index.dtype)
  src = jnp.concatenate(
      [jnp.pad(edge_index[0], (0, pad)).reshape(NW, ncw, K), padchunk], 1)
  dstg = jnp.concatenate(
      [jnp.pad(edge_index[1], (0, pad)).reshape(NW, ncw, K), padchunk], 1)
  dsts = jnp.pad(edge_index[1], (0, pad),
                 constant_values=n).reshape(NW * ncw, K)

  zrows = jnp.zeros((K, D), jnp.float32)
  s8 = _head_mat(8)
  s1 = _head_mat(1)

  gather = _make_sc_gather(n, ncw)
  scatter = _make_sc_scatter(n, npad, ncw)
  edge = _make_tc_edge(ep)

  def sc_scatter(yx):
    return scatter(yx, dsts, zrows)[:, :n]

  xl1, xr1 = _make_tc_first(n)(x, W1l, W1r)
  gj1, gi1 = gather(xl1, xr1, src, dstg)
  nd1 = sc_scatter(edge(gj1, gi1, att1.reshape(1, D), s8))

  h1, xl2, xr2 = _make_tc_mid(n, True, False)(
      nd1, b1.reshape(1, D), W2l, W2r)
  gj2, gi2 = gather(xl2, xr2, src, dstg)
  nd2 = sc_scatter(edge(gj2, gi2, att2.reshape(1, D), s8))

  _, xl3, xr3 = _make_tc_mid(n, False, True)(
      nd2, b2.reshape(1, D), h1, W3l, W3r)
  gj3, gi3 = gather(xl3, xr3, src, dstg)
  nd3 = sc_scatter(edge(gj3, gi3, att3.reshape(1, D), s1))

  return _make_tc_final(n)(nd3, b3.reshape(1, D))

# --- scband reference (transcript-rebuilt; emitter-appended) ---
"""Pipeline reference for scband-improved-gat-84885733638250 (READ-ONLY COPY).

The authoritative reference and input builder live on the scoring server;
editing this copy changes nothing except your own understanding.
"""

import jax, jax.numpy as jnp
import numpy as np

N = 10000
E = 320000
DIN = 128
DH = 16
HEADS = 8
DOUT = 128


def _gatv2(x, Wl, Wr, att, b, src, dst, heads, ch, concat):
    # Faithful GATv2Conv (PyG semantics): lin_l -> source features (x_j),
    # lin_r -> target features (x_i); e = att . leaky_relu(x_i + x_j);
    # softmax over incoming edges per destination node; sum-aggregate.
    n = x.shape[0]
    xl = (x @ Wl).reshape(n, heads, ch)
    xr = (x @ Wr).reshape(n, heads, ch)
    xj = xl[src]                                  # [E, H, C] gather
    xi = xr[dst]                                  # [E, H, C] gather
    e = jax.nn.leaky_relu(xi + xj, negative_slope=0.2)
    alpha = (e * att[None, :, :]).sum(-1)         # [E, H]
    amax = jax.ops.segment_max(alpha, dst, num_segments=n)
    amax = jnp.where(jnp.isfinite(amax), amax, 0.0)
    ex = jnp.exp(alpha - amax[dst])
    denom = jax.ops.segment_sum(ex, dst, num_segments=n)
    w = ex / (denom[dst] + 1e-16)                 # per-dst softmax
    out = jax.ops.segment_sum(xj * w[:, :, None], dst, num_segments=n)
    if concat:
        out = out.reshape(n, heads * ch)
    else:
        out = out.mean(axis=1)
    return out + b


def setup_inputs(seed: int = 0):
    key = jax.random.key(seed)
    ks = jax.random.split(key, 20)
    x = jax.random.normal(ks[0], (N, DIN), dtype=jnp.float32)
    edge_index = jax.random.randint(ks[1], (2, E), 0, N, dtype=jnp.int32)
    s1 = 1.0 / np.sqrt(DIN)
    W1l = (jax.random.normal(ks[2], (DIN, HEADS * DH)) * s1).astype(jnp.float32)
    W1r = (jax.random.normal(ks[3], (DIN, HEADS * DH)) * s1).astype(jnp.float32)
    att1 = (jax.random.normal(ks[4], (HEADS, DH)) / np.sqrt(DH)).astype(jnp.float32)
    b1 = jnp.zeros((HEADS * DH,), dtype=jnp.float32)
    d2 = HEADS * DH
    s2 = 1.0 / np.sqrt(d2)
    W2l = (jax.random.normal(ks[5], (d2, HEADS * DH)) * s2).astype(jnp.float32)
    W2r = (jax.random.normal(ks[6], (d2, HEADS * DH)) * s2).astype(jnp.float32)
    att2 = (jax.random.normal(ks[7], (HEADS, DH)) / np.sqrt(DH)).astype(jnp.float32)
    b2 = jnp.zeros((HEADS * DH,), dtype=jnp.float32)
    W3l = (jax.random.normal(ks[8], (d2, DOUT)) * s2).astype(jnp.float32)
    W3r = (jax.random.normal(ks[9], (d2, DOUT)) * s2).astype(jnp.float32)
    att3 = (jax.random.normal(ks[10], (1, DOUT)) / np.sqrt(DOUT)).astype(jnp.float32)
    b3 = jnp.zeros((DOUT,), dtype=jnp.float32)
    return {"x": x, "edge_index": edge_index,
            "W1l": W1l, "W1r": W1r, "att1": att1, "b1": b1,
            "W2l": W2l, "W2r": W2r, "att2": att2, "b2": b2,
            "W3l": W3l, "W3r": W3r, "att3": att3, "b3": b3}


def reference(x, edge_index, W1l, W1r, att1, b1, W2l, W2r, att2, b2, W3l, W3r, att3, b3):
    # Eval mode: all F.dropout(p=0.6) calls are identity.
    src = edge_index[0]
    dst = edge_index[1]
    h = _gatv2(x, W1l, W1r, att1, b1, src, dst, HEADS, DH, True)
    h = jax.nn.relu(h)
    h_residual = h
    h = _gatv2(h, W2l, W2r, att2, b2, src, dst, HEADS, DH, True)
    h = h + h_residual
    h = _gatv2(h, W3l, W3r, att3, b3, src, dst, 1, DOUT, True)
    return h

if __name__ == "__main__":
    import jax
    _d = setup_inputs()
    print(jax.jit(kernel)(*tuple(_d.values())))

</pallas_src>

<mosaic_0001>
#map = affine_map<(d0, d1) -> (0, 0, 0)>
#map1 = affine_map<(d0, d1) -> (0, 0)>
module attributes {stable_mosaic.version = 14 : i64} {
  func.func @body(%arg0: i32, %arg1: i32, %arg2: memref<2x327680x128xf32, #tpu.memory_space<hbm>>, %arg3: memref<2560x128xi32, #tpu.memory_space<hbm>>, %arg4: memref<128x128xf32, #tpu.memory_space<hbm>>, %arg5: memref<2x10240x128xf32, #tpu.memory_space<hbm>>, %arg6: memref<10240x128xf32, #tpu.memory_space<vmem_shared>>, %arg7: memref<128xi32, #tpu.memory_space<vmem>>, %arg8: memref<128x128xf32, #tpu.memory_space<vmem>>) attributes {dimension_semantics = [#tpu.dimension_semantics<core_parallel>, #tpu.dimension_semantics<subcore_parallel>], iteration_bounds = array<i64: 2, 16>, scalar_prefetch = 0 : i64, scratch_operands = 3 : i64, tpu.core_type = #tpu.core_type<sc_vector_subcore>, window_params = [{transform_indices = #map}, {transform_indices = #map1}, {transform_indices = #map1}, {transform_indices = #map}]} {
    %mul3A = arith.constant 640 : i32
    %mul3A_0 = arith.muli %arg1, %mul3A : i32
    "tpu.region"() ({
      %run_scoped3A = tpu.sem_alloc : memref<!tpu.dma_semaphore, #tpu.memory_space<semaphore_mem>>
      tpu.enqueue_dma source(%arg4 : memref<128x128xf32, #tpu.memory_space<hbm>>) target(%arg8 : memref<128x128xf32, #tpu.memory_space<vmem>>) target_semaphore(%run_scoped3A : memref<!tpu.dma_semaphore, #tpu.memory_space<semaphore_mem>>)
      tpu.wait_dma2 semaphore(%run_scoped3A : memref<!tpu.dma_semaphore, #tpu.memory_space<semaphore_mem>>) src(%arg4 : memref<128x128xf32, #tpu.memory_space<hbm>>) dst(%arg8 : memref<128x128xf32, #tpu.memory_space<vmem>>)
      tpu.yield
    }) : () -> ()
    %scan3A = arith.constant 0 : i32
    %scan3A_1 = arith.constant 0 : i32
    %scan3A_2 = arith.constant 5 : i32
    %scan3A_3 = arith.addi %scan3A_1, %scan3A_2 : i32
    %scan3A_4 = arith.constant 1 : i32
    %scan3A_5 = scf.for %scan3A_30 = %scan3A_1 to %scan3A_3 step %scan3A_4 iter_args(%scan3A_31 = %scan3A) -> (i32)  : i32 {
      %mul3A_32 = arith.constant 128 : i32
      %mul3A_33 = arith.muli %scan3A_30, %mul3A_32 : i32
      %add3A_34 = arith.addi %mul3A_0, %mul3A_33 : i32
      "tpu.region"() ({
        %run_scoped3A = tpu.sem_alloc : memref<!tpu.dma_semaphore, #tpu.memory_space<semaphore_mem>>
        %dma_start3A = arith.constant 0 : i32
        %dma_start3A_36 = tpu.memref_slice %arg6[%add3A_34, %dma_start3A] : memref<10240x128xf32, #tpu.memory_space<vmem_shared>> -> memref<128x128xf32, #tpu.memory_space<vmem_shared>>
        %dma_start3A_37 = arith.constant 0 : i32
        %dma_start3A_38 = tpu.memref_slice %arg6[%add3A_34, %dma_start3A_37] : memref<10240x128xf32, #tpu.memory_space<vmem_shared>> -> memref<128x128xf32, #tpu.memory_space<vmem_shared>>
        tpu.enqueue_dma source(%arg8 : memref<128x128xf32, #tpu.memory_space<vmem>>) target(%dma_start3A_38 : memref<128x128xf32, #tpu.memory_space<vmem_shared>>) target_semaphore(%run_scoped3A : memref<!tpu.dma_semaphore, #tpu.memory_space<semaphore_mem>>)
        %dma_wait3A = arith.constant 0 : i32
        %dma_wait3A_39 = tpu.memref_slice %arg6[%add3A_34, %dma_wait3A] : memref<10240x128xf32, #tpu.memory_space<vmem_shared>> -> memref<128x128xf32, #tpu.memory_space<vmem_shared>>
        %dma_wait3A_40 = arith.constant 0 : i32
        %dma_wait3A_41 = tpu.memref_slice %arg6[%add3A_34, %dma_wait3A_40] : memref<10240x128xf32, #tpu.memory_space<vmem_shared>> -> memref<128x128xf32, #tpu.memory_space<vmem_shared>>
        tpu.wait_dma2 semaphore(%run_scoped3A : memref<!tpu.dma_semaphore, #tpu.memory_space<semaphore_mem>>) src(%arg8 : memref<128x128xf32, #tpu.memory_space<vmem>>) dst(%dma_wait3A_41 : memref<128x128xf32, #tpu.memory_space<vmem_shared>>)
        tpu.yield
      }) : () -> ()
      %scan3A_35 = arith.constant 0 : i32
      scf.yield %scan3A_35 : i32
    }
    %scan3A_6 = arith.constant 5 : i32
    %barrier3A = arith.constant 0 : index
    tpu.barrier barrier_id(%barrier3A)
    %mul3A_7 = arith.constant 160 : i32
    %mul3A_8 = arith.muli %arg1, %mul3A_7 : i32
    %add3A = arith.constant 1 : i32
    %add3A_9 = arith.addi %arg1, %add3A : i32
    %mul3A_10 = arith.constant 160 : i32
    %mul3A_11 = arith.muli %add3A_9, %mul3A_10 : i32
    %while3A = arith.constant 0 : i32
    %while3A_12 = arith.subi %mul3A_11, %mul3A_8 : i32
    %while3A_13 = arith.addi %mul3A_8, %while3A_12 : i32
    %while3A_14 = arith.constant 1 : i32
    %while3A_15 = arith.divsi %while3A_12, %while3A_14 : i32
    %while3A_16 = arith.muli %while3A_15, %while3A_14 : i32
    %while3A_17 = arith.addi %mul3A_8, %while3A_16 : i32
    %while3A_18 = arith.constant 1 : i32
    %while3A_19 = scf.for %while3A_30 = %mul3A_8 to %while3A_17 step %while3A_18 iter_args(%while3A_31 = %while3A) -> (i32)  : i32 {
      "tpu.region"() ({
        %run_scoped3A = tpu.sem_alloc : memref<!tpu.dma_semaphore, #tpu.memory_space<semaphore_mem>>
        %dma_start3A = arith.constant 0 : i32
        %dma_start3A_35 = tpu.memref_slice %arg3[%while3A_30, %dma_start3A] : memref<2560x128xi32, #tpu.memory_space<hbm>> -> memref<1x128xi32, #tpu.memory_space<hbm>>
        %dma_start3A_36 = tpu.memref_squeeze %dma_start3A_35 : memref<1x128xi32, #tpu.memory_space<hbm>> -> memref<128xi32, #tpu.memory_space<hbm>>
        %dma_start3A_37 = arith.constant 0 : i32
        %dma_start3A_38 = tpu.memref_slice %arg3[%while3A_30, %dma_start3A_37] : memref<2560x128xi32, #tpu.memory_space<hbm>> -> memref<1x128xi32, #tpu.memory_space<hbm>>
        %dma_start3A_39 = tpu.memref_squeeze %dma_start3A_38 : memref<1x128xi32, #tpu.memory_space<hbm>> -> memref<128xi32, #tpu.memory_space<hbm>>
        tpu.enqueue_dma source(%dma_start3A_39 : memref<128xi32, #tpu.memory_space<hbm>>) target(%arg7 : memref<128xi32, #tpu.memory_space<vmem>>) target_semaphore(%run_scoped3A : memref<!tpu.dma_semaphore, #tpu.memory_space<semaphore_mem>>)
        %dma_wait3A = arith.constant 0 : i32
        %dma_wait3A_40 = tpu.memref_slice %arg3[%while3A_30, %dma_wait3A] : memref<2560x128xi32, #tpu.memory_space<hbm>> -> memref<1x128xi32, #tpu.memory_space<hbm>>
        %dma_wait3A_41 = tpu.memref_squeeze %dma_wait3A_40 : memref<1x128xi32, #tpu.memory_space<hbm>> -> memref<128xi32, #tpu.memory_space<hbm>>
        %dma_wait3A_42 = arith.constant 0 : i32
        %dma_wait3A_43 = tpu.memref_slice %arg3[%while3A_30, %dma_wait3A_42] : memref<2560x128xi32, #tpu.memory_space<hbm>> -> memref<1x128xi32, #tpu.memory_space<hbm>>
        %dma_wait3A_44 = tpu.memref_squeeze %dma_wait3A_43 : memref<1x128xi32, #tpu.memory_space<hbm>> -> memref<128xi32, #tpu.memory_space<hbm>>
        tpu.wait_dma2 semaphore(%run_scoped3A : memref<!tpu.dma_semaphore, #tpu.memory_space<semaphore_mem>>) src(%dma_wait3A_44 : memref<128xi32, #tpu.memory_space<hbm>>) dst(%arg7 : memref<128xi32, #tpu.memory_space<vmem>>)
        tpu.yield
      }) : () -> ()
      %mul3A_32 = arith.constant 128 : i32
      %mul3A_33 = arith.muli %while3A_30, %mul3A_32 : i32
      "tpu.region"() ({
        %run_scoped3A = tpu.sem_alloc : memref<!tpu.dma_semaphore, #tpu.memory_space<semaphore_mem>>
        %dma_start3A = arith.constant 0 : i32
        %dma_start3A_35 = tpu.memref_slice %arg2[%arg0, %mul3A_33, %dma_start3A] : memref<2x327680x128xf32, #tpu.memory_space<hbm>> -> memref<1x128x128xf32, #tpu.memory_space<hbm>>
        %dma_start3A_36 = tpu.memref_squeeze %dma_start3A_35 : memref<1x128x128xf32, #tpu.memory_space<hbm>> -> memref<128x128xf32, #tpu.memory_space<hbm>>
        %dma_start3A_37 = arith.constant 0 : i32
        %dma_start3A_38 = tpu.memref_slice %arg2[%arg0, %mul3A_33, %dma_start3A_37] : memref<2x327680x128xf32, #tpu.memory_space<hbm>> -> memref<1x128x128xf32, #tpu.memory_space<hbm>>
        %dma_start3A_39 = tpu.memref_squeeze %dma_start3A_38 : memref<1x128x128xf32, #tpu.memory_space<hbm>> -> memref<128x128xf32, #tpu.memory_space<hbm>>
        tpu.enqueue_dma source(%dma_start3A_39 : memref<128x128xf32, #tpu.memory_space<hbm>>) target(%arg8 : memref<128x128xf32, #tpu.memory_space<vmem>>) target_semaphore(%run_scoped3A : memref<!tpu.dma_semaphore, #tpu.memory_space<semaphore_mem>>)
        %dma_wait3A = arith.constant 0 : i32
        %dma_wait3A_40 = tpu.memref_slice %arg2[%arg0, %mul3A_33, %dma_wait3A] : memref<2x327680x128xf32, #tpu.memory_space<hbm>> -> memref<1x128x128xf32, #tpu.memory_space<hbm>>
        %dma_wait3A_41 = tpu.memref_squeeze %dma_wait3A_40 : memref<1x128x128xf32, #tpu.memory_space<hbm>> -> memref<128x128xf32, #tpu.memory_space<hbm>>
        %dma_wait3A_42 = arith.constant 0 : i32
        %dma_wait3A_43 = tpu.memref_slice %arg2[%arg0, %mul3A_33, %dma_wait3A_42] : memref<2x327680x128xf32, #tpu.memory_space<hbm>> -> memref<1x128x128xf32, #tpu.memory_space<hbm>>
        %dma_wait3A_44 = tpu.memref_squeeze %dma_wait3A_43 : memref<1x128x128xf32, #tpu.memory_space<hbm>> -> memref<128x128xf32, #tpu.memory_space<hbm>>
        tpu.wait_dma2 semaphore(%run_scoped3A : memref<!tpu.dma_semaphore, #tpu.memory_space<semaphore_mem>>) src(%dma_wait3A_44 : memref<128x128xf32, #tpu.memory_space<hbm>>) dst(%arg8 : memref<128x128xf32, #tpu.memory_space<vmem>>)
        tpu.yield
      }) : () -> ()
      "tpu.region"() ({
        %run_scoped3A = tpu.sem_alloc : memref<!tpu.dma_semaphore, #tpu.memory_space<semaphore_mem>>
        %dma_start3A = arith.constant 0 : i32
        %dma_start3A_35 = arith.constant 0 : i32
        %dma_start3A_36 = tpu.memref_slice %arg6[%dma_start3A, %dma_start3A_35] : memref<10240x128xf32, #tpu.memory_space<vmem_shared>> -> memref<10240x128xf32, #tpu.memory_space<vmem_shared>>
        tpu.enqueue_indirect_dma source(%arg8 : memref<128x128xf32, #tpu.memory_space<vmem>>) target(%dma_start3A_36 : memref<10240x128xf32, #tpu.memory_space<vmem_shared>>) offsets(%arg7 : memref<128xi32, #tpu.memory_space<vmem>>) semaphore(%run_scoped3A : memref<!tpu.dma_semaphore, #tpu.memory_space<semaphore_mem>>) {add = true}
        %dma_wait3A = arith.constant 0 : i32
        %dma_wait3A_37 = arith.constant 0 : i32
        %dma_wait3A_38 = tpu.memref_slice %arg6[%dma_wait3A, %dma_wait3A_37] : memref<10240x128xf32, #tpu.memory_space<vmem_shared>> -> memref<10240x128xf32, #tpu.memory_space<vmem_shared>>
        tpu.wait_indirect_dma semaphore(%run_scoped3A : memref<!tpu.dma_semaphore, #tpu.memory_space<semaphore_mem>>) src(%arg8 : memref<128x128xf32, #tpu.memory_space<vmem>>) dst(%dma_wait3A_38 : memref<10240x128xf32, #tpu.memory_space<vmem_shared>>)
        tpu.yield
      }) : () -> ()
      %while3A_34 = arith.constant 0 : i32
      scf.yield %while3A_34 : i32
    }
    %while3A_20 = arith.constant 1 : i32
    %while3A_21 = scf.for %while3A_30 = %while3A_17 to %while3A_13 step %while3A_20 iter_args(%while3A_31 = %while3A_19) -> (i32)  : i32 {
      "tpu.region"() ({
        %run_scoped3A = tpu.sem_alloc : memref<!tpu.dma_semaphore, #tpu.memory_space<semaphore_mem>>
        %dma_start3A = arith.constant 0 : i32
        %dma_start3A_35 = tpu.memref_slice %arg3[%while3A_30, %dma_start3A] : memref<2560x128xi32, #tpu.memory_space<hbm>> -> memref<1x128xi32, #tpu.memory_space<hbm>>
        %dma_start3A_36 = tpu.memref_squeeze %dma_start3A_35 : memref<1x128xi32, #tpu.memory_space<hbm>> -> memref<128xi32, #tpu.memory_space<hbm>>
        %dma_start3A_37 = arith.constant 0 : i32
        %dma_start3A_38 = tpu.memref_slice %arg3[%while3A_30, %dma_start3A_37] : memref<2560x128xi32, #tpu.memory_space<hbm>> -> memref<1x128xi32, #tpu.memory_space<hbm>>
        %dma_start3A_39 = tpu.memref_squeeze %dma_start3A_38 : memref<1x128xi32, #tpu.memory_space<hbm>> -> memref<128xi32, #tpu.memory_space<hbm>>
        tpu.enqueue_dma source(%dma_start3A_39 : memref<128xi32, #tpu.memory_space<hbm>>) target(%arg7 : memref<128xi32, #tpu.memory_space<vmem>>) target_semaphore(%run_scoped3A : memref<!tpu.dma_semaphore, #tpu.memory_space<semaphore_mem>>)
        %dma_wait3A = arith.constant 0 : i32
        %dma_wait3A_40 = tpu.memref_slice %arg3[%while3A_30, %dma_wait3A] : memref<2560x128xi32, #tpu.memory_space<hbm>> -> memref<1x128xi32, #tpu.memory_space<hbm>>
        %dma_wait3A_41 = tpu.memref_squeeze %dma_wait3A_40 : memref<1x128xi32, #tpu.memory_space<hbm>> -> memref<128xi32, #tpu.memory_space<hbm>>
        %dma_wait3A_42 = arith.constant 0 : i32
        %dma_wait3A_43 = tpu.memref_slice %arg3[%while3A_30, %dma_wait3A_42] : memref<2560x128xi32, #tpu.memory_space<hbm>> -> memref<1x128xi32, #tpu.memory_space<hbm>>
        %dma_wait3A_44 = tpu.memref_squeeze %dma_wait3A_43 : memref<1x128xi32, #tpu.memory_space<hbm>> -> memref<128xi32, #tpu.memory_space<hbm>>
        tpu.wait_dma2 semaphore(%run_scoped3A : memref<!tpu.dma_semaphore, #tpu.memory_space<semaphore_mem>>) src(%dma_wait3A_44 : memref<128xi32, #tpu.memory_space<hbm>>) dst(%arg7 : memref<128xi32, #tpu.memory_space<vmem>>)
        tpu.yield
      }) : () -> ()
      %mul3A_32 = arith.constant 128 : i32
      %mul3A_33 = arith.muli %while3A_30, %mul3A_32 : i32
      "tpu.region"() ({
        %run_scoped3A = tpu.sem_alloc : memref<!tpu.dma_semaphore, #tpu.memory_space<semaphore_mem>>
        %dma_start3A = arith.constant 0 : i32
        %dma_start3A_35 = tpu.memref_slice %arg2[%arg0, %mul3A_33, %dma_start3A] : memref<2x327680x128xf32, #tpu.memory_space<hbm>> -> memref<1x128x128xf32, #tpu.memory_space<hbm>>
        %dma_start3A_36 = tpu.memref_squeeze %dma_start3A_35 : memref<1x128x128xf32, #tpu.memory_space<hbm>> -> memref<128x128xf32, #tpu.memory_space<hbm>>
        %dma_start3A_37 = arith.constant 0 : i32
        %dma_start3A_38 = tpu.memref_slice %arg2[%arg0, %mul3A_33, %dma_start3A_37] : memref<2x327680x128xf32, #tpu.memory_space<hbm>> -> memref<1x128x128xf32, #tpu.memory_space<hbm>>
        %dma_start3A_39 = tpu.memref_squeeze %dma_start3A_38 : memref<1x128x128xf32, #tpu.memory_space<hbm>> -> memref<128x128xf32, #tpu.memory_space<hbm>>
        tpu.enqueue_dma source(%dma_start3A_39 : memref<128x128xf32, #tpu.memory_space<hbm>>) target(%arg8 : memref<128x128xf32, #tpu.memory_space<vmem>>) target_semaphore(%run_scoped3A : memref<!tpu.dma_semaphore, #tpu.memory_space<semaphore_mem>>)
        %dma_wait3A = arith.constant 0 : i32
        %dma_wait3A_40 = tpu.memref_slice %arg2[%arg0, %mul3A_33, %dma_wait3A] : memref<2x327680x128xf32, #tpu.memory_space<hbm>> -> memref<1x128x128xf32, #tpu.memory_space<hbm>>
        %dma_wait3A_41 = tpu.memref_squeeze %dma_wait3A_40 : memref<1x128x128xf32, #tpu.memory_space<hbm>> -> memref<128x128xf32, #tpu.memory_space<hbm>>
        %dma_wait3A_42 = arith.constant 0 : i32
        %dma_wait3A_43 = tpu.memref_slice %arg2[%arg0, %mul3A_33, %dma_wait3A_42] : memref<2x327680x128xf32, #tpu.memory_space<hbm>> -> memref<1x128x128xf32, #tpu.memory_space<hbm>>
        %dma_wait3A_44 = tpu.memref_squeeze %dma_wait3A_43 : memref<1x128x128xf32, #tpu.memory_space<hbm>> -> memref<128x128xf32, #tpu.memory_space<hbm>>
        tpu.wait_dma2 semaphore(%run_scoped3A : memref<!tpu.dma_semaphore, #tpu.memory_space<semaphore_mem>>) src(%dma_wait3A_44 : memref<128x128xf32, #tpu.memory_space<hbm>>) dst(%arg8 : memref<128x128xf32, #tpu.memory_space<vmem>>)
        tpu.yield
      }) : () -> ()
      "tpu.region"() ({
        %run_scoped3A = tpu.sem_alloc : memref<!tpu.dma_semaphore, #tpu.memory_space<semaphore_mem>>
        %dma_start3A = arith.constant 0 : i32
        %dma_start3A_35 = arith.constant 0 : i32
        %dma_start3A_36 = tpu.memref_slice %arg6[%dma_start3A, %dma_start3A_35] : memref<10240x128xf32, #tpu.memory_space<vmem_shared>> -> memref<10240x128xf32, #tpu.memory_space<vmem_shared>>
        tpu.enqueue_indirect_dma source(%arg8 : memref<128x128xf32, #tpu.memory_space<vmem>>) target(%dma_start3A_36 : memref<10240x128xf32, #tpu.memory_space<vmem_shared>>) offsets(%arg7 : memref<128xi32, #tpu.memory_space<vmem>>) semaphore(%run_scoped3A : memref<!tpu.dma_semaphore, #tpu.memory_space<semaphore_mem>>) {add = true}
        %dma_wait3A = arith.constant 0 : i32
        %dma_wait3A_37 = arith.constant 0 : i32
        %dma_wait3A_38 = tpu.memref_slice %arg6[%dma_wait3A, %dma_wait3A_37] : memref<10240x128xf32, #tpu.memory_space<vmem_shared>> -> memref<10240x128xf32, #tpu.memory_space<vmem_shared>>
        tpu.wait_indirect_dma semaphore(%run_scoped3A : memref<!tpu.dma_semaphore, #tpu.memory_space<semaphore_mem>>) src(%arg8 : memref<128x128xf32, #tpu.memory_space<vmem>>) dst(%dma_wait3A_38 : memref<10240x128xf32, #tpu.memory_space<vmem_shared>>)
        tpu.yield
      }) : () -> ()
      %while3A_34 = arith.constant 0 : i32
      scf.yield %while3A_34 : i32
    }
    %barrier3A_22 = arith.constant 0 : index
    tpu.barrier barrier_id(%barrier3A_22)
    %scan3A_23 = arith.constant 0 : i32
    %scan3A_24 = arith.constant 0 : i32
    %scan3A_25 = arith.constant 5 : i32
    %scan3A_26 = arith.addi %scan3A_24, %scan3A_25 : i32
    %scan3A_27 = arith.constant 1 : i32
    %scan3A_28 = scf.for %scan3A_30 = %scan3A_24 to %scan3A_26 step %scan3A_27 iter_args(%scan3A_31 = %scan3A_23) -> (i32)  : i32 {
      %mul3A_32 = arith.constant 128 : i32
      %mul3A_33 = arith.muli %scan3A_30, %mul3A_32 : i32
      %add3A_34 = arith.addi %mul3A_0, %mul3A_33 : i32
      "tpu.region"() ({
        %run_scoped3A = tpu.sem_alloc : memref<!tpu.dma_semaphore, #tpu.memory_space<semaphore_mem>>
        %dma_start3A = arith.constant 0 : i32
        %dma_start3A_39 = tpu.memref_slice %arg6[%add3A_34, %dma_start3A] : memref<10240x128xf32, #tpu.memory_space<vmem_shared>> -> memref<128x128xf32, #tpu.memory_space<vmem_shared>>
        %dma_start3A_40 = arith.constant 0 : i32
        %dma_start3A_41 = tpu.memref_slice %arg6[%add3A_34, %dma_start3A_40] : memref<10240x128xf32, #tpu.memory_space<vmem_shared>> -> memref<128x128xf32, #tpu.memory_space<vmem_shared>>
        tpu.enqueue_dma source(%dma_start3A_41 : memref<128x128xf32, #tpu.memory_space<vmem_shared>>) target(%arg8 : memref<128x128xf32, #tpu.memory_space<vmem>>) target_semaphore(%run_scoped3A : memref<!tpu.dma_semaphore, #tpu.memory_space<semaphore_mem>>)
        %dma_wait3A = arith.constant 0 : i32
        %dma_wait3A_42 = tpu.memref_slice %arg6[%add3A_34, %dma_wait3A] : memref<10240x128xf32, #tpu.memory_space<vmem_shared>> -> memref<128x128xf32, #tpu.memory_space<vmem_shared>>
        %dma_wait3A_43 = arith.constant 0 : i32
        %dma_wait3A_44 = tpu.memref_slice %arg6[%add3A_34, %dma_wait3A_43] : memref<10240x128xf32, #tpu.memory_space<vmem_shared>> -> memref<128x128xf32, #tpu.memory_space<vmem_shared>>
        tpu.wait_dma2 semaphore(%run_scoped3A : memref<!tpu.dma_semaphore, #tpu.memory_space<semaphore_mem>>) src(%dma_wait3A_44 : memref<128x128xf32, #tpu.memory_space<vmem_shared>>) dst(%arg8 : memref<128x128xf32, #tpu.memory_space<vmem>>)
        tpu.yield
      }) : () -> ()
      %mul3A_35 = arith.constant 128 : i32
      %mul3A_36 = arith.muli %scan3A_30, %mul3A_35 : i32
      %add3A_37 = arith.addi %mul3A_0, %mul3A_36 : i32
      "tpu.region"() ({
        %run_scoped3A = tpu.sem_alloc : memref<!tpu.dma_semaphore, #tpu.memory_space<semaphore_mem>>
        %dma_start3A = arith.constant 0 : i32
        %dma_start3A_39 = tpu.memref_slice %arg5[%arg0, %add3A_37, %dma_start3A] : memref<2x10240x128xf32, #tpu.memory_space<hbm>> -> memref<1x128x128xf32, #tpu.memory_space<hbm>>
        %dma_start3A_40 = tpu.memref_squeeze %dma_start3A_39 : memref<1x128x128xf32, #tpu.memory_space<hbm>> -> memref<128x128xf32, #tpu.memory_space<hbm>>
        %dma_start3A_41 = arith.constant 0 : i32
        %dma_start3A_42 = tpu.memref_slice %arg5[%arg0, %add3A_37, %dma_start3A_41] : memref<2x10240x128xf32, #tpu.memory_space<hbm>> -> memref<1x128x128xf32, #tpu.memory_space<hbm>>
        %dma_start3A_43 = tpu.memref_squeeze %dma_start3A_42 : memref<1x128x128xf32, #tpu.memory_space<hbm>> -> memref<128x128xf32, #tpu.memory_space<hbm>>
        tpu.enqueue_dma source(%arg8 : memref<128x128xf32, #tpu.memory_space<vmem>>) target(%dma_start3A_43 : memref<128x128xf32, #tpu.memory_space<hbm>>) target_semaphore(%run_scoped3A : memref<!tpu.dma_semaphore, #tpu.memory_space<semaphore_mem>>)
        %dma_wait3A = arith.constant 0 : i32
        %dma_wait3A_44 = tpu.memref_slice %arg5[%arg0, %add3A_37, %dma_wait3A] : memref<2x10240x128xf32, #tpu.memory_space<hbm>> -> memref<1x128x128xf32, #tpu.memory_space<hbm>>
        %dma_wait3A_45 = tpu.memref_squeeze %dma_wait3A_44 : memref<1x128x128xf32, #tpu.memory_space<hbm>> -> memref<128x128xf32, #tpu.memory_space<hbm>>
        %dma_wait3A_46 = arith.constant 0 : i32
        %dma_wait3A_47 = tpu.memref_slice %arg5[%arg0, %add3A_37, %dma_wait3A_46] : memref<2x10240x128xf32, #tpu.memory_space<hbm>> -> memref<1x128x128xf32, #tpu.memory_space<hbm>>
        %dma_wait3A_48 = tpu.memref_squeeze %dma_wait3A_47 : memref<1x128x128xf32, #tpu.memory_space<hbm>> -> memref<128x128xf32, #tpu.memory_space<hbm>>
        tpu.wait_dma2 semaphore(%run_scoped3A : memref<!tpu.dma_semaphore, #tpu.memory_space<semaphore_mem>>) src(%arg8 : memref<128x128xf32, #tpu.memory_space<vmem>>) dst(%dma_wait3A_48 : memref<128x128xf32, #tpu.memory_space<hbm>>)
        tpu.yield
      }) : () -> ()
      %scan3A_38 = arith.constant 0 : i32
      scf.yield %scan3A_38 : i32
    }
    %scan3A_29 = arith.constant 5 : i32
    return
  }
}

#map = affine_map<(d0, d1) -> (0, 0)>
#map1 = affine_map<(d0, d1) -> (0, 0, 0)>
module attributes {stable_mosaic.version = 14 : i64} {
  func.func @body(%arg0: i32, %arg1: i32, %arg2: memref<10000x128xf32, #tpu.memory_space<hbm>>, %arg3: memref<10000x128xf32, #tpu.memory_space<hbm>>, %arg4: memref<32x81x128xi32, #tpu.memory_space<hbm>>, %arg5: memref<32x81x128xi32, #tpu.memory_space<hbm>>, %arg6: memref<327680x128xf32, #tpu.memory_space<hbm>>, %arg7: memref<327680x128xf32, #tpu.memory_space<hbm>>, %arg8: memref<128xi32, #tpu.memory_space<vmem>>, %arg9: memref<128xi32, #tpu.memory_space<vmem>>, %arg10: memref<128xi32, #tpu.memory_space<vmem>>, %arg11: memref<128xi32, #tpu.memory_space<vmem>>, %arg12: memref<128x128xf32, #tpu.memory_space<vmem>>, %arg13: memref<128x128xf32, #tpu.memory_space<vmem>>, %arg14: memref<128x128xf32, #tpu.memory_space<vmem>>, %arg15: memref<128x128xf32, #tpu.memory_space<vmem>>, %arg16: memref<!tpu.dma_semaphore, #tpu.memory_space<semaphore_mem>>) attributes {dimension_semantics = [#tpu.dimension_semantics<core_parallel>, #tpu.dimension_semantics<subcore_parallel>], iteration_bounds = array<i64: 2, 16>, scalar_prefetch = 0 : i64, scratch_operands = 9 : i64, tpu.core_type = #tpu.core_type<sc_vector_subcore>, window_params = [{transform_indices = #map}, {transform_indices = #map}, {transform_indices = #map1}, {transform_indices = #map1}, {transform_indices = #map}, {transform_indices = #map}]} {
    %mul3A = arith.constant 2 : i32
    %mul3A_0 = arith.muli %arg1, %mul3A : i32
    %add3A = arith.addi %mul3A_0, %arg0 : i32
    %run_scoped3A = arith.constant 0 : i32
    "tpu.region"() ({
      %run_scoped3A_18 = tpu.sem_alloc : memref<!tpu.dma_semaphore, #tpu.memory_space<semaphore_mem>>
      %dma_start3A_19 = arith.constant 0 : i32
      %dma_start3A_20 = tpu.memref_slice %arg4[%add3A, %run_scoped3A, %dma_start3A_19] : memref<32x81x128xi32, #tpu.memory_space<hbm>> -> memref<1x1x128xi32, #tpu.memory_space<hbm>>
      %dma_start3A_21 = tpu.memref_squeeze %dma_start3A_20 : memref<1x1x128xi32, #tpu.memory_space<hbm>> -> memref<128xi32, #tpu.memory_space<hbm>>
      %dma_start3A_22 = arith.constant 0 : i32
      %dma_start3A_23 = tpu.memref_slice %arg4[%add3A, %run_scoped3A, %dma_start3A_22] : memref<32x81x128xi32, #tpu.memory_space<hbm>> -> memref<1x1x128xi32, #tpu.memory_space<hbm>>
      %dma_start3A_24 = tpu.memref_squeeze %dma_start3A_23 : memref<1x1x128xi32, #tpu.memory_space<hbm>> -> memref<128xi32, #tpu.memory_space<hbm>>
      tpu.enqueue_dma source(%dma_start3A_24 : memref<128xi32, #tpu.memory_space<hbm>>) target(%arg8 : memref<128xi32, #tpu.memory_space<vmem>>) target_semaphore(%run_scoped3A_18 : memref<!tpu.dma_semaphore, #tpu.memory_space<semaphore_mem>>)
      %dma_wait3A_25 = arith.constant 0 : i32
      %dma_wait3A_26 = tpu.memref_slice %arg4[%add3A, %run_scoped3A, %dma_wait3A_25] : memref<32x81x128xi32, #tpu.memory_space<hbm>> -> memref<1x1x128xi32, #tpu.memory_space<hbm>>
      %dma_wait3A_27 = tpu.memref_squeeze %dma_wait3A_26 : memref<1x1x128xi32, #tpu.memory_space<hbm>> -> memref<128xi32, #tpu.memory_space<hbm>>
      %dma_wait3A_28 = arith.constant 0 : i32
      %dma_wait3A_29 = tpu.memref_slice %arg4[%add3A, %run_scoped3A, %dma_wait3A_28] : memref<32x81x128xi32, #tpu.memory_space<hbm>> -> memref<1x1x128xi32, #tpu.memory_space<hbm>>
      %dma_wait3A_30 = tpu.memref_squeeze %dma_wait3A_29 : memref<1x1x128xi32, #tpu.memory_space<hbm>> -> memref<128xi32, #tpu.memory_space<hbm>>
      tpu.wait_dma2 semaphore(%run_scoped3A_18 : memref<!tpu.dma_semaphore, #tpu.memory_space<semaphore_mem>>) src(%dma_wait3A_30 : memref<128xi32, #tpu.memory_space<hbm>>) dst(%arg8 : memref<128xi32, #tpu.memory_space<vmem>>)
      tpu.yield
    }) : () -> ()
    %run_scoped3A_1 = arith.constant 0 : i32
    "tpu.region"() ({
      %run_scoped3A_18 = tpu.sem_alloc : memref<!tpu.dma_semaphore, #tpu.memory_space<semaphore_mem>>
      %dma_start3A_19 = arith.constant 0 : i32
      %dma_start3A_20 = tpu.memref_slice %arg5[%add3A, %run_scoped3A_1, %dma_start3A_19] : memref<32x81x128xi32, #tpu.memory_space<hbm>> -> memref<1x1x128xi32, #tpu.memory_space<hbm>>
      %dma_start3A_21 = tpu.memref_squeeze %dma_start3A_20 : memref<1x1x128xi32, #tpu.memory_space<hbm>> -> memref<128xi32, #tpu.memory_space<hbm>>
      %dma_start3A_22 = arith.constant 0 : i32
      %dma_start3A_23 = tpu.memref_slice %arg5[%add3A, %run_scoped3A_1, %dma_start3A_22] : memref<32x81x128xi32, #tpu.memory_space<hbm>> -> memref<1x1x128xi32, #tpu.memory_space<hbm>>
      %dma_start3A_24 = tpu.memref_squeeze %dma_start3A_23 : memref<1x1x128xi32, #tpu.memory_space<hbm>> -> memref<128xi32, #tpu.memory_space<hbm>>
      tpu.enqueue_dma source(%dma_start3A_24 : memref<128xi32, #tpu.memory_space<hbm>>) target(%arg9 : memref<128xi32, #tpu.memory_space<vmem>>) target_semaphore(%run_scoped3A_18 : memref<!tpu.dma_semaphore, #tpu.memory_space<semaphore_mem>>)
      %dma_wait3A_25 = arith.constant 0 : i32
      %dma_wait3A_26 = tpu.memref_slice %arg5[%add3A, %run_scoped3A_1, %dma_wait3A_25] : memref<32x81x128xi32, #tpu.memory_space<hbm>> -> memref<1x1x128xi32, #tpu.memory_space<hbm>>
      %dma_wait3A_27 = tpu.memref_squeeze %dma_wait3A_26 : memref<1x1x128xi32, #tpu.memory_space<hbm>> -> memref<128xi32, #tpu.memory_space<hbm>>
      %dma_wait3A_28 = arith.constant 0 : i32
      %dma_wait3A_29 = tpu.memref_slice %arg5[%add3A, %run_scoped3A_1, %dma_wait3A_28] : memref<32x81x128xi32, #tpu.memory_space<hbm>> -> memref<1x1x128xi32, #tpu.memory_space<hbm>>
      %dma_wait3A_30 = tpu.memref_squeeze %dma_wait3A_29 : memref<1x1x128xi32, #tpu.memory_space<hbm>> -> memref<128xi32, #tpu.memory_space<hbm>>
      tpu.wait_dma2 semaphore(%run_scoped3A_18 : memref<!tpu.dma_semaphore, #tpu.memory_space<semaphore_mem>>) src(%dma_wait3A_30 : memref<128xi32, #tpu.memory_space<hbm>>) dst(%arg9 : memref<128xi32, #tpu.memory_space<vmem>>)
      tpu.yield
    }) : () -> ()
    %dma_start3A = arith.constant 0 : i32
    %dma_start3A_2 = arith.constant 0 : i32
    %dma_start3A_3 = tpu.memref_slice %arg2[%dma_start3A, %dma_start3A_2] : memref<10000x128xf32, #tpu.memory_space<hbm>> -> memref<10000x128xf32, #tpu.memory_space<hbm>>
    tpu.enqueue_indirect_dma source(%dma_start3A_3 : memref<10000x128xf32, #tpu.memory_space<hbm>>) target(%arg12 : memref<128x128xf32, #tpu.memory_space<vmem>>) offsets(%arg8 : memref<128xi32, #tpu.memory_space<vmem>>) semaphore(%arg16 : memref<!tpu.dma_semaphore, #tpu.memory_space<semaphore_mem>>)
    %dma_start3A_4 = arith.constant 0 : i32
    %dma_start3A_5 = arith.constant 0 : i32
    %dma_start3A_6 = tpu.memref_slice %arg3[%dma_start3A_4, %dma_start3A_5] : memref<10000x128xf32, #tpu.memory_space<hbm>> -> memref<10000x128xf32, #tpu.memory_space<hbm>>
    tpu.enqueue_indirect_dma source(%dma_start3A_6 : memref<10000x128xf32, #tpu.memory_space<hbm>>) target(%arg13 : memref<128x128xf32, #tpu.memory_space<vmem>>) offsets(%arg9 : memref<128xi32, #tpu.memory_space<vmem>>) semaphore(%arg16 : memref<!tpu.dma_semaphore, #tpu.memory_space<semaphore_mem>>)
    %dma_wait3A = arith.constant 0 : i32
    %dma_wait3A_7 = arith.constant 0 : i32
    %dma_wait3A_8 = tpu.memref_slice %arg2[%dma_wait3A, %dma_wait3A_7] : memref<10000x128xf32, #tpu.memory_space<hbm>> -> memref<10000x128xf32, #tpu.memory_space<hbm>>
    tpu.wait_indirect_dma semaphore(%arg16 : memref<!tpu.dma_semaphore, #tpu.memory_space<semaphore_mem>>) src(%dma_wait3A_8 : memref<10000x128xf32, #tpu.memory_space<hbm>>) dst(%arg12 : memref<128x128xf32, #tpu.memory_space<vmem>>)
    %dma_wait3A_9 = arith.constant 0 : i32
    %dma_wait3A_10 = arith.constant 0 : i32
    %dma_wait3A_11 = tpu.memref_slice %arg3[%dma_wait3A_9, %dma_wait3A_10] : memref<10000x128xf32, #tpu.memory_space<hbm>> -> memref<10000x128xf32, #tpu.memory_space<hbm>>
    tpu.wait_indirect_dma semaphore(%arg16 : memref<!tpu.dma_semaphore, #tpu.memory_space<semaphore_mem>>) src(%dma_wait3A_11 : memref<10000x128xf32, #tpu.memory_space<hbm>>) dst(%arg13 : memref<128x128xf32, #tpu.memory_space<vmem>>)
    %scan3A = arith.constant 0 : i32
    %scan3A_12 = arith.constant 0 : i32
    %scan3A_13 = arith.constant 40 : i32
    %scan3A_14 = arith.addi %scan3A_12, %scan3A_13 : i32
    %scan3A_15 = arith.constant 1 : i32
    %scan3A_16 = scf.for %scan3A_18 = %scan3A_12 to %scan3A_14 step %scan3A_15 iter_args(%scan3A_19 = %scan3A) -> (i32)  : i32 {
      %mul3A_20 = arith.constant 2 : i32
      %mul3A_21 = arith.muli %mul3A_20, %scan3A_18 : i32
      %add3A_22 = arith.constant 1 : i32
      %add3A_23 = arith.addi %mul3A_21, %add3A_22 : i32
      "tpu.region"() ({
        %run_scoped3A_63 = tpu.sem_alloc : memref<!tpu.dma_semaphore, #tpu.memory_space<semaphore_mem>>
        %dma_start3A_64 = arith.constant 0 : i32
        %dma_start3A_65 = tpu.memref_slice %arg4[%add3A, %add3A_23, %dma_start3A_64] : memref<32x81x128xi32, #tpu.memory_space<hbm>> -> memref<1x1x128xi32, #tpu.memory_space<hbm>>
        %dma_start3A_66 = tpu.memref_squeeze %dma_start3A_65 : memref<1x1x128xi32, #tpu.memory_space<hbm>> -> memref<128xi32, #tpu.memory_space<hbm>>
        %dma_start3A_67 = arith.constant 0 : i32
        %dma_start3A_68 = tpu.memref_slice %arg4[%add3A, %add3A_23, %dma_start3A_67] : memref<32x81x128xi32, #tpu.memory_space<hbm>> -> memref<1x1x128xi32, #tpu.memory_space<hbm>>
        %dma_start3A_69 = tpu.memref_squeeze %dma_start3A_68 : memref<1x1x128xi32, #tpu.memory_space<hbm>> -> memref<128xi32, #tpu.memory_space<hbm>>
        tpu.enqueue_dma source(%dma_start3A_69 : memref<128xi32, #tpu.memory_space<hbm>>) target(%arg10 : memref<128xi32, #tpu.memory_space<vmem>>) target_semaphore(%run_scoped3A_63 : memref<!tpu.dma_semaphore, #tpu.memory_space<semaphore_mem>>)
        %dma_wait3A_70 = arith.constant 0 : i32
        %dma_wait3A_71 = tpu.memref_slice %arg4[%add3A, %add3A_23, %dma_wait3A_70] : memref<32x81x128xi32, #tpu.memory_space<hbm>> -> memref<1x1x128xi32, #tpu.memory_space<hbm>>
        %dma_wait3A_72 = tpu.memref_squeeze %dma_wait3A_71 : memref<1x1x128xi32, #tpu.memory_space<hbm>> -> memref<128xi32, #tpu.memory_space<hbm>>
        %dma_wait3A_73 = arith.constant 0 : i32
        %dma_wait3A_74 = tpu.memref_slice %arg4[%add3A, %add3A_23, %dma_wait3A_73] : memref<32x81x128xi32, #tpu.memory_space<hbm>> -> memref<1x1x128xi32, #tpu.memory_space<hbm>>
        %dma_wait3A_75 = tpu.memref_squeeze %dma_wait3A_74 : memref<1x1x128xi32, #tpu.memory_space<hbm>> -> memref<128xi32, #tpu.memory_space<hbm>>
        tpu.wait_dma2 semaphore(%run_scoped3A_63 : memref<!tpu.dma_semaphore, #tpu.memory_space<semaphore_mem>>) src(%dma_wait3A_75 : memref<128xi32, #tpu.memory_space<hbm>>) dst(%arg10 : memref<128xi32, #tpu.memory_space<vmem>>)
        tpu.yield
      }) : () -> ()
      "tpu.region"() ({
        %run_scoped3A_63 = tpu.sem_alloc : memref<!tpu.dma_semaphore, #tpu.memory_space<semaphore_mem>>
        %dma_start3A_64 = arith.constant 0 : i32
        %dma_start3A_65 = tpu.memref_slice %arg5[%add3A, %add3A_23, %dma_start3A_64] : memref<32x81x128xi32, #tpu.memory_space<hbm>> -> memref<1x1x128xi32, #tpu.memory_space<hbm>>
        %dma_start3A_66 = tpu.memref_squeeze %dma_start3A_65 : memref<1x1x128xi32, #tpu.memory_space<hbm>> -> memref<128xi32, #tpu.memory_space<hbm>>
        %dma_start3A_67 = arith.constant 0 : i32
        %dma_start3A_68 = tpu.memref_slice %arg5[%add3A, %add3A_23, %dma_start3A_67] : memref<32x81x128xi32, #tpu.memory_space<hbm>> -> memref<1x1x128xi32, #tpu.memory_space<hbm>>
        %dma_start3A_69 = tpu.memref_squeeze %dma_start3A_68 : memref<1x1x128xi32, #tpu.memory_space<hbm>> -> memref<128xi32, #tpu.memory_space<hbm>>
        tpu.enqueue_dma source(%dma_start3A_69 : memref<128xi32, #tpu.memory_space<hbm>>) target(%arg11 : memref<128xi32, #tpu.memory_space<vmem>>) target_semaphore(%run_scoped3A_63 : memref<!tpu.dma_semaphore, #tpu.memory_space<semaphore_mem>>)
        %dma_wait3A_70 = arith.constant 0 : i32
        %dma_wait3A_71 = tpu.memref_slice %arg5[%add3A, %add3A_23, %dma_wait3A_70] : memref<32x81x128xi32, #tpu.memory_space<hbm>> -> memref<1x1x128xi32, #tpu.memory_space<hbm>>
        %dma_wait3A_72 = tpu.memref_squeeze %dma_wait3A_71 : memref<1x1x128xi32, #tpu.memory_space<hbm>> -> memref<128xi32, #tpu.memory_space<hbm>>
        %dma_wait3A_73 = arith.constant 0 : i32
        %dma_wait3A_74 = tpu.memref_slice %arg5[%add3A, %add3A_23, %dma_wait3A_73] : memref<32x81x128xi32, #tpu.memory_space<hbm>> -> memref<1x1x128xi32, #tpu.memory_space<hbm>>
        %dma_wait3A_75 = tpu.memref_squeeze %dma_wait3A_74 : memref<1x1x128xi32, #tpu.memory_space<hbm>> -> memref<128xi32, #tpu.memory_space<hbm>>
        tpu.wait_dma2 semaphore(%run_scoped3A_63 : memref<!tpu.dma_semaphore, #tpu.memory_space<semaphore_mem>>) src(%dma_wait3A_75 : memref<128xi32, #tpu.memory_space<hbm>>) dst(%arg11 : memref<128xi32, #tpu.memory_space<vmem>>)
        tpu.yield
      }) : () -> ()
      %dma_start3A_24 = arith.constant 0 : i32
      %dma_start3A_25 = arith.constant 0 : i32
      %dma_start3A_26 = tpu.memref_slice %arg2[%dma_start3A_24, %dma_start3A_25] : memref<10000x128xf32, #tpu.memory_space<hbm>> -> memref<10000x128xf32, #tpu.memory_space<hbm>>
      tpu.enqueue_indirect_dma source(%dma_start3A_26 : memref<10000x128xf32, #tpu.memory_space<hbm>>) target(%arg14 : memref<128x128xf32, #tpu.memory_space<vmem>>) offsets(%arg10 : memref<128xi32, #tpu.memory_space<vmem>>) semaphore(%arg16 : memref<!tpu.dma_semaphore, #tpu.memory_space<semaphore_mem>>)
      %dma_start3A_27 = arith.constant 0 : i32
      %dma_start3A_28 = arith.constant 0 : i32
      %dma_start3A_29 = tpu.memref_slice %arg3[%dma_start3A_27, %dma_start3A_28] : memref<10000x128xf32, #tpu.memory_space<hbm>> -> memref<10000x128xf32, #tpu.memory_space<hbm>>
      tpu.enqueue_indirect_dma source(%dma_start3A_29 : memref<10000x128xf32, #tpu.memory_space<hbm>>) target(%arg15 : memref<128x128xf32, #tpu.memory_space<vmem>>) offsets(%arg11 : memref<128xi32, #tpu.memory_space<vmem>>) semaphore(%arg16 : memref<!tpu.dma_semaphore, #tpu.memory_space<semaphore_mem>>)
      %mul3A_30 = arith.constant 80 : i32
      %mul3A_31 = arith.muli %add3A, %mul3A_30 : i32
      %add3A_32 = arith.addi %mul3A_31, %mul3A_21 : i32
      %mul3A_33 = arith.constant 128 : i32
      %mul3A_34 = arith.muli %add3A_32, %mul3A_33 : i32
      "tpu.region"() ({
        %run_scoped3A_63 = tpu.sem_alloc : memref<!tpu.dma_semaphore, #tpu.memory_space<semaphore_mem>>
        %dma_start3A_64 = arith.constant 0 : i32
        %dma_start3A_65 = tpu.memref_slice %arg6[%mul3A_34, %dma_start3A_64] : memref<327680x128xf32, #tpu.memory_space<hbm>> -> memref<128x128xf32, #tpu.memory_space<hbm>>
        %dma_start3A_66 = arith.constant 0 : i32
        %dma_start3A_67 = tpu.memref_slice %arg6[%mul3A_34, %dma_start3A_66] : memref<327680x128xf32, #tpu.memory_space<hbm>> -> memref<128x128xf32, #tpu.memory_space<hbm>>
        tpu.enqueue_dma source(%arg12 : memref<128x128xf32, #tpu.memory_space<vmem>>) target(%dma_start3A_67 : memref<128x128xf32, #tpu.memory_space<hbm>>) target_semaphore(%run_scoped3A_63 : memref<!tpu.dma_semaphore, #tpu.memory_space<semaphore_mem>>)
        %dma_wait3A_68 = arith.constant 0 : i32
        %dma_wait3A_69 = tpu.memref_slice %arg6[%mul3A_34, %dma_wait3A_68] : memref<327680x128xf32, #tpu.memory_space<hbm>> -> memref<128x128xf32, #tpu.memory_space<hbm>>
        %dma_wait3A_70 = arith.constant 0 : i32
        %dma_wait3A_71 = tpu.memref_slice %arg6[%mul3A_34, %dma_wait3A_70] : memref<327680x128xf32, #tpu.memory_space<hbm>> -> memref<128x128xf32, #tpu.memory_space<hbm>>
        tpu.wait_dma2 semaphore(%run_scoped3A_63 : memref<!tpu.dma_semaphore, #tpu.memory_space<semaphore_mem>>) src(%arg12 : memref<128x128xf32, #tpu.memory_space<vmem>>) dst(%dma_wait3A_71 : memref<128x128xf32, #tpu.memory_space<hbm>>)
        tpu.yield
      }) : () -> ()
      "tpu.region"() ({
        %run_scoped3A_63 = tpu.sem_alloc : memref<!tpu.dma_semaphore, #tpu.memory_space<semaphore_mem>>
        %dma_start3A_64 = arith.constant 0 : i32
        %dma_start3A_65 = tpu.memref_slice %arg7[%mul3A_34, %dma_start3A_64] : memref<327680x128xf32, #tpu.memory_space<hbm>> -> memref<128x128xf32, #tpu.memory_space<hbm>>
        %dma_start3A_66 = arith.constant 0 : i32
        %dma_start3A_67 = tpu.memref_slice %arg7[%mul3A_34, %dma_start3A_66] : memref<327680x128xf32, #tpu.memory_space<hbm>> -> memref<128x128xf32, #tpu.memory_space<hbm>>
        tpu.enqueue_dma source(%arg13 : memref<128x128xf32, #tpu.memory_space<vmem>>) target(%dma_start3A_67 : memref<128x128xf32, #tpu.memory_space<hbm>>) target_semaphore(%run_scoped3A_63 : memref<!tpu.dma_semaphore, #tpu.memory_space<semaphore_mem>>)
        %dma_wait3A_68 = arith.constant 0 : i32
        %dma_wait3A_69 = tpu.memref_slice %arg7[%mul3A_34, %dma_wait3A_68] : memref<327680x128xf32, #tpu.memory_space<hbm>> -> memref<128x128xf32, #tpu.memory_space<hbm>>
        %dma_wait3A_70 = arith.constant 0 : i32
        %dma_wait3A_71 = tpu.memref_slice %arg7[%mul3A_34, %dma_wait3A_70] : memref<327680x128xf32, #tpu.memory_space<hbm>> -> memref<128x128xf32, #tpu.memory_space<hbm>>
        tpu.wait_dma2 semaphore(%run_scoped3A_63 : memref<!tpu.dma_semaphore, #tpu.memory_space<semaphore_mem>>) src(%arg13 : memref<128x128xf32, #tpu.memory_space<vmem>>) dst(%dma_wait3A_71 : memref<128x128xf32, #tpu.memory_space<hbm>>)
        tpu.yield
      }) : () -> ()
      %dma_wait3A_35 = arith.constant 0 : i32
      %dma_wait3A_36 = arith.constant 0 : i32
      %dma_wait3A_37 = tpu.memref_slice %arg2[%dma_wait3A_35, %dma_wait3A_36] : memref<10000x128xf32, #tpu.memory_space<hbm>> -> memref<10000x128xf32, #tpu.memory_space<hbm>>
      tpu.wait_indirect_dma semaphore(%arg16 : memref<!tpu.dma_semaphore, #tpu.memory_space<semaphore_mem>>) src(%dma_wait3A_37 : memref<10000x128xf32, #tpu.memory_space<hbm>>) dst(%arg14 : memref<128x128xf32, #tpu.memory_space<vmem>>)
      %dma_wait3A_38 = arith.constant 0 : i32
      %dma_wait3A_39 = arith.constant 0 : i32
      %dma_wait3A_40 = tpu.memref_slice %arg3[%dma_wait3A_38, %dma_wait3A_39] : memref<10000x128xf32, #tpu.memory_space<hbm>> -> memref<10000x128xf32, #tpu.memory_space<hbm>>
      tpu.wait_indirect_dma semaphore(%arg16 : memref<!tpu.dma_semaphore, #tpu.memory_space<semaphore_mem>>) src(%dma_wait3A_40 : memref<10000x128xf32, #tpu.memory_space<hbm>>) dst(%arg15 : memref<128x128xf32, #tpu.memory_space<vmem>>)
      %add3A_41 = arith.constant 2 : i32
      %add3A_42 = arith.addi %mul3A_21, %add3A_41 : i32
      %add3A_43 = arith.constant 1 : i32
      %add3A_44 = arith.addi %mul3A_21, %add3A_43 : i32
      "tpu.region"() ({
        %run_scoped3A_63 = tpu.sem_alloc : memref<!tpu.dma_semaphore, #tpu.memory_space<semaphore_mem>>
        %dma_start3A_64 = arith.constant 0 : i32
        %dma_start3A_65 = tpu.memref_slice %arg4[%add3A, %add3A_42, %dma_start3A_64] : memref<32x81x128xi32, #tpu.memory_space<hbm>> -> memref<1x1x128xi32, #tpu.memory_space<hbm>>
        %dma_start3A_66 = tpu.memref_squeeze %dma_start3A_65 : memref<1x1x128xi32, #tpu.memory_space<hbm>> -> memref<128xi32, #tpu.memory_space<hbm>>
        %dma_start3A_67 = arith.constant 0 : i32
        %dma_start3A_68 = tpu.memref_slice %arg4[%add3A, %add3A_42, %dma_start3A_67] : memref<32x81x128xi32, #tpu.memory_space<hbm>> -> memref<1x1x128xi32, #tpu.memory_space<hbm>>
        %dma_start3A_69 = tpu.memref_squeeze %dma_start3A_68 : memref<1x1x128xi32, #tpu.memory_space<hbm>> -> memref<128xi32, #tpu.memory_space<hbm>>
        tpu.enqueue_dma source(%dma_start3A_69 : memref<128xi32, #tpu.memory_space<hbm>>) target(%arg8 : memref<128xi32, #tpu.memory_space<vmem>>) target_semaphore(%run_scoped3A_63 : memref<!tpu.dma_semaphore, #tpu.memory_space<semaphore_mem>>)
        %dma_wait3A_70 = arith.constant 0 : i32
        %dma_wait3A_71 = tpu.memref_slice %arg4[%add3A, %add3A_42, %dma_wait3A_70] : memref<32x81x128xi32, #tpu.memory_space<hbm>> -> memref<1x1x128xi32, #tpu.memory_space<hbm>>
        %dma_wait3A_72 = tpu.memref_squeeze %dma_wait3A_71 : memref<1x1x128xi32, #tpu.memory_space<hbm>> -> memref<128xi32, #tpu.memory_space<hbm>>
        %dma_wait3A_73 = arith.constant 0 : i32
        %dma_wait3A_74 = tpu.memref_slice %arg4[%add3A, %add3A_42, %dma_wait3A_73] : memref<32x81x128xi32, #tpu.memory_space<hbm>> -> memref<1x1x128xi32, #tpu.memory_space<hbm>>
        %dma_wait3A_75 = tpu.memref_squeeze %dma_wait3A_74 : memref<1x1x128xi32, #tpu.memory_space<hbm>> -> memref<128xi32, #tpu.memory_space<hbm>>
        tpu.wait_dma2 semaphore(%run_scoped3A_63 : memref<!tpu.dma_semaphore, #tpu.memory_space<semaphore_mem>>) src(%dma_wait3A_75 : memref<128xi32, #tpu.memory_space<hbm>>) dst(%arg8 : memref<128xi32, #tpu.memory_space<vmem>>)
        tpu.yield
      }) : () -> ()
      "tpu.region"() ({
        %run_scoped3A_63 = tpu.sem_alloc : memref<!tpu.dma_semaphore, #tpu.memory_space<semaphore_mem>>
        %dma_start3A_64 = arith.constant 0 : i32
        %dma_start3A_65 = tpu.memref_slice %arg5[%add3A, %add3A_42, %dma_start3A_64] : memref<32x81x128xi32, #tpu.memory_space<hbm>> -> memref<1x1x128xi32, #tpu.memory_space<hbm>>
        %dma_start3A_66 = tpu.memref_squeeze %dma_start3A_65 : memref<1x1x128xi32, #tpu.memory_space<hbm>> -> memref<128xi32, #tpu.memory_space<hbm>>
        %dma_start3A_67 = arith.constant 0 : i32
        %dma_start3A_68 = tpu.memref_slice %arg5[%add3A, %add3A_42, %dma_start3A_67] : memref<32x81x128xi32, #tpu.memory_space<hbm>> -> memref<1x1x128xi32, #tpu.memory_space<hbm>>
        %dma_start3A_69 = tpu.memref_squeeze %dma_start3A_68 : memref<1x1x128xi32, #tpu.memory_space<hbm>> -> memref<128xi32, #tpu.memory_space<hbm>>
        tpu.enqueue_dma source(%dma_start3A_69 : memref<128xi32, #tpu.memory_space<hbm>>) target(%arg9 : memref<128xi32, #tpu.memory_space<vmem>>) target_semaphore(%run_scoped3A_63 : memref<!tpu.dma_semaphore, #tpu.memory_space<semaphore_mem>>)
        %dma_wait3A_70 = arith.constant 0 : i32
        %dma_wait3A_71 = tpu.memref_slice %arg5[%add3A, %add3A_42, %dma_wait3A_70] : memref<32x81x128xi32, #tpu.memory_space<hbm>> -> memref<1x1x128xi32, #tpu.memory_space<hbm>>
        %dma_wait3A_72 = tpu.memref_squeeze %dma_wait3A_71 : memref<1x1x128xi32, #tpu.memory_space<hbm>> -> memref<128xi32, #tpu.memory_space<hbm>>
        %dma_wait3A_73 = arith.constant 0 : i32
        %dma_wait3A_74 = tpu.memref_slice %arg5[%add3A, %add3A_42, %dma_wait3A_73] : memref<32x81x128xi32, #tpu.memory_space<hbm>> -> memref<1x1x128xi32, #tpu.memory_space<hbm>>
        %dma_wait3A_75 = tpu.memref_squeeze %dma_wait3A_74 : memref<1x1x128xi32, #tpu.memory_space<hbm>> -> memref<128xi32, #tpu.memory_space<hbm>>
        tpu.wait_dma2 semaphore(%run_scoped3A_63 : memref<!tpu.dma_semaphore, #tpu.memory_space<semaphore_mem>>) src(%dma_wait3A_75 : memref<128xi32, #tpu.memory_space<hbm>>) dst(%arg9 : memref<128xi32, #tpu.memory_space<vmem>>)
        tpu.yield
      }) : () -> ()
      %dma_start3A_45 = arith.constant 0 : i32
      %dma_start3A_46 = arith.constant 0 : i32
      %dma_start3A_47 = tpu.memref_slice %arg2[%dma_start3A_45, %dma_start3A_46] : memref<10000x128xf32, #tpu.memory_space<hbm>> -> memref<10000x128xf32, #tpu.memory_space<hbm>>
      tpu.enqueue_indirect_dma source(%dma_start3A_47 : memref<10000x128xf32, #tpu.memory_space<hbm>>) target(%arg12 : memref<128x128xf32, #tpu.memory_space<vmem>>) offsets(%arg8 : memref<128xi32, #tpu.memory_space<vmem>>) semaphore(%arg16 : memref<!tpu.dma_semaphore, #tpu.memory_space<semaphore_mem>>)
      %dma_start3A_48 = arith.constant 0 : i32
      %dma_start3A_49 = arith.constant 0 : i32
      %dma_start3A_50 = tpu.memref_slice %arg3[%dma_start3A_48, %dma_start3A_49] : memref<10000x128xf32, #tpu.memory_space<hbm>> -> memref<10000x128xf32, #tpu.memory_space<hbm>>
      tpu.enqueue_indirect_dma source(%dma_start3A_50 : memref<10000x128xf32, #tpu.memory_space<hbm>>) target(%arg13 : memref<128x128xf32, #tpu.memory_space<vmem>>) offsets(%arg9 : memref<128xi32, #tpu.memory_space<vmem>>) semaphore(%arg16 : memref<!tpu.dma_semaphore, #tpu.memory_space<semaphore_mem>>)
      %mul3A_51 = arith.constant 80 : i32
      %mul3A_52 = arith.muli %add3A, %mul3A_51 : i32
      %add3A_53 = arith.addi %mul3A_52, %add3A_44 : i32
      %mul3A_54 = arith.constant 128 : i32
      %mul3A_55 = arith.muli %add3A_53, %mul3A_54 : i32
      "tpu.region"() ({
        %run_scoped3A_63 = tpu.sem_alloc : memref<!tpu.dma_semaphore, #tpu.memory_space<semaphore_mem>>
        %dma_start3A_64 = arith.constant 0 : i32
        %dma_start3A_65 = tpu.memref_slice %arg6[%mul3A_55, %dma_start3A_64] : memref<327680x128xf32, #tpu.memory_space<hbm>> -> memref<128x128xf32, #tpu.memory_space<hbm>>
        %dma_start3A_66 = arith.constant 0 : i32
        %dma_start3A_67 = tpu.memref_slice %arg6[%mul3A_55, %dma_start3A_66] : memref<327680x128xf32, #tpu.memory_space<hbm>> -> memref<128x128xf32, #tpu.memory_space<hbm>>
        tpu.enqueue_dma source(%arg14 : memref<128x128xf32, #tpu.memory_space<vmem>>) target(%dma_start3A_67 : memref<128x128xf32, #tpu.memory_space<hbm>>) target_semaphore(%run_scoped3A_63 : memref<!tpu.dma_semaphore, #tpu.memory_space<semaphore_mem>>)
        %dma_wait3A_68 = arith.constant 0 : i32
        %dma_wait3A_69 = tpu.memref_slice %arg6[%mul3A_55, %dma_wait3A_68] : memref<327680x128xf32, #tpu.memory_space<hbm>> -> memref<128x128xf32, #tpu.memory_space<hbm>>
        %dma_wait3A_70 = arith.constant 0 : i32
        %dma_wait3A_71 = tpu.memref_slice %arg6[%mul3A_55, %dma_wait3A_70] : memref<327680x128xf32, #tpu.memory_space<hbm>> -> memref<128x128xf32, #tpu.memory_space<hbm>>
        tpu.wait_dma2 semaphore(%run_scoped3A_63 : memref<!tpu.dma_semaphore, #tpu.memory_space<semaphore_mem>>) src(%arg14 : memref<128x128xf32, #tpu.memory_space<vmem>>) dst(%dma_wait3A_71 : memref<128x128xf32, #tpu.memory_space<hbm>>)
        tpu.yield
      }) : () -> ()
      "tpu.region"() ({
        %run_scoped3A_63 = tpu.sem_alloc : memref<!tpu.dma_semaphore, #tpu.memory_space<semaphore_mem>>
        %dma_start3A_64 = arith.constant 0 : i32
        %dma_start3A_65 = tpu.memref_slice %arg7[%mul3A_55, %dma_start3A_64] : memref<327680x128xf32, #tpu.memory_space<hbm>> -> memref<128x128xf32, #tpu.memory_space<hbm>>
        %dma_start3A_66 = arith.constant 0 : i32
        %dma_start3A_67 = tpu.memref_slice %arg7[%mul3A_55, %dma_start3A_66] : memref<327680x128xf32, #tpu.memory_space<hbm>> -> memref<128x128xf32, #tpu.memory_space<hbm>>
        tpu.enqueue_dma source(%arg15 : memref<128x128xf32, #tpu.memory_space<vmem>>) target(%dma_start3A_67 : memref<128x128xf32, #tpu.memory_space<hbm>>) target_semaphore(%run_scoped3A_63 : memref<!tpu.dma_semaphore, #tpu.memory_space<semaphore_mem>>)
        %dma_wait3A_68 = arith.constant 0 : i32
        %dma_wait3A_69 = tpu.memref_slice %arg7[%mul3A_55, %dma_wait3A_68] : memref<327680x128xf32, #tpu.memory_space<hbm>> -> memref<128x128xf32, #tpu.memory_space<hbm>>
        %dma_wait3A_70 = arith.constant 0 : i32
        %dma_wait3A_71 = tpu.memref_slice %arg7[%mul3A_55, %dma_wait3A_70] : memref<327680x128xf32, #tpu.memory_space<hbm>> -> memref<128x128xf32, #tpu.memory_space<hbm>>
        tpu.wait_dma2 semaphore(%run_scoped3A_63 : memref<!tpu.dma_semaphore, #tpu.memory_space<semaphore_mem>>) src(%arg15 : memref<128x128xf32, #tpu.memory_space<vmem>>) dst(%dma_wait3A_71 : memref<128x128xf32, #tpu.memory_space<hbm>>)
        tpu.yield
      }) : () -> ()
      %dma_wait3A_56 = arith.constant 0 : i32
      %dma_wait3A_57 = arith.constant 0 : i32
      %dma_wait3A_58 = tpu.memref_slice %arg2[%dma_wait3A_56, %dma_wait3A_57] : memref<10000x128xf32, #tpu.memory_space<hbm>> -> memref<10000x128xf32, #tpu.memory_space<hbm>>
      tpu.wait_indirect_dma semaphore(%arg16 : memref<!tpu.dma_semaphore, #tpu.memory_space<semaphore_mem>>) src(%dma_wait3A_58 : memref<10000x128xf32, #tpu.memory_space<hbm>>) dst(%arg12 : memref<128x128xf32, #tpu.memory_space<vmem>>)
      %dma_wait3A_59 = arith.constant 0 : i32
      %dma_wait3A_60 = arith.constant 0 : i32
      %dma_wait3A_61 = tpu.memref_slice %arg3[%dma_wait3A_59, %dma_wait3A_60] : memref<10000x128xf32, #tpu.memory_space<hbm>> -> memref<10000x128xf32, #tpu.memory_space<hbm>>
      tpu.wait_indirect_dma semaphore(%arg16 : memref<!tpu.dma_semaphore, #tpu.memory_space<semaphore_mem>>) src(%dma_wait3A_61 : memref<10000x128xf32, #tpu.memory_space<hbm>>) dst(%arg13 : memref<128x128xf32, #tpu.memory_space<vmem>>)
      %scan3A_62 = arith.constant 0 : i32
      scf.yield %scan3A_62 : i32
    }
    %scan3A_17 = arith.constant 40 : i32
    return
  }
}

#map = affine_map<(d0, d1) -> (0, 0, 0)>
#map1 = affine_map<(d0, d1) -> (0, 0)>
module attributes {stable_mosaic.version = 14 : i64} {
  func.func @body(%arg0: i32, %arg1: i32, %arg2: memref<2x327680x128xf32, #tpu.memory_space<hbm>>, %arg3: memref<2560x128xi32, #tpu.memory_space<hbm>>, %arg4: memref<128x128xf32, #tpu.memory_space<hbm>>, %arg5: memref<2x10240x128xf32, #tpu.memory_space<hbm>>, %arg6: memref<10240x128xf32, #tpu.memory_space<vmem_shared>>, %arg7: memref<128xi32, #tpu.memory_space<vmem>>, %arg8: memref<128x128xf32, #tpu.memory_space<vmem>>) attributes {dimension_semantics = [#tpu.dimension_semantics<core_parallel>, #tpu.dimension_semantics<subcore_parallel>], iteration_bounds = array<i64: 2, 16>, scalar_prefetch = 0 : i64, scratch_operands = 3 : i64, tpu.core_type = #tpu.core_type<sc_vector_subcore>, window_params = [{transform_indices = #map}, {transform_indices = #map1}, {transform_indices = #map1}, {transform_indices = #map}]} {
    %mul3A = arith.constant 640 : i32
    %mul3A_0 = arith.muli %arg1, %mul3A : i32
    "tpu.region"() ({
      %run_scoped3A = tpu.sem_alloc : memref<!tpu.dma_semaphore, #tpu.memory_space<semaphore_mem>>
      tpu.enqueue_dma source(%arg4 : memref<128x128xf32, #tpu.memory_space<hbm>>) target(%arg8 : memref<128x128xf32, #tpu.memory_space<vmem>>) target_semaphore(%run_scoped3A : memref<!tpu.dma_semaphore, #tpu.memory_space<semaphore_mem>>)
      tpu.wait_dma2 semaphore(%run_scoped3A : memref<!tpu.dma_semaphore, #tpu.memory_space<semaphore_mem>>) src(%arg4 : memref<128x128xf32, #tpu.memory_space<hbm>>) dst(%arg8 : memref<128x128xf32, #tpu.memory_space<vmem>>)
      tpu.yield
    }) : () -> ()
    %scan3A = arith.constant 0 : i32
    %scan3A_1 = arith.constant 0 : i32
    %scan3A_2 = arith.constant 5 : i32
    %scan3A_3 = arith.addi %scan3A_1, %scan3A_2 : i32
    %scan3A_4 = arith.constant 1 : i32
    %scan3A_5 = scf.for %scan3A_30 = %scan3A_1 to %scan3A_3 step %scan3A_4 iter_args(%scan3A_31 = %scan3A) -> (i32)  : i32 {
      %mul3A_32 = arith.constant 128 : i32
      %mul3A_33 = arith.muli %scan3A_30, %mul3A_32 : i32
      %add3A_34 = arith.addi %mul3A_0, %mul3A_33 : i32
      "tpu.region"() ({
        %run_scoped3A = tpu.sem_alloc : memref<!tpu.dma_semaphore, #tpu.memory_space<semaphore_mem>>
        %dma_start3A = arith.constant 0 : i32
        %dma_start3A_36 = tpu.memref_slice %arg6[%add3A_34, %dma_start3A] : memref<10240x128xf32, #tpu.memory_space<vmem_shared>> -> memref<128x128xf32, #tpu.memory_space<vmem_shared>>
        %dma_start3A_37 = arith.constant 0 : i32
        %dma_start3A_38 = tpu.memref_slice %arg6[%add3A_34, %dma_start3A_37] : memref<10240x128xf32, #tpu.memory_space<vmem_shared>> -> memref<128x128xf32, #tpu.memory_space<vmem_shared>>
        tpu.enqueue_dma source(%arg8 : memref<128x128xf32, #tpu.memory_space<vmem>>) target(%dma_start3A_38 : memref<128x128xf32, #tpu.memory_space<vmem_shared>>) target_semaphore(%run_scoped3A : memref<!tpu.dma_semaphore, #tpu.memory_space<semaphore_mem>>)
        %dma_wait3A = arith.constant 0 : i32
        %dma_wait3A_39 = tpu.memref_slice %arg6[%add3A_34, %dma_wait3A] : memref<10240x128xf32, #tpu.memory_space<vmem_shared>> -> memref<128x128xf32, #tpu.memory_space<vmem_shared>>
        %dma_wait3A_40 = arith.constant 0 : i32
        %dma_wait3A_41 = tpu.memref_slice %arg6[%add3A_34, %dma_wait3A_40] : memref<10240x128xf32, #tpu.memory_space<vmem_shared>> -> memref<128x128xf32, #tpu.memory_space<vmem_shared>>
        tpu.wait_dma2 semaphore(%run_scoped3A : memref<!tpu.dma_semaphore, #tpu.memory_space<semaphore_mem>>) src(%arg8 : memref<128x128xf32, #tpu.memory_space<vmem>>) dst(%dma_wait3A_41 : memref<128x128xf32, #tpu.memory_space<vmem_shared>>)
        tpu.yield
      }) : () -> ()
      %scan3A_35 = arith.constant 0 : i32
      scf.yield %scan3A_35 : i32
    }
    %scan3A_6 = arith.constant 5 : i32
    %barrier3A = arith.constant 0 : index
    tpu.barrier barrier_id(%barrier3A)
    %mul3A_7 = arith.constant 160 : i32
    %mul3A_8 = arith.muli %arg1, %mul3A_7 : i32
    %add3A = arith.constant 1 : i32
    %add3A_9 = arith.addi %arg1, %add3A : i32
    %mul3A_10 = arith.constant 160 : i32
    %mul3A_11 = arith.muli %add3A_9, %mul3A_10 : i32
    %while3A = arith.constant 0 : i32
    %while3A_12 = arith.subi %mul3A_11, %mul3A_8 : i32
    %while3A_13 = arith.addi %mul3A_8, %while3A_12 : i32
    %while3A_14 = arith.constant 1 : i32
    %while3A_15 = arith.divsi %while3A_12, %while3A_14 : i32
    %while3A_16 = arith.muli %while3A_15, %while3A_14 : i32
    %while3A_17 = arith.addi %mul3A_8, %while3A_16 : i32
    %while3A_18 = arith.constant 1 : i32
    %while3A_19 = scf.for %while3A_30 = %mul3A_8 to %while3A_17 step %while3A_18 iter_args(%while3A_31 = %while3A) -> (i32)  : i32 {
      "tpu.region"() ({
        %run_scoped3A = tpu.sem_alloc : memref<!tpu.dma_semaphore, #tpu.memory_space<semaphore_mem>>
        %dma_start3A = arith.constant 0 : i32
        %dma_start3A_35 = tpu.memref_slice %arg3[%while3A_30, %dma_start3A] : memref<2560x128xi32, #tpu.memory_space<hbm>> -> memref<1x128xi32, #tpu.memory_space<hbm>>
        %dma_start3A_36 = tpu.memref_squeeze %dma_start3A_35 : memref<1x128xi32, #tpu.memory_space<hbm>> -> memref<128xi32, #tpu.memory_space<hbm>>
        %dma_start3A_37 = arith.constant 0 : i32
        %dma_start3A_38 = tpu.memref_slice %arg3[%while3A_30, %dma_start3A_37] : memref<2560x128xi32, #tpu.memory_space<hbm>> -> memref<1x128xi32, #tpu.memory_space<hbm>>
        %dma_start3A_39 = tpu.memref_squeeze %dma_start3A_38 : memref<1x128xi32, #tpu.memory_space<hbm>> -> memref<128xi32, #tpu.memory_space<hbm>>
        tpu.enqueue_dma source(%dma_start3A_39 : memref<128xi32, #tpu.memory_space<hbm>>) target(%arg7 : memref<128xi32, #tpu.memory_space<vmem>>) target_semaphore(%run_scoped3A : memref<!tpu.dma_semaphore, #tpu.memory_space<semaphore_mem>>)
        %dma_wait3A = arith.constant 0 : i32
        %dma_wait3A_40 = tpu.memref_slice %arg3[%while3A_30, %dma_wait3A] : memref<2560x128xi32, #tpu.memory_space<hbm>> -> memref<1x128xi32, #tpu.memory_space<hbm>>
        %dma_wait3A_41 = tpu.memref_squeeze %dma_wait3A_40 : memref<1x128xi32, #tpu.memory_space<hbm>> -> memref<128xi32, #tpu.memory_space<hbm>>
        %dma_wait3A_42 = arith.constant 0 : i32
        %dma_wait3A_43 = tpu.memref_slice %arg3[%while3A_30, %dma_wait3A_42] : memref<2560x128xi32, #tpu.memory_space<hbm>> -> memref<1x128xi32, #tpu.memory_space<hbm>>
        %dma_wait3A_44 = tpu.memref_squeeze %dma_wait3A_43 : memref<1x128xi32, #tpu.memory_space<hbm>> -> memref<128xi32, #tpu.memory_space<hbm>>
        tpu.wait_dma2 semaphore(%run_scoped3A : memref<!tpu.dma_semaphore, #tpu.memory_space<semaphore_mem>>) src(%dma_wait3A_44 : memref<128xi32, #tpu.memory_space<hbm>>) dst(%arg7 : memref<128xi32, #tpu.memory_space<vmem>>)
        tpu.yield
      }) : () -> ()
      %mul3A_32 = arith.constant 128 : i32
      %mul3A_33 = arith.muli %while3A_30, %mul3A_32 : i32
      "tpu.region"() ({
        %run_scoped3A = tpu.sem_alloc : memref<!tpu.dma_semaphore, #tpu.memory_space<semaphore_mem>>
        %dma_start3A = arith.constant 0 : i32
        %dma_start3A_35 = tpu.memref_slice %arg2[%arg0, %mul3A_33, %dma_start3A] : memref<2x327680x128xf32, #tpu.memory_space<hbm>> -> memref<1x128x128xf32, #tpu.memory_space<hbm>>
        %dma_start3A_36 = tpu.memref_squeeze %dma_start3A_35 : memref<1x128x128xf32, #tpu.memory_space<hbm>> -> memref<128x128xf32, #tpu.memory_space<hbm>>
        %dma_start3A_37 = arith.constant 0 : i32
        %dma_start3A_38 = tpu.memref_slice %arg2[%arg0, %mul3A_33, %dma_start3A_37] : memref<2x327680x128xf32, #tpu.memory_space<hbm>> -> memref<1x128x128xf32, #tpu.memory_space<hbm>>
        %dma_start3A_39 = tpu.memref_squeeze %dma_start3A_38 : memref<1x128x128xf32, #tpu.memory_space<hbm>> -> memref<128x128xf32, #tpu.memory_space<hbm>>
        tpu.enqueue_dma source(%dma_start3A_39 : memref<128x128xf32, #tpu.memory_space<hbm>>) target(%arg8 : memref<128x128xf32, #tpu.memory_space<vmem>>) target_semaphore(%run_scoped3A : memref<!tpu.dma_semaphore, #tpu.memory_space<semaphore_mem>>)
        %dma_wait3A = arith.constant 0 : i32
        %dma_wait3A_40 = tpu.memref_slice %arg2[%arg0, %mul3A_33, %dma_wait3A] : memref<2x327680x128xf32, #tpu.memory_space<hbm>> -> memref<1x128x128xf32, #tpu.memory_space<hbm>>
        %dma_wait3A_41 = tpu.memref_squeeze %dma_wait3A_40 : memref<1x128x128xf32, #tpu.memory_space<hbm>> -> memref<128x128xf32, #tpu.memory_space<hbm>>
        %dma_wait3A_42 = arith.constant 0 : i32
        %dma_wait3A_43 = tpu.memref_slice %arg2[%arg0, %mul3A_33, %dma_wait3A_42] : memref<2x327680x128xf32, #tpu.memory_space<hbm>> -> memref<1x128x128xf32, #tpu.memory_space<hbm>>
        %dma_wait3A_44 = tpu.memref_squeeze %dma_wait3A_43 : memref<1x128x128xf32, #tpu.memory_space<hbm>> -> memref<128x128xf32, #tpu.memory_space<hbm>>
        tpu.wait_dma2 semaphore(%run_scoped3A : memref<!tpu.dma_semaphore, #tpu.memory_space<semaphore_mem>>) src(%dma_wait3A_44 : memref<128x128xf32, #tpu.memory_space<hbm>>) dst(%arg8 : memref<128x128xf32, #tpu.memory_space<vmem>>)
        tpu.yield
      }) : () -> ()
      "tpu.region"() ({
        %run_scoped3A = tpu.sem_alloc : memref<!tpu.dma_semaphore, #tpu.memory_space<semaphore_mem>>
        %dma_start3A = arith.constant 0 : i32
        %dma_start3A_35 = arith.constant 0 : i32
        %dma_start3A_36 = tpu.memref_slice %arg6[%dma_start3A, %dma_start3A_35] : memref<10240x128xf32, #tpu.memory_space<vmem_shared>> -> memref<10240x128xf32, #tpu.memory_space<vmem_shared>>
        tpu.enqueue_indirect_dma source(%arg8 : memref<128x128xf32, #tpu.memory_space<vmem>>) target(%dma_start3A_36 : memref<10240x128xf32, #tpu.memory_space<vmem_shared>>) offsets(%arg7 : memref<128xi32, #tpu.memory_space<vmem>>) semaphore(%run_scoped3A : memref<!tpu.dma_semaphore, #tpu.memory_space<semaphore_mem>>) {add = true}
        %dma_wait3A = arith.constant 0 : i32
        %dma_wait3A_37 = arith.constant 0 : i32
        %dma_wait3A_38 = tpu.memref_slice %arg6[%dma_wait3A, %dma_wait3A_37] : memref<10240x128xf32, #tpu.memory_space<vmem_shared>> -> memref<10240x128xf32, #tpu.memory_space<vmem_shared>>
        tpu.wait_indirect_dma semaphore(%run_scoped3A : memref<!tpu.dma_semaphore, #tpu.memory_space<semaphore_mem>>) src(%arg8 : memref<128x128xf32, #tpu.memory_space<vmem>>) dst(%dma_wait3A_38 : memref<10240x128xf32, #tpu.memory_space<vmem_shared>>)
        tpu.yield
      }) : () -> ()
      %while3A_34 = arith.constant 0 : i32
      scf.yield %while3A_34 : i32
    }
    %while3A_20 = arith.constant 1 : i32
    %while3A_21 = scf.for %while3A_30 = %while3A_17 to %while3A_13 step %while3A_20 iter_args(%while3A_31 = %while3A_19) -> (i32)  : i32 {
      "tpu.region"() ({
        %run_scoped3A = tpu.sem_alloc : memref<!tpu.dma_semaphore, #tpu.memory_space<semaphore_mem>>
        %dma_start3A = arith.constant 0 : i32
        %dma_start3A_35 = tpu.memref_slice %arg3[%while3A_30, %dma_start3A] : memref<2560x128xi32, #tpu.memory_space<hbm>> -> memref<1x128xi32, #tpu.memory_space<hbm>>
        %dma_start3A_36 = tpu.memref_squeeze %dma_start3A_35 : memref<1x128xi32, #tpu.memory_space<hbm>> -> memref<128xi32, #tpu.memory_space<hbm>>
        %dma_start3A_37 = arith.constant 0 : i32
        %dma_start3A_38 = tpu.memref_slice %arg3[%while3A_30, %dma_start3A_37] : memref<2560x128xi32, #tpu.memory_space<hbm>> -> memref<1x128xi32, #tpu.memory_space<hbm>>
        %dma_start3A_39 = tpu.memref_squeeze %dma_start3A_38 : memref<1x128xi32, #tpu.memory_space<hbm>> -> memref<128xi32, #tpu.memory_space<hbm>>
        tpu.enqueue_dma source(%dma_start3A_39 : memref<128xi32, #tpu.memory_space<hbm>>) target(%arg7 : memref<128xi32, #tpu.memory_space<vmem>>) target_semaphore(%run_scoped3A : memref<!tpu.dma_semaphore, #tpu.memory_space<semaphore_mem>>)
        %dma_wait3A = arith.constant 0 : i32
        %dma_wait3A_40 = tpu.memref_slice %arg3[%while3A_30, %dma_wait3A] : memref<2560x128xi32, #tpu.memory_space<hbm>> -> memref<1x128xi32, #tpu.memory_space<hbm>>
        %dma_wait3A_41 = tpu.memref_squeeze %dma_wait3A_40 : memref<1x128xi32, #tpu.memory_space<hbm>> -> memref<128xi32, #tpu.memory_space<hbm>>
        %dma_wait3A_42 = arith.constant 0 : i32
        %dma_wait3A_43 = tpu.memref_slice %arg3[%while3A_30, %dma_wait3A_42] : memref<2560x128xi32, #tpu.memory_space<hbm>> -> memref<1x128xi32, #tpu.memory_space<hbm>>
        %dma_wait3A_44 = tpu.memref_squeeze %dma_wait3A_43 : memref<1x128xi32, #tpu.memory_space<hbm>> -> memref<128xi32, #tpu.memory_space<hbm>>
        tpu.wait_dma2 semaphore(%run_scoped3A : memref<!tpu.dma_semaphore, #tpu.memory_space<semaphore_mem>>) src(%dma_wait3A_44 : memref<128xi32, #tpu.memory_space<hbm>>) dst(%arg7 : memref<128xi32, #tpu.memory_space<vmem>>)
        tpu.yield
      }) : () -> ()
      %mul3A_32 = arith.constant 128 : i32
      %mul3A_33 = arith.muli %while3A_30, %mul3A_32 : i32
      "tpu.region"() ({
        %run_scoped3A = tpu.sem_alloc : memref<!tpu.dma_semaphore, #tpu.memory_space<semaphore_mem>>
        %dma_start3A = arith.constant 0 : i32
        %dma_start3A_35 = tpu.memref_slice %arg2[%arg0, %mul3A_33, %dma_start3A] : memref<2x327680x128xf32, #tpu.memory_space<hbm>> -> memref<1x128x128xf32, #tpu.memory_space<hbm>>
        %dma_start3A_36 = tpu.memref_squeeze %dma_start3A_35 : memref<1x128x128xf32, #tpu.memory_space<hbm>> -> memref<128x128xf32, #tpu.memory_space<hbm>>
        %dma_start3A_37 = arith.constant 0 : i32
        %dma_start3A_38 = tpu.memref_slice %arg2[%arg0, %mul3A_33, %dma_start3A_37] : memref<2x327680x128xf32, #tpu.memory_space<hbm>> -> memref<1x128x128xf32, #tpu.memory_space<hbm>>
        %dma_start3A_39 = tpu.memref_squeeze %dma_start3A_38 : memref<1x128x128xf32, #tpu.memory_space<hbm>> -> memref<128x128xf32, #tpu.memory_space<hbm>>
        tpu.enqueue_dma source(%dma_start3A_39 : memref<128x128xf32, #tpu.memory_space<hbm>>) target(%arg8 : memref<128x128xf32, #tpu.memory_space<vmem>>) target_semaphore(%run_scoped3A : memref<!tpu.dma_semaphore, #tpu.memory_space<semaphore_mem>>)
        %dma_wait3A = arith.constant 0 : i32
        %dma_wait3A_40 = tpu.memref_slice %arg2[%arg0, %mul3A_33, %dma_wait3A] : memref<2x327680x128xf32, #tpu.memory_space<hbm>> -> memref<1x128x128xf32, #tpu.memory_space<hbm>>
        %dma_wait3A_41 = tpu.memref_squeeze %dma_wait3A_40 : memref<1x128x128xf32, #tpu.memory_space<hbm>> -> memref<128x128xf32, #tpu.memory_space<hbm>>
        %dma_wait3A_42 = arith.constant 0 : i32
        %dma_wait3A_43 = tpu.memref_slice %arg2[%arg0, %mul3A_33, %dma_wait3A_42] : memref<2x327680x128xf32, #tpu.memory_space<hbm>> -> memref<1x128x128xf32, #tpu.memory_space<hbm>>
        %dma_wait3A_44 = tpu.memref_squeeze %dma_wait3A_43 : memref<1x128x128xf32, #tpu.memory_space<hbm>> -> memref<128x128xf32, #tpu.memory_space<hbm>>
        tpu.wait_dma2 semaphore(%run_scoped3A : memref<!tpu.dma_semaphore, #tpu.memory_space<semaphore_mem>>) src(%dma_wait3A_44 : memref<128x128xf32, #tpu.memory_space<hbm>>) dst(%arg8 : memref<128x128xf32, #tpu.memory_space<vmem>>)
        tpu.yield
      }) : () -> ()
      "tpu.region"() ({
        %run_scoped3A = tpu.sem_alloc : memref<!tpu.dma_semaphore, #tpu.memory_space<semaphore_mem>>
        %dma_start3A = arith.constant 0 : i32
        %dma_start3A_35 = arith.constant 0 : i32
        %dma_start3A_36 = tpu.memref_slice %arg6[%dma_start3A, %dma_start3A_35] : memref<10240x128xf32, #tpu.memory_space<vmem_shared>> -> memref<10240x128xf32, #tpu.memory_space<vmem_shared>>
        tpu.enqueue_indirect_dma source(%arg8 : memref<128x128xf32, #tpu.memory_space<vmem>>) target(%dma_start3A_36 : memref<10240x128xf32, #tpu.memory_space<vmem_shared>>) offsets(%arg7 : memref<128xi32, #tpu.memory_space<vmem>>) semaphore(%run_scoped3A : memref<!tpu.dma_semaphore, #tpu.memory_space<semaphore_mem>>) {add = true}
        %dma_wait3A = arith.constant 0 : i32
        %dma_wait3A_37 = arith.constant 0 : i32
        %dma_wait3A_38 = tpu.memref_slice %arg6[%dma_wait3A, %dma_wait3A_37] : memref<10240x128xf32, #tpu.memory_space<vmem_shared>> -> memref<10240x128xf32, #tpu.memory_space<vmem_shared>>
        tpu.wait_indirect_dma semaphore(%run_scoped3A : memref<!tpu.dma_semaphore, #tpu.memory_space<semaphore_mem>>) src(%arg8 : memref<128x128xf32, #tpu.memory_space<vmem>>) dst(%dma_wait3A_38 : memref<10240x128xf32, #tpu.memory_space<vmem_shared>>)
        tpu.yield
      }) : () -> ()
      %while3A_34 = arith.constant 0 : i32
      scf.yield %while3A_34 : i32
    }
    %barrier3A_22 = arith.constant 0 : index
    tpu.barrier barrier_id(%barrier3A_22)
    %scan3A_23 = arith.constant 0 : i32
    %scan3A_24 = arith.constant 0 : i32
    %scan3A_25 = arith.constant 5 : i32
    %scan3A_26 = arith.addi %scan3A_24, %scan3A_25 : i32
    %scan3A_27 = arith.constant 1 : i32
    %scan3A_28 = scf.for %scan3A_30 = %scan3A_24 to %scan3A_26 step %scan3A_27 iter_args(%scan3A_31 = %scan3A_23) -> (i32)  : i32 {
      %mul3A_32 = arith.constant 128 : i32
      %mul3A_33 = arith.muli %scan3A_30, %mul3A_32 : i32
      %add3A_34 = arith.addi %mul3A_0, %mul3A_33 : i32
      "tpu.region"() ({
        %run_scoped3A = tpu.sem_alloc : memref<!tpu.dma_semaphore, #tpu.memory_space<semaphore_mem>>
        %dma_start3A = arith.constant 0 : i32
        %dma_start3A_39 = tpu.memref_slice %arg6[%add3A_34, %dma_start3A] : memref<10240x128xf32, #tpu.memory_space<vmem_shared>> -> memref<128x128xf32, #tpu.memory_space<vmem_shared>>
        %dma_start3A_40 = arith.constant 0 : i32
        %dma_start3A_41 = tpu.memref_slice %arg6[%add3A_34, %dma_start3A_40] : memref<10240x128xf32, #tpu.memory_space<vmem_shared>> -> memref<128x128xf32, #tpu.memory_space<vmem_shared>>
        tpu.enqueue_dma source(%dma_start3A_41 : memref<128x128xf32, #tpu.memory_space<vmem_shared>>) target(%arg8 : memref<128x128xf32, #tpu.memory_space<vmem>>) target_semaphore(%run_scoped3A : memref<!tpu.dma_semaphore, #tpu.memory_space<semaphore_mem>>)
        %dma_wait3A = arith.constant 0 : i32
        %dma_wait3A_42 = tpu.memref_slice %arg6[%add3A_34, %dma_wait3A] : memref<10240x128xf32, #tpu.memory_space<vmem_shared>> -> memref<128x128xf32, #tpu.memory_space<vmem_shared>>
        %dma_wait3A_43 = arith.constant 0 : i32
        %dma_wait3A_44 = tpu.memref_slice %arg6[%add3A_34, %dma_wait3A_43] : memref<10240x128xf32, #tpu.memory_space<vmem_shared>> -> memref<128x128xf32, #tpu.memory_space<vmem_shared>>
        tpu.wait_dma2 semaphore(%run_scoped3A : memref<!tpu.dma_semaphore, #tpu.memory_space<semaphore_mem>>) src(%dma_wait3A_44 : memref<128x128xf32, #tpu.memory_space<vmem_shared>>) dst(%arg8 : memref<128x128xf32, #tpu.memory_space<vmem>>)
        tpu.yield
      }) : () -> ()
      %mul3A_35 = arith.constant 128 : i32
      %mul3A_36 = arith.muli %scan3A_30, %mul3A_35 : i32
      %add3A_37 = arith.addi %mul3A_0, %mul3A_36 : i32
      "tpu.region"() ({
        %run_scoped3A = tpu.sem_alloc : memref<!tpu.dma_semaphore, #tpu.memory_space<semaphore_mem>>
        %dma_start3A = arith.constant 0 : i32
        %dma_start3A_39 = tpu.memref_slice %arg5[%arg0, %add3A_37, %dma_start3A] : memref<2x10240x128xf32, #tpu.memory_space<hbm>> -> memref<1x128x128xf32, #tpu.memory_space<hbm>>
        %dma_start3A_40 = tpu.memref_squeeze %dma_start3A_39 : memref<1x128x128xf32, #tpu.memory_space<hbm>> -> memref<128x128xf32, #tpu.memory_space<hbm>>
        %dma_start3A_41 = arith.constant 0 : i32
        %dma_start3A_42 = tpu.memref_slice %arg5[%arg0, %add3A_37, %dma_start3A_41] : memref<2x10240x128xf32, #tpu.memory_space<hbm>> -> memref<1x128x128xf32, #tpu.memory_space<hbm>>
        %dma_start3A_43 = tpu.memref_squeeze %dma_start3A_42 : memref<1x128x128xf32, #tpu.memory_space<hbm>> -> memref<128x128xf32, #tpu.memory_space<hbm>>
        tpu.enqueue_dma source(%arg8 : memref<128x128xf32, #tpu.memory_space<vmem>>) target(%dma_start3A_43 : memref<128x128xf32, #tpu.memory_space<hbm>>) target_semaphore(%run_scoped3A : memref<!tpu.dma_semaphore, #tpu.memory_space<semaphore_mem>>)
        %dma_wait3A = arith.constant 0 : i32
        %dma_wait3A_44 = tpu.memref_slice %arg5[%arg0, %add3A_37, %dma_wait3A] : memref<2x10240x128xf32, #tpu.memory_space<hbm>> -> memref<1x128x128xf32, #tpu.memory_space<hbm>>
        %dma_wait3A_45 = tpu.memref_squeeze %dma_wait3A_44 : memref<1x128x128xf32, #tpu.memory_space<hbm>> -> memref<128x128xf32, #tpu.memory_space<hbm>>
        %dma_wait3A_46 = arith.constant 0 : i32
        %dma_wait3A_47 = tpu.memref_slice %arg5[%arg0, %add3A_37, %dma_wait3A_46] : memref<2x10240x128xf32, #tpu.memory_space<hbm>> -> memref<1x128x128xf32, #tpu.memory_space<hbm>>
        %dma_wait3A_48 = tpu.memref_squeeze %dma_wait3A_47 : memref<1x128x128xf32, #tpu.memory_space<hbm>> -> memref<128x128xf32, #tpu.memory_space<hbm>>
        tpu.wait_dma2 semaphore(%run_scoped3A : memref<!tpu.dma_semaphore, #tpu.memory_space<semaphore_mem>>) src(%arg8 : memref<128x128xf32, #tpu.memory_space<vmem>>) dst(%dma_wait3A_48 : memref<128x128xf32, #tpu.memory_space<hbm>>)
        tpu.yield
      }) : () -> ()
      %scan3A_38 = arith.constant 0 : i32
      scf.yield %scan3A_38 : i32
    }
    %scan3A_29 = arith.constant 5 : i32
    return
  }
}

#map = affine_map<(d0, d1) -> (0, 0)>
#map1 = affine_map<(d0, d1) -> (0, 0, 0)>
module attributes {stable_mosaic.version = 14 : i64} {
  func.func @body(%arg0: i32, %arg1: i32, %arg2: memref<10000x128xf32, #tpu.memory_space<hbm>>, %arg3: memref<10000x128xf32, #tpu.memory_space<hbm>>, %arg4: memref<32x81x128xi32, #tpu.memory_space<hbm>>, %arg5: memref<32x81x128xi32, #tpu.memory_space<hbm>>, %arg6: memref<327680x128xf32, #tpu.memory_space<hbm>>, %arg7: memref<327680x128xf32, #tpu.memory_space<hbm>>, %arg8: memref<128xi32, #tpu.memory_space<vmem>>, %arg9: memref<128xi32, #tpu.memory_space<vmem>>, %arg10: memref<128xi32, #tpu.memory_space<vmem>>, %arg11: memref<128xi32, #tpu.memory_space<vmem>>, %arg12: memref<128x128xf32, #tpu.memory_space<vmem>>, %arg13: memref<128x128xf32, #tpu.memory_space<vmem>>, %arg14: memref<128x128xf32, #tpu.memory_space<vmem>>, %arg15: memref<128x128xf32, #tpu.memory_space<vmem>>, %arg16: memref<!tpu.dma_semaphore, #tpu.memory_space<semaphore_mem>>) attributes {dimension_semantics = [#tpu.dimension_semantics<core_parallel>, #tpu.dimension_semantics<subcore_parallel>], iteration_bounds = array<i64: 2, 16>, scalar_prefetch = 0 : i64, scratch_operands = 9 : i64, tpu.core_type = #tpu.core_type<sc_vector_subcore>, window_params = [{transform_indices = #map}, {transform_indices = #map}, {transform_indices = #map1}, {transform_indices = #map1}, {transform_indices = #map}, {transform_indices = #map}]} {
    %mul3A = arith.constant 2 : i32
    %mul3A_0 = arith.muli %arg1, %mul3A : i32
    %add3A = arith.addi %mul3A_0, %arg0 : i32
    %run_scoped3A = arith.constant 0 : i32
    "tpu.region"() ({
      %run_scoped3A_18 = tpu.sem_alloc : memref<!tpu.dma_semaphore, #tpu.memory_space<semaphore_mem>>
      %dma_start3A_19 = arith.constant 0 : i32
      %dma_start3A_20 = tpu.memref_slice %arg4[%add3A, %run_scoped3A, %dma_start3A_19] : memref<32x81x128xi32, #tpu.memory_space<hbm>> -> memref<1x1x128xi32, #tpu.memory_space<hbm>>
      %dma_start3A_21 = tpu.memref_squeeze %dma_start3A_20 : memref<1x1x128xi32, #tpu.memory_space<hbm>> -> memref<128xi32, #tpu.memory_space<hbm>>
      %dma_start3A_22 = arith.constant 0 : i32
      %dma_start3A_23 = tpu.memref_slice %arg4[%add3A, %run_scoped3A, %dma_start3A_22] : memref<32x81x128xi32, #tpu.memory_space<hbm>> -> memref<1x1x128xi32, #tpu.memory_space<hbm>>
      %dma_start3A_24 = tpu.memref_squeeze %dma_start3A_23 : memref<1x1x128xi32, #tpu.memory_space<hbm>> -> memref<128xi32, #tpu.memory_space<hbm>>
      tpu.enqueue_dma source(%dma_start3A_24 : memref<128xi32, #tpu.memory_space<hbm>>) target(%arg8 : memref<128xi32, #tpu.memory_space<vmem>>) target_semaphore(%run_scoped3A_18 : memref<!tpu.dma_semaphore, #tpu.memory_space<semaphore_mem>>)
      %dma_wait3A_25 = arith.constant 0 : i32
      %dma_wait3A_26 = tpu.memref_slice %arg4[%add3A, %run_scoped3A, %dma_wait3A_25] : memref<32x81x128xi32, #tpu.memory_space<hbm>> -> memref<1x1x128xi32, #tpu.memory_space<hbm>>
      %dma_wait3A_27 = tpu.memref_squeeze %dma_wait3A_26 : memref<1x1x128xi32, #tpu.memory_space<hbm>> -> memref<128xi32, #tpu.memory_space<hbm>>
      %dma_wait3A_28 = arith.constant 0 : i32
      %dma_wait3A_29 = tpu.memref_slice %arg4[%add3A, %run_scoped3A, %dma_wait3A_28] : memref<32x81x128xi32, #tpu.memory_space<hbm>> -> memref<1x1x128xi32, #tpu.memory_space<hbm>>
      %dma_wait3A_30 = tpu.memref_squeeze %dma_wait3A_29 : memref<1x1x128xi32, #tpu.memory_space<hbm>> -> memref<128xi32, #tpu.memory_space<hbm>>
      tpu.wait_dma2 semaphore(%run_scoped3A_18 : memref<!tpu.dma_semaphore, #tpu.memory_space<semaphore_mem>>) src(%dma_wait3A_30 : memref<128xi32, #tpu.memory_space<hbm>>) dst(%arg8 : memref<128xi32, #tpu.memory_space<vmem>>)
      tpu.yield
    }) : () -> ()
    %run_scoped3A_1 = arith.constant 0 : i32
    "tpu.region"() ({
      %run_scoped3A_18 = tpu.sem_alloc : memref<!tpu.dma_semaphore, #tpu.memory_space<semaphore_mem>>
      %dma_start3A_19 = arith.constant 0 : i32
      %dma_start3A_20 = tpu.memref_slice %arg5[%add3A, %run_scoped3A_1, %dma_start3A_19] : memref<32x81x128xi32, #tpu.memory_space<hbm>> -> memref<1x1x128xi32, #tpu.memory_space<hbm>>
      %dma_start3A_21 = tpu.memref_squeeze %dma_start3A_20 : memref<1x1x128xi32, #tpu.memory_space<hbm>> -> memref<128xi32, #tpu.memory_space<hbm>>
      %dma_start3A_22 = arith.constant 0 : i32
      %dma_start3A_23 = tpu.memref_slice %arg5[%add3A, %run_scoped3A_1, %dma_start3A_22] : memref<32x81x128xi32, #tpu.memory_space<hbm>> -> memref<1x1x128xi32, #tpu.memory_space<hbm>>
      %dma_start3A_24 = tpu.memref_squeeze %dma_start3A_23 : memref<1x1x128xi32, #tpu.memory_space<hbm>> -> memref<128xi32, #tpu.memory_space<hbm>>
      tpu.enqueue_dma source(%dma_start3A_24 : memref<128xi32, #tpu.memory_space<hbm>>) target(%arg9 : memref<128xi32, #tpu.memory_space<vmem>>) target_semaphore(%run_scoped3A_18 : memref<!tpu.dma_semaphore, #tpu.memory_space<semaphore_mem>>)
      %dma_wait3A_25 = arith.constant 0 : i32
      %dma_wait3A_26 = tpu.memref_slice %arg5[%add3A, %run_scoped3A_1, %dma_wait3A_25] : memref<32x81x128xi32, #tpu.memory_space<hbm>> -> memref<1x1x128xi32, #tpu.memory_space<hbm>>
      %dma_wait3A_27 = tpu.memref_squeeze %dma_wait3A_26 : memref<1x1x128xi32, #tpu.memory_space<hbm>> -> memref<128xi32, #tpu.memory_space<hbm>>
      %dma_wait3A_28 = arith.constant 0 : i32
      %dma_wait3A_29 = tpu.memref_slice %arg5[%add3A, %run_scoped3A_1, %dma_wait3A_28] : memref<32x81x128xi32, #tpu.memory_space<hbm>> -> memref<1x1x128xi32, #tpu.memory_space<hbm>>
      %dma_wait3A_30 = tpu.memref_squeeze %dma_wait3A_29 : memref<1x1x128xi32, #tpu.memory_space<hbm>> -> memref<128xi32, #tpu.memory_space<hbm>>
      tpu.wait_dma2 semaphore(%run_scoped3A_18 : memref<!tpu.dma_semaphore, #tpu.memory_space<semaphore_mem>>) src(%dma_wait3A_30 : memref<128xi32, #tpu.memory_space<hbm>>) dst(%arg9 : memref<128xi32, #tpu.memory_space<vmem>>)
      tpu.yield
    }) : () -> ()
    %dma_start3A = arith.constant 0 : i32
    %dma_start3A_2 = arith.constant 0 : i32
    %dma_start3A_3 = tpu.memref_slice %arg2[%dma_start3A, %dma_start3A_2] : memref<10000x128xf32, #tpu.memory_space<hbm>> -> memref<10000x128xf32, #tpu.memory_space<hbm>>
    tpu.enqueue_indirect_dma source(%dma_start3A_3 : memref<10000x128xf32, #tpu.memory_space<hbm>>) target(%arg12 : memref<128x128xf32, #tpu.memory_space<vmem>>) offsets(%arg8 : memref<128xi32, #tpu.memory_space<vmem>>) semaphore(%arg16 : memref<!tpu.dma_semaphore, #tpu.memory_space<semaphore_mem>>)
    %dma_start3A_4 = arith.constant 0 : i32
    %dma_start3A_5 = arith.constant 0 : i32
    %dma_start3A_6 = tpu.memref_slice %arg3[%dma_start3A_4, %dma_start3A_5] : memref<10000x128xf32, #tpu.memory_space<hbm>> -> memref<10000x128xf32, #tpu.memory_space<hbm>>
    tpu.enqueue_indirect_dma source(%dma_start3A_6 : memref<10000x128xf32, #tpu.memory_space<hbm>>) target(%arg13 : memref<128x128xf32, #tpu.memory_space<vmem>>) offsets(%arg9 : memref<128xi32, #tpu.memory_space<vmem>>) semaphore(%arg16 : memref<!tpu.dma_semaphore, #tpu.memory_space<semaphore_mem>>)
    %dma_wait3A = arith.constant 0 : i32
    %dma_wait3A_7 = arith.constant 0 : i32
    %dma_wait3A_8 = tpu.memref_slice %arg2[%dma_wait3A, %dma_wait3A_7] : memref<10000x128xf32, #tpu.memory_space<hbm>> -> memref<10000x128xf32, #tpu.memory_space<hbm>>
    tpu.wait_indirect_dma semaphore(%arg16 : memref<!tpu.dma_semaphore, #tpu.memory_space<semaphore_mem>>) src(%dma_wait3A_8 : memref<10000x128xf32, #tpu.memory_space<hbm>>) dst(%arg12 : memref<128x128xf32, #tpu.memory_space<vmem>>)
    %dma_wait3A_9 = arith.constant 0 : i32
    %dma_wait3A_10 = arith.constant 0 : i32
    %dma_wait3A_11 = tpu.memref_slice %arg3[%dma_wait3A_9, %dma_wait3A_10] : memref<10000x128xf32, #tpu.memory_space<hbm>> -> memref<10000x128xf32, #tpu.memory_space<hbm>>
    tpu.wait_indirect_dma semaphore(%arg16 : memref<!tpu.dma_semaphore, #tpu.memory_space<semaphore_mem>>) src(%dma_wait3A_11 : memref<10000x128xf32, #tpu.memory_space<hbm>>) dst(%arg13 : memref<128x128xf32, #tpu.memory_space<vmem>>)
    %scan3A = arith.constant 0 : i32
    %scan3A_12 = arith.constant 0 : i32
    %scan3A_13 = arith.constant 40 : i32
    %scan3A_14 = arith.addi %scan3A_12, %scan3A_13 : i32
    %scan3A_15 = arith.constant 1 : i32
    %scan3A_16 = scf.for %scan3A_18 = %scan3A_12 to %scan3A_14 step %scan3A_15 iter_args(%scan3A_19 = %scan3A) -> (i32)  : i32 {
      %mul3A_20 = arith.constant 2 : i32
      %mul3A_21 = arith.muli %mul3A_20, %scan3A_18 : i32
      %add3A_22 = arith.constant 1 : i32
      %add3A_23 = arith.addi %mul3A_21, %add3A_22 : i32
      "tpu.region"() ({
        %run_scoped3A_63 = tpu.sem_alloc : memref<!tpu.dma_semaphore, #tpu.memory_space<semaphore_mem>>
        %dma_start3A_64 = arith.constant 0 : i32
        %dma_start3A_65 = tpu.memref_slice %arg4[%add3A, %add3A_23, %dma_start3A_64] : memref<32x81x128xi32, #tpu.memory_space<hbm>> -> memref<1x1x128xi32, #tpu.memory_space<hbm>>
        %dma_start3A_66 = tpu.memref_squeeze %dma_start3A_65 : memref<1x1x128xi32, #tpu.memory_space<hbm>> -> memref<128xi32, #tpu.memory_space<hbm>>
        %dma_start3A_67 = arith.constant 0 : i32
        %dma_start3A_68 = tpu.memref_slice %arg4[%add3A, %add3A_23, %dma_start3A_67] : memref<32x81x128xi32, #tpu.memory_space<hbm>> -> memref<1x1x128xi32, #tpu.memory_space<hbm>>
        %dma_start3A_69 = tpu.memref_squeeze %dma_start3A_68 : memref<1x1x128xi32, #tpu.memory_space<hbm>> -> memref<128xi32, #tpu.memory_space<hbm>>
        tpu.enqueue_dma source(%dma_start3A_69 : memref<128xi32, #tpu.memory_space<hbm>>) target(%arg10 : memref<128xi32, #tpu.memory_space<vmem>>) target_semaphore(%run_scoped3A_63 : memref<!tpu.dma_semaphore, #tpu.memory_space<semaphore_mem>>)
        %dma_wait3A_70 = arith.constant 0 : i32
        %dma_wait3A_71 = tpu.memref_slice %arg4[%add3A, %add3A_23, %dma_wait3A_70] : memref<32x81x128xi32, #tpu.memory_space<hbm>> -> memref<1x1x128xi32, #tpu.memory_space<hbm>>
        %dma_wait3A_72 = tpu.memref_squeeze %dma_wait3A_71 : memref<1x1x128xi32, #tpu.memory_space<hbm>> -> memref<128xi32, #tpu.memory_space<hbm>>
        %dma_wait3A_73 = arith.constant 0 : i32
        %dma_wait3A_74 = tpu.memref_slice %arg4[%add3A, %add3A_23, %dma_wait3A_73] : memref<32x81x128xi32, #tpu.memory_space<hbm>> -> memref<1x1x128xi32, #tpu.memory_space<hbm>>
        %dma_wait3A_75 = tpu.memref_squeeze %dma_wait3A_74 : memref<1x1x128xi32, #tpu.memory_space<hbm>> -> memref<128xi32, #tpu.memory_space<hbm>>
        tpu.wait_dma2 semaphore(%run_scoped3A_63 : memref<!tpu.dma_semaphore, #tpu.memory_space<semaphore_mem>>) src(%dma_wait3A_75 : memref<128xi32, #tpu.memory_space<hbm>>) dst(%arg10 : memref<128xi32, #tpu.memory_space<vmem>>)
        tpu.yield
      }) : () -> ()
      "tpu.region"() ({
        %run_scoped3A_63 = tpu.sem_alloc : memref<!tpu.dma_semaphore, #tpu.memory_space<semaphore_mem>>
        %dma_start3A_64 = arith.constant 0 : i32
        %dma_start3A_65 = tpu.memref_slice %arg5[%add3A, %add3A_23, %dma_start3A_64] : memref<32x81x128xi32, #tpu.memory_space<hbm>> -> memref<1x1x128xi32, #tpu.memory_space<hbm>>
        %dma_start3A_66 = tpu.memref_squeeze %dma_start3A_65 : memref<1x1x128xi32, #tpu.memory_space<hbm>> -> memref<128xi32, #tpu.memory_space<hbm>>
        %dma_start3A_67 = arith.constant 0 : i32
        %dma_start3A_68 = tpu.memref_slice %arg5[%add3A, %add3A_23, %dma_start3A_67] : memref<32x81x128xi32, #tpu.memory_space<hbm>> -> memref<1x1x128xi32, #tpu.memory_space<hbm>>
        %dma_start3A_69 = tpu.memref_squeeze %dma_start3A_68 : memref<1x1x128xi32, #tpu.memory_space<hbm>> -> memref<128xi32, #tpu.memory_space<hbm>>
        tpu.enqueue_dma source(%dma_start3A_69 : memref<128xi32, #tpu.memory_space<hbm>>) target(%arg11 : memref<128xi32, #tpu.memory_space<vmem>>) target_semaphore(%run_scoped3A_63 : memref<!tpu.dma_semaphore, #tpu.memory_space<semaphore_mem>>)
        %dma_wait3A_70 = arith.constant 0 : i32
        %dma_wait3A_71 = tpu.memref_slice %arg5[%add3A, %add3A_23, %dma_wait3A_70] : memref<32x81x128xi32, #tpu.memory_space<hbm>> -> memref<1x1x128xi32, #tpu.memory_space<hbm>>
        %dma_wait3A_72 = tpu.memref_squeeze %dma_wait3A_71 : memref<1x1x128xi32, #tpu.memory_space<hbm>> -> memref<128xi32, #tpu.memory_space<hbm>>
        %dma_wait3A_73 = arith.constant 0 : i32
        %dma_wait3A_74 = tpu.memref_slice %arg5[%add3A, %add3A_23, %dma_wait3A_73] : memref<32x81x128xi32, #tpu.memory_space<hbm>> -> memref<1x1x128xi32, #tpu.memory_space<hbm>>
        %dma_wait3A_75 = tpu.memref_squeeze %dma_wait3A_74 : memref<1x1x128xi32, #tpu.memory_space<hbm>> -> memref<128xi32, #tpu.memory_space<hbm>>
        tpu.wait_dma2 semaphore(%run_scoped3A_63 : memref<!tpu.dma_semaphore, #tpu.memory_space<semaphore_mem>>) src(%dma_wait3A_75 : memref<128xi32, #tpu.memory_space<hbm>>) dst(%arg11 : memref<128xi32, #tpu.memory_space<vmem>>)
        tpu.yield
      }) : () -> ()
      %dma_start3A_24 = arith.constant 0 : i32
      %dma_start3A_25 = arith.constant 0 : i32
      %dma_start3A_26 = tpu.memref_slice %arg2[%dma_start3A_24, %dma_start3A_25] : memref<10000x128xf32, #tpu.memory_space<hbm>> -> memref<10000x128xf32, #tpu.memory_space<hbm>>
      tpu.enqueue_indirect_dma source(%dma_start3A_26 : memref<10000x128xf32, #tpu.memory_space<hbm>>) target(%arg14 : memref<128x128xf32, #tpu.memory_space<vmem>>) offsets(%arg10 : memref<128xi32, #tpu.memory_space<vmem>>) semaphore(%arg16 : memref<!tpu.dma_semaphore, #tpu.memory_space<semaphore_mem>>)
      %dma_start3A_27 = arith.constant 0 : i32
      %dma_start3A_28 = arith.constant 0 : i32
      %dma_start3A_29 = tpu.memref_slice %arg3[%dma_start3A_27, %dma_start3A_28] : memref<10000x128xf32, #tpu.memory_space<hbm>> -> memref<10000x128xf32, #tpu.memory_space<hbm>>
      tpu.enqueue_indirect_dma source(%dma_start3A_29 : memref<10000x128xf32, #tpu.memory_space<hbm>>) target(%arg15 : memref<128x128xf32, #tpu.memory_space<vmem>>) offsets(%arg11 : memref<128xi32, #tpu.memory_space<vmem>>) semaphore(%arg16 : memref<!tpu.dma_semaphore, #tpu.memory_space<semaphore_mem>>)
      %mul3A_30 = arith.constant 80 : i32
      %mul3A_31 = arith.muli %add3A, %mul3A_30 : i32
      %add3A_32 = arith.addi %mul3A_31, %mul3A_21 : i32
      %mul3A_33 = arith.constant 128 : i32
      %mul3A_34 = arith.muli %add3A_32, %mul3A_33 : i32
      "tpu.region"() ({
        %run_scoped3A_63 = tpu.sem_alloc : memref<!tpu.dma_semaphore, #tpu.memory_space<semaphore_mem>>
        %dma_start3A_64 = arith.constant 0 : i32
        %dma_start3A_65 = tpu.memref_slice %arg6[%mul3A_34, %dma_start3A_64] : memref<327680x128xf32, #tpu.memory_space<hbm>> -> memref<128x128xf32, #tpu.memory_space<hbm>>
        %dma_start3A_66 = arith.constant 0 : i32
        %dma_start3A_67 = tpu.memref_slice %arg6[%mul3A_34, %dma_start3A_66] : memref<327680x128xf32, #tpu.memory_space<hbm>> -> memref<128x128xf32, #tpu.memory_space<hbm>>
        tpu.enqueue_dma source(%arg12 : memref<128x128xf32, #tpu.memory_space<vmem>>) target(%dma_start3A_67 : memref<128x128xf32, #tpu.memory_space<hbm>>) target_semaphore(%run_scoped3A_63 : memref<!tpu.dma_semaphore, #tpu.memory_space<semaphore_mem>>)
        %dma_wait3A_68 = arith.constant 0 : i32
        %dma_wait3A_69 = tpu.memref_slice %arg6[%mul3A_34, %dma_wait3A_68] : memref<327680x128xf32, #tpu.memory_space<hbm>> -> memref<128x128xf32, #tpu.memory_space<hbm>>
        %dma_wait3A_70 = arith.constant 0 : i32
        %dma_wait3A_71 = tpu.memref_slice %arg6[%mul3A_34, %dma_wait3A_70] : memref<327680x128xf32, #tpu.memory_space<hbm>> -> memref<128x128xf32, #tpu.memory_space<hbm>>
        tpu.wait_dma2 semaphore(%run_scoped3A_63 : memref<!tpu.dma_semaphore, #tpu.memory_space<semaphore_mem>>) src(%arg12 : memref<128x128xf32, #tpu.memory_space<vmem>>) dst(%dma_wait3A_71 : memref<128x128xf32, #tpu.memory_space<hbm>>)
        tpu.yield
      }) : () -> ()
      "tpu.region"() ({
        %run_scoped3A_63 = tpu.sem_alloc : memref<!tpu.dma_semaphore, #tpu.memory_space<semaphore_mem>>
        %dma_start3A_64 = arith.constant 0 : i32
        %dma_start3A_65 = tpu.memref_slice %arg7[%mul3A_34, %dma_start3A_64] : memref<327680x128xf32, #tpu.memory_space<hbm>> -> memref<128x128xf32, #tpu.memory_space<hbm>>
        %dma_start3A_66 = arith.constant 0 : i32
        %dma_start3A_67 = tpu.memref_slice %arg7[%mul3A_34, %dma_start3A_66] : memref<327680x128xf32, #tpu.memory_space<hbm>> -> memref<128x128xf32, #tpu.memory_space<hbm>>
        tpu.enqueue_dma source(%arg13 : memref<128x128xf32, #tpu.memory_space<vmem>>) target(%dma_start3A_67 : memref<128x128xf32, #tpu.memory_space<hbm>>) target_semaphore(%run_scoped3A_63 : memref<!tpu.dma_semaphore, #tpu.memory_space<semaphore_mem>>)
        %dma_wait3A_68 = arith.constant 0 : i32
        %dma_wait3A_69 = tpu.memref_slice %arg7[%mul3A_34, %dma_wait3A_68] : memref<327680x128xf32, #tpu.memory_space<hbm>> -> memref<128x128xf32, #tpu.memory_space<hbm>>
        %dma_wait3A_70 = arith.constant 0 : i32
        %dma_wait3A_71 = tpu.memref_slice %arg7[%mul3A_34, %dma_wait3A_70] : memref<327680x128xf32, #tpu.memory_space<hbm>> -> memref<128x128xf32, #tpu.memory_space<hbm>>
        tpu.wait_dma2 semaphore(%run_scoped3A_63 : memref<!tpu.dma_semaphore, #tpu.memory_space<semaphore_mem>>) src(%arg13 : memref<128x128xf32, #tpu.memory_space<vmem>>) dst(%dma_wait3A_71 : memref<128x128xf32, #tpu.memory_space<hbm>>)
        tpu.yield
      }) : () -> ()
      %dma_wait3A_35 = arith.constant 0 : i32
      %dma_wait3A_36 = arith.constant 0 : i32
      %dma_wait3A_37 = tpu.memref_slice %arg2[%dma_wait3A_35, %dma_wait3A_36] : memref<10000x128xf32, #tpu.memory_space<hbm>> -> memref<10000x128xf32, #tpu.memory_space<hbm>>
      tpu.wait_indirect_dma semaphore(%arg16 : memref<!tpu.dma_semaphore, #tpu.memory_space<semaphore_mem>>) src(%dma_wait3A_37 : memref<10000x128xf32, #tpu.memory_space<hbm>>) dst(%arg14 : memref<128x128xf32, #tpu.memory_space<vmem>>)
      %dma_wait3A_38 = arith.constant 0 : i32
      %dma_wait3A_39 = arith.constant 0 : i32
      %dma_wait3A_40 = tpu.memref_slice %arg3[%dma_wait3A_38, %dma_wait3A_39] : memref<10000x128xf32, #tpu.memory_space<hbm>> -> memref<10000x128xf32, #tpu.memory_space<hbm>>
      tpu.wait_indirect_dma semaphore(%arg16 : memref<!tpu.dma_semaphore, #tpu.memory_space<semaphore_mem>>) src(%dma_wait3A_40 : memref<10000x128xf32, #tpu.memory_space<hbm>>) dst(%arg15 : memref<128x128xf32, #tpu.memory_space<vmem>>)
      %add3A_41 = arith.constant 2 : i32
      %add3A_42 = arith.addi %mul3A_21, %add3A_41 : i32
      %add3A_43 = arith.constant 1 : i32
      %add3A_44 = arith.addi %mul3A_21, %add3A_43 : i32
      "tpu.region"() ({
        %run_scoped3A_63 = tpu.sem_alloc : memref<!tpu.dma_semaphore, #tpu.memory_space<semaphore_mem>>
        %dma_start3A_64 = arith.constant 0 : i32
        %dma_start3A_65 = tpu.memref_slice %arg4[%add3A, %add3A_42, %dma_start3A_64] : memref<32x81x128xi32, #tpu.memory_space<hbm>> -> memref<1x1x128xi32, #tpu.memory_space<hbm>>
        %dma_start3A_66 = tpu.memref_squeeze %dma_start3A_65 : memref<1x1x128xi32, #tpu.memory_space<hbm>> -> memref<128xi32, #tpu.memory_space<hbm>>
        %dma_start3A_67 = arith.constant 0 : i32
        %dma_start3A_68 = tpu.memref_slice %arg4[%add3A, %add3A_42, %dma_start3A_67] : memref<32x81x128xi32, #tpu.memory_space<hbm>> -> memref<1x1x128xi32, #tpu.memory_space<hbm>>
        %dma_start3A_69 = tpu.memref_squeeze %dma_start3A_68 : memref<1x1x128xi32, #tpu.memory_space<hbm>> -> memref<128xi32, #tpu.memory_space<hbm>>
        tpu.enqueue_dma source(%dma_start3A_69 : memref<128xi32, #tpu.memory_space<hbm>>) target(%arg8 : memref<128xi32, #tpu.memory_space<vmem>>) target_semaphore(%run_scoped3A_63 : memref<!tpu.dma_semaphore, #tpu.memory_space<semaphore_mem>>)
        %dma_wait3A_70 = arith.constant 0 : i32
        %dma_wait3A_71 = tpu.memref_slice %arg4[%add3A, %add3A_42, %dma_wait3A_70] : memref<32x81x128xi32, #tpu.memory_space<hbm>> -> memref<1x1x128xi32, #tpu.memory_space<hbm>>
        %dma_wait3A_72 = tpu.memref_squeeze %dma_wait3A_71 : memref<1x1x128xi32, #tpu.memory_space<hbm>> -> memref<128xi32, #tpu.memory_space<hbm>>
        %dma_wait3A_73 = arith.constant 0 : i32
        %dma_wait3A_74 = tpu.memref_slice %arg4[%add3A, %add3A_42, %dma_wait3A_73] : memref<32x81x128xi32, #tpu.memory_space<hbm>> -> memref<1x1x128xi32, #tpu.memory_space<hbm>>
        %dma_wait3A_75 = tpu.memref_squeeze %dma_wait3A_74 : memref<1x1x128xi32, #tpu.memory_space<hbm>> -> memref<128xi32, #tpu.memory_space<hbm>>
        tpu.wait_dma2 semaphore(%run_scoped3A_63 : memref<!tpu.dma_semaphore, #tpu.memory_space<semaphore_mem>>) src(%dma_wait3A_75 : memref<128xi32, #tpu.memory_space<hbm>>) dst(%arg8 : memref<128xi32, #tpu.memory_space<vmem>>)
        tpu.yield
      }) : () -> ()
      "tpu.region"() ({
        %run_scoped3A_63 = tpu.sem_alloc : memref<!tpu.dma_semaphore, #tpu.memory_space<semaphore_mem>>
        %dma_start3A_64 = arith.constant 0 : i32
        %dma_start3A_65 = tpu.memref_slice %arg5[%add3A, %add3A_42, %dma_start3A_64] : memref<32x81x128xi32, #tpu.memory_space<hbm>> -> memref<1x1x128xi32, #tpu.memory_space<hbm>>
        %dma_start3A_66 = tpu.memref_squeeze %dma_start3A_65 : memref<1x1x128xi32, #tpu.memory_space<hbm>> -> memref<128xi32, #tpu.memory_space<hbm>>
        %dma_start3A_67 = arith.constant 0 : i32
        %dma_start3A_68 = tpu.memref_slice %arg5[%add3A, %add3A_42, %dma_start3A_67] : memref<32x81x128xi32, #tpu.memory_space<hbm>> -> memref<1x1x128xi32, #tpu.memory_space<hbm>>
        %dma_start3A_69 = tpu.memref_squeeze %dma_start3A_68 : memref<1x1x128xi32, #tpu.memory_space<hbm>> -> memref<128xi32, #tpu.memory_space<hbm>>
        tpu.enqueue_dma source(%dma_start3A_69 : memref<128xi32, #tpu.memory_space<hbm>>) target(%arg9 : memref<128xi32, #tpu.memory_space<vmem>>) target_semaphore(%run_scoped3A_63 : memref<!tpu.dma_semaphore, #tpu.memory_space<semaphore_mem>>)
        %dma_wait3A_70 = arith.constant 0 : i32
        %dma_wait3A_71 = tpu.memref_slice %arg5[%add3A, %add3A_42, %dma_wait3A_70] : memref<32x81x128xi32, #tpu.memory_space<hbm>> -> memref<1x1x128xi32, #tpu.memory_space<hbm>>
        %dma_wait3A_72 = tpu.memref_squeeze %dma_wait3A_71 : memref<1x1x128xi32, #tpu.memory_space<hbm>> -> memref<128xi32, #tpu.memory_space<hbm>>
        %dma_wait3A_73 = arith.constant 0 : i32
        %dma_wait3A_74 = tpu.memref_slice %arg5[%add3A, %add3A_42, %dma_wait3A_73] : memref<32x81x128xi32, #tpu.memory_space<hbm>> -> memref<1x1x128xi32, #tpu.memory_space<hbm>>
        %dma_wait3A_75 = tpu.memref_squeeze %dma_wait3A_74 : memref<1x1x128xi32, #tpu.memory_space<hbm>> -> memref<128xi32, #tpu.memory_space<hbm>>
        tpu.wait_dma2 semaphore(%run_scoped3A_63 : memref<!tpu.dma_semaphore, #tpu.memory_space<semaphore_mem>>) src(%dma_wait3A_75 : memref<128xi32, #tpu.memory_space<hbm>>) dst(%arg9 : memref<128xi32, #tpu.memory_space<vmem>>)
        tpu.yield
      }) : () -> ()
      %dma_start3A_45 = arith.constant 0 : i32
      %dma_start3A_46 = arith.constant 0 : i32
      %dma_start3A_47 = tpu.memref_slice %arg2[%dma_start3A_45, %dma_start3A_46] : memref<10000x128xf32, #tpu.memory_space<hbm>> -> memref<10000x128xf32, #tpu.memory_space<hbm>>
      tpu.enqueue_indirect_dma source(%dma_start3A_47 : memref<10000x128xf32, #tpu.memory_space<hbm>>) target(%arg12 : memref<128x128xf32, #tpu.memory_space<vmem>>) offsets(%arg8 : memref<128xi32, #tpu.memory_space<vmem>>) semaphore(%arg16 : memref<!tpu.dma_semaphore, #tpu.memory_space<semaphore_mem>>)
      %dma_start3A_48 = arith.constant 0 : i32
      %dma_start3A_49 = arith.constant 0 : i32
      %dma_start3A_50 = tpu.memref_slice %arg3[%dma_start3A_48, %dma_start3A_49] : memref<10000x128xf32, #tpu.memory_space<hbm>> -> memref<10000x128xf32, #tpu.memory_space<hbm>>
      tpu.enqueue_indirect_dma source(%dma_start3A_50 : memref<10000x128xf32, #tpu.memory_space<hbm>>) target(%arg13 : memref<128x128xf32, #tpu.memory_space<vmem>>) offsets(%arg9 : memref<128xi32, #tpu.memory_space<vmem>>) semaphore(%arg16 : memref<!tpu.dma_semaphore, #tpu.memory_space<semaphore_mem>>)
      %mul3A_51 = arith.constant 80 : i32
      %mul3A_52 = arith.muli %add3A, %mul3A_51 : i32
      %add3A_53 = arith.addi %mul3A_52, %add3A_44 : i32
      %mul3A_54 = arith.constant 128 : i32
      %mul3A_55 = arith.muli %add3A_53, %mul3A_54 : i32
      "tpu.region"() ({
        %run_scoped3A_63 = tpu.sem_alloc : memref<!tpu.dma_semaphore, #tpu.memory_space<semaphore_mem>>
        %dma_start3A_64 = arith.constant 0 : i32
        %dma_start3A_65 = tpu.memref_slice %arg6[%mul3A_55, %dma_start3A_64] : memref<327680x128xf32, #tpu.memory_space<hbm>> -> memref<128x128xf32, #tpu.memory_space<hbm>>
        %dma_start3A_66 = arith.constant 0 : i32
        %dma_start3A_67 = tpu.memref_slice %arg6[%mul3A_55, %dma_start3A_66] : memref<327680x128xf32, #tpu.memory_space<hbm>> -> memref<128x128xf32, #tpu.memory_space<hbm>>
        tpu.enqueue_dma source(%arg14 : memref<128x128xf32, #tpu.memory_space<vmem>>) target(%dma_start3A_67 : memref<128x128xf32, #tpu.memory_space<hbm>>) target_semaphore(%run_scoped3A_63 : memref<!tpu.dma_semaphore, #tpu.memory_space<semaphore_mem>>)
        %dma_wait3A_68 = arith.constant 0 : i32
        %dma_wait3A_69 = tpu.memref_slice %arg6[%mul3A_55, %dma_wait3A_68] : memref<327680x128xf32, #tpu.memory_space<hbm>> -> memref<128x128xf32, #tpu.memory_space<hbm>>
        %dma_wait3A_70 = arith.constant 0 : i32
        %dma_wait3A_71 = tpu.memref_slice %arg6[%mul3A_55, %dma_wait3A_70] : memref<327680x128xf32, #tpu.memory_space<hbm>> -> memref<128x128xf32, #tpu.memory_space<hbm>>
        tpu.wait_dma2 semaphore(%run_scoped3A_63 : memref<!tpu.dma_semaphore, #tpu.memory_space<semaphore_mem>>) src(%arg14 : memref<128x128xf32, #tpu.memory_space<vmem>>) dst(%dma_wait3A_71 : memref<128x128xf32, #tpu.memory_space<hbm>>)
        tpu.yield
      }) : () -> ()
      "tpu.region"() ({
        %run_scoped3A_63 = tpu.sem_alloc : memref<!tpu.dma_semaphore, #tpu.memory_space<semaphore_mem>>
        %dma_start3A_64 = arith.constant 0 : i32
        %dma_start3A_65 = tpu.memref_slice %arg7[%mul3A_55, %dma_start3A_64] : memref<327680x128xf32, #tpu.memory_space<hbm>> -> memref<128x128xf32, #tpu.memory_space<hbm>>
        %dma_start3A_66 = arith.constant 0 : i32
        %dma_start3A_67 = tpu.memref_slice %arg7[%mul3A_55, %dma_start3A_66] : memref<327680x128xf32, #tpu.memory_space<hbm>> -> memref<128x128xf32, #tpu.memory_space<hbm>>
        tpu.enqueue_dma source(%arg15 : memref<128x128xf32, #tpu.memory_space<vmem>>) target(%dma_start3A_67 : memref<128x128xf32, #tpu.memory_space<hbm>>) target_semaphore(%run_scoped3A_63 : memref<!tpu.dma_semaphore, #tpu.memory_space<semaphore_mem>>)
        %dma_wait3A_68 = arith.constant 0 : i32
        %dma_wait3A_69 = tpu.memref_slice %arg7[%mul3A_55, %dma_wait3A_68] : memref<327680x128xf32, #tpu.memory_space<hbm>> -> memref<128x128xf32, #tpu.memory_space<hbm>>
        %dma_wait3A_70 = arith.constant 0 : i32
        %dma_wait3A_71 = tpu.memref_slice %arg7[%mul3A_55, %dma_wait3A_70] : memref<327680x128xf32, #tpu.memory_space<hbm>> -> memref<128x128xf32, #tpu.memory_space<hbm>>
        tpu.wait_dma2 semaphore(%run_scoped3A_63 : memref<!tpu.dma_semaphore, #tpu.memory_space<semaphore_mem>>) src(%arg15 : memref<128x128xf32, #tpu.memory_space<vmem>>) dst(%dma_wait3A_71 : memref<128x128xf32, #tpu.memory_space<hbm>>)
        tpu.yield
      }) : () -> ()
      %dma_wait3A_56 = arith.constant 0 : i32
      %dma_wait3A_57 = arith.constant 0 : i32
      %dma_wait3A_58 = tpu.memref_slice %arg2[%dma_wait3A_56, %dma_wait3A_57] : memref<10000x128xf32, #tpu.memory_space<hbm>> -> memref<10000x128xf32, #tpu.memory_space<hbm>>
      tpu.wait_indirect_dma semaphore(%arg16 : memref<!tpu.dma_semaphore, #tpu.memory_space<semaphore_mem>>) src(%dma_wait3A_58 : memref<10000x128xf32, #tpu.memory_space<hbm>>) dst(%arg12 : memref<128x128xf32, #tpu.memory_space<vmem>>)
      %dma_wait3A_59 = arith.constant 0 : i32
      %dma_wait3A_60 = arith.constant 0 : i32
      %dma_wait3A_61 = tpu.memref_slice %arg3[%dma_wait3A_59, %dma_wait3A_60] : memref<10000x128xf32, #tpu.memory_space<hbm>> -> memref<10000x128xf32, #tpu.memory_space<hbm>>
      tpu.wait_indirect_dma semaphore(%arg16 : memref<!tpu.dma_semaphore, #tpu.memory_space<semaphore_mem>>) src(%dma_wait3A_61 : memref<10000x128xf32, #tpu.memory_space<hbm>>) dst(%arg13 : memref<128x128xf32, #tpu.memory_space<vmem>>)
      %scan3A_62 = arith.constant 0 : i32
      scf.yield %scan3A_62 : i32
    }
    %scan3A_17 = arith.constant 40 : i32
    return
  }
}

#map = affine_map<(d0, d1) -> (0, 0)>
#map1 = affine_map<(d0, d1) -> (0, 0, 0)>
module attributes {stable_mosaic.version = 14 : i64} {
  func.func @body(%arg0: i32, %arg1: i32, %arg2: memref<10000x128xf32, #tpu.memory_space<hbm>>, %arg3: memref<10000x128xf32, #tpu.memory_space<hbm>>, %arg4: memref<32x81x128xi32, #tpu.memory_space<hbm>>, %arg5: memref<32x81x128xi32, #tpu.memory_space<hbm>>, %arg6: memref<327680x128xf32, #tpu.memory_space<hbm>>, %arg7: memref<327680x128xf32, #tpu.memory_space<hbm>>, %arg8: memref<128xi32, #tpu.memory_space<vmem>>, %arg9: memref<128xi32, #tpu.memory_space<vmem>>, %arg10: memref<128xi32, #tpu.memory_space<vmem>>, %arg11: memref<128xi32, #tpu.memory_space<vmem>>, %arg12: memref<128x128xf32, #tpu.memory_space<vmem>>, %arg13: memref<128x128xf32, #tpu.memory_space<vmem>>, %arg14: memref<128x128xf32, #tpu.memory_space<vmem>>, %arg15: memref<128x128xf32, #tpu.memory_space<vmem>>, %arg16: memref<!tpu.dma_semaphore, #tpu.memory_space<semaphore_mem>>) attributes {dimension_semantics = [#tpu.dimension_semantics<core_parallel>, #tpu.dimension_semantics<subcore_parallel>], iteration_bounds = array<i64: 2, 16>, scalar_prefetch = 0 : i64, scratch_operands = 9 : i64, tpu.core_type = #tpu.core_type<sc_vector_subcore>, window_params = [{transform_indices = #map}, {transform_indices = #map}, {transform_indices = #map1}, {transform_indices = #map1}, {transform_indices = #map}, {transform_indices = #map}]} {
    %mul3A = arith.constant 2 : i32
    %mul3A_0 = arith.muli %arg1, %mul3A : i32
    %add3A = arith.addi %mul3A_0, %arg0 : i32
    %run_scoped3A = arith.constant 0 : i32
    "tpu.region"() ({
      %run_scoped3A_18 = tpu.sem_alloc : memref<!tpu.dma_semaphore, #tpu.memory_space<semaphore_mem>>
      %dma_start3A_19 = arith.constant 0 : i32
      %dma_start3A_20 = tpu.memref_slice %arg4[%add3A, %run_scoped3A, %dma_start3A_19] : memref<32x81x128xi32, #tpu.memory_space<hbm>> -> memref<1x1x128xi32, #tpu.memory_space<hbm>>
      %dma_start3A_21 = tpu.memref_squeeze %dma_start3A_20 : memref<1x1x128xi32, #tpu.memory_space<hbm>> -> memref<128xi32, #tpu.memory_space<hbm>>
      %dma_start3A_22 = arith.constant 0 : i32
      %dma_start3A_23 = tpu.memref_slice %arg4[%add3A, %run_scoped3A, %dma_start3A_22] : memref<32x81x128xi32, #tpu.memory_space<hbm>> -> memref<1x1x128xi32, #tpu.memory_space<hbm>>
      %dma_start3A_24 = tpu.memref_squeeze %dma_start3A_23 : memref<1x1x128xi32, #tpu.memory_space<hbm>> -> memref<128xi32, #tpu.memory_space<hbm>>
      tpu.enqueue_dma source(%dma_start3A_24 : memref<128xi32, #tpu.memory_space<hbm>>) target(%arg8 : memref<128xi32, #tpu.memory_space<vmem>>) target_semaphore(%run_scoped3A_18 : memref<!tpu.dma_semaphore, #tpu.memory_space<semaphore_mem>>)
      %dma_wait3A_25 = arith.constant 0 : i32
      %dma_wait3A_26 = tpu.memref_slice %arg4[%add3A, %run_scoped3A, %dma_wait3A_25] : memref<32x81x128xi32, #tpu.memory_space<hbm>> -> memref<1x1x128xi32, #tpu.memory_space<hbm>>
      %dma_wait3A_27 = tpu.memref_squeeze %dma_wait3A_26 : memref<1x1x128xi32, #tpu.memory_space<hbm>> -> memref<128xi32, #tpu.memory_space<hbm>>
      %dma_wait3A_28 = arith.constant 0 : i32
      %dma_wait3A_29 = tpu.memref_slice %arg4[%add3A, %run_scoped3A, %dma_wait3A_28] : memref<32x81x128xi32, #tpu.memory_space<hbm>> -> memref<1x1x128xi32, #tpu.memory_space<hbm>>
      %dma_wait3A_30 = tpu.memref_squeeze %dma_wait3A_29 : memref<1x1x128xi32, #tpu.memory_space<hbm>> -> memref<128xi32, #tpu.memory_space<hbm>>
      tpu.wait_dma2 semaphore(%run_scoped3A_18 : memref<!tpu.dma_semaphore, #tpu.memory_space<semaphore_mem>>) src(%dma_wait3A_30 : memref<128xi32, #tpu.memory_space<hbm>>) dst(%arg8 : memref<128xi32, #tpu.memory_space<vmem>>)
      tpu.yield
    }) : () -> ()
    %run_scoped3A_1 = arith.constant 0 : i32
    "tpu.region"() ({
      %run_scoped3A_18 = tpu.sem_alloc : memref<!tpu.dma_semaphore, #tpu.memory_space<semaphore_mem>>
      %dma_start3A_19 = arith.constant 0 : i32
      %dma_start3A_20 = tpu.memref_slice %arg5[%add3A, %run_scoped3A_1, %dma_start3A_19] : memref<32x81x128xi32, #tpu.memory_space<hbm>> -> memref<1x1x128xi32, #tpu.memory_space<hbm>>
      %dma_start3A_21 = tpu.memref_squeeze %dma_start3A_20 : memref<1x1x128xi32, #tpu.memory_space<hbm>> -> memref<128xi32, #tpu.memory_space<hbm>>
      %dma_start3A_22 = arith.constant 0 : i32
      %dma_start3A_23 = tpu.memref_slice %arg5[%add3A, %run_scoped3A_1, %dma_start3A_22] : memref<32x81x128xi32, #tpu.memory_space<hbm>> -> memref<1x1x128xi32, #tpu.memory_space<hbm>>
      %dma_start3A_24 = tpu.memref_squeeze %dma_start3A_23 : memref<1x1x128xi32, #tpu.memory_space<hbm>> -> memref<128xi32, #tpu.memory_space<hbm>>
      tpu.enqueue_dma source(%dma_start3A_24 : memref<128xi32, #tpu.memory_space<hbm>>) target(%arg9 : memref<128xi32, #tpu.memory_space<vmem>>) target_semaphore(%run_scoped3A_18 : memref<!tpu.dma_semaphore, #tpu.memory_space<semaphore_mem>>)
      %dma_wait3A_25 = arith.constant 0 : i32
      %dma_wait3A_26 = tpu.memref_slice %arg5[%add3A, %run_scoped3A_1, %dma_wait3A_25] : memref<32x81x128xi32, #tpu.memory_space<hbm>> -> memref<1x1x128xi32, #tpu.memory_space<hbm>>
      %dma_wait3A_27 = tpu.memref_squeeze %dma_wait3A_26 : memref<1x1x128xi32, #tpu.memory_space<hbm>> -> memref<128xi32, #tpu.memory_space<hbm>>
      %dma_wait3A_28 = arith.constant 0 : i32
      %dma_wait3A_29 = tpu.memref_slice %arg5[%add3A, %run_scoped3A_1, %dma_wait3A_28] : memref<32x81x128xi32, #tpu.memory_space<hbm>> -> memref<1x1x128xi32, #tpu.memory_space<hbm>>
      %dma_wait3A_30 = tpu.memref_squeeze %dma_wait3A_29 : memref<1x1x128xi32, #tpu.memory_space<hbm>> -> memref<128xi32, #tpu.memory_space<hbm>>
      tpu.wait_dma2 semaphore(%run_scoped3A_18 : memref<!tpu.dma_semaphore, #tpu.memory_space<semaphore_mem>>) src(%dma_wait3A_30 : memref<128xi32, #tpu.memory_space<hbm>>) dst(%arg9 : memref<128xi32, #tpu.memory_space<vmem>>)
      tpu.yield
    }) : () -> ()
    %dma_start3A = arith.constant 0 : i32
    %dma_start3A_2 = arith.constant 0 : i32
    %dma_start3A_3 = tpu.memref_slice %arg2[%dma_start3A, %dma_start3A_2] : memref<10000x128xf32, #tpu.memory_space<hbm>> -> memref<10000x128xf32, #tpu.memory_space<hbm>>
    tpu.enqueue_indirect_dma source(%dma_start3A_3 : memref<10000x128xf32, #tpu.memory_space<hbm>>) target(%arg12 : memref<128x128xf32, #tpu.memory_space<vmem>>) offsets(%arg8 : memref<128xi32, #tpu.memory_space<vmem>>) semaphore(%arg16 : memref<!tpu.dma_semaphore, #tpu.memory_space<semaphore_mem>>)
    %dma_start3A_4 = arith.constant 0 : i32
    %dma_start3A_5 = arith.constant 0 : i32
    %dma_start3A_6 = tpu.memref_slice %arg3[%dma_start3A_4, %dma_start3A_5] : memref<10000x128xf32, #tpu.memory_space<hbm>> -> memref<10000x128xf32, #tpu.memory_space<hbm>>
    tpu.enqueue_indirect_dma source(%dma_start3A_6 : memref<10000x128xf32, #tpu.memory_space<hbm>>) target(%arg13 : memref<128x128xf32, #tpu.memory_space<vmem>>) offsets(%arg9 : memref<128xi32, #tpu.memory_space<vmem>>) semaphore(%arg16 : memref<!tpu.dma_semaphore, #tpu.memory_space<semaphore_mem>>)
    %dma_wait3A = arith.constant 0 : i32
    %dma_wait3A_7 = arith.constant 0 : i32
    %dma_wait3A_8 = tpu.memref_slice %arg2[%dma_wait3A, %dma_wait3A_7] : memref<10000x128xf32, #tpu.memory_space<hbm>> -> memref<10000x128xf32, #tpu.memory_space<hbm>>
    tpu.wait_indirect_dma semaphore(%arg16 : memref<!tpu.dma_semaphore, #tpu.memory_space<semaphore_mem>>) src(%dma_wait3A_8 : memref<10000x128xf32, #tpu.memory_space<hbm>>) dst(%arg12 : memref<128x128xf32, #tpu.memory_space<vmem>>)
    %dma_wait3A_9 = arith.constant 0 : i32
    %dma_wait3A_10 = arith.constant 0 : i32
    %dma_wait3A_11 = tpu.memref_slice %arg3[%dma_wait3A_9, %dma_wait3A_10] : memref<10000x128xf32, #tpu.memory_space<hbm>> -> memref<10000x128xf32, #tpu.memory_space<hbm>>
    tpu.wait_indirect_dma semaphore(%arg16 : memref<!tpu.dma_semaphore, #tpu.memory_space<semaphore_mem>>) src(%dma_wait3A_11 : memref<10000x128xf32, #tpu.memory_space<hbm>>) dst(%arg13 : memref<128x128xf32, #tpu.memory_space<vmem>>)
    %scan3A = arith.constant 0 : i32
    %scan3A_12 = arith.constant 0 : i32
    %scan3A_13 = arith.constant 40 : i32
    %scan3A_14 = arith.addi %scan3A_12, %scan3A_13 : i32
    %scan3A_15 = arith.constant 1 : i32
    %scan3A_16 = scf.for %scan3A_18 = %scan3A_12 to %scan3A_14 step %scan3A_15 iter_args(%scan3A_19 = %scan3A) -> (i32)  : i32 {
      %mul3A_20 = arith.constant 2 : i32
      %mul3A_21 = arith.muli %mul3A_20, %scan3A_18 : i32
      %add3A_22 = arith.constant 1 : i32
      %add3A_23 = arith.addi %mul3A_21, %add3A_22 : i32
      "tpu.region"() ({
        %run_scoped3A_63 = tpu.sem_alloc : memref<!tpu.dma_semaphore, #tpu.memory_space<semaphore_mem>>
        %dma_start3A_64 = arith.constant 0 : i32
        %dma_start3A_65 = tpu.memref_slice %arg4[%add3A, %add3A_23, %dma_start3A_64] : memref<32x81x128xi32, #tpu.memory_space<hbm>> -> memref<1x1x128xi32, #tpu.memory_space<hbm>>
        %dma_start3A_66 = tpu.memref_squeeze %dma_start3A_65 : memref<1x1x128xi32, #tpu.memory_space<hbm>> -> memref<128xi32, #tpu.memory_space<hbm>>
        %dma_start3A_67 = arith.constant 0 : i32
        %dma_start3A_68 = tpu.memref_slice %arg4[%add3A, %add3A_23, %dma_start3A_67] : memref<32x81x128xi32, #tpu.memory_space<hbm>> -> memref<1x1x128xi32, #tpu.memory_space<hbm>>
        %dma_start3A_69 = tpu.memref_squeeze %dma_start3A_68 : memref<1x1x128xi32, #tpu.memory_space<hbm>> -> memref<128xi32, #tpu.memory_space<hbm>>
        tpu.enqueue_dma source(%dma_start3A_69 : memref<128xi32, #tpu.memory_space<hbm>>) target(%arg10 : memref<128xi32, #tpu.memory_space<vmem>>) target_semaphore(%run_scoped3A_63 : memref<!tpu.dma_semaphore, #tpu.memory_space<semaphore_mem>>)
        %dma_wait3A_70 = arith.constant 0 : i32
        %dma_wait3A_71 = tpu.memref_slice %arg4[%add3A, %add3A_23, %dma_wait3A_70] : memref<32x81x128xi32, #tpu.memory_space<hbm>> -> memref<1x1x128xi32, #tpu.memory_space<hbm>>
        %dma_wait3A_72 = tpu.memref_squeeze %dma_wait3A_71 : memref<1x1x128xi32, #tpu.memory_space<hbm>> -> memref<128xi32, #tpu.memory_space<hbm>>
        %dma_wait3A_73 = arith.constant 0 : i32
        %dma_wait3A_74 = tpu.memref_slice %arg4[%add3A, %add3A_23, %dma_wait3A_73] : memref<32x81x128xi32, #tpu.memory_space<hbm>> -> memref<1x1x128xi32, #tpu.memory_space<hbm>>
        %dma_wait3A_75 = tpu.memref_squeeze %dma_wait3A_74 : memref<1x1x128xi32, #tpu.memory_space<hbm>> -> memref<128xi32, #tpu.memory_space<hbm>>
        tpu.wait_dma2 semaphore(%run_scoped3A_63 : memref<!tpu.dma_semaphore, #tpu.memory_space<semaphore_mem>>) src(%dma_wait3A_75 : memref<128xi32, #tpu.memory_space<hbm>>) dst(%arg10 : memref<128xi32, #tpu.memory_space<vmem>>)
        tpu.yield
      }) : () -> ()
      "tpu.region"() ({
        %run_scoped3A_63 = tpu.sem_alloc : memref<!tpu.dma_semaphore, #tpu.memory_space<semaphore_mem>>
        %dma_start3A_64 = arith.constant 0 : i32
        %dma_start3A_65 = tpu.memref_slice %arg5[%add3A, %add3A_23, %dma_start3A_64] : memref<32x81x128xi32, #tpu.memory_space<hbm>> -> memref<1x1x128xi32, #tpu.memory_space<hbm>>
        %dma_start3A_66 = tpu.memref_squeeze %dma_start3A_65 : memref<1x1x128xi32, #tpu.memory_space<hbm>> -> memref<128xi32, #tpu.memory_space<hbm>>
        %dma_start3A_67 = arith.constant 0 : i32
        %dma_start3A_68 = tpu.memref_slice %arg5[%add3A, %add3A_23, %dma_start3A_67] : memref<32x81x128xi32, #tpu.memory_space<hbm>> -> memref<1x1x128xi32, #tpu.memory_space<hbm>>
        %dma_start3A_69 = tpu.memref_squeeze %dma_start3A_68 : memref<1x1x128xi32, #tpu.memory_space<hbm>> -> memref<128xi32, #tpu.memory_space<hbm>>
        tpu.enqueue_dma source(%dma_start3A_69 : memref<128xi32, #tpu.memory_space<hbm>>) target(%arg11 : memref<128xi32, #tpu.memory_space<vmem>>) target_semaphore(%run_scoped3A_63 : memref<!tpu.dma_semaphore, #tpu.memory_space<semaphore_mem>>)
        %dma_wait3A_70 = arith.constant 0 : i32
        %dma_wait3A_71 = tpu.memref_slice %arg5[%add3A, %add3A_23, %dma_wait3A_70] : memref<32x81x128xi32, #tpu.memory_space<hbm>> -> memref<1x1x128xi32, #tpu.memory_space<hbm>>
        %dma_wait3A_72 = tpu.memref_squeeze %dma_wait3A_71 : memref<1x1x128xi32, #tpu.memory_space<hbm>> -> memref<128xi32, #tpu.memory_space<hbm>>
        %dma_wait3A_73 = arith.constant 0 : i32
        %dma_wait3A_74 = tpu.memref_slice %arg5[%add3A, %add3A_23, %dma_wait3A_73] : memref<32x81x128xi32, #tpu.memory_space<hbm>> -> memref<1x1x128xi32, #tpu.memory_space<hbm>>
        %dma_wait3A_75 = tpu.memref_squeeze %dma_wait3A_74 : memref<1x1x128xi32, #tpu.memory_space<hbm>> -> memref<128xi32, #tpu.memory_space<hbm>>
        tpu.wait_dma2 semaphore(%run_scoped3A_63 : memref<!tpu.dma_semaphore, #tpu.memory_space<semaphore_mem>>) src(%dma_wait3A_75 : memref<128xi32, #tpu.memory_space<hbm>>) dst(%arg11 : memref<128xi32, #tpu.memory_space<vmem>>)
        tpu.yield
      }) : () -> ()
      %dma_start3A_24 = arith.constant 0 : i32
      %dma_start3A_25 = arith.constant 0 : i32
      %dma_start3A_26 = tpu.memref_slice %arg2[%dma_start3A_24, %dma_start3A_25] : memref<10000x128xf32, #tpu.memory_space<hbm>> -> memref<10000x128xf32, #tpu.memory_space<hbm>>
      tpu.enqueue_indirect_dma source(%dma_start3A_26 : memref<10000x128xf32, #tpu.memory_space<hbm>>) target(%arg14 : memref<128x128xf32, #tpu.memory_space<vmem>>) offsets(%arg10 : memref<128xi32, #tpu.memory_space<vmem>>) semaphore(%arg16 : memref<!tpu.dma_semaphore, #tpu.memory_space<semaphore_mem>>)
      %dma_start3A_27 = arith.constant 0 : i32
      %dma_start3A_28 = arith.constant 0 : i32
      %dma_start3A_29 = tpu.memref_slice %arg3[%dma_start3A_27, %dma_start3A_28] : memref<10000x128xf32, #tpu.memory_space<hbm>> -> memref<10000x128xf32, #tpu.memory_space<hbm>>
      tpu.enqueue_indirect_dma source(%dma_start3A_29 : memref<10000x128xf32, #tpu.memory_space<hbm>>) target(%arg15 : memref<128x128xf32, #tpu.memory_space<vmem>>) offsets(%arg11 : memref<128xi32, #tpu.memory_space<vmem>>) semaphore(%arg16 : memref<!tpu.dma_semaphore, #tpu.memory_space<semaphore_mem>>)
      %mul3A_30 = arith.constant 80 : i32
      %mul3A_31 = arith.muli %add3A, %mul3A_30 : i32
      %add3A_32 = arith.addi %mul3A_31, %mul3A_21 : i32
      %mul3A_33 = arith.constant 128 : i32
      %mul3A_34 = arith.muli %add3A_32, %mul3A_33 : i32
      "tpu.region"() ({
        %run_scoped3A_63 = tpu.sem_alloc : memref<!tpu.dma_semaphore, #tpu.memory_space<semaphore_mem>>
        %dma_start3A_64 = arith.constant 0 : i32
        %dma_start3A_65 = tpu.memref_slice %arg6[%mul3A_34, %dma_start3A_64] : memref<327680x128xf32, #tpu.memory_space<hbm>> -> memref<128x128xf32, #tpu.memory_space<hbm>>
        %dma_start3A_66 = arith.constant 0 : i32
        %dma_start3A_67 = tpu.memref_slice %arg6[%mul3A_34, %dma_start3A_66] : memref<327680x128xf32, #tpu.memory_space<hbm>> -> memref<128x128xf32, #tpu.memory_space<hbm>>
        tpu.enqueue_dma source(%arg12 : memref<128x128xf32, #tpu.memory_space<vmem>>) target(%dma_start3A_67 : memref<128x128xf32, #tpu.memory_space<hbm>>) target_semaphore(%run_scoped3A_63 : memref<!tpu.dma_semaphore, #tpu.memory_space<semaphore_mem>>)
        %dma_wait3A_68 = arith.constant 0 : i32
        %dma_wait3A_69 = tpu.memref_slice %arg6[%mul3A_34, %dma_wait3A_68] : memref<327680x128xf32, #tpu.memory_space<hbm>> -> memref<128x128xf32, #tpu.memory_space<hbm>>
        %dma_wait3A_70 = arith.constant 0 : i32
        %dma_wait3A_71 = tpu.memref_slice %arg6[%mul3A_34, %dma_wait3A_70] : memref<327680x128xf32, #tpu.memory_space<hbm>> -> memref<128x128xf32, #tpu.memory_space<hbm>>
        tpu.wait_dma2 semaphore(%run_scoped3A_63 : memref<!tpu.dma_semaphore, #tpu.memory_space<semaphore_mem>>) src(%arg12 : memref<128x128xf32, #tpu.memory_space<vmem>>) dst(%dma_wait3A_71 : memref<128x128xf32, #tpu.memory_space<hbm>>)
        tpu.yield
      }) : () -> ()
      "tpu.region"() ({
        %run_scoped3A_63 = tpu.sem_alloc : memref<!tpu.dma_semaphore, #tpu.memory_space<semaphore_mem>>
        %dma_start3A_64 = arith.constant 0 : i32
        %dma_start3A_65 = tpu.memref_slice %arg7[%mul3A_34, %dma_start3A_64] : memref<327680x128xf32, #tpu.memory_space<hbm>> -> memref<128x128xf32, #tpu.memory_space<hbm>>
        %dma_start3A_66 = arith.constant 0 : i32
        %dma_start3A_67 = tpu.memref_slice %arg7[%mul3A_34, %dma_start3A_66] : memref<327680x128xf32, #tpu.memory_space<hbm>> -> memref<128x128xf32, #tpu.memory_space<hbm>>
        tpu.enqueue_dma source(%arg13 : memref<128x128xf32, #tpu.memory_space<vmem>>) target(%dma_start3A_67 : memref<128x128xf32, #tpu.memory_space<hbm>>) target_semaphore(%run_scoped3A_63 : memref<!tpu.dma_semaphore, #tpu.memory_space<semaphore_mem>>)
        %dma_wait3A_68 = arith.constant 0 : i32
        %dma_wait3A_69 = tpu.memref_slice %arg7[%mul3A_34, %dma_wait3A_68] : memref<327680x128xf32, #tpu.memory_space<hbm>> -> memref<128x128xf32, #tpu.memory_space<hbm>>
        %dma_wait3A_70 = arith.constant 0 : i32
        %dma_wait3A_71 = tpu.memref_slice %arg7[%mul3A_34, %dma_wait3A_70] : memref<327680x128xf32, #tpu.memory_space<hbm>> -> memref<128x128xf32, #tpu.memory_space<hbm>>
        tpu.wait_dma2 semaphore(%run_scoped3A_63 : memref<!tpu.dma_semaphore, #tpu.memory_space<semaphore_mem>>) src(%arg13 : memref<128x128xf32, #tpu.memory_space<vmem>>) dst(%dma_wait3A_71 : memref<128x128xf32, #tpu.memory_space<hbm>>)
        tpu.yield
      }) : () -> ()
      %dma_wait3A_35 = arith.constant 0 : i32
      %dma_wait3A_36 = arith.constant 0 : i32
      %dma_wait3A_37 = tpu.memref_slice %arg2[%dma_wait3A_35, %dma_wait3A_36] : memref<10000x128xf32, #tpu.memory_space<hbm>> -> memref<10000x128xf32, #tpu.memory_space<hbm>>
      tpu.wait_indirect_dma semaphore(%arg16 : memref<!tpu.dma_semaphore, #tpu.memory_space<semaphore_mem>>) src(%dma_wait3A_37 : memref<10000x128xf32, #tpu.memory_space<hbm>>) dst(%arg14 : memref<128x128xf32, #tpu.memory_space<vmem>>)
      %dma_wait3A_38 = arith.constant 0 : i32
      %dma_wait3A_39 = arith.constant 0 : i32
      %dma_wait3A_40 = tpu.memref_slice %arg3[%dma_wait3A_38, %dma_wait3A_39] : memref<10000x128xf32, #tpu.memory_space<hbm>> -> memref<10000x128xf32, #tpu.memory_space<hbm>>
      tpu.wait_indirect_dma semaphore(%arg16 : memref<!tpu.dma_semaphore, #tpu.memory_space<semaphore_mem>>) src(%dma_wait3A_40 : memref<10000x128xf32, #tpu.memory_space<hbm>>) dst(%arg15 : memref<128x128xf32, #tpu.memory_space<vmem>>)
      %add3A_41 = arith.constant 2 : i32
      %add3A_42 = arith.addi %mul3A_21, %add3A_41 : i32
      %add3A_43 = arith.constant 1 : i32
      %add3A_44 = arith.addi %mul3A_21, %add3A_43 : i32
      "tpu.region"() ({
        %run_scoped3A_63 = tpu.sem_alloc : memref<!tpu.dma_semaphore, #tpu.memory_space<semaphore_mem>>
        %dma_start3A_64 = arith.constant 0 : i32
        %dma_start3A_65 = tpu.memref_slice %arg4[%add3A, %add3A_42, %dma_start3A_64] : memref<32x81x128xi32, #tpu.memory_space<hbm>> -> memref<1x1x128xi32, #tpu.memory_space<hbm>>
        %dma_start3A_66 = tpu.memref_squeeze %dma_start3A_65 : memref<1x1x128xi32, #tpu.memory_space<hbm>> -> memref<128xi32, #tpu.memory_space<hbm>>
        %dma_start3A_67 = arith.constant 0 : i32
        %dma_start3A_68 = tpu.memref_slice %arg4[%add3A, %add3A_42, %dma_start3A_67] : memref<32x81x128xi32, #tpu.memory_space<hbm>> -> memref<1x1x128xi32, #tpu.memory_space<hbm>>
        %dma_start3A_69 = tpu.memref_squeeze %dma_start3A_68 : memref<1x1x128xi32, #tpu.memory_space<hbm>> -> memref<128xi32, #tpu.memory_space<hbm>>
        tpu.enqueue_dma source(%dma_start3A_69 : memref<128xi32, #tpu.memory_space<hbm>>) target(%arg8 : memref<128xi32, #tpu.memory_space<vmem>>) target_semaphore(%run_scoped3A_63 : memref<!tpu.dma_semaphore, #tpu.memory_space<semaphore_mem>>)
        %dma_wait3A_70 = arith.constant 0 : i32
        %dma_wait3A_71 = tpu.memref_slice %arg4[%add3A, %add3A_42, %dma_wait3A_70] : memref<32x81x128xi32, #tpu.memory_space<hbm>> -> memref<1x1x128xi32, #tpu.memory_space<hbm>>
        %dma_wait3A_72 = tpu.memref_squeeze %dma_wait3A_71 : memref<1x1x128xi32, #tpu.memory_space<hbm>> -> memref<128xi32, #tpu.memory_space<hbm>>
        %dma_wait3A_73 = arith.constant 0 : i32
        %dma_wait3A_74 = tpu.memref_slice %arg4[%add3A, %add3A_42, %dma_wait3A_73] : memref<32x81x128xi32, #tpu.memory_space<hbm>> -> memref<1x1x128xi32, #tpu.memory_space<hbm>>
        %dma_wait3A_75 = tpu.memref_squeeze %dma_wait3A_74 : memref<1x1x128xi32, #tpu.memory_space<hbm>> -> memref<128xi32, #tpu.memory_space<hbm>>
        tpu.wait_dma2 semaphore(%run_scoped3A_63 : memref<!tpu.dma_semaphore, #tpu.memory_space<semaphore_mem>>) src(%dma_wait3A_75 : memref<128xi32, #tpu.memory_space<hbm>>) dst(%arg8 : memref<128xi32, #tpu.memory_space<vmem>>)
        tpu.yield
      }) : () -> ()
      "tpu.region"() ({
        %run_scoped3A_63 = tpu.sem_alloc : memref<!tpu.dma_semaphore, #tpu.memory_space<semaphore_mem>>
        %dma_start3A_64 = arith.constant 0 : i32
        %dma_start3A_65 = tpu.memref_slice %arg5[%add3A, %add3A_42, %dma_start3A_64] : memref<32x81x128xi32, #tpu.memory_space<hbm>> -> memref<1x1x128xi32, #tpu.memory_space<hbm>>
        %dma_start3A_66 = tpu.memref_squeeze %dma_start3A_65 : memref<1x1x128xi32, #tpu.memory_space<hbm>> -> memref<128xi32, #tpu.memory_space<hbm>>
        %dma_start3A_67 = arith.constant 0 : i32
        %dma_start3A_68 = tpu.memref_slice %arg5[%add3A, %add3A_42, %dma_start3A_67] : memref<32x81x128xi32, #tpu.memory_space<hbm>> -> memref<1x1x128xi32, #tpu.memory_space<hbm>>
        %dma_start3A_69 = tpu.memref_squeeze %dma_start3A_68 : memref<1x1x128xi32, #tpu.memory_space<hbm>> -> memref<128xi32, #tpu.memory_space<hbm>>
        tpu.enqueue_dma source(%dma_start3A_69 : memref<128xi32, #tpu.memory_space<hbm>>) target(%arg9 : memref<128xi32, #tpu.memory_space<vmem>>) target_semaphore(%run_scoped3A_63 : memref<!tpu.dma_semaphore, #tpu.memory_space<semaphore_mem>>)
        %dma_wait3A_70 = arith.constant 0 : i32
        %dma_wait3A_71 = tpu.memref_slice %arg5[%add3A, %add3A_42, %dma_wait3A_70] : memref<32x81x128xi32, #tpu.memory_space<hbm>> -> memref<1x1x128xi32, #tpu.memory_space<hbm>>
        %dma_wait3A_72 = tpu.memref_squeeze %dma_wait3A_71 : memref<1x1x128xi32, #tpu.memory_space<hbm>> -> memref<128xi32, #tpu.memory_space<hbm>>
        %dma_wait3A_73 = arith.constant 0 : i32
        %dma_wait3A_74 = tpu.memref_slice %arg5[%add3A, %add3A_42, %dma_wait3A_73] : memref<32x81x128xi32, #tpu.memory_space<hbm>> -> memref<1x1x128xi32, #tpu.memory_space<hbm>>
        %dma_wait3A_75 = tpu.memref_squeeze %dma_wait3A_74 : memref<1x1x128xi32, #tpu.memory_space<hbm>> -> memref<128xi32, #tpu.memory_space<hbm>>
        tpu.wait_dma2 semaphore(%run_scoped3A_63 : memref<!tpu.dma_semaphore, #tpu.memory_space<semaphore_mem>>) src(%dma_wait3A_75 : memref<128xi32, #tpu.memory_space<hbm>>) dst(%arg9 : memref<128xi32, #tpu.memory_space<vmem>>)
        tpu.yield
      }) : () -> ()
      %dma_start3A_45 = arith.constant 0 : i32
      %dma_start3A_46 = arith.constant 0 : i32
      %dma_start3A_47 = tpu.memref_slice %arg2[%dma_start3A_45, %dma_start3A_46] : memref<10000x128xf32, #tpu.memory_space<hbm>> -> memref<10000x128xf32, #tpu.memory_space<hbm>>
      tpu.enqueue_indirect_dma source(%dma_start3A_47 : memref<10000x128xf32, #tpu.memory_space<hbm>>) target(%arg12 : memref<128x128xf32, #tpu.memory_space<vmem>>) offsets(%arg8 : memref<128xi32, #tpu.memory_space<vmem>>) semaphore(%arg16 : memref<!tpu.dma_semaphore, #tpu.memory_space<semaphore_mem>>)
      %dma_start3A_48 = arith.constant 0 : i32
      %dma_start3A_49 = arith.constant 0 : i32
      %dma_start3A_50 = tpu.memref_slice %arg3[%dma_start3A_48, %dma_start3A_49] : memref<10000x128xf32, #tpu.memory_space<hbm>> -> memref<10000x128xf32, #tpu.memory_space<hbm>>
      tpu.enqueue_indirect_dma source(%dma_start3A_50 : memref<10000x128xf32, #tpu.memory_space<hbm>>) target(%arg13 : memref<128x128xf32, #tpu.memory_space<vmem>>) offsets(%arg9 : memref<128xi32, #tpu.memory_space<vmem>>) semaphore(%arg16 : memref<!tpu.dma_semaphore, #tpu.memory_space<semaphore_mem>>)
      %mul3A_51 = arith.constant 80 : i32
      %mul3A_52 = arith.muli %add3A, %mul3A_51 : i32
      %add3A_53 = arith.addi %mul3A_52, %add3A_44 : i32
      %mul3A_54 = arith.constant 128 : i32
      %mul3A_55 = arith.muli %add3A_53, %mul3A_54 : i32
      "tpu.region"() ({
        %run_scoped3A_63 = tpu.sem_alloc : memref<!tpu.dma_semaphore, #tpu.memory_space<semaphore_mem>>
        %dma_start3A_64 = arith.constant 0 : i32
        %dma_start3A_65 = tpu.memref_slice %arg6[%mul3A_55, %dma_start3A_64] : memref<327680x128xf32, #tpu.memory_space<hbm>> -> memref<128x128xf32, #tpu.memory_space<hbm>>
        %dma_start3A_66 = arith.constant 0 : i32
        %dma_start3A_67 = tpu.memref_slice %arg6[%mul3A_55, %dma_start3A_66] : memref<327680x128xf32, #tpu.memory_space<hbm>> -> memref<128x128xf32, #tpu.memory_space<hbm>>
        tpu.enqueue_dma source(%arg14 : memref<128x128xf32, #tpu.memory_space<vmem>>) target(%dma_start3A_67 : memref<128x128xf32, #tpu.memory_space<hbm>>) target_semaphore(%run_scoped3A_63 : memref<!tpu.dma_semaphore, #tpu.memory_space<semaphore_mem>>)
        %dma_wait3A_68 = arith.constant 0 : i32
        %dma_wait3A_69 = tpu.memref_slice %arg6[%mul3A_55, %dma_wait3A_68] : memref<327680x128xf32, #tpu.memory_space<hbm>> -> memref<128x128xf32, #tpu.memory_space<hbm>>
        %dma_wait3A_70 = arith.constant 0 : i32
        %dma_wait3A_71 = tpu.memref_slice %arg6[%mul3A_55, %dma_wait3A_70] : memref<327680x128xf32, #tpu.memory_space<hbm>> -> memref<128x128xf32, #tpu.memory_space<hbm>>
        tpu.wait_dma2 semaphore(%run_scoped3A_63 : memref<!tpu.dma_semaphore, #tpu.memory_space<semaphore_mem>>) src(%arg14 : memref<128x128xf32, #tpu.memory_space<vmem>>) dst(%dma_wait3A_71 : memref<128x128xf32, #tpu.memory_space<hbm>>)
        tpu.yield
      }) : () -> ()
      "tpu.region"() ({
        %run_scoped3A_63 = tpu.sem_alloc : memref<!tpu.dma_semaphore, #tpu.memory_space<semaphore_mem>>
        %dma_start3A_64 = arith.constant 0 : i32
        %dma_start3A_65 = tpu.memref_slice %arg7[%mul3A_55, %dma_start3A_64] : memref<327680x128xf32, #tpu.memory_space<hbm>> -> memref<128x128xf32, #tpu.memory_space<hbm>>
        %dma_start3A_66 = arith.constant 0 : i32
        %dma_start3A_67 = tpu.memref_slice %arg7[%mul3A_55, %dma_start3A_66] : memref<327680x128xf32, #tpu.memory_space<hbm>> -> memref<128x128xf32, #tpu.memory_space<hbm>>
        tpu.enqueue_dma source(%arg15 : memref<128x128xf32, #tpu.memory_space<vmem>>) target(%dma_start3A_67 : memref<128x128xf32, #tpu.memory_space<hbm>>) target_semaphore(%run_scoped3A_63 : memref<!tpu.dma_semaphore, #tpu.memory_space<semaphore_mem>>)
        %dma_wait3A_68 = arith.constant 0 : i32
        %dma_wait3A_69 = tpu.memref_slice %arg7[%mul3A_55, %dma_wait3A_68] : memref<327680x128xf32, #tpu.memory_space<hbm>> -> memref<128x128xf32, #tpu.memory_space<hbm>>
        %dma_wait3A_70 = arith.constant 0 : i32
        %dma_wait3A_71 = tpu.memref_slice %arg7[%mul3A_55, %dma_wait3A_70] : memref<327680x128xf32, #tpu.memory_space<hbm>> -> memref<128x128xf32, #tpu.memory_space<hbm>>
        tpu.wait_dma2 semaphore(%run_scoped3A_63 : memref<!tpu.dma_semaphore, #tpu.memory_space<semaphore_mem>>) src(%arg15 : memref<128x128xf32, #tpu.memory_space<vmem>>) dst(%dma_wait3A_71 : memref<128x128xf32, #tpu.memory_space<hbm>>)
        tpu.yield
      }) : () -> ()
      %dma_wait3A_56 = arith.constant 0 : i32
      %dma_wait3A_57 = arith.constant 0 : i32
      %dma_wait3A_58 = tpu.memref_slice %arg2[%dma_wait3A_56, %dma_wait3A_57] : memref<10000x128xf32, #tpu.memory_space<hbm>> -> memref<10000x128xf32, #tpu.memory_space<hbm>>
      tpu.wait_indirect_dma semaphore(%arg16 : memref<!tpu.dma_semaphore, #tpu.memory_space<semaphore_mem>>) src(%dma_wait3A_58 : memref<10000x128xf32, #tpu.memory_space<hbm>>) dst(%arg12 : memref<128x128xf32, #tpu.memory_space<vmem>>)
      %dma_wait3A_59 = arith.constant 0 : i32
      %dma_wait3A_60 = arith.constant 0 : i32
      %dma_wait3A_61 = tpu.memref_slice %arg3[%dma_wait3A_59, %dma_wait3A_60] : memref<10000x128xf32, #tpu.memory_space<hbm>> -> memref<10000x128xf32, #tpu.memory_space<hbm>>
      tpu.wait_indirect_dma semaphore(%arg16 : memref<!tpu.dma_semaphore, #tpu.memory_space<semaphore_mem>>) src(%dma_wait3A_61 : memref<10000x128xf32, #tpu.memory_space<hbm>>) dst(%arg13 : memref<128x128xf32, #tpu.memory_space<vmem>>)
      %scan3A_62 = arith.constant 0 : i32
      scf.yield %scan3A_62 : i32
    }
    %scan3A_17 = arith.constant 40 : i32
    return
  }
}

#map = affine_map<(d0, d1) -> (0, 0, 0)>
#map1 = affine_map<(d0, d1) -> (0, 0)>
module attributes {stable_mosaic.version = 14 : i64} {
  func.func @body(%arg0: i32, %arg1: i32, %arg2: memref<2x327680x128xf32, #tpu.memory_space<hbm>>, %arg3: memref<2560x128xi32, #tpu.memory_space<hbm>>, %arg4: memref<128x128xf32, #tpu.memory_space<hbm>>, %arg5: memref<2x10240x128xf32, #tpu.memory_space<hbm>>, %arg6: memref<10240x128xf32, #tpu.memory_space<vmem_shared>>, %arg7: memref<128xi32, #tpu.memory_space<vmem>>, %arg8: memref<128x128xf32, #tpu.memory_space<vmem>>) attributes {dimension_semantics = [#tpu.dimension_semantics<core_parallel>, #tpu.dimension_semantics<subcore_parallel>], iteration_bounds = array<i64: 2, 16>, scalar_prefetch = 0 : i64, scratch_operands = 3 : i64, tpu.core_type = #tpu.core_type<sc_vector_subcore>, window_params = [{transform_indices = #map}, {transform_indices = #map1}, {transform_indices = #map1}, {transform_indices = #map}]} {
    %mul3A = arith.constant 640 : i32
    %mul3A_0 = arith.muli %arg1, %mul3A : i32
    "tpu.region"() ({
      %run_scoped3A = tpu.sem_alloc : memref<!tpu.dma_semaphore, #tpu.memory_space<semaphore_mem>>
      tpu.enqueue_dma source(%arg4 : memref<128x128xf32, #tpu.memory_space<hbm>>) target(%arg8 : memref<128x128xf32, #tpu.memory_space<vmem>>) target_semaphore(%run_scoped3A : memref<!tpu.dma_semaphore, #tpu.memory_space<semaphore_mem>>)
      tpu.wait_dma2 semaphore(%run_scoped3A : memref<!tpu.dma_semaphore, #tpu.memory_space<semaphore_mem>>) src(%arg4 : memref<128x128xf32, #tpu.memory_space<hbm>>) dst(%arg8 : memref<128x128xf32, #tpu.memory_space<vmem>>)
      tpu.yield
    }) : () -> ()
    %scan3A = arith.constant 0 : i32
    %scan3A_1 = arith.constant 0 : i32
    %scan3A_2 = arith.constant 5 : i32
    %scan3A_3 = arith.addi %scan3A_1, %scan3A_2 : i32
    %scan3A_4 = arith.constant 1 : i32
    %scan3A_5 = scf.for %scan3A_30 = %scan3A_1 to %scan3A_3 step %scan3A_4 iter_args(%scan3A_31 = %scan3A) -> (i32)  : i32 {
      %mul3A_32 = arith.constant 128 : i32
      %mul3A_33 = arith.muli %scan3A_30, %mul3A_32 : i32
      %add3A_34 = arith.addi %mul3A_0, %mul3A_33 : i32
      "tpu.region"() ({
        %run_scoped3A = tpu.sem_alloc : memref<!tpu.dma_semaphore, #tpu.memory_space<semaphore_mem>>
        %dma_start3A = arith.constant 0 : i32
        %dma_start3A_36 = tpu.memref_slice %arg6[%add3A_34, %dma_start3A] : memref<10240x128xf32, #tpu.memory_space<vmem_shared>> -> memref<128x128xf32, #tpu.memory_space<vmem_shared>>
        %dma_start3A_37 = arith.constant 0 : i32
        %dma_start3A_38 = tpu.memref_slice %arg6[%add3A_34, %dma_start3A_37] : memref<10240x128xf32, #tpu.memory_space<vmem_shared>> -> memref<128x128xf32, #tpu.memory_space<vmem_shared>>
        tpu.enqueue_dma source(%arg8 : memref<128x128xf32, #tpu.memory_space<vmem>>) target(%dma_start3A_38 : memref<128x128xf32, #tpu.memory_space<vmem_shared>>) target_semaphore(%run_scoped3A : memref<!tpu.dma_semaphore, #tpu.memory_space<semaphore_mem>>)
        %dma_wait3A = arith.constant 0 : i32
        %dma_wait3A_39 = tpu.memref_slice %arg6[%add3A_34, %dma_wait3A] : memref<10240x128xf32, #tpu.memory_space<vmem_shared>> -> memref<128x128xf32, #tpu.memory_space<vmem_shared>>
        %dma_wait3A_40 = arith.constant 0 : i32
        %dma_wait3A_41 = tpu.memref_slice %arg6[%add3A_34, %dma_wait3A_40] : memref<10240x128xf32, #tpu.memory_space<vmem_shared>> -> memref<128x128xf32, #tpu.memory_space<vmem_shared>>
        tpu.wait_dma2 semaphore(%run_scoped3A : memref<!tpu.dma_semaphore, #tpu.memory_space<semaphore_mem>>) src(%arg8 : memref<128x128xf32, #tpu.memory_space<vmem>>) dst(%dma_wait3A_41 : memref<128x128xf32, #tpu.memory_space<vmem_shared>>)
        tpu.yield
      }) : () -> ()
      %scan3A_35 = arith.constant 0 : i32
      scf.yield %scan3A_35 : i32
    }
    %scan3A_6 = arith.constant 5 : i32
    %barrier3A = arith.constant 0 : index
    tpu.barrier barrier_id(%barrier3A)
    %mul3A_7 = arith.constant 160 : i32
    %mul3A_8 = arith.muli %arg1, %mul3A_7 : i32
    %add3A = arith.constant 1 : i32
    %add3A_9 = arith.addi %arg1, %add3A : i32
    %mul3A_10 = arith.constant 160 : i32
    %mul3A_11 = arith.muli %add3A_9, %mul3A_10 : i32
    %while3A = arith.constant 0 : i32
    %while3A_12 = arith.subi %mul3A_11, %mul3A_8 : i32
    %while3A_13 = arith.addi %mul3A_8, %while3A_12 : i32
    %while3A_14 = arith.constant 1 : i32
    %while3A_15 = arith.divsi %while3A_12, %while3A_14 : i32
    %while3A_16 = arith.muli %while3A_15, %while3A_14 : i32
    %while3A_17 = arith.addi %mul3A_8, %while3A_16 : i32
    %while3A_18 = arith.constant 1 : i32
    %while3A_19 = scf.for %while3A_30 = %mul3A_8 to %while3A_17 step %while3A_18 iter_args(%while3A_31 = %while3A) -> (i32)  : i32 {
      "tpu.region"() ({
        %run_scoped3A = tpu.sem_alloc : memref<!tpu.dma_semaphore, #tpu.memory_space<semaphore_mem>>
        %dma_start3A = arith.constant 0 : i32
        %dma_start3A_35 = tpu.memref_slice %arg3[%while3A_30, %dma_start3A] : memref<2560x128xi32, #tpu.memory_space<hbm>> -> memref<1x128xi32, #tpu.memory_space<hbm>>
        %dma_start3A_36 = tpu.memref_squeeze %dma_start3A_35 : memref<1x128xi32, #tpu.memory_space<hbm>> -> memref<128xi32, #tpu.memory_space<hbm>>
        %dma_start3A_37 = arith.constant 0 : i32
        %dma_start3A_38 = tpu.memref_slice %arg3[%while3A_30, %dma_start3A_37] : memref<2560x128xi32, #tpu.memory_space<hbm>> -> memref<1x128xi32, #tpu.memory_space<hbm>>
        %dma_start3A_39 = tpu.memref_squeeze %dma_start3A_38 : memref<1x128xi32, #tpu.memory_space<hbm>> -> memref<128xi32, #tpu.memory_space<hbm>>
        tpu.enqueue_dma source(%dma_start3A_39 : memref<128xi32, #tpu.memory_space<hbm>>) target(%arg7 : memref<128xi32, #tpu.memory_space<vmem>>) target_semaphore(%run_scoped3A : memref<!tpu.dma_semaphore, #tpu.memory_space<semaphore_mem>>)
        %dma_wait3A = arith.constant 0 : i32
        %dma_wait3A_40 = tpu.memref_slice %arg3[%while3A_30, %dma_wait3A] : memref<2560x128xi32, #tpu.memory_space<hbm>> -> memref<1x128xi32, #tpu.memory_space<hbm>>
        %dma_wait3A_41 = tpu.memref_squeeze %dma_wait3A_40 : memref<1x128xi32, #tpu.memory_space<hbm>> -> memref<128xi32, #tpu.memory_space<hbm>>
        %dma_wait3A_42 = arith.constant 0 : i32
        %dma_wait3A_43 = tpu.memref_slice %arg3[%while3A_30, %dma_wait3A_42] : memref<2560x128xi32, #tpu.memory_space<hbm>> -> memref<1x128xi32, #tpu.memory_space<hbm>>
        %dma_wait3A_44 = tpu.memref_squeeze %dma_wait3A_43 : memref<1x128xi32, #tpu.memory_space<hbm>> -> memref<128xi32, #tpu.memory_space<hbm>>
        tpu.wait_dma2 semaphore(%run_scoped3A : memref<!tpu.dma_semaphore, #tpu.memory_space<semaphore_mem>>) src(%dma_wait3A_44 : memref<128xi32, #tpu.memory_space<hbm>>) dst(%arg7 : memref<128xi32, #tpu.memory_space<vmem>>)
        tpu.yield
      }) : () -> ()
      %mul3A_32 = arith.constant 128 : i32
      %mul3A_33 = arith.muli %while3A_30, %mul3A_32 : i32
      "tpu.region"() ({
        %run_scoped3A = tpu.sem_alloc : memref<!tpu.dma_semaphore, #tpu.memory_space<semaphore_mem>>
        %dma_start3A = arith.constant 0 : i32
        %dma_start3A_35 = tpu.memref_slice %arg2[%arg0, %mul3A_33, %dma_start3A] : memref<2x327680x128xf32, #tpu.memory_space<hbm>> -> memref<1x128x128xf32, #tpu.memory_space<hbm>>
        %dma_start3A_36 = tpu.memref_squeeze %dma_start3A_35 : memref<1x128x128xf32, #tpu.memory_space<hbm>> -> memref<128x128xf32, #tpu.memory_space<hbm>>
        %dma_start3A_37 = arith.constant 0 : i32
        %dma_start3A_38 = tpu.memref_slice %arg2[%arg0, %mul3A_33, %dma_start3A_37] : memref<2x327680x128xf32, #tpu.memory_space<hbm>> -> memref<1x128x128xf32, #tpu.memory_space<hbm>>
        %dma_start3A_39 = tpu.memref_squeeze %dma_start3A_38 : memref<1x128x128xf32, #tpu.memory_space<hbm>> -> memref<128x128xf32, #tpu.memory_space<hbm>>
        tpu.enqueue_dma source(%dma_start3A_39 : memref<128x128xf32, #tpu.memory_space<hbm>>) target(%arg8 : memref<128x128xf32, #tpu.memory_space<vmem>>) target_semaphore(%run_scoped3A : memref<!tpu.dma_semaphore, #tpu.memory_space<semaphore_mem>>)
        %dma_wait3A = arith.constant 0 : i32
        %dma_wait3A_40 = tpu.memref_slice %arg2[%arg0, %mul3A_33, %dma_wait3A] : memref<2x327680x128xf32, #tpu.memory_space<hbm>> -> memref<1x128x128xf32, #tpu.memory_space<hbm>>
        %dma_wait3A_41 = tpu.memref_squeeze %dma_wait3A_40 : memref<1x128x128xf32, #tpu.memory_space<hbm>> -> memref<128x128xf32, #tpu.memory_space<hbm>>
        %dma_wait3A_42 = arith.constant 0 : i32
        %dma_wait3A_43 = tpu.memref_slice %arg2[%arg0, %mul3A_33, %dma_wait3A_42] : memref<2x327680x128xf32, #tpu.memory_space<hbm>> -> memref<1x128x128xf32, #tpu.memory_space<hbm>>
        %dma_wait3A_44 = tpu.memref_squeeze %dma_wait3A_43 : memref<1x128x128xf32, #tpu.memory_space<hbm>> -> memref<128x128xf32, #tpu.memory_space<hbm>>
        tpu.wait_dma2 semaphore(%run_scoped3A : memref<!tpu.dma_semaphore, #tpu.memory_space<semaphore_mem>>) src(%dma_wait3A_44 : memref<128x128xf32, #tpu.memory_space<hbm>>) dst(%arg8 : memref<128x128xf32, #tpu.memory_space<vmem>>)
        tpu.yield
      }) : () -> ()
      "tpu.region"() ({
        %run_scoped3A = tpu.sem_alloc : memref<!tpu.dma_semaphore, #tpu.memory_space<semaphore_mem>>
        %dma_start3A = arith.constant 0 : i32
        %dma_start3A_35 = arith.constant 0 : i32
        %dma_start3A_36 = tpu.memref_slice %arg6[%dma_start3A, %dma_start3A_35] : memref<10240x128xf32, #tpu.memory_space<vmem_shared>> -> memref<10240x128xf32, #tpu.memory_space<vmem_shared>>
        tpu.enqueue_indirect_dma source(%arg8 : memref<128x128xf32, #tpu.memory_space<vmem>>) target(%dma_start3A_36 : memref<10240x128xf32, #tpu.memory_space<vmem_shared>>) offsets(%arg7 : memref<128xi32, #tpu.memory_space<vmem>>) semaphore(%run_scoped3A : memref<!tpu.dma_semaphore, #tpu.memory_space<semaphore_mem>>) {add = true}
        %dma_wait3A = arith.constant 0 : i32
        %dma_wait3A_37 = arith.constant 0 : i32
        %dma_wait3A_38 = tpu.memref_slice %arg6[%dma_wait3A, %dma_wait3A_37] : memref<10240x128xf32, #tpu.memory_space<vmem_shared>> -> memref<10240x128xf32, #tpu.memory_space<vmem_shared>>
        tpu.wait_indirect_dma semaphore(%run_scoped3A : memref<!tpu.dma_semaphore, #tpu.memory_space<semaphore_mem>>) src(%arg8 : memref<128x128xf32, #tpu.memory_space<vmem>>) dst(%dma_wait3A_38 : memref<10240x128xf32, #tpu.memory_space<vmem_shared>>)
        tpu.yield
      }) : () -> ()
      %while3A_34 = arith.constant 0 : i32
      scf.yield %while3A_34 : i32
    }
    %while3A_20 = arith.constant 1 : i32
    %while3A_21 = scf.for %while3A_30 = %while3A_17 to %while3A_13 step %while3A_20 iter_args(%while3A_31 = %while3A_19) -> (i32)  : i32 {
      "tpu.region"() ({
        %run_scoped3A = tpu.sem_alloc : memref<!tpu.dma_semaphore, #tpu.memory_space<semaphore_mem>>
        %dma_start3A = arith.constant 0 : i32
        %dma_start3A_35 = tpu.memref_slice %arg3[%while3A_30, %dma_start3A] : memref<2560x128xi32, #tpu.memory_space<hbm>> -> memref<1x128xi32, #tpu.memory_space<hbm>>
        %dma_start3A_36 = tpu.memref_squeeze %dma_start3A_35 : memref<1x128xi32, #tpu.memory_space<hbm>> -> memref<128xi32, #tpu.memory_space<hbm>>
        %dma_start3A_37 = arith.constant 0 : i32
        %dma_start3A_38 = tpu.memref_slice %arg3[%while3A_30, %dma_start3A_37] : memref<2560x128xi32, #tpu.memory_space<hbm>> -> memref<1x128xi32, #tpu.memory_space<hbm>>
        %dma_start3A_39 = tpu.memref_squeeze %dma_start3A_38 : memref<1x128xi32, #tpu.memory_space<hbm>> -> memref<128xi32, #tpu.memory_space<hbm>>
        tpu.enqueue_dma source(%dma_start3A_39 : memref<128xi32, #tpu.memory_space<hbm>>) target(%arg7 : memref<128xi32, #tpu.memory_space<vmem>>) target_semaphore(%run_scoped3A : memref<!tpu.dma_semaphore, #tpu.memory_space<semaphore_mem>>)
        %dma_wait3A = arith.constant 0 : i32
        %dma_wait3A_40 = tpu.memref_slice %arg3[%while3A_30, %dma_wait3A] : memref<2560x128xi32, #tpu.memory_space<hbm>> -> memref<1x128xi32, #tpu.memory_space<hbm>>
        %dma_wait3A_41 = tpu.memref_squeeze %dma_wait3A_40 : memref<1x128xi32, #tpu.memory_space<hbm>> -> memref<128xi32, #tpu.memory_space<hbm>>
        %dma_wait3A_42 = arith.constant 0 : i32
        %dma_wait3A_43 = tpu.memref_slice %arg3[%while3A_30, %dma_wait3A_42] : memref<2560x128xi32, #tpu.memory_space<hbm>> -> memref<1x128xi32, #tpu.memory_space<hbm>>
        %dma_wait3A_44 = tpu.memref_squeeze %dma_wait3A_43 : memref<1x128xi32, #tpu.memory_space<hbm>> -> memref<128xi32, #tpu.memory_space<hbm>>
        tpu.wait_dma2 semaphore(%run_scoped3A : memref<!tpu.dma_semaphore, #tpu.memory_space<semaphore_mem>>) src(%dma_wait3A_44 : memref<128xi32, #tpu.memory_space<hbm>>) dst(%arg7 : memref<128xi32, #tpu.memory_space<vmem>>)
        tpu.yield
      }) : () -> ()
      %mul3A_32 = arith.constant 128 : i32
      %mul3A_33 = arith.muli %while3A_30, %mul3A_32 : i32
      "tpu.region"() ({
        %run_scoped3A = tpu.sem_alloc : memref<!tpu.dma_semaphore, #tpu.memory_space<semaphore_mem>>
        %dma_start3A = arith.constant 0 : i32
        %dma_start3A_35 = tpu.memref_slice %arg2[%arg0, %mul3A_33, %dma_start3A] : memref<2x327680x128xf32, #tpu.memory_space<hbm>> -> memref<1x128x128xf32, #tpu.memory_space<hbm>>
        %dma_start3A_36 = tpu.memref_squeeze %dma_start3A_35 : memref<1x128x128xf32, #tpu.memory_space<hbm>> -> memref<128x128xf32, #tpu.memory_space<hbm>>
        %dma_start3A_37 = arith.constant 0 : i32
        %dma_start3A_38 = tpu.memref_slice %arg2[%arg0, %mul3A_33, %dma_start3A_37] : memref<2x327680x128xf32, #tpu.memory_space<hbm>> -> memref<1x128x128xf32, #tpu.memory_space<hbm>>
        %dma_start3A_39 = tpu.memref_squeeze %dma_start3A_38 : memref<1x128x128xf32, #tpu.memory_space<hbm>> -> memref<128x128xf32, #tpu.memory_space<hbm>>
        tpu.enqueue_dma source(%dma_start3A_39 : memref<128x128xf32, #tpu.memory_space<hbm>>) target(%arg8 : memref<128x128xf32, #tpu.memory_space<vmem>>) target_semaphore(%run_scoped3A : memref<!tpu.dma_semaphore, #tpu.memory_space<semaphore_mem>>)
        %dma_wait3A = arith.constant 0 : i32
        %dma_wait3A_40 = tpu.memref_slice %arg2[%arg0, %mul3A_33, %dma_wait3A] : memref<2x327680x128xf32, #tpu.memory_space<hbm>> -> memref<1x128x128xf32, #tpu.memory_space<hbm>>
        %dma_wait3A_41 = tpu.memref_squeeze %dma_wait3A_40 : memref<1x128x128xf32, #tpu.memory_space<hbm>> -> memref<128x128xf32, #tpu.memory_space<hbm>>
        %dma_wait3A_42 = arith.constant 0 : i32
        %dma_wait3A_43 = tpu.memref_slice %arg2[%arg0, %mul3A_33, %dma_wait3A_42] : memref<2x327680x128xf32, #tpu.memory_space<hbm>> -> memref<1x128x128xf32, #tpu.memory_space<hbm>>
        %dma_wait3A_44 = tpu.memref_squeeze %dma_wait3A_43 : memref<1x128x128xf32, #tpu.memory_space<hbm>> -> memref<128x128xf32, #tpu.memory_space<hbm>>
        tpu.wait_dma2 semaphore(%run_scoped3A : memref<!tpu.dma_semaphore, #tpu.memory_space<semaphore_mem>>) src(%dma_wait3A_44 : memref<128x128xf32, #tpu.memory_space<hbm>>) dst(%arg8 : memref<128x128xf32, #tpu.memory_space<vmem>>)
        tpu.yield
      }) : () -> ()
      "tpu.region"() ({
        %run_scoped3A = tpu.sem_alloc : memref<!tpu.dma_semaphore, #tpu.memory_space<semaphore_mem>>
        %dma_start3A = arith.constant 0 : i32
        %dma_start3A_35 = arith.constant 0 : i32
        %dma_start3A_36 = tpu.memref_slice %arg6[%dma_start3A, %dma_start3A_35] : memref<10240x128xf32, #tpu.memory_space<vmem_shared>> -> memref<10240x128xf32, #tpu.memory_space<vmem_shared>>
        tpu.enqueue_indirect_dma source(%arg8 : memref<128x128xf32, #tpu.memory_space<vmem>>) target(%dma_start3A_36 : memref<10240x128xf32, #tpu.memory_space<vmem_shared>>) offsets(%arg7 : memref<128xi32, #tpu.memory_space<vmem>>) semaphore(%run_scoped3A : memref<!tpu.dma_semaphore, #tpu.memory_space<semaphore_mem>>) {add = true}
        %dma_wait3A = arith.constant 0 : i32
        %dma_wait3A_37 = arith.constant 0 : i32
        %dma_wait3A_38 = tpu.memref_slice %arg6[%dma_wait3A, %dma_wait3A_37] : memref<10240x128xf32, #tpu.memory_space<vmem_shared>> -> memref<10240x128xf32, #tpu.memory_space<vmem_shared>>
        tpu.wait_indirect_dma semaphore(%run_scoped3A : memref<!tpu.dma_semaphore, #tpu.memory_space<semaphore_mem>>) src(%arg8 : memref<128x128xf32, #tpu.memory_space<vmem>>) dst(%dma_wait3A_38 : memref<10240x128xf32, #tpu.memory_space<vmem_shared>>)
        tpu.yield
      }) : () -> ()
      %while3A_34 = arith.constant 0 : i32
      scf.yield %while3A_34 : i32
    }
    %barrier3A_22 = arith.constant 0 : index
    tpu.barrier barrier_id(%barrier3A_22)
    %scan3A_23 = arith.constant 0 : i32
    %scan3A_24 = arith.constant 0 : i32
    %scan3A_25 = arith.constant 5 : i32
    %scan3A_26 = arith.addi %scan3A_24, %scan3A_25 : i32
    %scan3A_27 = arith.constant 1 : i32
    %scan3A_28 = scf.for %scan3A_30 = %scan3A_24 to %scan3A_26 step %scan3A_27 iter_args(%scan3A_31 = %scan3A_23) -> (i32)  : i32 {
      %mul3A_32 = arith.constant 128 : i32
      %mul3A_33 = arith.muli %scan3A_30, %mul3A_32 : i32
      %add3A_34 = arith.addi %mul3A_0, %mul3A_33 : i32
      "tpu.region"() ({
        %run_scoped3A = tpu.sem_alloc : memref<!tpu.dma_semaphore, #tpu.memory_space<semaphore_mem>>
        %dma_start3A = arith.constant 0 : i32
        %dma_start3A_39 = tpu.memref_slice %arg6[%add3A_34, %dma_start3A] : memref<10240x128xf32, #tpu.memory_space<vmem_shared>> -> memref<128x128xf32, #tpu.memory_space<vmem_shared>>
        %dma_start3A_40 = arith.constant 0 : i32
        %dma_start3A_41 = tpu.memref_slice %arg6[%add3A_34, %dma_start3A_40] : memref<10240x128xf32, #tpu.memory_space<vmem_shared>> -> memref<128x128xf32, #tpu.memory_space<vmem_shared>>
        tpu.enqueue_dma source(%dma_start3A_41 : memref<128x128xf32, #tpu.memory_space<vmem_shared>>) target(%arg8 : memref<128x128xf32, #tpu.memory_space<vmem>>) target_semaphore(%run_scoped3A : memref<!tpu.dma_semaphore, #tpu.memory_space<semaphore_mem>>)
        %dma_wait3A = arith.constant 0 : i32
        %dma_wait3A_42 = tpu.memref_slice %arg6[%add3A_34, %dma_wait3A] : memref<10240x128xf32, #tpu.memory_space<vmem_shared>> -> memref<128x128xf32, #tpu.memory_space<vmem_shared>>
        %dma_wait3A_43 = arith.constant 0 : i32
        %dma_wait3A_44 = tpu.memref_slice %arg6[%add3A_34, %dma_wait3A_43] : memref<10240x128xf32, #tpu.memory_space<vmem_shared>> -> memref<128x128xf32, #tpu.memory_space<vmem_shared>>
        tpu.wait_dma2 semaphore(%run_scoped3A : memref<!tpu.dma_semaphore, #tpu.memory_space<semaphore_mem>>) src(%dma_wait3A_44 : memref<128x128xf32, #tpu.memory_space<vmem_shared>>) dst(%arg8 : memref<128x128xf32, #tpu.memory_space<vmem>>)
        tpu.yield
      }) : () -> ()
      %mul3A_35 = arith.constant 128 : i32
      %mul3A_36 = arith.muli %scan3A_30, %mul3A_35 : i32
      %add3A_37 = arith.addi %mul3A_0, %mul3A_36 : i32
      "tpu.region"() ({
        %run_scoped3A = tpu.sem_alloc : memref<!tpu.dma_semaphore, #tpu.memory_space<semaphore_mem>>
        %dma_start3A = arith.constant 0 : i32
        %dma_start3A_39 = tpu.memref_slice %arg5[%arg0, %add3A_37, %dma_start3A] : memref<2x10240x128xf32, #tpu.memory_space<hbm>> -> memref<1x128x128xf32, #tpu.memory_space<hbm>>
        %dma_start3A_40 = tpu.memref_squeeze %dma_start3A_39 : memref<1x128x128xf32, #tpu.memory_space<hbm>> -> memref<128x128xf32, #tpu.memory_space<hbm>>
        %dma_start3A_41 = arith.constant 0 : i32
        %dma_start3A_42 = tpu.memref_slice %arg5[%arg0, %add3A_37, %dma_start3A_41] : memref<2x10240x128xf32, #tpu.memory_space<hbm>> -> memref<1x128x128xf32, #tpu.memory_space<hbm>>
        %dma_start3A_43 = tpu.memref_squeeze %dma_start3A_42 : memref<1x128x128xf32, #tpu.memory_space<hbm>> -> memref<128x128xf32, #tpu.memory_space<hbm>>
        tpu.enqueue_dma source(%arg8 : memref<128x128xf32, #tpu.memory_space<vmem>>) target(%dma_start3A_43 : memref<128x128xf32, #tpu.memory_space<hbm>>) target_semaphore(%run_scoped3A : memref<!tpu.dma_semaphore, #tpu.memory_space<semaphore_mem>>)
        %dma_wait3A = arith.constant 0 : i32
        %dma_wait3A_44 = tpu.memref_slice %arg5[%arg0, %add3A_37, %dma_wait3A] : memref<2x10240x128xf32, #tpu.memory_space<hbm>> -> memref<1x128x128xf32, #tpu.memory_space<hbm>>
        %dma_wait3A_45 = tpu.memref_squeeze %dma_wait3A_44 : memref<1x128x128xf32, #tpu.memory_space<hbm>> -> memref<128x128xf32, #tpu.memory_space<hbm>>
        %dma_wait3A_46 = arith.constant 0 : i32
        %dma_wait3A_47 = tpu.memref_slice %arg5[%arg0, %add3A_37, %dma_wait3A_46] : memref<2x10240x128xf32, #tpu.memory_space<hbm>> -> memref<1x128x128xf32, #tpu.memory_space<hbm>>
        %dma_wait3A_48 = tpu.memref_squeeze %dma_wait3A_47 : memref<1x128x128xf32, #tpu.memory_space<hbm>> -> memref<128x128xf32, #tpu.memory_space<hbm>>
        tpu.wait_dma2 semaphore(%run_scoped3A : memref<!tpu.dma_semaphore, #tpu.memory_space<semaphore_mem>>) src(%arg8 : memref<128x128xf32, #tpu.memory_space<vmem>>) dst(%dma_wait3A_48 : memref<128x128xf32, #tpu.memory_space<hbm>>)
        tpu.yield
      }) : () -> ()
      %scan3A_38 = arith.constant 0 : i32
      scf.yield %scan3A_38 : i32
    }
    %scan3A_29 = arith.constant 5 : i32
    return
  }
}

module attributes {stable_mosaic.version = 14 : i64} {
  func.func @body(%arg0: i32, %arg1: memref<1000x128xf32, #tpu.memory_space<vmem>>, %arg2: memref<128x128xf32, #tpu.memory_space<vmem>>, %arg3: memref<128x128xf32, #tpu.memory_space<vmem>>, %arg4: memref<1000x128xf32, #tpu.memory_space<vmem>>, %arg5: memref<1000x128xf32, #tpu.memory_space<vmem>>) attributes {dimension_semantics = [#tpu.dimension_semantics<arbitrary>], iteration_bounds = array<i64: 10>, scalar_prefetch = 0 : i64, scratch_operands = 0 : i64, tpu.core_type = #tpu.core_type<tc>, window_params = [{transform_indices = @transform_0, window_bounds = array<i64: 1000, 128>}, {pipeline_mode = #tpu.pipeline_mode<synchronous>, transform_indices = @transform_1, window_bounds = array<i64: 128, 128>}, {pipeline_mode = #tpu.pipeline_mode<synchronous>, transform_indices = @transform_2, window_bounds = array<i64: 128, 128>}, {transform_indices = @transform_3, window_bounds = array<i64: 1000, 128>}, {transform_indices = @transform_4, window_bounds = array<i64: 1000, 128>}]} {
    %get3A = arith.constant 0 : index
    %get3A_0 = arith.constant 0 : index
    %get3A_1 = vector.load %arg1[%get3A, %get3A_0] : memref<1000x128xf32, #tpu.memory_space<vmem>>, vector<1000x128xf32>
    %get3A_2 = arith.constant 0 : index
    %get3A_3 = arith.constant 0 : index
    %get3A_4 = vector.load %arg2[%get3A_2, %get3A_3] : memref<128x128xf32, #tpu.memory_space<vmem>>, vector<128x128xf32>
    %dot_general3A = arith.constant dense<0.000000e+00> : vector<1000x128xf32>
    %dot_general3A_5 = tpu.matmul %get3A_1, %get3A_4, %dot_general3A {dimension_numbers = #tpu.dot_dimension_numbers<[1], [0], [0], [1], [0, 0, 1, 1], [], []>, transpose_lhs_hint = false} : vector<1000x128xf32>, vector<128x128xf32>, vector<1000x128xf32> -> vector<1000x128xf32>
    %swap3A = arith.constant 0 : index
    %swap3A_6 = arith.constant 0 : index
    %swap3A_7 = vector.load %arg4[%swap3A, %swap3A_6] : memref<1000x128xf32, #tpu.memory_space<vmem>>, vector<1000x128xf32>
    tpu.vector_store %arg4[%swap3A, %swap3A_6], %dot_general3A_5 {strides = array<i32>} : memref<1000x128xf32, #tpu.memory_space<vmem>>, vector<1000x128xf32>,
    %get3A_8 = arith.constant 0 : index
    %get3A_9 = arith.constant 0 : index
    %get3A_10 = vector.load %arg3[%get3A_8, %get3A_9] : memref<128x128xf32, #tpu.memory_space<vmem>>, vector<128x128xf32>
    %dot_general3A_11 = arith.constant dense<0.000000e+00> : vector<1000x128xf32>
    %dot_general3A_12 = tpu.matmul %get3A_1, %get3A_10, %dot_general3A_11 {dimension_numbers = #tpu.dot_dimension_numbers<[1], [0], [0], [1], [0, 0, 1, 1], [], []>, transpose_lhs_hint = false} : vector<1000x128xf32>, vector<128x128xf32>, vector<1000x128xf32> -> vector<1000x128xf32>
    %swap3A_13 = arith.constant 0 : index
    %swap3A_14 = arith.constant 0 : index
    %swap3A_15 = vector.load %arg5[%swap3A_13, %swap3A_14] : memref<1000x128xf32, #tpu.memory_space<vmem>>, vector<1000x128xf32>
    tpu.vector_store %arg5[%swap3A_13, %swap3A_14], %dot_general3A_12 {strides = array<i32>} : memref<1000x128xf32, #tpu.memory_space<vmem>>, vector<1000x128xf32>,
    return
  }
  func.func @transform_0(%arg0: i32) -> (i32, i32) {
    %c0_i32 = arith.constant 0 : i32
    %c0_i32_0 = arith.constant 0 : i32
    return %arg0, %c0_i32 : i32, i32
  }
  func.func @transform_1(%arg0: i32) -> (i32, i32) {
    %c0_i32 = arith.constant 0 : i32
    %c0_i32_0 = arith.constant 0 : i32
    %c0_i32_1 = arith.constant 0 : i32
    return %c0_i32, %c0_i32_0 : i32, i32
  }
  func.func @transform_2(%arg0: i32) -> (i32, i32) {
    %c0_i32 = arith.constant 0 : i32
    %c0_i32_0 = arith.constant 0 : i32
    %c0_i32_1 = arith.constant 0 : i32
    return %c0_i32, %c0_i32_0 : i32, i32
  }
  func.func @transform_3(%arg0: i32) -> (i32, i32) {
    %c0_i32 = arith.constant 0 : i32
    %c0_i32_0 = arith.constant 0 : i32
    return %arg0, %c0_i32 : i32, i32
  }
  func.func @transform_4(%arg0: i32) -> (i32, i32) {
    %c0_i32 = arith.constant 0 : i32
    %c0_i32_0 = arith.constant 0 : i32
    return %arg0, %c0_i32 : i32, i32
  }
}

module attributes {stable_mosaic.version = 14 : i64} {
  func.func @body(%arg0: i32, %arg1: memref<4096x128xf32, #tpu.memory_space<vmem>>, %arg2: memref<4096x128xf32, #tpu.memory_space<vmem>>, %arg3: memref<1x128xf32, #tpu.memory_space<vmem>>, %arg4: memref<128x128xf32, #tpu.memory_space<vmem>>, %arg5: memref<2x4096x128xf32, #tpu.memory_space<vmem>>) attributes {dimension_semantics = [#tpu.dimension_semantics<arbitrary>], iteration_bounds = array<i64: 80>, scalar_prefetch = 0 : i64, scratch_operands = 0 : i64, tpu.core_type = #tpu.core_type<tc>, window_params = [{transform_indices = @transform_0, window_bounds = array<i64: 4096, 128>}, {transform_indices = @transform_1, window_bounds = array<i64: 4096, 128>}, {pipeline_mode = #tpu.pipeline_mode<synchronous>, transform_indices = @transform_2, window_bounds = array<i64: 1, 128>}, {pipeline_mode = #tpu.pipeline_mode<synchronous>, transform_indices = @transform_3, window_bounds = array<i64: 128, 128>}, {transform_indices = @transform_4, window_bounds = array<i64: 2, 4096, 128>}]} {
    %get3A = arith.constant 0 : index
    %get3A_0 = arith.constant 0 : index
    %get3A_1 = vector.load %arg1[%get3A, %get3A_0] : memref<4096x128xf32, #tpu.memory_space<vmem>>, vector<4096x128xf32>
    %get3A_2 = arith.constant 0 : index
    %get3A_3 = arith.constant 0 : index
    %get3A_4 = vector.load %arg2[%get3A_2, %get3A_3] : memref<4096x128xf32, #tpu.memory_space<vmem>>, vector<4096x128xf32>
    %add3A = arith.addf %get3A_4, %get3A_1 : vector<4096x128xf32>
    %mul3A = arith.constant 2.000000e-01 : f32
    %mul3A_5 = vector.broadcast %mul3A : f32 to vector<4096x128xf32>
    %mul3A_6 = arith.mulf %mul3A_5, %add3A : vector<4096x128xf32>
    %max3A = arith.maximumf %add3A, %mul3A_6 : vector<4096x128xf32>
    %get3A_7 = arith.constant 0 : index
    %get3A_8 = arith.constant 0 : index
    %get3A_9 = vector.load %arg3[%get3A_7, %get3A_8] : memref<1x128xf32, #tpu.memory_space<vmem>>, vector<1x128xf32>
    %mul3A_10 = vector.broadcast %get3A_9 : vector<1x128xf32> to vector<4096x128xf32>
    %mul3A_11 = arith.mulf %max3A, %mul3A_10 : vector<4096x128xf32>
    %get3A_12 = arith.constant 0 : index
    %get3A_13 = arith.constant 0 : index
    %get3A_14 = vector.load %arg4[%get3A_12, %get3A_13] : memref<128x128xf32, #tpu.memory_space<vmem>>, vector<128x128xf32>
    %dot_general3A = arith.constant dense<0.000000e+00> : vector<4096x128xf32>
    %dot_general3A_15 = tpu.matmul %mul3A_11, %get3A_14, %dot_general3A {dimension_numbers = #tpu.dot_dimension_numbers<[1], [0], [0], [1], [0, 0, 1, 1], [], []>, transpose_lhs_hint = false} : vector<4096x128xf32>, vector<128x128xf32>, vector<4096x128xf32> -> vector<4096x128xf32>
    %exp3A = math.exp %dot_general3A_15 : vector<4096x128xf32>
    %mul3A_16 = arith.mulf %get3A_1, %exp3A : vector<4096x128xf32>
    %stack3A = vector.shape_cast %mul3A_16 : vector<4096x128xf32> to vector<1x4096x128xf32>
    %stack3A_17 = vector.shape_cast %exp3A : vector<4096x128xf32> to vector<1x4096x128xf32>
    %stack3A_18 = tpu.concatenate %stack3A, %stack3A_17 in 0 : vector<1x4096x128xf32>, vector<1x4096x128xf32> -> vector<2x4096x128xf32>
    %swap3A = arith.constant 0 : index
    %swap3A_19 = arith.constant 0 : index
    %swap3A_20 = arith.constant 0 : index
    %swap3A_21 = vector.load %arg5[%swap3A, %swap3A_19, %swap3A_20] : memref<2x4096x128xf32, #tpu.memory_space<vmem>>, vector<2x4096x128xf32>
    tpu.vector_store %arg5[%swap3A, %swap3A_19, %swap3A_20], %stack3A_18 {strides = array<i32>} : memref<2x4096x128xf32, #tpu.memory_space<vmem>>, vector<2x4096x128xf32>,
    return
  }
  func.func @transform_0(%arg0: i32) -> (i32, i32) {
    %c0_i32 = arith.constant 0 : i32
    %c0_i32_0 = arith.constant 0 : i32
    return %arg0, %c0_i32 : i32, i32
  }
  func.func @transform_1(%arg0: i32) -> (i32, i32) {
    %c0_i32 = arith.constant 0 : i32
    %c0_i32_0 = arith.constant 0 : i32
    return %arg0, %c0_i32 : i32, i32
  }
  func.func @transform_2(%arg0: i32) -> (i32, i32) {
    %c0_i32 = arith.constant 0 : i32
    %c0_i32_0 = arith.constant 0 : i32
    %c0_i32_1 = arith.constant 0 : i32
    return %c0_i32, %c0_i32_0 : i32, i32
  }
  func.func @transform_3(%arg0: i32) -> (i32, i32) {
    %c0_i32 = arith.constant 0 : i32
    %c0_i32_0 = arith.constant 0 : i32
    %c0_i32_1 = arith.constant 0 : i32
    return %c0_i32, %c0_i32_0 : i32, i32
  }
  func.func @transform_4(%arg0: i32) -> (i32, i32, i32) {
    %c0_i32 = arith.constant 0 : i32
    %c0_i32_0 = arith.constant 0 : i32
    %c0_i32_1 = arith.constant 0 : i32
    return %c0_i32, %arg0, %c0_i32_0 : i32, i32, i32
  }
}

module attributes {stable_mosaic.version = 14 : i64} {
  func.func @body(%arg0: i32, %arg1: memref<2x1000x128xf32, #tpu.memory_space<vmem>>, %arg2: memref<1x128xf32, #tpu.memory_space<vmem>>, %arg3: memref<128x128xf32, #tpu.memory_space<vmem>>, %arg4: memref<128x128xf32, #tpu.memory_space<vmem>>, %arg5: memref<1000x128xf32, #tpu.memory_space<vmem>>, %arg6: memref<1000x128xf32, #tpu.memory_space<vmem>>, %arg7: memref<1000x128xf32, #tpu.memory_space<vmem>>) attributes {dimension_semantics = [#tpu.dimension_semantics<arbitrary>], iteration_bounds = array<i64: 10>, scalar_prefetch = 0 : i64, scratch_operands = 0 : i64, tpu.core_type = #tpu.core_type<tc>, window_params = [{transform_indices = @transform_0, window_bounds = array<i64: 2, 1000, 128>}, {pipeline_mode = #tpu.pipeline_mode<synchronous>, transform_indices = @transform_1, window_bounds = array<i64: 1, 128>}, {pipeline_mode = #tpu.pipeline_mode<synchronous>, transform_indices = @transform_2, window_bounds = array<i64: 128, 128>}, {pipeline_mode = #tpu.pipeline_mode<synchronous>, transform_indices = @transform_3, window_bounds = array<i64: 128, 128>}, {transform_indices = @transform_4, window_bounds = array<i64: 1000, 128>}, {transform_indices = @transform_5, window_bounds = array<i64: 1000, 128>}, {transform_indices = @transform_6, window_bounds = array<i64: 1000, 128>}]} {
    %get3A = arith.constant 0 : index
    %get3A_0 = arith.constant 0 : index
    %get3A_1 = arith.constant 0 : index
    %get3A_2 = vector.load %arg1[%get3A, %get3A_0, %get3A_1] : memref<2x1000x128xf32, #tpu.memory_space<vmem>>, vector<1x1000x128xf32>
    %get3A_3 = vector.shape_cast %get3A_2 : vector<1x1000x128xf32> to vector<1000x128xf32>
    %get3A_4 = arith.constant 1 : index
    %get3A_5 = arith.constant 0 : index
    %get3A_6 = arith.constant 0 : index
    %get3A_7 = vector.load %arg1[%get3A_4, %get3A_5, %get3A_6] : memref<2x1000x128xf32, #tpu.memory_space<vmem>>, vector<1x1000x128xf32>
    %get3A_8 = vector.shape_cast %get3A_7 : vector<1x1000x128xf32> to vector<1000x128xf32>
    %add3A = arith.constant 1.000000e-16 : f32
    %add3A_9 = vector.broadcast %add3A : f32 to vector<1000x128xf32>
    %add3A_10 = arith.addf %get3A_8, %add3A_9 : vector<1000x128xf32>
    %div3A = arith.divf %get3A_3, %add3A_10 : vector<1000x128xf32>
    %get3A_11 = arith.constant 0 : index
    %get3A_12 = arith.constant 0 : index
    %get3A_13 = vector.load %arg2[%get3A_11, %get3A_12] : memref<1x128xf32, #tpu.memory_space<vmem>>, vector<1x128xf32>
    %add3A_14 = vector.broadcast %get3A_13 : vector<1x128xf32> to vector<1000x128xf32>
    %add3A_15 = arith.addf %div3A, %add3A_14 : vector<1000x128xf32>
    %max3A = arith.constant 0.000000e+00 : f32
    %max3A_16 = vector.broadcast %max3A : f32 to vector<1000x128xf32>
    %max3A_17 = arith.maximumf %add3A_15, %max3A_16 : vector<1000x128xf32>
    %swap3A = arith.constant 0 : index
    %swap3A_18 = arith.constant 0 : index
    %swap3A_19 = vector.load %arg5[%swap3A, %swap3A_18] : memref<1000x128xf32, #tpu.memory_space<vmem>>, vector<1000x128xf32>
    tpu.vector_store %arg5[%swap3A, %swap3A_18], %max3A_17 {strides = array<i32>} : memref<1000x128xf32, #tpu.memory_space<vmem>>, vector<1000x128xf32>,
    %get3A_20 = arith.constant 0 : index
    %get3A_21 = arith.constant 0 : index
    %get3A_22 = vector.load %arg3[%get3A_20, %get3A_21] : memref<128x128xf32, #tpu.memory_space<vmem>>, vector<128x128xf32>
    %dot_general3A = arith.constant dense<0.000000e+00> : vector<1000x128xf32>
    %dot_general3A_23 = tpu.matmul %max3A_17, %get3A_22, %dot_general3A {dimension_numbers = #tpu.dot_dimension_numbers<[1], [0], [0], [1], [0, 0, 1, 1], [], []>, transpose_lhs_hint = false} : vector<1000x128xf32>, vector<128x128xf32>, vector<1000x128xf32> -> vector<1000x128xf32>
    %swap3A_24 = arith.constant 0 : index
    %swap3A_25 = arith.constant 0 : index
    %swap3A_26 = vector.load %arg6[%swap3A_24, %swap3A_25] : memref<1000x128xf32, #tpu.memory_space<vmem>>, vector<1000x128xf32>
    tpu.vector_store %arg6[%swap3A_24, %swap3A_25], %dot_general3A_23 {strides = array<i32>} : memref<1000x128xf32, #tpu.memory_space<vmem>>, vector<1000x128xf32>,
    %get3A_27 = arith.constant 0 : index
    %get3A_28 = arith.constant 0 : index
    %get3A_29 = vector.load %arg4[%get3A_27, %get3A_28] : memref<128x128xf32, #tpu.memory_space<vmem>>, vector<128x128xf32>
    %dot_general3A_30 = arith.constant dense<0.000000e+00> : vector<1000x128xf32>
    %dot_general3A_31 = tpu.matmul %max3A_17, %get3A_29, %dot_general3A_30 {dimension_numbers = #tpu.dot_dimension_numbers<[1], [0], [0], [1], [0, 0, 1, 1], [], []>, transpose_lhs_hint = false} : vector<1000x128xf32>, vector<128x128xf32>, vector<1000x128xf32> -> vector<1000x128xf32>
    %swap3A_32 = arith.constant 0 : index
    %swap3A_33 = arith.constant 0 : index
    %swap3A_34 = vector.load %arg7[%swap3A_32, %swap3A_33] : memref<1000x128xf32, #tpu.memory_space<vmem>>, vector<1000x128xf32>
    tpu.vector_store %arg7[%swap3A_32, %swap3A_33], %dot_general3A_31 {strides = array<i32>} : memref<1000x128xf32, #tpu.memory_space<vmem>>, vector<1000x128xf32>,
    return
  }
  func.func @transform_0(%arg0: i32) -> (i32, i32, i32) {
    %c0_i32 = arith.constant 0 : i32
    %c0_i32_0 = arith.constant 0 : i32
    %c0_i32_1 = arith.constant 0 : i32
    return %c0_i32, %arg0, %c0_i32_0 : i32, i32, i32
  }
  func.func @transform_1(%arg0: i32) -> (i32, i32) {
    %c0_i32 = arith.constant 0 : i32
    %c0_i32_0 = arith.constant 0 : i32
    %c0_i32_1 = arith.constant 0 : i32
    return %c0_i32, %c0_i32_0 : i32, i32
  }
  func.func @transform_2(%arg0: i32) -> (i32, i32) {
    %c0_i32 = arith.constant 0 : i32
    %c0_i32_0 = arith.constant 0 : i32
    %c0_i32_1 = arith.constant 0 : i32
    return %c0_i32, %c0_i32_0 : i32, i32
  }
  func.func @transform_3(%arg0: i32) -> (i32, i32) {
    %c0_i32 = arith.constant 0 : i32
    %c0_i32_0 = arith.constant 0 : i32
    %c0_i32_1 = arith.constant 0 : i32
    return %c0_i32, %c0_i32_0 : i32, i32
  }
  func.func @transform_4(%arg0: i32) -> (i32, i32) {
    %c0_i32 = arith.constant 0 : i32
    %c0_i32_0 = arith.constant 0 : i32
    return %arg0, %c0_i32 : i32, i32
  }
  func.func @transform_5(%arg0: i32) -> (i32, i32) {
    %c0_i32 = arith.constant 0 : i32
    %c0_i32_0 = arith.constant 0 : i32
    return %arg0, %c0_i32 : i32, i32
  }
  func.func @transform_6(%arg0: i32) -> (i32, i32) {
    %c0_i32 = arith.constant 0 : i32
    %c0_i32_0 = arith.constant 0 : i32
    return %arg0, %c0_i32 : i32, i32
  }
}

module attributes {stable_mosaic.version = 14 : i64} {
  func.func @body(%arg0: i32, %arg1: memref<2x1000x128xf32, #tpu.memory_space<vmem>>, %arg2: memref<1x128xf32, #tpu.memory_space<vmem>>, %arg3: memref<1000x128xf32, #tpu.memory_space<vmem>>, %arg4: memref<128x128xf32, #tpu.memory_space<vmem>>, %arg5: memref<128x128xf32, #tpu.memory_space<vmem>>, %arg6: memref<1000x128xf32, #tpu.memory_space<vmem>>, %arg7: memref<1000x128xf32, #tpu.memory_space<vmem>>, %arg8: memref<1000x128xf32, #tpu.memory_space<vmem>>) attributes {dimension_semantics = [#tpu.dimension_semantics<arbitrary>], iteration_bounds = array<i64: 10>, scalar_prefetch = 0 : i64, scratch_operands = 0 : i64, tpu.core_type = #tpu.core_type<tc>, window_params = [{transform_indices = @transform_0, window_bounds = array<i64: 2, 1000, 128>}, {pipeline_mode = #tpu.pipeline_mode<synchronous>, transform_indices = @transform_1, window_bounds = array<i64: 1, 128>}, {transform_indices = @transform_2, window_bounds = array<i64: 1000, 128>}, {pipeline_mode = #tpu.pipeline_mode<synchronous>, transform_indices = @transform_3, window_bounds = array<i64: 128, 128>}, {pipeline_mode = #tpu.pipeline_mode<synchronous>, transform_indices = @transform_4, window_bounds = array<i64: 128, 128>}, {transform_indices = @transform_5, window_bounds = array<i64: 1000, 128>}, {transform_indices = @transform_6, window_bounds = array<i64: 1000, 128>}, {transform_indices = @transform_7, window_bounds = array<i64: 1000, 128>}]} {
    %get3A = arith.constant 0 : index
    %get3A_0 = arith.constant 0 : index
    %get3A_1 = arith.constant 0 : index
    %get3A_2 = vector.load %arg1[%get3A, %get3A_0, %get3A_1] : memref<2x1000x128xf32, #tpu.memory_space<vmem>>, vector<1x1000x128xf32>
    %get3A_3 = vector.shape_cast %get3A_2 : vector<1x1000x128xf32> to vector<1000x128xf32>
    %get3A_4 = arith.constant 1 : index
    %get3A_5 = arith.constant 0 : index
    %get3A_6 = arith.constant 0 : index
    %get3A_7 = vector.load %arg1[%get3A_4, %get3A_5, %get3A_6] : memref<2x1000x128xf32, #tpu.memory_space<vmem>>, vector<1x1000x128xf32>
    %get3A_8 = vector.shape_cast %get3A_7 : vector<1x1000x128xf32> to vector<1000x128xf32>
    %add3A = arith.constant 1.000000e-16 : f32
    %add3A_9 = vector.broadcast %add3A : f32 to vector<1000x128xf32>
    %add3A_10 = arith.addf %get3A_8, %add3A_9 : vector<1000x128xf32>
    %div3A = arith.divf %get3A_3, %add3A_10 : vector<1000x128xf32>
    %get3A_11 = arith.constant 0 : index
    %get3A_12 = arith.constant 0 : index
    %get3A_13 = vector.load %arg2[%get3A_11, %get3A_12] : memref<1x128xf32, #tpu.memory_space<vmem>>, vector<1x128xf32>
    %add3A_14 = vector.broadcast %get3A_13 : vector<1x128xf32> to vector<1000x128xf32>
    %add3A_15 = arith.addf %div3A, %add3A_14 : vector<1000x128xf32>
    %get3A_16 = arith.constant 0 : index
    %get3A_17 = arith.constant 0 : index
    %get3A_18 = vector.load %arg3[%get3A_16, %get3A_17] : memref<1000x128xf32, #tpu.memory_space<vmem>>, vector<1000x128xf32>
    %add3A_19 = arith.addf %add3A_15, %get3A_18 : vector<1000x128xf32>
    %swap3A = arith.constant 0 : index
    %swap3A_20 = arith.constant 0 : index
    %swap3A_21 = vector.load %arg6[%swap3A, %swap3A_20] : memref<1000x128xf32, #tpu.memory_space<vmem>>, vector<1000x128xf32>
    tpu.vector_store %arg6[%swap3A, %swap3A_20], %add3A_19 {strides = array<i32>} : memref<1000x128xf32, #tpu.memory_space<vmem>>, vector<1000x128xf32>,
    %get3A_22 = arith.constant 0 : index
    %get3A_23 = arith.constant 0 : index
    %get3A_24 = vector.load %arg4[%get3A_22, %get3A_23] : memref<128x128xf32, #tpu.memory_space<vmem>>, vector<128x128xf32>
    %dot_general3A = arith.constant dense<0.000000e+00> : vector<1000x128xf32>
    %dot_general3A_25 = tpu.matmul %add3A_19, %get3A_24, %dot_general3A {dimension_numbers = #tpu.dot_dimension_numbers<[1], [0], [0], [1], [0, 0, 1, 1], [], []>, transpose_lhs_hint = false} : vector<1000x128xf32>, vector<128x128xf32>, vector<1000x128xf32> -> vector<1000x128xf32>
    %swap3A_26 = arith.constant 0 : index
    %swap3A_27 = arith.constant 0 : index
    %swap3A_28 = vector.load %arg7[%swap3A_26, %swap3A_27] : memref<1000x128xf32, #tpu.memory_space<vmem>>, vector<1000x128xf32>
    tpu.vector_store %arg7[%swap3A_26, %swap3A_27], %dot_general3A_25 {strides = array<i32>} : memref<1000x128xf32, #tpu.memory_space<vmem>>, vector<1000x128xf32>,
    %get3A_29 = arith.constant 0 : index
    %get3A_30 = arith.constant 0 : index
    %get3A_31 = vector.load %arg5[%get3A_29, %get3A_30] : memref<128x128xf32, #tpu.memory_space<vmem>>, vector<128x128xf32>
    %dot_general3A_32 = arith.constant dense<0.000000e+00> : vector<1000x128xf32>
    %dot_general3A_33 = tpu.matmul %add3A_19, %get3A_31, %dot_general3A_32 {dimension_numbers = #tpu.dot_dimension_numbers<[1], [0], [0], [1], [0, 0, 1, 1], [], []>, transpose_lhs_hint = false} : vector<1000x128xf32>, vector<128x128xf32>, vector<1000x128xf32> -> vector<1000x128xf32>
    %swap3A_34 = arith.constant 0 : index
    %swap3A_35 = arith.constant 0 : index
    %swap3A_36 = vector.load %arg8[%swap3A_34, %swap3A_35] : memref<1000x128xf32, #tpu.memory_space<vmem>>, vector<1000x128xf32>
    tpu.vector_store %arg8[%swap3A_34, %swap3A_35], %dot_general3A_33 {strides = array<i32>} : memref<1000x128xf32, #tpu.memory_space<vmem>>, vector<1000x128xf32>,
    return
  }
  func.func @transform_0(%arg0: i32) -> (i32, i32, i32) {
    %c0_i32 = arith.constant 0 : i32
    %c0_i32_0 = arith.constant 0 : i32
    %c0_i32_1 = arith.constant 0 : i32
    return %c0_i32, %arg0, %c0_i32_0 : i32, i32, i32
  }
  func.func @transform_1(%arg0: i32) -> (i32, i32) {
    %c0_i32 = arith.constant 0 : i32
    %c0_i32_0 = arith.constant 0 : i32
    %c0_i32_1 = arith.constant 0 : i32
    return %c0_i32, %c0_i32_0 : i32, i32
  }
  func.func @transform_2(%arg0: i32) -> (i32, i32) {
    %c0_i32 = arith.constant 0 : i32
    %c0_i32_0 = arith.constant 0 : i32
    return %arg0, %c0_i32 : i32, i32
  }
  func.func @transform_3(%arg0: i32) -> (i32, i32) {
    %c0_i32 = arith.constant 0 : i32
    %c0_i32_0 = arith.constant 0 : i32
    %c0_i32_1 = arith.constant 0 : i32
    return %c0_i32, %c0_i32_0 : i32, i32
  }
  func.func @transform_4(%arg0: i32) -> (i32, i32) {
    %c0_i32 = arith.constant 0 : i32
    %c0_i32_0 = arith.constant 0 : i32
    %c0_i32_1 = arith.constant 0 : i32
    return %c0_i32, %c0_i32_0 : i32, i32
  }
  func.func @transform_5(%arg0: i32) -> (i32, i32) {
    %c0_i32 = arith.constant 0 : i32
    %c0_i32_0 = arith.constant 0 : i32
    return %arg0, %c0_i32 : i32, i32
  }
  func.func @transform_6(%arg0: i32) -> (i32, i32) {
    %c0_i32 = arith.constant 0 : i32
    %c0_i32_0 = arith.constant 0 : i32
    return %arg0, %c0_i32 : i32, i32
  }
  func.func @transform_7(%arg0: i32) -> (i32, i32) {
    %c0_i32 = arith.constant 0 : i32
    %c0_i32_0 = arith.constant 0 : i32
    return %arg0, %c0_i32 : i32, i32
  }
}

module attributes {stable_mosaic.version = 14 : i64} {
  func.func @body(%arg0: i32, %arg1: memref<2x1000x128xf32, #tpu.memory_space<vmem>>, %arg2: memref<1x128xf32, #tpu.memory_space<vmem>>, %arg3: memref<1000x128xf32, #tpu.memory_space<vmem>>) attributes {dimension_semantics = [#tpu.dimension_semantics<arbitrary>], iteration_bounds = array<i64: 10>, scalar_prefetch = 0 : i64, scratch_operands = 0 : i64, tpu.core_type = #tpu.core_type<tc>, window_params = [{transform_indices = @transform_0, window_bounds = array<i64: 2, 1000, 128>}, {pipeline_mode = #tpu.pipeline_mode<synchronous>, transform_indices = @transform_1, window_bounds = array<i64: 1, 128>}, {transform_indices = @transform_2, window_bounds = array<i64: 1000, 128>}]} {
    %get3A = arith.constant 0 : index
    %get3A_0 = arith.constant 0 : index
    %get3A_1 = arith.constant 0 : index
    %get3A_2 = vector.load %arg1[%get3A, %get3A_0, %get3A_1] : memref<2x1000x128xf32, #tpu.memory_space<vmem>>, vector<1x1000x128xf32>
    %get3A_3 = vector.shape_cast %get3A_2 : vector<1x1000x128xf32> to vector<1000x128xf32>
    %get3A_4 = arith.constant 1 : index
    %get3A_5 = arith.constant 0 : index
    %get3A_6 = arith.constant 0 : index
    %get3A_7 = vector.load %arg1[%get3A_4, %get3A_5, %get3A_6] : memref<2x1000x128xf32, #tpu.memory_space<vmem>>, vector<1x1000x128xf32>
    %get3A_8 = vector.shape_cast %get3A_7 : vector<1x1000x128xf32> to vector<1000x128xf32>
    %add3A = arith.constant 1.000000e-16 : f32
    %add3A_9 = vector.broadcast %add3A : f32 to vector<1000x128xf32>
    %add3A_10 = arith.addf %get3A_8, %add3A_9 : vector<1000x128xf32>
    %div3A = arith.divf %get3A_3, %add3A_10 : vector<1000x128xf32>
    %get3A_11 = arith.constant 0 : index
    %get3A_12 = arith.constant 0 : index
    %get3A_13 = vector.load %arg2[%get3A_11, %get3A_12] : memref<1x128xf32, #tpu.memory_space<vmem>>, vector<1x128xf32>
    %add3A_14 = vector.broadcast %get3A_13 : vector<1x128xf32> to vector<1000x128xf32>
    %add3A_15 = arith.addf %div3A, %add3A_14 : vector<1000x128xf32>
    %swap3A = arith.constant 0 : index
    %swap3A_16 = arith.constant 0 : index
    %swap3A_17 = vector.load %arg3[%swap3A, %swap3A_16] : memref<1000x128xf32, #tpu.memory_space<vmem>>, vector<1000x128xf32>
    tpu.vector_store %arg3[%swap3A, %swap3A_16], %add3A_15 {strides = array<i32>} : memref<1000x128xf32, #tpu.memory_space<vmem>>, vector<1000x128xf32>,
    return
  }
  func.func @transform_0(%arg0: i32) -> (i32, i32, i32) {
    %c0_i32 = arith.constant 0 : i32
    %c0_i32_0 = arith.constant 0 : i32
    %c0_i32_1 = arith.constant 0 : i32
    return %c0_i32, %arg0, %c0_i32_0 : i32, i32, i32
  }
  func.func @transform_1(%arg0: i32) -> (i32, i32) {
    %c0_i32 = arith.constant 0 : i32
    %c0_i32_0 = arith.constant 0 : i32
    %c0_i32_1 = arith.constant 0 : i32
    return %c0_i32, %c0_i32_0 : i32, i32
  }
  func.func @transform_2(%arg0: i32) -> (i32, i32) {
    %c0_i32 = arith.constant 0 : i32
    %c0_i32_0 = arith.constant 0 : i32
    return %arg0, %c0_i32 : i32, i32
  }
}

</mosaic_0001>

<sc_bundles>
// kernel: kernel.15.cloned.1.call-start
scs
__scs_entry_jumppad:
0x0: {  	(pc) =	sbr.rel $0x88, $3  }
0x1: {  	(tag) =	ssettag $0x0;
	lr =	simm.s32 $0x1  }
0x2: {  	[smem:$0x3F93] =	sst lr;
	_ =	strace $0xD0000000  }
0x3: {  	_ = 	snop  }
0x4: {  	_ = 	snop  }
0x5: {  	_ = 	snop  }
0x6: {  	_ = 	snop  }
0x7: {  	_ = 	snop  }
__scs_overlays_trampoline_lowered:
0x8: {  	[smem:$0x3FA2] =	sst s0  }
0x9: {  	[smem:$0x3FA3] =	sst s1  }
0xa: {  	[smem:$0x3FA4] =	sst s2  }
0xb: {  	[smem:$0x3FA5] =	sst s3  }
0xc: {  	[smem:$0x3FA6] =	sst s4  }
0xd: {  	[smem:$0x3FA7] =	sst s5  }
0xe: {  	[smem:$0x3FA8] =	sst s6  }
0xf: {  	[smem:$0x3FA9] =	sst s7  }
0x10: {  	[smem:$0x3FAA] =	sst s8  }
0x11: {  	[smem:$0x3FAB] =	sst s9;
	s0 =	simm.s32 @!p0 $0x0  }
0x12: {  	s1 =	sld [smem:$0x3F91];
	s0 =	simm.s32 @p0 $0x1  }
0x13: {  	[smem:$0x3FAC] =	sst s0;
	s0 =	simm.s32 @!p1 $0x0  }
0x14: {  	s2 =	sld [smem:$0x3F90];
	s0 =	simm.s32 @p1 $0x1  }
0x15: {  	[smem:$0x3FAD] =	sst s0;
	s0 =	simm.s32 @!p2 $0x0  }
0x16: {  	s3 =	sld [smem:$0x3FDB];
	s0 =	simm.s32 @p2 $0x1  }
0x17: {  	s4 =	simm.s32 $0x1BF5;
	[smem:$0x3FAF] =	sst s0  }
0x18: {  	s0 =	sld [smem:$0x3F92];
	_ =	swait.ge [sflag:s4], $0x0  }
0x19: {  	s7 =	sld [smem:$0x3F93]  }
0x1a: {  	s8 =	sadd.s32 $0xFFFFE003, lr  }
0x1b: {  	s9 =	sadd.s32 $0xFFFFFEF7, lr;
	s5 =	simm.s32 $0xFFFFFFFF;
	p2 =	slt.u32 s8, $0xFFFFF086  }
0x1c: {  	p1 =	slt.u32 s9, $0xF7A;
	s5 =	simm.s32 @!p2 $0x0  }
0x1d: {  	s5 =	simm.s32 @p1 $0x1;
	p0 =	seq.s32 s7, s2  }
0x1e: {  	s7 =	smul.u32 @!p0 $0xF7A, s2;
	p2 =	seq.s32 @!p0 s5, $0x0  }
0x1f: {  	s9 =	smul.u32 $0xF7A, s1;
	s8 =	simm.s32 @!p0 $0x1BF5;
	p2 =	por !p2, p0  }
0x20: {  	[sflag:s8] =	ssyncset.s32 @!p0 $0xFFFFF086;
	s6 =	sadd.s32 @!p0 s3, s7;
	s7 =	simm.s32 @!p0 $0x108  }
0x21: {  	s3 =	sadd.s32 s3, s9;
	s6 =	sadd.s32 @!p0 $0x88, s6;
	s7 =	simm.s32 @p2 $0x1082  }
0x22: {  	[simem:s7], [sflag:s8] =	dma.local @!p0 [hbm:s6], $0xF7A  }
0x23: {  	s9 =	sor.u32 $0xD0000000, s2;
	s6 =	simm.s32 $0x108;
	_ =	swait.ge @!p0 [sflag:s8], $0x0  }
0x24: {  	s3 =	sadd.s32 $0x88, s3;
	s6 =	simm.s32 @!p1 $0x1082;
	[sflag:s4] =	ssyncset.s32 $0xFFFFF086  }
0x25: {  	[simem:s6], [sflag:s4] =	dma.local [hbm:s3], $0xF7A  }
0x26: {  	[smem:$0x3F93] =	sst s1;
	(tag) =	ssettag s2;
	_ =	strace s9  }
0x27: {  	s1 =	sld [smem:$0x3FA3]  }
0x28: {  	s2 =	sld [smem:$0x3FA4]  }
0x29: {  	s4 =	sld [smem:$0x3FA6]  }
0x2a: {  	p0 =	seq.s32 s5, $0x0;
	s5 =	sld [smem:$0x3FA7]  }
0x2b: {  	s6 =	sld [smem:$0x3FA8]  }
0x2c: {  	s7 =	sld [smem:$0x3FA9]  }
0x2d: {  	s3 =	simm.s32 $0x108;
	s8 =	sld [smem:$0x3FAA]  }
0x2e: {  	s3 =	simm.s32 @!p0 $0x1082;
	s9 =	sld [smem:$0x3FAB]  }
0x2f: {  	lr =	sadd.s32 s0, s3;
	s0 =	sld [smem:$0x3FA2]  }
0x30: {  	s3 =	sld [smem:$0x3FA5]  }
0x31: {  	[smem:$0x3FAE] =	sst s10  }
0x32: {  	s10 =	sld [smem:$0x3FAC];
	_ =	sdelay $0x3  }
0x33: {  	p0 =	seq.s32 s10, $0x1;
	s10 =	sld [smem:$0x3FAE];
	_ =	sdelay $0x3  }
0x34: {  	[smem:$0x3FAE] =	sst s10  }
0x35: {  	s10 =	sld [smem:$0x3FAD];
	_ =	sdelay $0x3  }
0x36: {  	p1 =	seq.s32 s10, $0x1;
	s10 =	sld [smem:$0x3FAE];
	_ =	sdelay $0x3  }
0x37: {  	[smem:$0x3FAE] =	sst s10  }
0x38: {  	s10 =	sld [smem:$0x3FAF]  }
0x39: {  	_ = 	snop;
	(pc) =	sbr.ind lr, $3  }
0x3a: {  	_ = 	snop  }
0x3b: {  	_ = 	snop  }
0x3c: {  	p2 =	seq.s32 s10, $0x1;
	s10 =	sld [smem:$0x3FAE]  }
0x3d: {  	_ =	shalt  }
0x3e: {  	_ =	shalt  }
0x3f: {  	_ =	shalt  }
0x40: {  	_ =	shalt  }
0x41: {  	_ =	shalt  }
0x42: {  	_ =	shalt  }
0x43: {  	_ =	shalt  }
0x44: {  	_ =	shalt  }
0x45: {  	_ =	shalt  }
0x46: {  	_ =	shalt  }
0x47: {  	_ =	shalt  }
0x48: {  	_ =	shalt  }
0x49: {  	_ =	shalt  }
0x4a: {  	_ =	shalt  }
0x4b: {  	_ =	shalt  }
0x4c: {  	_ =	shalt  }
0x4d: {  	_ =	shalt  }
0x4e: {  	_ =	shalt  }
0x4f: {  	_ =	shalt  }
0x50: {  	_ =	shalt  }
0x51: {  	_ =	shalt  }
0x52: {  	_ =	shalt  }
0x53: {  	_ =	shalt  }
0x54: {  	_ =	shalt  }
0x55: {  	_ =	shalt  }
0x56: {  	_ =	shalt  }
0x57: {  	_ =	shalt  }
0x58: {  	_ =	shalt  }
0x59: {  	_ =	shalt  }
0x5a: {  	_ =	shalt  }
0x5b: {  	_ =	shalt  }
0x5c: {  	_ =	shalt  }
0x5d: {  	_ =	shalt  }
0x5e: {  	_ =	shalt  }
0x5f: {  	_ =	shalt  }
0x60: {  	_ =	shalt  }
0x61: {  	_ =	shalt  }
0x62: {  	_ =	shalt  }
0x63: {  	_ =	shalt  }
0x64: {  	_ =	shalt  }
0x65: {  	_ =	shalt  }
0x66: {  	_ =	shalt  }
0x67: {  	_ =	shalt  }
0x68: {  	_ =	shalt  }
0x69: {  	_ =	shalt  }
0x6a: {  	_ =	shalt  }
0x6b: {  	_ =	shalt  }
0x6c: {  	_ =	shalt  }
0x6d: {  	_ =	shalt  }
0x6e: {  	_ =	shalt  }
0x6f: {  	_ =	shalt  }
0x70: {  	_ =	shalt  }
0x71: {  	_ =	shalt  }
0x72: {  	_ =	shalt  }
0x73: {  	_ =	shalt  }
0x74: {  	_ =	shalt  }
0x75: {  	_ =	shalt  }
0x76: {  	_ =	shalt  }
0x77: {  	_ =	shalt  }
0x78: {  	_ =	shalt  }
0x79: {  	_ =	shalt  }
0x7a: {  	_ =	shalt  }
0x7b: {  	_ =	shalt  }
0x7c: {  	_ =	shalt  }
0x7d: {  	_ =	shalt  }
0x7e: {  	_ =	shalt  }
0x7f: {  	_ =	shalt  }
0x80: {  	_ =	shalt  }
0x81: {  	_ =	shalt  }
0x82: {  	_ =	shalt  }
0x83: {  	_ =	shalt  }
0x84: {  	_ =	shalt  }
0x85: {  	_ =	shalt  }
0x86: {  	_ =	shalt  }
0x87: {  	_ =	shalt  }
.Lfunc_end0:
.L_simem_size_0:
called_computation_lowered:
.L_overlay_start_0:
0x88: {  	s2 =	sld [smem:$0x3FD9]  }
0x89: {  	s3 =	sld [smem:$0x3FFE];
	_ =	sdelay $0x1  }
0x8a: {  	s1 =	srdreg.scid  }
0x8b: {  	s0 =	sand.u32 $0x1, s1  }
0x8c: {  	s17 =	sshll.u32 s0, $0xA;
	s2 =	sadd.s32 s3, s2  }
0x8d: {  	s2 =	sadd.s32 s2, s17  }
0x8e: {  	[smem:$0x3FBA] =	sst s2  }
0x8f: {  	_ = 	snop  }
0x90: {  	s2 =	sld [smem:$0x3FD0];
	(tm) =	ssettm $0x1  }
0x91: {  	s18 =	sld [smem:$0x3FFB];
	_ =	sdelay $0x3  }
0x92: {  	_ =	strace s18  }
0x93: {  	s3 =	sld [smem:$0x3FFC];
	_ =	sdelay $0x3  }
0x94: {  	_ =	strace s3  }
0x95: {  	s3 =	sld [smem:$0x3FFD];
	_ =	sdelay $0x3  }
0x96: {  	_ =	strace s3  }
0x97: {  	_ =	strace $0x8FFFFFFF  }
0x98: {  	s19 =	sld [smem:$0x3FDB];
	_ =	sdelay $0x1  }
0x99: {  	s4 =	simm.s32 $_scs_section_size  }
0x9a: {  	s5 =	simm.s32 $_size__tile_overlayer_lowered;
	s6 =	simm.s32 $_tile_overlayer_lowered  }
0x9b: {  	s22 =	simm.s32 $0x1BFF;
	s21 =	sshll.u32 s6, $0x1;
	s3 =	sadd.s32 s4, s19  }
0x9c: {  	s7 =	simm.s32 $0x0;
	s20 =	sshll.u32 s5, $0x1;
	s5 =	sadd.s32 s21, s3  }
0x9d: {  	[timem:s7], [sflag:s22] =	dma.local [hbm:s5], s20  }
0x9e: {  	_ =	swait.ge [sflag:s22], s20  }
0x9f: {  	s4 =	ssub.s32 $0x0, s20;
	[sflag:s22] =	ssyncset.done $0x0  }
0xa0: {  	[sflag:s22] =	ssyncadd.s32 s4;
	_ =	sdelay $0x1  }
0xa1: {  	s23 =	simm.s32 $0x1B8B  }
0xa2: {  	_ =	swait.ge [sflag:s23], $0x1  }
0xa3: {  	[sflag:s23] =	ssyncset.done $0x0  }
0xa4: {  	s25 =	simm.s32 $0x1B8E;
	s24 =	sld [smem:$0x3FFE];
	[sflag:s23] =	ssyncadd.s32 $0xFFFFFFFF  }
0xa5: {  	s26 =	simm.s32 $execute0_lowered;
	[smem:$0x3FD2] =	sst s25  }
0xa6: {  	s5 =	sshll.u32 s26, $0x1;
	_ =	strace $0x80000046;
	[dreg:$0x1] =	wrdreg $0xFFFFFFFF  }
0xa7: {  	s28 =	simm.s32 $_size_execute0_lowered;
	s3 =	sadd.s32 s3, s5;
	[dreg:$0x0] =	wrdreg $0x0  }
0xa8: {  	s5 =	sshll.u32 s28, $0x1;
	[dreg:$0x2] =	wrdreg s3  }
0xa9: {  	[dreg:$0x3] =	wrdreg s5  }
0xaa: {  	[dreg:$0x4] =	wrdreg $0xC0  }
0xab: {  	_ =	task [dreg:s7], $0x5FFFF  }
0xac: {  	[dreg:$0x1] =	wrdreg $0xFFFFFFFF  }
0xad: {  	[dreg:$0x0] =	wrdreg $0x60  }
0xae: {  	[dreg:$0x2] =	wrdreg s2  }
0xaf: {  	[dreg:$0x3] =	wrdreg s24  }
0xb0: {  	[dreg:$0x4] =	wrdreg $0x9  }
0xb1: {  	_ =	task.clear_ibuf [dreg:s7], $0x5FFFF;
	_ =	strace $0x90000046  }
0xb2: {  	s29 =	simm.s32 $0x9;
	_ =	strace $0x80000048  }
0xb3: {  	_ =	swait.ge [sflag:s29], $0x1  }
0xb4: {  	[sflag:s29] =	ssyncadd.s32 $0xFFFFFFFF  }
0xb5: {  	_ =	strace $0x90000048  }
0xb6: {  	_ =	sfence  }
0xb7: {  	s30 =	sld [smem:$0x0];
	_ =	sdelay $0x2  }
0xb8: {  	s31 =	sshll.u32 s1, $0xD;
	s1 =	sshrl.u32 s1, $0x2  }
0xb9: {  	s3 =	sand.u32 $0x4000, s31;
	s1 =	sadd.s32 s1, s30  }
0xba: {  	s0 =	sor.u32 s3, s0;
	s1 =	sshll.u32 s1, $0x11  }
0xbb: {  	s0 =	sor.u32 s1, s0  }
0xbc: {  	s0 =	sadd.s32 $0x8F2B, s0  }
0xbd: {  	[sflag:s0] =	ssyncadd.remote.s32 $0x1  }
0xbe: {  	_ =	sfence.sel $0xFFFF  }
0xbf: {  	[dreg:$0x0] =	wrdreg $0xFFFFFFFF;
	(pc) =	sbr.abs _section_cstart, $3  }
0xc0: {  	[dreg:$0x1] =	wrdreg $0xFFFFFFFF  }
0xc1: {  	_ =	task.clear_ibuf [dreg:s7], $0x2FFFF;
	_ =	strace $0x9FFFFFFF  }
0xc2: {  	(tm) =	ssettm $0x7FFFFFFF  }
0xc3: {  	_ =	shalt  }
tec
execute0_lowered:
.L_overlay_start_1:
0x0: {  	(tag) =	ssettag $0x1  }
0x1: {  	s1 =	rddreg [dreg:$0x0]  }
0x2: {  	s8 =	rddreg [dreg:$0x1]  }
0x3: {  	s0 =	rddreg [dreg:$0x2];
	s2 =	simm.s32 $0x0  }
0x4: {  	s6 =	srdreg.scid;
	s3 =	stileid.u32;
	s18 =	simm.s32 $0x8200  }
0x5: {  	s19 =	simm.s32 $0xC200;
	s20 =	simm.s32 $0x0;
	[smem:$0x7FF] =	sst s2  }
0x6: {  	s4 =	sadd.s32 $0x25E00, s8;
	s5 =	sadd.s32 $0x1AE00, s8;
	s10 =	smul.u32 $0xA0, s3  }
0x7: {  	s9 =	sand.u32 $0x1, s6;
	s7 =	sshll.u32 s3, $0x1;
	s16 =	smul.u32 $0x50000, s3  }
0x8: {  	s6 =	sadd.s32 $0xFE00, s8;
	s12 =	sadd.s32 $0x4D000, s8;
	s11 =	smul.u32 $0x50, s9  }
0x9: {  	s14 =	sadd.s32 $0x54D000, s8;
	s7 =	sor.u32 s9, s7;
	s17 =	smul.u32 $0x28000, s9  }
0xa: {  	_ =	strace $0x80000047;
	s13 =	ssub.s32 $0x2, s9;
	s7 =	smul.u32 $0x2C00, s7  }
0xb: {  	s26 =	sshrl.u32 s13, $0x1;
	s31 =	sadd.s32 s16, s14;
	s10 =	sadd.s32 s11, s10  }
0xc: {  	s28 =	ssub.s32 s13, s26;
	s11 =	simm.s32 $0x2;
	s29 =	sshrl.u32 s7, $0x3  }
0xd: {  	s13 =	simm.s32 $0x200;
	s10 =	sshll.u32 s10, $0xB;
	s8 =	sadd.s32 s5, s29  }
0xe: {  	s15 =	sadd.s32 s10, s12;
	s10 =	sadd.s32 s10, s14;
	s12 =	sadd.s32 s16, s12  }
0xf: {  	s9 =	sadd.s32 s6, s29;
	s14 =	simm.s32 $0x4200;
	s15 =	sadd.s32 $0x800, s15  }
0x10: {  	s16 =	simm.s32 $0x100;
	s30 =	sadd.s32 $0x800, s10;
	[dreg:$0x3] =	wrdreg s15  }
0x11: {  	s10 =	sadd.s32 s17, s31;
	s12 =	sadd.s32 s17, s12;
	[dreg:$0x4] =	wrdreg s30  }
0x12: {  	s17 =	simm.s32 $0x180;
	[dreg:$0x5] =	wrdreg s10;
	s10 =	smax.u32 s28, $0x1  }
0x13: {  	[dreg:$0x6] =	wrdreg s12;
	s12 =	simm.s32 $0x80;
	s15 =	simm.s32 $0x1  }
.LBB2_1:
0x14: {  	[tilespmem:s2], [sflag:$0x2] =	stream.linear.gather [hbm4b:s8+s2], $0x80, $0x38;
	[tilespmem:$0x10200] =	vst v63  }
0x15: {  	_ =	swait.ge [sflag:s11], $0x80  }
0x16: {  	[sflag:s11] =	ssyncset.done $0x0  }
0x17: {  	[sflag:s11] =	ssyncadd.s32 $0xFFFFFF80  }
0x18: {  	[tilespmem:s12], [sflag:$0x2] =	stream.linear.gather [hbm4b:s9+s2], $0x80, $0x38;
	[tilespmem:$0x10200] =	vst v63  }
0x19: {  	_ =	swait.ge [sflag:s11], $0x80  }
0x1a: {  	[sflag:s11] =	ssyncset.done $0x0  }
0x1b: {  	[sflag:s11] =	ssyncadd.s32 $0xFFFFFF80  }
0x1c: {  	[tilespmem:s13], [sflag:$0x1] =	stream.indirect.gather [hbm4b:s1+s12], $0x80, s2, s12, $0xb8;
	[tilespmem:$0x10200] =	vst v63  }
0x1d: {  	_ = 	snop  }
0x1e: {  	[tilespmem:s14], [sflag:$0x1] =	stream.indirect.gather [hbm4b:s4+s12], $0x80, s12, s12, $0xb8;
	[tilespmem:$0x10200] =	vst v63  }
0x1f: {  	s21 =	simm.s32 $0x0;
	_ =	swait.ge [sflag:s15], $0x4000  }
0x20: {  	s22 =	simm.s32 $0x80;
	s21 =	sand.u32 $0x3C00, s21;
	[sflag:s15] =	ssyncset.done $0x0  }
0x21: {  	s22 =	sand.u32 $0x380, s22;
	s21 =	sadd.s32 s7, s21;
	[sflag:s15] =	ssyncadd.s32 $0xFFFFC000  }
0x22: {  	s21 =	sor.u32 s21, s22;
	_ =	swait.ge [sflag:s15], $0x4000  }
0x23: {  	s21 =	sshrl.u32 s21, $0x3;
	[sflag:s15] =	ssyncset.done $0x0  }
0x24: {  	s31 =	sadd.s32 s5, s21;
	[sflag:s15] =	ssyncadd.s32 $0xFFFFC000  }
0x25: {  	[tilespmem:s16], [sflag:$0x2] =	stream.linear.gather [hbm4b:s31+s2], $0x80, $0x38;
	[tilespmem:$0x10200] =	vst v63  }
0x26: {  	_ =	swait.ge [sflag:s11], $0x80  }
0x27: {  	[sflag:s11] =	ssyncset.done $0x0  }
0x28: {  	s21 =	sadd.s32 s6, s21;
	[sflag:s11] =	ssyncadd.s32 $0xFFFFFF80  }
0x29: {  	[tilespmem:s17], [sflag:$0x2] =	stream.linear.gather [hbm4b:s21+s2], $0x80, $0x38;
	[tilespmem:$0x10200] =	vst v63  }
0x2a: {  	_ =	swait.ge [sflag:s11], $0x80  }
0x2b: {  	[sflag:s11] =	ssyncset.done $0x0  }
0x2c: {  	[sflag:s11] =	ssyncadd.s32 $0xFFFFFF80  }
0x2d: {  	[tilespmem:s18], [sflag:$0x1] =	stream.indirect.gather [hbm4b:s1+s12], $0x80, s16, s12, $0xb8;
	[tilespmem:$0x10200] =	vst v63  }
0x2e: {  	s23 =	rddreg [dreg:$0x6]  }
0x2f: {  	[tilespmem:s19], [sflag:$0x1] =	stream.indirect.gather [hbm4b:s4+s12], $0x80, s17, s12, $0xb8;
	[tilespmem:$0x10200] =	vst v63  }
0x30: {  	s21 =	sadd.s32 $0x0, s23  }
0x31: {  	[hbm4b:s21+s2] =	stream.linear.scatter [tilespmem:s13], [sflag:$0x2], $0x4000, $0x38;
	[tilespmem:$0x10200] =	vst v63  }
0x32: {  	_ =	swait.ge [sflag:s11], $0x4000  }
0x33: {  	s24 =	rddreg [dreg:$0x5];
	[sflag:s11] =	ssyncset.done $0x0  }
0x34: {  	[sflag:s11] =	ssyncadd.s32 $0xFFFFC000;
	s21 =	sadd.s32 $0x0, s24  }
0x35: {  	[hbm4b:s21+s2] =	stream.linear.scatter [tilespmem:s14], [sflag:$0x2], $0x4000, $0x38;
	[tilespmem:$0x10200] =	vst v63  }
0x36: {  	_ =	swait.ge [sflag:s11], $0x4000  }
0x37: {  	[sflag:s11] =	ssyncset.done $0x0  }
0x38: {  	[sflag:s11] =	ssyncadd.s32 $0xFFFFC000  }
0x39: {  	_ =	swait.ge [sflag:s15], $0x4000  }
0x3a: {  	s25 =	sand.u32 $0x7C00, s16;
	[sflag:s15] =	ssyncset.done $0x0  }
0x3b: {  	s26 =	sand.u32 $0x300, s16;
	s21 =	sadd.s32 s7, s25;
	[sflag:s15] =	ssyncadd.s32 $0xFFFFC000  }
0x3c: {  	s21 =	sor.u32 s26, s21;
	_ =	swait.ge [sflag:s15], $0x4000  }
0x3d: {  	s21 =	sshrl.u32 s21, $0x3;
	[sflag:s15] =	ssyncset.done $0x0  }
0x3e: {  	s28 =	sadd.s32 s5, s21;
	[sflag:s15] =	ssyncadd.s32 $0xFFFFC000  }
0x3f: {  	[tilespmem:s2], [sflag:$0x2] =	stream.linear.gather [hbm4b:s28+s2], $0x80, $0x38;
	[tilespmem:$0x10200] =	vst v63  }
0x40: {  	_ =	swait.ge [sflag:s11], $0x80  }
0x41: {  	[sflag:s11] =	ssyncset.done $0x0  }
0x42: {  	s21 =	sadd.s32 s6, s21;
	[sflag:s11] =	ssyncadd.s32 $0xFFFFFF80  }
0x43: {  	[tilespmem:s12], [sflag:$0x2] =	stream.linear.gather [hbm4b:s21+s2], $0x80, $0x38;
	[tilespmem:$0x10200] =	vst v63  }
0x44: {  	_ =	swait.ge [sflag:s11], $0x80  }
0x45: {  	[sflag:s11] =	ssyncset.done $0x0  }
0x46: {  	[sflag:s11] =	ssyncadd.s32 $0xFFFFFF80  }
0x47: {  	[tilespmem:s13], [sflag:$0x1] =	stream.indirect.gather [hbm4b:s1+s12], $0x80, s2, s12, $0xb8;
	[tilespmem:$0x10200] =	vst v63  }
0x48: {  	s29 =	rddreg [dreg:$0x3]  }
0x49: {  	[tilespmem:s14], [sflag:$0x1] =	stream.indirect.gather [hbm4b:s4+s12], $0x80, s12, s12, $0xb8;
	[tilespmem:$0x10200] =	vst v63  }
0x4a: {  	s21 =	sadd.s32 $0x0, s29  }
0x4b: {  	[hbm4b:s21+s2] =	stream.linear.scatter [tilespmem:s18], [sflag:$0x2], $0x4000, $0x38;
	[tilespmem:$0x10200] =	vst v63  }
0x4c: {  	_ =	swait.ge [sflag:s11], $0x4000  }
0x4d: {  	s30 =	rddreg [dreg:$0x4];
	[sflag:s11] =	ssyncset.done $0x0  }
0x4e: {  	[sflag:s11] =	ssyncadd.s32 $0xFFFFC000;
	s21 =	sadd.s32 $0x0, s30  }
0x4f: {  	[hbm4b:s21+s2] =	stream.linear.scatter [tilespmem:s19], [sflag:$0x2], $0x4000, $0x38;
	[tilespmem:$0x10200] =	vst v63  }
0x50: {  	_ =	swait.ge [sflag:s11], $0x4000  }
0x51: {  	[sflag:s11] =	ssyncset.done $0x0  }
0x52: {  	s31 =	simm.s32 $0x100;
	[sflag:s11] =	ssyncadd.s32 $0xFFFFC000  }
0x53: {  	s22 =	sand.u32 $0x3C00, s31;
	_ =	swait.ge [sflag:s15], $0x4000  }
0x54: {  	s22 =	sadd.s32 s7, s22;
	s23 =	simm.s32 $0x180;
	[sflag:s15] =	ssyncset.done $0x0  }
0x55: {  	s24 =	sand.u32 $0x380, s23;
	s23 =	simm.s32 $0x2000;
	[sflag:s15] =	ssyncadd.s32 $0xFFFFC000  }
0x56: {  	s24 =	sor.u32 s22, s24;
	s22 =	simm.s32 $0x200;
	_ =	swait.ge [sflag:s15], $0x4000  }
0x57: {  	s25 =	sshrl.u32 s24, $0x3;
	s21 =	simm.s32 $0x1000;
	[sflag:s15] =	ssyncset.done $0x0  }
.LBB2_2:
0x58: {  	s24 =	sadd.s32 s5, s25;
	[sflag:s15] =	ssyncadd.s32 $0xFFFFC000  }
0x59: {  	[tilespmem:s16], [sflag:$0x2] =	stream.linear.gather [hbm4b:s24+s2], $0x80, $0x38;
	[tilespmem:$0x10200] =	vst v63  }
0x5a: {  	_ =	swait.ge [sflag:s11], $0x80  }
0x5b: {  	[sflag:s11] =	ssyncset.done $0x0  }
0x5c: {  	s26 =	sadd.s32 s6, s25;
	[sflag:s11] =	ssyncadd.s32 $0xFFFFFF80  }
0x5d: {  	[tilespmem:s17], [sflag:$0x2] =	stream.linear.gather [hbm4b:s26+s2], $0x80, $0x38;
	[tilespmem:$0x10200] =	vst v63  }
0x5e: {  	_ =	swait.ge [sflag:s11], $0x80  }
0x5f: {  	[sflag:s11] =	ssyncset.done $0x0  }
0x60: {  	[sflag:s11] =	ssyncadd.s32 $0xFFFFFF80  }
0x61: {  	[tilespmem:s18], [sflag:$0x1] =	stream.indirect.gather [hbm4b:s1+s12], $0x80, s16, s12, $0xb8;
	[tilespmem:$0x10200] =	vst v63  }
0x62: {  	s28 =	rddreg [dreg:$0x6]  }
0x63: {  	[tilespmem:s19], [sflag:$0x1] =	stream.indirect.gather [hbm4b:s4+s12], $0x80, s17, s12, $0xb8;
	[tilespmem:$0x10200] =	vst v63  }
0x64: {  	s25 =	sadd.s32 s21, s28  }
0x65: {  	[hbm4b:s25+s2] =	stream.linear.scatter [tilespmem:s13], [sflag:$0x2], $0x4000, $0x38;
	[tilespmem:$0x10200] =	vst v63  }
0x66: {  	_ =	swait.ge [sflag:s11], $0x4000  }
0x67: {  	s29 =	rddreg [dreg:$0x5];
	[sflag:s11] =	ssyncset.done $0x0  }
0x68: {  	[sflag:s11] =	ssyncadd.s32 $0xFFFFC000;
	s25 =	sadd.s32 s21, s29  }
0x69: {  	[hbm4b:s25+s2] =	stream.linear.scatter [tilespmem:s14], [sflag:$0x2], $0x4000, $0x38;
	[tilespmem:$0x10200] =	vst v63  }
0x6a: {  	_ =	swait.ge [sflag:s11], $0x4000  }
0x6b: {  	[sflag:s11] =	ssyncset.done $0x0  }
0x6c: {  	[sflag:s11] =	ssyncadd.s32 $0xFFFFC000  }
0x6d: {  	_ =	swait.ge [sflag:s15], $0x4000  }
0x6e: {  	s30 =	sand.u32 $0x7C00, s22;
	[sflag:s15] =	ssyncset.done $0x0  }
0x6f: {  	s26 =	sand.u32 $0x300, s22;
	s25 =	sadd.s32 s7, s30;
	[sflag:s15] =	ssyncadd.s32 $0xFFFFC000  }
0x70: {  	s25 =	sor.u32 s26, s25;
	_ =	swait.ge [sflag:s15], $0x4000  }
0x71: {  	s25 =	sshrl.u32 s25, $0x3;
	[sflag:s15] =	ssyncset.done $0x0  }
0x72: {  	s31 =	sadd.s32 s5, s25;
	[sflag:s15] =	ssyncadd.s32 $0xFFFFC000  }
0x73: {  	[tilespmem:s2], [sflag:$0x2] =	stream.linear.gather [hbm4b:s31+s2], $0x80, $0x38;
	[tilespmem:$0x10200] =	vst v63  }
0x74: {  	_ =	swait.ge [sflag:s11], $0x80  }
0x75: {  	[sflag:s11] =	ssyncset.done $0x0  }
0x76: {  	s25 =	sadd.s32 s6, s25;
	[sflag:s11] =	ssyncadd.s32 $0xFFFFFF80  }
0x77: {  	[tilespmem:s12], [sflag:$0x2] =	stream.linear.gather [hbm4b:s25+s2], $0x80, $0x38;
	[tilespmem:$0x10200] =	vst v63  }
0x78: {  	_ =	swait.ge [sflag:s11], $0x80  }
0x79: {  	[sflag:s11] =	ssyncset.done $0x0  }
0x7a: {  	[sflag:s11] =	ssyncadd.s32 $0xFFFFFF80  }
0x7b: {  	[tilespmem:s13], [sflag:$0x1] =	stream.indirect.gather [hbm4b:s1+s12], $0x80, s2, s12, $0xb8;
	[tilespmem:$0x10200] =	vst v63  }
0x7c: {  	s28 =	rddreg [dreg:$0x3]  }
0x7d: {  	[tilespmem:s14], [sflag:$0x1] =	stream.indirect.gather [hbm4b:s4+s12], $0x80, s12, s12, $0xb8;
	[tilespmem:$0x10200] =	vst v63  }
0x7e: {  	s25 =	sadd.s32 s21, s28  }
0x7f: {  	[hbm4b:s25+s2] =	stream.linear.scatter [tilespmem:s18], [sflag:$0x2], $0x4000, $0x38;
	[tilespmem:$0x10200] =	vst v63  }
0x80: {  	_ =	swait.ge [sflag:s11], $0x4000  }
0x81: {  	s29 =	rddreg [dreg:$0x4];
	[sflag:s11] =	ssyncset.done $0x0  }
0x82: {  	[sflag:s11] =	ssyncadd.s32 $0xFFFFC000;
	s25 =	sadd.s32 s21, s29  }
0x83: {  	[hbm4b:s25+s2] =	stream.linear.scatter [tilespmem:s19], [sflag:$0x2], $0x4000, $0x38;
	[tilespmem:$0x10200] =	vst v63  }
0x84: {  	_ =	swait.ge [sflag:s11], $0x4000  }
0x85: {  	p0 =	sne.s32 s23, $0x27000;
	s22 =	sadd.s32 $0x100, s22;
	[sflag:s11] =	ssyncset.done $0x0  }
0x86: {  	s24 =	smov.u32 s23;
	s30 =	sadd.s32 $0xFFFFFF00, s22;
	[sflag:s11] =	ssyncadd.s32 $0xFFFFC000  }
.Ltmp0:
0x87: {  	s31 =	sadd.s32 $0xFFFFFF80, s22;
	_ =	swait.ge [sflag:s15], $0x4000;
	(pc) =	sbr.rel @p0 .LBB2_2-.Ltmp0, $4  }
0x88: {  	s21 =	smov.u32 s24;
	s24 =	sand.u32 $0x3C00, s30;
	[sflag:s15] =	ssyncset.done $0x0  }
0x89: {  	s24 =	sadd.s32 s7, s24;
	s25 =	sand.u32 $0x380, s31;
	[sflag:s15] =	ssyncadd.s32 $0xFFFFC000  }
0x8a: {  	s24 =	sor.u32 s24, s25;
	_ =	swait.ge [sflag:s15], $0x4000  }
0x8b: {  	s23 =	sadd.s32 $0x1000, s23;
	s25 =	sshrl.u32 s24, $0x3;
	[sflag:s15] =	ssyncset.done $0x0  }
0x8c: {  	s23 =	sadd.s32 s5, s25;
	[sflag:s15] =	ssyncadd.s32 $0xFFFFC000  }
0x8d: {  	[tilespmem:s16], [sflag:$0x2] =	stream.linear.gather [hbm4b:s23+s2], $0x80, $0x38;
	[tilespmem:$0x10200] =	vst v63  }
0x8e: {  	_ =	swait.ge [sflag:s11], $0x80  }
0x8f: {  	[sflag:s11] =	ssyncset.done $0x0  }
0x90: {  	s30 =	sadd.s32 s6, s25;
	[sflag:s11] =	ssyncadd.s32 $0xFFFFFF80  }
0x91: {  	[tilespmem:s17], [sflag:$0x2] =	stream.linear.gather [hbm4b:s30+s2], $0x80, $0x38;
	[tilespmem:$0x10200] =	vst v63  }
0x92: {  	_ =	swait.ge [sflag:s11], $0x80  }
0x93: {  	[sflag:s11] =	ssyncset.done $0x0  }
0x94: {  	[sflag:s11] =	ssyncadd.s32 $0xFFFFFF80  }
0x95: {  	[tilespmem:s18], [sflag:$0x1] =	stream.indirect.gather [hbm4b:s1+s12], $0x80, s16, s12, $0xb8;
	[tilespmem:$0x10200] =	vst v63  }
0x96: {  	s31 =	rddreg [dreg:$0x6]  }
0x97: {  	[tilespmem:s19], [sflag:$0x1] =	stream.indirect.gather [hbm4b:s4+s12], $0x80, s17, s12, $0xb8;
	[tilespmem:$0x10200] =	vst v63  }
0x98: {  	s23 =	sadd.s32 s21, s31  }
0x99: {  	[hbm4b:s23+s2] =	stream.linear.scatter [tilespmem:s13], [sflag:$0x2], $0x4000, $0x38;
	[tilespmem:$0x10200] =	vst v63  }
0x9a: {  	_ =	swait.ge [sflag:s11], $0x4000  }
0x9b: {  	s24 =	rddreg [dreg:$0x5];
	[sflag:s11] =	ssyncset.done $0x0  }
0x9c: {  	[sflag:s11] =	ssyncadd.s32 $0xFFFFC000;
	s23 =	sadd.s32 s21, s24  }
0x9d: {  	[hbm4b:s23+s2] =	stream.linear.scatter [tilespmem:s14], [sflag:$0x2], $0x4000, $0x38;
	[tilespmem:$0x10200] =	vst v63  }
0x9e: {  	_ =	swait.ge [sflag:s11], $0x4000  }
0x9f: {  	[sflag:s11] =	ssyncset.done $0x0  }
0xa0: {  	[sflag:s11] =	ssyncadd.s32 $0xFFFFC000  }
0xa1: {  	_ =	swait.ge [sflag:s15], $0x4000  }
0xa2: {  	s25 =	sand.u32 $0x7C00, s22;
	[sflag:s15] =	ssyncset.done $0x0  }
0xa3: {  	s26 =	sand.u32 $0x300, s22;
	s23 =	sadd.s32 s7, s25;
	[sflag:s15] =	ssyncadd.s32 $0xFFFFC000  }
0xa4: {  	s22 =	sor.u32 s26, s23;
	_ =	swait.ge [sflag:s15], $0x4000  }
0xa5: {  	s22 =	sshrl.u32 s22, $0x3;
	[sflag:s15] =	ssyncset.done $0x0  }
0xa6: {  	s28 =	sadd.s32 s5, s22;
	[sflag:s15] =	ssyncadd.s32 $0xFFFFC000  }
0xa7: {  	[tilespmem:s2], [sflag:$0x2] =	stream.linear.gather [hbm4b:s28+s2], $0x80, $0x38;
	[tilespmem:$0x10200] =	vst v63  }
0xa8: {  	_ =	swait.ge [sflag:s11], $0x80  }
0xa9: {  	[sflag:s11] =	ssyncset.done $0x0  }
0xaa: {  	s22 =	sadd.s32 s6, s22;
	[sflag:s11] =	ssyncadd.s32 $0xFFFFFF80  }
0xab: {  	[tilespmem:s12], [sflag:$0x2] =	stream.linear.gather [hbm4b:s22+s2], $0x80, $0x38;
	[tilespmem:$0x10200] =	vst v63  }
0xac: {  	_ =	swait.ge [sflag:s11], $0x80  }
0xad: {  	[sflag:s11] =	ssyncset.done $0x0  }
0xae: {  	[sflag:s11] =	ssyncadd.s32 $0xFFFFFF80  }
0xaf: {  	[tilespmem:s13], [sflag:$0x1] =	stream.indirect.gather [hbm4b:s1+s12], $0x80, s2, s12, $0xb8;
	[tilespmem:$0x10200] =	vst v63  }
0xb0: {  	s29 =	rddreg [dreg:$0x3]  }
0xb1: {  	[tilespmem:s14], [sflag:$0x1] =	stream.indirect.gather [hbm4b:s4+s12], $0x80, s12, s12, $0xb8;
	[tilespmem:$0x10200] =	vst v63  }
0xb2: {  	s22 =	sadd.s32 s21, s29  }
0xb3: {  	[hbm4b:s22+s2] =	stream.linear.scatter [tilespmem:s18], [sflag:$0x2], $0x4000, $0x38;
	[tilespmem:$0x10200] =	vst v63  }
0xb4: {  	_ =	swait.ge [sflag:s11], $0x4000  }
0xb5: {  	s30 =	rddreg [dreg:$0x4];
	[sflag:s11] =	ssyncset.done $0x0  }
0xb6: {  	[sflag:s11] =	ssyncadd.s32 $0xFFFFC000;
	s31 =	sadd.s32 s21, s30  }
0xb7: {  	[hbm4b:s31+s2] =	stream.linear.scatter [tilespmem:s19], [sflag:$0x2], $0x4000, $0x38;
	[tilespmem:$0x10200] =	vst v63  }
0xb8: {  	_ =	swait.ge [sflag:s11], $0x4000  }
0xb9: {  	[sflag:s11] =	ssyncset.done $0x0  }
0xba: {  	s20 =	sadd.s32 $0x1, s20;
	[sflag:s11] =	ssyncadd.s32 $0xFFFFC000  }
0xbb: {  	p0 =	sne.s32 s20, s10;
	_ =	swait.ge [sflag:s15], $0x4000  }
.Ltmp1:
0xbc: {  	[sflag:s15] =	ssyncset.done $0x0;
	(pc) =	sbr.rel @p0 .LBB2_1-.Ltmp1, $4  }
0xbd: {  	[sflag:s15] =	ssyncadd.s32 $0xFFFFC000  }
0xbe: {  	_ =	swait.ge [sflag:s15], $0x4000  }
0xbf: {  	[sflag:s15] =	ssyncset.done $0x0  }
0xc0: {  	[sflag:s15] =	ssyncadd.s32 $0xFFFFC000  }
0xc1: {  	_ =	sfence.sel $0x180000  }
0xc2: {  	[bflag:$0x0] =	sbarrier.arrive $0xFFFF  }
0xc3: {  	p0 =	sne.s32 s3, $0x0;
	_ =	strace $0x90000047  }
0xc4: {  	s0 =	sadd.s32 @!p0 $0x100000, s0;
	[bflag:$0x2] =	sbarrier.arrive $0xFFFF  }
0xc5: {  	[sflag:s0] =	ssyncadd.tile.s32 @!p0 $0x1;
	_ =	shalt  }
.Lfunc_end2:
_tile_overlayer_lowered:
.L_overlay_start_2:
0xc6: {  	(tag) =	ssettag $0x2  }
0xc7: {  	s0 =	rddreg [dreg:$0x0];
	s2 =	stileid.u32  }
0xc8: {  	s1 =	rddreg [dreg:$0x1];
	p0 =	sne.s32 s2, $0x0  }
0xc9: {  	s3 =	rddreg [dreg:$0x2];
	[bflag:$0x3] =	sbarrier.arrive $0xFFFF;
	s2 =	simm.s32 @!p0 $0x1C02  }
0xca: {  	[timem:s3], [sflag:s2] =	dma.local @!p0 [hbm:s0], s1  }
0xcb: {  	s0 =	simm.s32 @!p0 $0x2  }
0xcc: {  	_ =	swait.ge @!p0 [sflag:s0], s1  }
0xcd: {  	s1 =	ssub.s32 @!p0 $0x0, s1;
	[sflag:s0] =	ssyncset.done @!p0 $0x0  }
0xce: {  	[sflag:s0] =	ssyncadd.s32 @!p0 s1  }
0xcf: {  	[bflag:$0x3] =	sbarrier.arrive $0xFFFF  }
0xd0: {  	_ =	shalt  }

// kernel: kernel.18.cloned.1.call-start
scs
__scs_entry_jumppad:
0x0: {  	(pc) =	sbr.rel $0x88, $3  }
0x1: {  	(tag) =	ssettag $0x0;
	lr =	simm.s32 $0x1  }
0x2: {  	[smem:$0x3F93] =	sst lr;
	_ =	strace $0xD0000000  }
0x3: {  	_ = 	snop  }
0x4: {  	_ = 	snop  }
0x5: {  	_ = 	snop  }
0x6: {  	_ = 	snop  }
0x7: {  	_ = 	snop  }
__scs_overlays_trampoline_lowered:
0x8: {  	[smem:$0x3FA2] =	sst s0  }
0x9: {  	[smem:$0x3FA3] =	sst s1  }
0xa: {  	[smem:$0x3FA4] =	sst s2  }
0xb: {  	[smem:$0x3FA5] =	sst s3  }
0xc: {  	[smem:$0x3FA6] =	sst s4  }
0xd: {  	[smem:$0x3FA7] =	sst s5  }
0xe: {  	[smem:$0x3FA8] =	sst s6  }
0xf: {  	[smem:$0x3FA9] =	sst s7  }
0x10: {  	[smem:$0x3FAA] =	sst s8  }
0x11: {  	[smem:$0x3FAB] =	sst s9;
	s0 =	simm.s32 @!p0 $0x0  }
0x12: {  	s1 =	sld [smem:$0x3F91];
	s0 =	simm.s32 @p0 $0x1  }
0x13: {  	[smem:$0x3FAC] =	sst s0;
	s0 =	simm.s32 @!p1 $0x0  }
0x14: {  	s2 =	sld [smem:$0x3F90];
	s0 =	simm.s32 @p1 $0x1  }
0x15: {  	[smem:$0x3FAD] =	sst s0;
	s0 =	simm.s32 @!p2 $0x0  }
0x16: {  	s3 =	sld [smem:$0x3FDB];
	s0 =	simm.s32 @p2 $0x1  }
0x17: {  	s4 =	simm.s32 $0x1BF5;
	[smem:$0x3FAF] =	sst s0  }
0x18: {  	s0 =	sld [smem:$0x3F92];
	_ =	swait.ge [sflag:s4], $0x0  }
0x19: {  	s7 =	sld [smem:$0x3F93]  }
0x1a: {  	s8 =	sadd.s32 $0xFFFFE003, lr  }
0x1b: {  	s9 =	sadd.s32 $0xFFFFFEF7, lr;
	s5 =	simm.s32 $0xFFFFFFFF;
	p2 =	slt.u32 s8, $0xFFFFF086  }
0x1c: {  	p1 =	slt.u32 s9, $0xF7A;
	s5 =	simm.s32 @!p2 $0x0  }
0x1d: {  	s5 =	simm.s32 @p1 $0x1;
	p0 =	seq.s32 s7, s2  }
0x1e: {  	s7 =	smul.u32 @!p0 $0xF7A, s2;
	p2 =	seq.s32 @!p0 s5, $0x0  }
0x1f: {  	s9 =	smul.u32 $0xF7A, s1;
	s8 =	simm.s32 @!p0 $0x1BF5;
	p2 =	por !p2, p0  }
0x20: {  	[sflag:s8] =	ssyncset.s32 @!p0 $0xFFFFF086;
	s6 =	sadd.s32 @!p0 s3, s7;
	s7 =	simm.s32 @!p0 $0x108  }
0x21: {  	s3 =	sadd.s32 s3, s9;
	s6 =	sadd.s32 @!p0 $0x88, s6;
	s7 =	simm.s32 @p2 $0x1082  }
0x22: {  	[simem:s7], [sflag:s8] =	dma.local @!p0 [hbm:s6], $0xF7A  }
0x23: {  	s9 =	sor.u32 $0xD0000000, s2;
	s6 =	simm.s32 $0x108;
	_ =	swait.ge @!p0 [sflag:s8], $0x0  }
0x24: {  	s3 =	sadd.s32 $0x88, s3;
	s6 =	simm.s32 @!p1 $0x1082;
	[sflag:s4] =	ssyncset.s32 $0xFFFFF086  }
0x25: {  	[simem:s6], [sflag:s4] =	dma.local [hbm:s3], $0xF7A  }
0x26: {  	[smem:$0x3F93] =	sst s1;
	(tag) =	ssettag s2;
	_ =	strace s9  }
0x27: {  	s1 =	sld [smem:$0x3FA3]  }
0x28: {  	s2 =	sld [smem:$0x3FA4]  }
0x29: {  	s4 =	sld [smem:$0x3FA6]  }
0x2a: {  	p0 =	seq.s32 s5, $0x0;
	s5 =	sld [smem:$0x3FA7]  }
0x2b: {  	s6 =	sld [smem:$0x3FA8]  }
0x2c: {  	s7 =	sld [smem:$0x3FA9]  }
0x2d: {  	s3 =	simm.s32 $0x108;
	s8 =	sld [smem:$0x3FAA]  }
0x2e: {  	s3 =	simm.s32 @!p0 $0x1082;
	s9 =	sld [smem:$0x3FAB]  }
0x2f: {  	lr =	sadd.s32 s0, s3;
	s0 =	sld [smem:$0x3FA2]  }
0x30: {  	s3 =	sld [smem:$0x3FA5]  }
0x31: {  	[smem:$0x3FAE] =	sst s10  }
0x32: {  	s10 =	sld [smem:$0x3FAC];
	_ =	sdelay $0x3  }
0x33: {  	p0 =	seq.s32 s10, $0x1;
	s10 =	sld [smem:$0x3FAE];
	_ =	sdelay $0x3  }
0x34: {  	[smem:$0x3FAE] =	sst s10  }
0x35: {  	s10 =	sld [smem:$0x3FAD];
	_ =	sdelay $0x3  }
0x36: {  	p1 =	seq.s32 s10, $0x1;
	s10 =	sld [smem:$0x3FAE];
	_ =	sdelay $0x3  }
0x37: {  	[smem:$0x3FAE] =	sst s10  }
0x38: {  	s10 =	sld [smem:$0x3FAF]  }
0x39: {  	_ = 	snop;
	(pc) =	sbr.ind lr, $3  }
0x3a: {  	_ = 	snop  }
0x3b: {  	_ = 	snop  }
0x3c: {  	p2 =	seq.s32 s10, $0x1;
	s10 =	sld [smem:$0x3FAE]  }
0x3d: {  	_ =	shalt  }
0x3e: {  	_ =	shalt  }
0x3f: {  	_ =	shalt  }
0x40: {  	_ =	shalt  }
0x41: {  	_ =	shalt  }
0x42: {  	_ =	shalt  }
0x43: {  	_ =	shalt  }
0x44: {  	_ =	shalt  }
0x45: {  	_ =	shalt  }
0x46: {  	_ =	shalt  }
0x47: {  	_ =	shalt  }
0x48: {  	_ =	shalt  }
0x49: {  	_ =	shalt  }
0x4a: {  	_ =	shalt  }
0x4b: {  	_ =	shalt  }
0x4c: {  	_ =	shalt  }
0x4d: {  	_ =	shalt  }
0x4e: {  	_ =	shalt  }
0x4f: {  	_ =	shalt  }
0x50: {  	_ =	shalt  }
0x51: {  	_ =	shalt  }
0x52: {  	_ =	shalt  }
0x53: {  	_ =	shalt  }
0x54: {  	_ =	shalt  }
0x55: {  	_ =	shalt  }
0x56: {  	_ =	shalt  }
0x57: {  	_ =	shalt  }
0x58: {  	_ =	shalt  }
0x59: {  	_ =	shalt  }
0x5a: {  	_ =	shalt  }
0x5b: {  	_ =	shalt  }
0x5c: {  	_ =	shalt  }
0x5d: {  	_ =	shalt  }
0x5e: {  	_ =	shalt  }
0x5f: {  	_ =	shalt  }
0x60: {  	_ =	shalt  }
0x61: {  	_ =	shalt  }
0x62: {  	_ =	shalt  }
0x63: {  	_ =	shalt  }
0x64: {  	_ =	shalt  }
0x65: {  	_ =	shalt  }
0x66: {  	_ =	shalt  }
0x67: {  	_ =	shalt  }
0x68: {  	_ =	shalt  }
0x69: {  	_ =	shalt  }
0x6a: {  	_ =	shalt  }
0x6b: {  	_ =	shalt  }
0x6c: {  	_ =	shalt  }
0x6d: {  	_ =	shalt  }
0x6e: {  	_ =	shalt  }
0x6f: {  	_ =	shalt  }
0x70: {  	_ =	shalt  }
0x71: {  	_ =	shalt  }
0x72: {  	_ =	shalt  }
0x73: {  	_ =	shalt  }
0x74: {  	_ =	shalt  }
0x75: {  	_ =	shalt  }
0x76: {  	_ =	shalt  }
0x77: {  	_ =	shalt  }
0x78: {  	_ =	shalt  }
0x79: {  	_ =	shalt  }
0x7a: {  	_ =	shalt  }
0x7b: {  	_ =	shalt  }
0x7c: {  	_ =	shalt  }
0x7d: {  	_ =	shalt  }
0x7e: {  	_ =	shalt  }
0x7f: {  	_ =	shalt  }
0x80: {  	_ =	shalt  }
0x81: {  	_ =	shalt  }
0x82: {  	_ =	shalt  }
0x83: {  	_ =	shalt  }
0x84: {  	_ =	shalt  }
0x85: {  	_ =	shalt  }
0x86: {  	_ =	shalt  }
0x87: {  	_ =	shalt  }
.Lfunc_end0:
.L_simem_size_0:
called_computation.1_lowered:
.L_overlay_start_0:
0x88: {  	s2 =	sld [smem:$0x3FD9]  }
0x89: {  	s3 =	sld [smem:$0x3FFE];
	_ =	sdelay $0x1  }
0x8a: {  	s1 =	srdreg.scid  }
0x8b: {  	s0 =	sand.u32 $0x1, s1  }
0x8c: {  	s16 =	sshll.u32 s0, $0xA;
	s2 =	sadd.s32 s3, s2  }
0x8d: {  	s2 =	sadd.s32 s2, s16  }
0x8e: {  	[smem:$0x3FBA] =	sst s2  }
0x8f: {  	_ = 	snop  }
0x90: {  	(tm) =	ssettm $0x1  }
0x91: {  	s17 =	sld [smem:$0x3FFB];
	_ =	sdelay $0x3  }
0x92: {  	_ =	strace s17  }
0x93: {  	s2 =	sld [smem:$0x3FFC];
	_ =	sdelay $0x3  }
0x94: {  	_ =	strace s2  }
0x95: {  	s2 =	sld [smem:$0x3FFD];
	_ =	sdelay $0x3  }
0x96: {  	_ =	strace s2  }
0x97: {  	_ =	strace $0x8FFFFFFF  }
0x98: {  	s18 =	sld [smem:$0x3FDB];
	_ =	sdelay $0x1  }
0x99: {  	s19 =	simm.s32 $_scs_section_size  }
0x9a: {  	s4 =	simm.s32 $_size__tile_overlayer_lowered;
	s5 =	simm.s32 $_tile_overlayer_lowered  }
0x9b: {  	s22 =	simm.s32 $0x1BFF;
	s21 =	sshll.u32 s5, $0x1;
	s2 =	sadd.s32 s19, s18  }
0x9c: {  	s6 =	simm.s32 $0x0;
	s20 =	sshll.u32 s4, $0x1;
	s4 =	sadd.s32 s21, s2  }
0x9d: {  	[timem:s6], [sflag:s22] =	dma.local [hbm:s4], s20  }
0x9e: {  	_ =	swait.ge [sflag:s22], s20  }
0x9f: {  	s3 =	ssub.s32 $0x0, s20;
	[sflag:s22] =	ssyncset.done $0x0  }
0xa0: {  	[sflag:s22] =	ssyncadd.s32 s3;
	_ =	sdelay $0x1  }
0xa1: {  	s23 =	simm.s32 $0x1B8B  }
0xa2: {  	_ =	swait.ge [sflag:s23], $0x1  }
0xa3: {  	[sflag:s23] =	ssyncset.done $0x0  }
0xa4: {  	s25 =	simm.s32 $0x1B8E;
	s24 =	sld [smem:$0x3FFE];
	[sflag:s23] =	ssyncadd.s32 $0xFFFFFFFF  }
0xa5: {  	s26 =	simm.s32 $execute0_lowered;
	[smem:$0x3FD2] =	sst s25  }
0xa6: {  	s4 =	sshll.u32 s26, $0x1;
	_ =	strace $0x80000049;
	[dreg:$0x1] =	wrdreg $0xFFFFFFFF  }
0xa7: {  	s28 =	simm.s32 $_size_execute0_lowered;
	s2 =	sadd.s32 s2, s4;
	[dreg:$0x0] =	wrdreg $0x0  }
0xa8: {  	s4 =	sshll.u32 s28, $0x1;
	[dreg:$0x2] =	wrdreg s2  }
0xa9: {  	[dreg:$0x3] =	wrdreg s4  }
0xaa: {  	[dreg:$0x4] =	wrdreg $0xC0  }
0xab: {  	_ =	task [dreg:s6], $0x5FFFF  }
0xac: {  	[dreg:$0x1] =	wrdreg $0xFFFFFFFF  }
0xad: {  	[dreg:$0x0] =	wrdreg $0x60  }
0xae: {  	[dreg:$0x2] =	wrdreg s24  }
0xaf: {  	[dreg:$0x3] =	wrdreg $0x0  }
0xb0: {  	[dreg:$0x4] =	wrdreg $0x9  }
0xb1: {  	_ =	task.clear_ibuf [dreg:s6], $0x5FFFF;
	_ =	strace $0x90000049  }
0xb2: {  	s29 =	simm.s32 $0x9;
	_ =	strace $0x8000004B  }
0xb3: {  	_ =	swait.ge [sflag:s29], $0x1  }
0xb4: {  	[sflag:s29] =	ssyncadd.s32 $0xFFFFFFFF  }
0xb5: {  	_ =	strace $0x9000004B  }
0xb6: {  	_ =	sfence  }
0xb7: {  	s30 =	sld [smem:$0x0];
	_ =	sdelay $0x2  }
0xb8: {  	s31 =	sshll.u32 s1, $0xD;
	s1 =	sshrl.u32 s1, $0x2  }
0xb9: {  	s3 =	sand.u32 $0x4000, s31;
	s1 =	sadd.s32 s1, s30  }
0xba: {  	s0 =	sor.u32 s3, s0;
	s1 =	sshll.u32 s1, $0x11  }
0xbb: {  	s0 =	sor.u32 s1, s0  }
0xbc: {  	s0 =	sadd.s32 $0x8F2B, s0  }
0xbd: {  	[sflag:s0] =	ssyncadd.remote.s32 $0x1  }
0xbe: {  	_ =	sfence.sel $0xFFFF  }
0xbf: {  	[dreg:$0x0] =	wrdreg $0xFFFFFFFF;
	(pc) =	sbr.abs _section_cstart, $3  }
0xc0: {  	[dreg:$0x1] =	wrdreg $0xFFFFFFFF  }
0xc1: {  	_ =	task.clear_ibuf [dreg:s6], $0x2FFFF;
	_ =	strace $0x9FFFFFFF  }
0xc2: {  	(tm) =	ssettm $0x7FFFFFFF  }
0xc3: {  	_ =	shalt  }
tec
execute0_lowered:
.L_overlay_start_1:
0x0: {  	(tag) =	ssettag $0x1  }
0x1: {  	s0 =	srdreg.scid;
	s6 =	rddreg [dreg:$0x0]  }
0x2: {  	s2 =	rddreg [dreg:$0x1];
	s5 =	sand.u32 $0x1, s0  }
0x3: {  	s0 =	stileid.u32;
	s4 =	smul.u32 $0x2800000, s5  }
0x4: {  	s3 =	simm.s32 $0x0;
	s24 =	simm.s32 $0x14000;
	s7 =	smul.u32 $0x280000, s0  }
0x5: {  	s25 =	simm.s32 $0x80;
	s26 =	simm.s32 $0x0;
	s28 =	smul.u32 $0xA00, s0  }
0x6: {  	[smem:$0x7FF] =	sst s3;
	s19 =	sadd.s32 $0x26600, s6;
	s8 =	smul.u32 $0x50000, s0  }
0x7: {  	_ =	strace $0x8000004A;
	s29 =	ssub.s32 $0x2, s5;
	s16 =	smul.u32 $0x140000, s5  }
0x8: {  	s15 =	smul.u32 $0x14000, s0;
	s9 =	sshrl.u32 s29, $0x1;
	s4 =	sadd.s32 s7, s4  }
0x9: {  	s21 =	sadd.s32 s28, s6;
	s8 =	sshrl.u32 s8, $0x2;
	s7 =	ssub.s32 s29, s9  }
0xa: {  	s10 =	sadd.s32 s16, s15;
	s12 =	sadd.s32 $0x4000, s15;
	s17 =	sadd.s32 $0x8000, s15  }
0xb: {  	s18 =	sadd.s32 $0xC000, s15;
	s23 =	sadd.s32 $0x10000, s15;
	s4 =	sshrl.u32 s4, $0x3  }
0xc: {  	s5 =	sadd.s32 s8, s2;
	s11 =	sshrl.u32 s10, $0x3;
	s13 =	sadd.s32 s16, s12  }
0xd: {  	s12 =	sadd.s32 s12, s2;
	s14 =	sadd.s32 s17, s2;
	s17 =	sadd.s32 s16, s17  }
0xe: {  	s22 =	sadd.s32 s16, s18;
	s31 =	sadd.s32 s16, s23;
	s16 =	sadd.s32 s18, s2  }
0xf: {  	s18 =	sadd.s32 s23, s2;
	s21 =	sadd.s32 $0x5E00, s21;
	s23 =	simm.s32 $0x1  }
0x10: {  	s20 =	sadd.s32 s4, s6;
	s4 =	sadd.s32 $0x25E00, s6;
	s6 =	smax.u32 s7, $0x1  }
0x11: {  	s7 =	sadd.s32 $0x4000, s5;
	s8 =	sadd.s32 $0x8000, s5;
	s9 =	sadd.s32 $0xC000, s5  }
0x12: {  	s10 =	sadd.s32 $0x10000, s5;
	s11 =	sadd.s32 s19, s11;
	s13 =	sshrl.u32 s13, $0x3  }
0x13: {  	s17 =	sshrl.u32 s17, $0x3;
	s30 =	sshrl.u32 s22, $0x3;
	s22 =	sshrl.u32 s31, $0x3  }
0x14: {  	s13 =	sadd.s32 s19, s13;
	s15 =	sadd.s32 s19, s17;
	s17 =	sadd.s32 s19, s30  }
0x15: {  	s19 =	sadd.s32 s19, s22;
	s20 =	sadd.s32 $0xA4D000, s20;
	s22 =	simm.s32 $0x14080  }
.LBB2_1:
0x16: {  	[tilespmem:s22], [sflag:$0x1] =	stream.linear.gather [hbm4b:s4+s3], $0x4000, $0x38;
	[tilespmem:$0x18080] =	vst v63  }
0x17: {  	_ =	swait.ge [sflag:s23], $0x4000  }
0x18: {  	[sflag:s23] =	ssyncset.done $0x0  }
0x19: {  	[sflag:s23] =	ssyncadd.s32 $0xFFFFC000  }
0x1a: {  	[spmem:s5] =	stream.linear.scatter [tilespmem:s22], [sflag:$0x1], $0x4000, $0x38;
	[tilespmem:$0x18080] =	vst v63  }
0x1b: {  	_ =	swait.ge [sflag:s23], $0x4000  }
0x1c: {  	[sflag:s23] =	ssyncset.done $0x0  }
0x1d: {  	[sflag:s23] =	ssyncadd.s32 $0xFFFFC000  }
0x1e: {  	[spmem:s7] =	stream.linear.scatter [tilespmem:s22], [sflag:$0x1], $0x4000, $0x38;
	[tilespmem:$0x18080] =	vst v63  }
0x1f: {  	_ =	swait.ge [sflag:s23], $0x4000  }
0x20: {  	[sflag:s23] =	ssyncset.done $0x0  }
0x21: {  	[sflag:s23] =	ssyncadd.s32 $0xFFFFC000  }
0x22: {  	[spmem:s8] =	stream.linear.scatter [tilespmem:s22], [sflag:$0x1], $0x4000, $0x38;
	[tilespmem:$0x18080] =	vst v63  }
0x23: {  	_ =	swait.ge [sflag:s23], $0x4000  }
0x24: {  	[sflag:s23] =	ssyncset.done $0x0  }
0x25: {  	[sflag:s23] =	ssyncadd.s32 $0xFFFFC000  }
0x26: {  	[spmem:s9] =	stream.linear.scatter [tilespmem:s22], [sflag:$0x1], $0x4000, $0x38;
	[tilespmem:$0x18080] =	vst v63  }
0x27: {  	_ =	swait.ge [sflag:s23], $0x4000  }
0x28: {  	[sflag:s23] =	ssyncset.done $0x0  }
0x29: {  	[sflag:s23] =	ssyncadd.s32 $0xFFFFC000  }
0x2a: {  	[spmem:s10] =	stream.linear.scatter [tilespmem:s22], [sflag:$0x1], $0x4000, $0x38;
	[tilespmem:$0x18080] =	vst v63  }
0x2b: {  	_ =	swait.ge [sflag:s23], $0x4000  }
0x2c: {  	[sflag:s23] =	ssyncset.done $0x0  }
0x2d: {  	[sflag:s23] =	ssyncadd.s32 $0xFFFFC000  }
0x2e: {  	s28 =	sadd.s32 $0x0, s21;
	[bflag:$0x0] =	sbarrier.arrive $0xFFFF  }
0x2f: {  	[tilespmem:s24], [sflag:$0x1] =	stream.linear.gather [hbm4b:s28+s3], $0x80, $0x38;
	[tilespmem:$0x18080] =	vst v63  }
0x30: {  	_ =	swait.ge [sflag:s23], $0x80  }
0x31: {  	[sflag:s23] =	ssyncset.done $0x0  }
0x32: {  	[sflag:s23] =	ssyncadd.s32 $0xFFFFFF80  }
0x33: {  	[tilespmem:s22], [sflag:$0x1] =	stream.linear.gather [hbm4b:s20+s3], $0x4000, $0x38;
	[tilespmem:$0x18080] =	vst v63  }
0x34: {  	_ =	swait.ge [sflag:s23], $0x4000  }
0x35: {  	[sflag:s23] =	ssyncset.done $0x0  }
0x36: {  	[sflag:s23] =	ssyncadd.s32 $0xFFFFC000  }
0x37: {  	[spmem:s2] =	stream.indirect.scatter.add.f32 [tilespmem:s22], [sflag:$0x1], $0x80, s24, s25, $0xb8;
	[tilespmem:$0x18080] =	vst v63  }
0x38: {  	s29 =	simm.s32 $0x10;
	_ =	swait.ge [sflag:s23], $0x4000  }
0x39: {  	s30 =	simm.s32 $0x20;
	s28 =	sadd.s32 $0x800, s20;
	[sflag:s23] =	ssyncset.done $0x0  }
.LBB2_2:
0x3a: {  	s31 =	sadd.s32 s29, s21  }
0x3b: {  	[sflag:s23] =	ssyncadd.s32 $0xFFFFC000;
	s29 =	smov.u32 s30;
	s1 =	sadd.s32 $0x10, s30  }
0x3c: {  	[tilespmem:s24], [sflag:$0x1] =	stream.linear.gather [hbm4b:s31+s3], $0x80, $0x38;
	[tilespmem:$0x18080] =	vst v63  }
0x3d: {  	p0 =	sne.s32 s30, $0x9F0;
	_ =	swait.ge [sflag:s23], $0x80  }
0x3e: {  	[sflag:s23] =	ssyncset.done $0x0  }
0x3f: {  	[sflag:s23] =	ssyncadd.s32 $0xFFFFFF80  }
0x40: {  	[tilespmem:s22], [sflag:$0x1] =	stream.linear.gather [hbm4b:s28+s3], $0x4000, $0x38;
	[tilespmem:$0x18080] =	vst v63  }
0x41: {  	_ =	swait.ge [sflag:s23], $0x4000  }
.Ltmp0:
0x42: {  	[sflag:s23] =	ssyncset.done $0x0;
	(pc) =	sbr.rel @p0 .LBB2_2-.Ltmp0, $4  }
0x43: {  	[sflag:s23] =	ssyncadd.s32 $0xFFFFC000  }
0x44: {  	[spmem:s2] =	stream.indirect.scatter.add.f32 [tilespmem:s22], [sflag:$0x1], $0x80, s24, s25, $0xb8;
	[tilespmem:$0x18080] =	vst v63  }
0x45: {  	_ =	swait.ge [sflag:s23], $0x4000  }
0x46: {  	s30 =	smov.u32 s1;
	s28 =	sadd.s32 $0x800, s28;
	[sflag:s23] =	ssyncset.done $0x0  }
0x47: {  	s1 =	sadd.s32 s29, s21;
	[sflag:s23] =	ssyncadd.s32 $0xFFFFC000  }
0x48: {  	[tilespmem:s24], [sflag:$0x1] =	stream.linear.gather [hbm4b:s1+s3], $0x80, $0x38;
	[tilespmem:$0x18080] =	vst v63  }
0x49: {  	_ =	swait.ge [sflag:s23], $0x80  }
0x4a: {  	[sflag:s23] =	ssyncset.done $0x0  }
0x4b: {  	[sflag:s23] =	ssyncadd.s32 $0xFFFFFF80  }
0x4c: {  	[tilespmem:s22], [sflag:$0x1] =	stream.linear.gather [hbm4b:s28+s3], $0x4000, $0x38;
	[tilespmem:$0x18080] =	vst v63  }
0x4d: {  	_ =	swait.ge [sflag:s23], $0x4000  }
0x4e: {  	[sflag:s23] =	ssyncset.done $0x0  }
0x4f: {  	[sflag:s23] =	ssyncadd.s32 $0xFFFFC000  }
0x50: {  	[spmem:s2] =	stream.indirect.scatter.add.f32 [tilespmem:s22], [sflag:$0x1], $0x80, s24, s25, $0xb8;
	[tilespmem:$0x18080] =	vst v63  }
0x51: {  	_ =	swait.ge [sflag:s23], $0x4000  }
0x52: {  	[sflag:s23] =	ssyncset.done $0x0  }
0x53: {  	[sflag:s23] =	ssyncadd.s32 $0xFFFFC000  }
0x54: {  	[bflag:$0x0] =	sbarrier.arrive $0xFFFF  }
0x55: {  	[tilespmem:s22], [sflag:$0x1] =	stream.linear.gather [spmem:s5], $0x4000, $0x38;
	[tilespmem:$0x18080] =	vst v63  }
0x56: {  	_ =	swait.ge [sflag:s23], $0x4000  }
0x57: {  	[sflag:s23] =	ssyncset.done $0x0  }
0x58: {  	[sflag:s23] =	ssyncadd.s32 $0xFFFFC000  }
0x59: {  	[hbm4b:s11+s3] =	stream.linear.scatter [tilespmem:s22], [sflag:$0x1], $0x4000, $0x38;
	[tilespmem:$0x18080] =	vst v63  }
0x5a: {  	_ =	swait.ge [sflag:s23], $0x4000  }
0x5b: {  	[sflag:s23] =	ssyncset.done $0x0  }
0x5c: {  	[sflag:s23] =	ssyncadd.s32 $0xFFFFC000  }
0x5d: {  	[tilespmem:s22], [sflag:$0x1] =	stream.linear.gather [spmem:s12], $0x4000, $0x38;
	[tilespmem:$0x18080] =	vst v63  }
0x5e: {  	_ =	swait.ge [sflag:s23], $0x4000  }
0x5f: {  	[sflag:s23] =	ssyncset.done $0x0  }
0x60: {  	[sflag:s23] =	ssyncadd.s32 $0xFFFFC000  }
0x61: {  	[hbm4b:s13+s3] =	stream.linear.scatter [tilespmem:s22], [sflag:$0x1], $0x4000, $0x38;
	[tilespmem:$0x18080] =	vst v63  }
0x62: {  	_ =	swait.ge [sflag:s23], $0x4000  }
0x63: {  	[sflag:s23] =	ssyncset.done $0x0  }
0x64: {  	[sflag:s23] =	ssyncadd.s32 $0xFFFFC000  }
0x65: {  	[tilespmem:s22], [sflag:$0x1] =	stream.linear.gather [spmem:s14], $0x4000, $0x38;
	[tilespmem:$0x18080] =	vst v63  }
0x66: {  	_ =	swait.ge [sflag:s23], $0x4000  }
0x67: {  	[sflag:s23] =	ssyncset.done $0x0  }
0x68: {  	[sflag:s23] =	ssyncadd.s32 $0xFFFFC000  }
0x69: {  	[hbm4b:s15+s3] =	stream.linear.scatter [tilespmem:s22], [sflag:$0x1], $0x4000, $0x38;
	[tilespmem:$0x18080] =	vst v63  }
0x6a: {  	_ =	swait.ge [sflag:s23], $0x4000  }
0x6b: {  	[sflag:s23] =	ssyncset.done $0x0  }
0x6c: {  	[sflag:s23] =	ssyncadd.s32 $0xFFFFC000  }
0x6d: {  	[tilespmem:s22], [sflag:$0x1] =	stream.linear.gather [spmem:s16], $0x4000, $0x38;
	[tilespmem:$0x18080] =	vst v63  }
0x6e: {  	_ =	swait.ge [sflag:s23], $0x4000  }
0x6f: {  	[sflag:s23] =	ssyncset.done $0x0  }
0x70: {  	[sflag:s23] =	ssyncadd.s32 $0xFFFFC000  }
0x71: {  	[hbm4b:s17+s3] =	stream.linear.scatter [tilespmem:s22], [sflag:$0x1], $0x4000, $0x38;
	[tilespmem:$0x18080] =	vst v63  }
0x72: {  	_ =	swait.ge [sflag:s23], $0x4000  }
0x73: {  	[sflag:s23] =	ssyncset.done $0x0  }
0x74: {  	[sflag:s23] =	ssyncadd.s32 $0xFFFFC000  }
0x75: {  	[tilespmem:s22], [sflag:$0x1] =	stream.linear.gather [spmem:s18], $0x4000, $0x38;
	[tilespmem:$0x18080] =	vst v63  }
0x76: {  	s26 =	sadd.s32 $0x1, s26;
	_ =	swait.ge [sflag:s23], $0x4000  }
0x77: {  	p0 =	sne.s32 s26, s6;
	[sflag:s23] =	ssyncset.done $0x0  }
.Ltmp1:
0x78: {  	[sflag:s23] =	ssyncadd.s32 $0xFFFFC000;
	(pc) =	sbr.rel @p0 .LBB2_1-.Ltmp1, $4  }
0x79: {  	[hbm4b:s19+s3] =	stream.linear.scatter [tilespmem:s22], [sflag:$0x1], $0x4000, $0x38;
	[tilespmem:$0x18080] =	vst v63  }
0x7a: {  	_ =	swait.ge [sflag:s23], $0x4000  }
0x7b: {  	[sflag:s23] =	ssyncset.done $0x0  }
0x7c: {  	[sflag:s23] =	ssyncadd.s32 $0xFFFFC000  }
0x7d: {  	_ =	sfence.sel $0x180000  }
0x7e: {  	[bflag:$0x0] =	sbarrier.arrive $0xFFFF  }
0x7f: {  	_ =	strace $0x9000004A  }
0x80: {  	[bflag:$0x2] =	sbarrier.arrive $0xFFFF  }
0x81: {  	p0 =	sne.s32 s0, $0x0;
	s0 =	rddreg [dreg:$0x2]  }
0x82: {  	s0 =	sadd.s32 @!p0 $0x100000, s0  }
0x83: {  	[sflag:s0] =	ssyncadd.tile.s32 @!p0 $0x1;
	_ =	shalt  }
.Lfunc_end2:
_tile_overlayer_lowered:
.L_overlay_start_2:
0x84: {  	(tag) =	ssettag $0x2  }
0x85: {  	s0 =	rddreg [dreg:$0x0];
	s2 =	stileid.u32  }
0x86: {  	s1 =	rddreg [dreg:$0x1];
	p0 =	sne.s32 s2, $0x0  }
0x87: {  	s3 =	rddreg [dreg:$0x2];
	[bflag:$0x3] =	sbarrier.arrive $0xFFFF;
	s2 =	simm.s32 @!p0 $0x1C01  }
0x88: {  	[timem:s3], [sflag:s2] =	dma.local @!p0 [hbm:s0], s1  }
0x89: {  	s0 =	simm.s32 @!p0 $0x1  }
0x8a: {  	_ =	swait.ge @!p0 [sflag:s0], s1  }
0x8b: {  	s1 =	ssub.s32 @!p0 $0x0, s1;
	[sflag:s0] =	ssyncset.done @!p0 $0x0  }
0x8c: {  	[sflag:s0] =	ssyncadd.s32 @!p0 s1  }
0x8d: {  	[bflag:$0x3] =	sbarrier.arrive $0xFFFF  }
0x8e: {  	_ =	shalt  }

// kernel: kernel.21.cloned.1.call-start
scs
__scs_entry_jumppad:
0x0: {  	(pc) =	sbr.rel $0x88, $3  }
0x1: {  	(tag) =	ssettag $0x0;
	lr =	simm.s32 $0x1  }
0x2: {  	[smem:$0x3F93] =	sst lr;
	_ =	strace $0xD0000000  }
0x3: {  	_ = 	snop  }
0x4: {  	_ = 	snop  }
0x5: {  	_ = 	snop  }
0x6: {  	_ = 	snop  }
0x7: {  	_ = 	snop  }
__scs_overlays_trampoline_lowered:
0x8: {  	[smem:$0x3FA2] =	sst s0  }
0x9: {  	[smem:$0x3FA3] =	sst s1  }
0xa: {  	[smem:$0x3FA4] =	sst s2  }
0xb: {  	[smem:$0x3FA5] =	sst s3  }
0xc: {  	[smem:$0x3FA6] =	sst s4  }
0xd: {  	[smem:$0x3FA7] =	sst s5  }
0xe: {  	[smem:$0x3FA8] =	sst s6  }
0xf: {  	[smem:$0x3FA9] =	sst s7  }
0x10: {  	[smem:$0x3FAA] =	sst s8  }
0x11: {  	[smem:$0x3FAB] =	sst s9;
	s0 =	simm.s32 @!p0 $0x0  }
0x12: {  	s1 =	sld [smem:$0x3F91];
	s0 =	simm.s32 @p0 $0x1  }
0x13: {  	[smem:$0x3FAC] =	sst s0;
	s0 =	simm.s32 @!p1 $0x0  }
0x14: {  	s2 =	sld [smem:$0x3F90];
	s0 =	simm.s32 @p1 $0x1  }
0x15: {  	[smem:$0x3FAD] =	sst s0;
	s0 =	simm.s32 @!p2 $0x0  }
0x16: {  	s3 =	sld [smem:$0x3FDB];
	s0 =	simm.s32 @p2 $0x1  }
0x17: {  	s4 =	simm.s32 $0x1BF5;
	[smem:$0x3FAF] =	sst s0  }
0x18: {  	s0 =	sld [smem:$0x3F92];
	_ =	swait.ge [sflag:s4], $0x0  }
0x19: {  	s7 =	sld [smem:$0x3F93]  }
0x1a: {  	s8 =	sadd.s32 $0xFFFFE003, lr  }
0x1b: {  	s9 =	sadd.s32 $0xFFFFFEF7, lr;
	s5 =	simm.s32 $0xFFFFFFFF;
	p2 =	slt.u32 s8, $0xFFFFF086  }
0x1c: {  	p1 =	slt.u32 s9, $0xF7A;
	s5 =	simm.s32 @!p2 $0x0  }
0x1d: {  	s5 =	simm.s32 @p1 $0x1;
	p0 =	seq.s32 s7, s2  }
0x1e: {  	s7 =	smul.u32 @!p0 $0xF7A, s2;
	p2 =	seq.s32 @!p0 s5, $0x0  }
0x1f: {  	s9 =	smul.u32 $0xF7A, s1;
	s8 =	simm.s32 @!p0 $0x1BF5;
	p2 =	por !p2, p0  }
0x20: {  	[sflag:s8] =	ssyncset.s32 @!p0 $0xFFFFF086;
	s6 =	sadd.s32 @!p0 s3, s7;
	s7 =	simm.s32 @!p0 $0x108  }
0x21: {  	s3 =	sadd.s32 s3, s9;
	s6 =	sadd.s32 @!p0 $0x88, s6;
	s7 =	simm.s32 @p2 $0x1082  }
0x22: {  	[simem:s7], [sflag:s8] =	dma.local @!p0 [hbm:s6], $0xF7A  }
0x23: {  	s9 =	sor.u32 $0xD0000000, s2;
	s6 =	simm.s32 $0x108;
	_ =	swait.ge @!p0 [sflag:s8], $0x0  }
0x24: {  	s3 =	sadd.s32 $0x88, s3;
	s6 =	simm.s32 @!p1 $0x1082;
	[sflag:s4] =	ssyncset.s32 $0xFFFFF086  }
0x25: {  	[simem:s6], [sflag:s4] =	dma.local [hbm:s3], $0xF7A  }
0x26: {  	[smem:$0x3F93] =	sst s1;
	(tag) =	ssettag s2;
	_ =	strace s9  }
0x27: {  	s1 =	sld [smem:$0x3FA3]  }
0x28: {  	s2 =	sld [smem:$0x3FA4]  }
0x29: {  	s4 =	sld [smem:$0x3FA6]  }
0x2a: {  	p0 =	seq.s32 s5, $0x0;
	s5 =	sld [smem:$0x3FA7]  }
0x2b: {  	s6 =	sld [smem:$0x3FA8]  }
0x2c: {  	s7 =	sld [smem:$0x3FA9]  }
0x2d: {  	s3 =	simm.s32 $0x108;
	s8 =	sld [smem:$0x3FAA]  }
0x2e: {  	s3 =	simm.s32 @!p0 $0x1082;
	s9 =	sld [smem:$0x3FAB]  }
0x2f: {  	lr =	sadd.s32 s0, s3;
	s0 =	sld [smem:$0x3FA2]  }
0x30: {  	s3 =	sld [smem:$0x3FA5]  }
0x31: {  	[smem:$0x3FAE] =	sst s10  }
0x32: {  	s10 =	sld [smem:$0x3FAC];
	_ =	sdelay $0x3  }
0x33: {  	p0 =	seq.s32 s10, $0x1;
	s10 =	sld [smem:$0x3FAE];
	_ =	sdelay $0x3  }
0x34: {  	[smem:$0x3FAE] =	sst s10  }
0x35: {  	s10 =	sld [smem:$0x3FAD];
	_ =	sdelay $0x3  }
0x36: {  	p1 =	seq.s32 s10, $0x1;
	s10 =	sld [smem:$0x3FAE];
	_ =	sdelay $0x3  }
0x37: {  	[smem:$0x3FAE] =	sst s10  }
0x38: {  	s10 =	sld [smem:$0x3FAF]  }
0x39: {  	_ = 	snop;
	(pc) =	sbr.ind lr, $3  }
0x3a: {  	_ = 	snop  }
0x3b: {  	_ = 	snop  }
0x3c: {  	p2 =	seq.s32 s10, $0x1;
	s10 =	sld [smem:$0x3FAE]  }
0x3d: {  	_ =	shalt  }
0x3e: {  	_ =	shalt  }
0x3f: {  	_ =	shalt  }
0x40: {  	_ =	shalt  }
0x41: {  	_ =	shalt  }
0x42: {  	_ =	shalt  }
0x43: {  	_ =	shalt  }
0x44: {  	_ =	shalt  }
0x45: {  	_ =	shalt  }
0x46: {  	_ =	shalt  }
0x47: {  	_ =	shalt  }
0x48: {  	_ =	shalt  }
0x49: {  	_ =	shalt  }
0x4a: {  	_ =	shalt  }
0x4b: {  	_ =	shalt  }
0x4c: {  	_ =	shalt  }
0x4d: {  	_ =	shalt  }
0x4e: {  	_ =	shalt  }
0x4f: {  	_ =	shalt  }
0x50: {  	_ =	shalt  }
0x51: {  	_ =	shalt  }
0x52: {  	_ =	shalt  }
0x53: {  	_ =	shalt  }
0x54: {  	_ =	shalt  }
0x55: {  	_ =	shalt  }
0x56: {  	_ =	shalt  }
0x57: {  	_ =	shalt  }
0x58: {  	_ =	shalt  }
0x59: {  	_ =	shalt  }
0x5a: {  	_ =	shalt  }
0x5b: {  	_ =	shalt  }
0x5c: {  	_ =	shalt  }
0x5d: {  	_ =	shalt  }
0x5e: {  	_ =	shalt  }
0x5f: {  	_ =	shalt  }
0x60: {  	_ =	shalt  }
0x61: {  	_ =	shalt  }
0x62: {  	_ =	shalt  }
0x63: {  	_ =	shalt  }
0x64: {  	_ =	shalt  }
0x65: {  	_ =	shalt  }
0x66: {  	_ =	shalt  }
0x67: {  	_ =	shalt  }
0x68: {  	_ =	shalt  }
0x69: {  	_ =	shalt  }
0x6a: {  	_ =	shalt  }
0x6b: {  	_ =	shalt  }
0x6c: {  	_ =	shalt  }
0x6d: {  	_ =	shalt  }
0x6e: {  	_ =	shalt  }
0x6f: {  	_ =	shalt  }
0x70: {  	_ =	shalt  }
0x71: {  	_ =	shalt  }
0x72: {  	_ =	shalt  }
0x73: {  	_ =	shalt  }
0x74: {  	_ =	shalt  }
0x75: {  	_ =	shalt  }
0x76: {  	_ =	shalt  }
0x77: {  	_ =	shalt  }
0x78: {  	_ =	shalt  }
0x79: {  	_ =	shalt  }
0x7a: {  	_ =	shalt  }
0x7b: {  	_ =	shalt  }
0x7c: {  	_ =	shalt  }
0x7d: {  	_ =	shalt  }
0x7e: {  	_ =	shalt  }
0x7f: {  	_ =	shalt  }
0x80: {  	_ =	shalt  }
0x81: {  	_ =	shalt  }
0x82: {  	_ =	shalt  }
0x83: {  	_ =	shalt  }
0x84: {  	_ =	shalt  }
0x85: {  	_ =	shalt  }
0x86: {  	_ =	shalt  }
0x87: {  	_ =	shalt  }
.Lfunc_end0:
.L_simem_size_0:
called_computation.2_lowered:
.L_overlay_start_0:
0x88: {  	s2 =	sld [smem:$0x3FD9]  }
0x89: {  	s3 =	sld [smem:$0x3FFE];
	_ =	sdelay $0x1  }
0x8a: {  	s1 =	srdreg.scid  }
0x8b: {  	s0 =	sand.u32 $0x1, s1  }
0x8c: {  	s17 =	sshll.u32 s0, $0xA;
	s2 =	sadd.s32 s3, s2  }
0x8d: {  	s2 =	sadd.s32 s2, s17  }
0x8e: {  	[smem:$0x3FBA] =	sst s2  }
0x8f: {  	_ = 	snop  }
0x90: {  	s2 =	sld [smem:$0x3FD0];
	(tm) =	ssettm $0x1  }
0x91: {  	s18 =	sld [smem:$0x3FFB];
	_ =	sdelay $0x3  }
0x92: {  	_ =	strace s18  }
0x93: {  	s3 =	sld [smem:$0x3FFC];
	_ =	sdelay $0x3  }
0x94: {  	_ =	strace s3  }
0x95: {  	s3 =	sld [smem:$0x3FFD];
	_ =	sdelay $0x3  }
0x96: {  	_ =	strace s3  }
0x97: {  	_ =	strace $0x8FFFFFFF  }
0x98: {  	s19 =	sld [smem:$0x3FDB];
	_ =	sdelay $0x1  }
0x99: {  	s4 =	simm.s32 $_scs_section_size  }
0x9a: {  	s5 =	simm.s32 $_size__tile_overlayer_lowered;
	s6 =	simm.s32 $_tile_overlayer_lowered  }
0x9b: {  	s22 =	simm.s32 $0x1BFF;
	s21 =	sshll.u32 s6, $0x1;
	s3 =	sadd.s32 s4, s19  }
0x9c: {  	s7 =	simm.s32 $0x0;
	s20 =	sshll.u32 s5, $0x1;
	s5 =	sadd.s32 s21, s3  }
0x9d: {  	[timem:s7], [sflag:s22] =	dma.local [hbm:s5], s20  }
0x9e: {  	_ =	swait.ge [sflag:s22], s20  }
0x9f: {  	s4 =	ssub.s32 $0x0, s20;
	[sflag:s22] =	ssyncset.done $0x0  }
0xa0: {  	[sflag:s22] =	ssyncadd.s32 s4;
	_ =	sdelay $0x1  }
0xa1: {  	s23 =	simm.s32 $0x1B8B  }
0xa2: {  	_ =	swait.ge [sflag:s23], $0x1  }
0xa3: {  	[sflag:s23] =	ssyncset.done $0x0  }
0xa4: {  	s25 =	simm.s32 $0x1B8E;
	s24 =	sld [smem:$0x3FFE];
	[sflag:s23] =	ssyncadd.s32 $0xFFFFFFFF  }
0xa5: {  	s26 =	simm.s32 $execute0_lowered;
	[smem:$0x3FD2] =	sst s25  }
0xa6: {  	s5 =	sshll.u32 s26, $0x1;
	_ =	strace $0x8000004C;
	[dreg:$0x1] =	wrdreg $0xFFFFFFFF  }
0xa7: {  	s28 =	simm.s32 $_size_execute0_lowered;
	s3 =	sadd.s32 s3, s5;
	[dreg:$0x0] =	wrdreg $0x0  }
0xa8: {  	s5 =	sshll.u32 s28, $0x1;
	[dreg:$0x2] =	wrdreg s3  }
0xa9: {  	[dreg:$0x3] =	wrdreg s5  }
0xaa: {  	[dreg:$0x4] =	wrdreg $0xC0  }
0xab: {  	_ =	task [dreg:s7], $0x5FFFF  }
0xac: {  	[dreg:$0x1] =	wrdreg $0xFFFFFFFF  }
0xad: {  	[dreg:$0x0] =	wrdreg $0x60  }
0xae: {  	[dreg:$0x2] =	wrdreg s2  }
0xaf: {  	[dreg:$0x3] =	wrdreg s24  }
0xb0: {  	[dreg:$0x4] =	wrdreg $0x9  }
0xb1: {  	_ =	task.clear_ibuf [dreg:s7], $0x5FFFF;
	_ =	strace $0x9000004C  }
0xb2: {  	s29 =	simm.s32 $0x9;
	_ =	strace $0x8000004E  }
0xb3: {  	_ =	swait.ge [sflag:s29], $0x1  }
0xb4: {  	[sflag:s29] =	ssyncadd.s32 $0xFFFFFFFF  }
0xb5: {  	_ =	strace $0x9000004E  }
0xb6: {  	_ =	sfence  }
0xb7: {  	s30 =	sld [smem:$0x0];
	_ =	sdelay $0x2  }
0xb8: {  	s31 =	sshll.u32 s1, $0xD;
	s1 =	sshrl.u32 s1, $0x2  }
0xb9: {  	s3 =	sand.u32 $0x4000, s31;
	s1 =	sadd.s32 s1, s30  }
0xba: {  	s0 =	sor.u32 s3, s0;
	s1 =	sshll.u32 s1, $0x11  }
0xbb: {  	s0 =	sor.u32 s1, s0  }
0xbc: {  	s0 =	sadd.s32 $0x8F2B, s0  }
0xbd: {  	[sflag:s0] =	ssyncadd.remote.s32 $0x1  }
0xbe: {  	_ =	sfence.sel $0xFFFF  }
0xbf: {  	[dreg:$0x0] =	wrdreg $0xFFFFFFFF;
	(pc) =	sbr.abs _section_cstart, $3  }
0xc0: {  	[dreg:$0x1] =	wrdreg $0xFFFFFFFF  }
0xc1: {  	_ =	task.clear_ibuf [dreg:s7], $0x2FFFF;
	_ =	strace $0x9FFFFFFF  }
0xc2: {  	(tm) =	ssettm $0x7FFFFFFF  }
0xc3: {  	_ =	shalt  }
tec
execute0_lowered:
.L_overlay_start_1:
0x0: {  	(tag) =	ssettag $0x1  }
0x1: {  	s1 =	rddreg [dreg:$0x0]  }
0x2: {  	s8 =	rddreg [dreg:$0x1]  }
0x3: {  	s0 =	rddreg [dreg:$0x2];
	s2 =	simm.s32 $0x0  }
0x4: {  	s6 =	srdreg.scid;
	s3 =	stileid.u32;
	s18 =	simm.s32 $0x8200  }
0x5: {  	s19 =	simm.s32 $0xC200;
	s20 =	simm.s32 $0x0;
	[smem:$0x7FF] =	sst s2  }
0x6: {  	s4 =	sadd.s32 $0x26600, s8;
	s5 =	sadd.s32 $0x1AE00, s8;
	s10 =	smul.u32 $0xA0, s3  }
0x7: {  	s9 =	sand.u32 $0x1, s6;
	s7 =	sshll.u32 s3, $0x1;
	s16 =	smul.u32 $0x50000, s3  }
0x8: {  	s6 =	sadd.s32 $0xFE00, s8;
	s12 =	sadd.s32 $0x74A00, s8;
	s11 =	smul.u32 $0x50, s9  }
0x9: {  	s14 =	sadd.s32 $0x574A00, s8;
	s7 =	sor.u32 s9, s7;
	s17 =	smul.u32 $0x28000, s9  }
0xa: {  	_ =	strace $0x8000004D;
	s13 =	ssub.s32 $0x2, s9;
	s7 =	smul.u32 $0x2C00, s7  }
0xb: {  	s26 =	sshrl.u32 s13, $0x1;
	s31 =	sadd.s32 s16, s14;
	s10 =	sadd.s32 s11, s10  }
0xc: {  	s28 =	ssub.s32 s13, s26;
	s11 =	simm.s32 $0x2;
	s29 =	sshrl.u32 s7, $0x3  }
0xd: {  	s13 =	simm.s32 $0x200;
	s10 =	sshll.u32 s10, $0xB;
	s8 =	sadd.s32 s5, s29  }
0xe: {  	s15 =	sadd.s32 s10, s12;
	s10 =	sadd.s32 s10, s14;
	s12 =	sadd.s32 s16, s12  }
0xf: {  	s9 =	sadd.s32 s6, s29;
	s14 =	simm.s32 $0x4200;
	s15 =	sadd.s32 $0x800, s15  }
0x10: {  	s16 =	simm.s32 $0x100;
	s30 =	sadd.s32 $0x800, s10;
	[dreg:$0x3] =	wrdreg s15  }
0x11: {  	s10 =	sadd.s32 s17, s31;
	s12 =	sadd.s32 s17, s12;
	[dreg:$0x4] =	wrdreg s30  }
0x12: {  	s17 =	simm.s32 $0x180;
	[dreg:$0x5] =	wrdreg s10;
	s10 =	smax.u32 s28, $0x1  }
0x13: {  	[dreg:$0x6] =	wrdreg s12;
	s12 =	simm.s32 $0x80;
	s15 =	simm.s32 $0x1  }
.LBB2_1:
0x14: {  	[tilespmem:s2], [sflag:$0x2] =	stream.linear.gather [hbm4b:s8+s2], $0x80, $0x38;
	[tilespmem:$0x10200] =	vst v63  }
0x15: {  	_ =	swait.ge [sflag:s11], $0x80  }
0x16: {  	[sflag:s11] =	ssyncset.done $0x0  }
0x17: {  	[sflag:s11] =	ssyncadd.s32 $0xFFFFFF80  }
0x18: {  	[tilespmem:s12], [sflag:$0x2] =	stream.linear.gather [hbm4b:s9+s2], $0x80, $0x38;
	[tilespmem:$0x10200] =	vst v63  }
0x19: {  	_ =	swait.ge [sflag:s11], $0x80  }
0x1a: {  	[sflag:s11] =	ssyncset.done $0x0  }
0x1b: {  	[sflag:s11] =	ssyncadd.s32 $0xFFFFFF80  }
0x1c: {  	[tilespmem:s13], [sflag:$0x1] =	stream.indirect.gather [hbm4b:s1+s12], $0x80, s2, s12, $0xb8;
	[tilespmem:$0x10200] =	vst v63  }
0x1d: {  	_ = 	snop  }
0x1e: {  	[tilespmem:s14], [sflag:$0x1] =	stream.indirect.gather [hbm4b:s4+s12], $0x80, s12, s12, $0xb8;
	[tilespmem:$0x10200] =	vst v63  }
0x1f: {  	s21 =	simm.s32 $0x0;
	_ =	swait.ge [sflag:s15], $0x4000  }
0x20: {  	s22 =	simm.s32 $0x80;
	s21 =	sand.u32 $0x3C00, s21;
	[sflag:s15] =	ssyncset.done $0x0  }
0x21: {  	s22 =	sand.u32 $0x380, s22;
	s21 =	sadd.s32 s7, s21;
	[sflag:s15] =	ssyncadd.s32 $0xFFFFC000  }
0x22: {  	s21 =	sor.u32 s21, s22;
	_ =	swait.ge [sflag:s15], $0x4000  }
0x23: {  	s21 =	sshrl.u32 s21, $0x3;
	[sflag:s15] =	ssyncset.done $0x0  }
0x24: {  	s31 =	sadd.s32 s5, s21;
	[sflag:s15] =	ssyncadd.s32 $0xFFFFC000  }
0x25: {  	[tilespmem:s16], [sflag:$0x2] =	stream.linear.gather [hbm4b:s31+s2], $0x80, $0x38;
	[tilespmem:$0x10200] =	vst v63  }
0x26: {  	_ =	swait.ge [sflag:s11], $0x80  }
0x27: {  	[sflag:s11] =	ssyncset.done $0x0  }
0x28: {  	s21 =	sadd.s32 s6, s21;
	[sflag:s11] =	ssyncadd.s32 $0xFFFFFF80  }
0x29: {  	[tilespmem:s17], [sflag:$0x2] =	stream.linear.gather [hbm4b:s21+s2], $0x80, $0x38;
	[tilespmem:$0x10200] =	vst v63  }
0x2a: {  	_ =	swait.ge [sflag:s11], $0x80  }
0x2b: {  	[sflag:s11] =	ssyncset.done $0x0  }
0x2c: {  	[sflag:s11] =	ssyncadd.s32 $0xFFFFFF80  }
0x2d: {  	[tilespmem:s18], [sflag:$0x1] =	stream.indirect.gather [hbm4b:s1+s12], $0x80, s16, s12, $0xb8;
	[tilespmem:$0x10200] =	vst v63  }
0x2e: {  	s23 =	rddreg [dreg:$0x6]  }
0x2f: {  	[tilespmem:s19], [sflag:$0x1] =	stream.indirect.gather [hbm4b:s4+s12], $0x80, s17, s12, $0xb8;
	[tilespmem:$0x10200] =	vst v63  }
0x30: {  	s21 =	sadd.s32 $0x0, s23  }
0x31: {  	[hbm4b:s21+s2] =	stream.linear.scatter [tilespmem:s13], [sflag:$0x2], $0x4000, $0x38;
	[tilespmem:$0x10200] =	vst v63  }
0x32: {  	_ =	swait.ge [sflag:s11], $0x4000  }
0x33: {  	s24 =	rddreg [dreg:$0x5];
	[sflag:s11] =	ssyncset.done $0x0  }
0x34: {  	[sflag:s11] =	ssyncadd.s32 $0xFFFFC000;
	s21 =	sadd.s32 $0x0, s24  }
0x35: {  	[hbm4b:s21+s2] =	stream.linear.scatter [tilespmem:s14], [sflag:$0x2], $0x4000, $0x38;
	[tilespmem:$0x10200] =	vst v63  }
0x36: {  	_ =	swait.ge [sflag:s11], $0x4000  }
0x37: {  	[sflag:s11] =	ssyncset.done $0x0  }
0x38: {  	[sflag:s11] =	ssyncadd.s32 $0xFFFFC000  }
0x39: {  	_ =	swait.ge [sflag:s15], $0x4000  }
0x3a: {  	s25 =	sand.u32 $0x7C00, s16;
	[sflag:s15] =	ssyncset.done $0x0  }
0x3b: {  	s26 =	sand.u32 $0x300, s16;
	s21 =	sadd.s32 s7, s25;
	[sflag:s15] =	ssyncadd.s32 $0xFFFFC000  }
0x3c: {  	s21 =	sor.u32 s26, s21;
	_ =	swait.ge [sflag:s15], $0x4000  }
0x3d: {  	s21 =	sshrl.u32 s21, $0x3;
	[sflag:s15] =	ssyncset.done $0x0  }
0x3e: {  	s28 =	sadd.s32 s5, s21;
	[sflag:s15] =	ssyncadd.s32 $0xFFFFC000  }
0x3f: {  	[tilespmem:s2], [sflag:$0x2] =	stream.linear.gather [hbm4b:s28+s2], $0x80, $0x38;
	[tilespmem:$0x10200] =	vst v63  }
0x40: {  	_ =	swait.ge [sflag:s11], $0x80  }
0x41: {  	[sflag:s11] =	ssyncset.done $0x0  }
0x42: {  	s21 =	sadd.s32 s6, s21;
	[sflag:s11] =	ssyncadd.s32 $0xFFFFFF80  }
0x43: {  	[tilespmem:s12], [sflag:$0x2] =	stream.linear.gather [hbm4b:s21+s2], $0x80, $0x38;
	[tilespmem:$0x10200] =	vst v63  }
0x44: {  	_ =	swait.ge [sflag:s11], $0x80  }
0x45: {  	[sflag:s11] =	ssyncset.done $0x0  }
0x46: {  	[sflag:s11] =	ssyncadd.s32 $0xFFFFFF80  }
0x47: {  	[tilespmem:s13], [sflag:$0x1] =	stream.indirect.gather [hbm4b:s1+s12], $0x80, s2, s12, $0xb8;
	[tilespmem:$0x10200] =	vst v63  }
0x48: {  	s29 =	rddreg [dreg:$0x3]  }
0x49: {  	[tilespmem:s14], [sflag:$0x1] =	stream.indirect.gather [hbm4b:s4+s12], $0x80, s12, s12, $0xb8;
	[tilespmem:$0x10200] =	vst v63  }
0x4a: {  	s21 =	sadd.s32 $0x0, s29  }
0x4b: {  	[hbm4b:s21+s2] =	stream.linear.scatter [tilespmem:s18], [sflag:$0x2], $0x4000, $0x38;
	[tilespmem:$0x10200] =	vst v63  }
0x4c: {  	_ =	swait.ge [sflag:s11], $0x4000  }
0x4d: {  	s30 =	rddreg [dreg:$0x4];
	[sflag:s11] =	ssyncset.done $0x0  }
0x4e: {  	[sflag:s11] =	ssyncadd.s32 $0xFFFFC000;
	s21 =	sadd.s32 $0x0, s30  }
0x4f: {  	[hbm4b:s21+s2] =	stream.linear.scatter [tilespmem:s19], [sflag:$0x2], $0x4000, $0x38;
	[tilespmem:$0x10200] =	vst v63  }
0x50: {  	_ =	swait.ge [sflag:s11], $0x4000  }
0x51: {  	[sflag:s11] =	ssyncset.done $0x0  }
0x52: {  	s31 =	simm.s32 $0x100;
	[sflag:s11] =	ssyncadd.s32 $0xFFFFC000  }
0x53: {  	s22 =	sand.u32 $0x3C00, s31;
	_ =	swait.ge [sflag:s15], $0x4000  }
0x54: {  	s22 =	sadd.s32 s7, s22;
	s23 =	simm.s32 $0x180;
	[sflag:s15] =	ssyncset.done $0x0  }
0x55: {  	s24 =	sand.u32 $0x380, s23;
	s23 =	simm.s32 $0x2000;
	[sflag:s15] =	ssyncadd.s32 $0xFFFFC000  }
0x56: {  	s24 =	sor.u32 s22, s24;
	s22 =	simm.s32 $0x200;
	_ =	swait.ge [sflag:s15], $0x4000  }
0x57: {  	s25 =	sshrl.u32 s24, $0x3;
	s21 =	simm.s32 $0x1000;
	[sflag:s15] =	ssyncset.done $0x0  }
.LBB2_2:
0x58: {  	s24 =	sadd.s32 s5, s25;
	[sflag:s15] =	ssyncadd.s32 $0xFFFFC000  }
0x59: {  	[tilespmem:s16], [sflag:$0x2] =	stream.linear.gather [hbm4b:s24+s2], $0x80, $0x38;
	[tilespmem:$0x10200] =	vst v63  }
0x5a: {  	_ =	swait.ge [sflag:s11], $0x80  }
0x5b: {  	[sflag:s11] =	ssyncset.done $0x0  }
0x5c: {  	s26 =	sadd.s32 s6, s25;
	[sflag:s11] =	ssyncadd.s32 $0xFFFFFF80  }
0x5d: {  	[tilespmem:s17], [sflag:$0x2] =	stream.linear.gather [hbm4b:s26+s2], $0x80, $0x38;
	[tilespmem:$0x10200] =	vst v63  }
0x5e: {  	_ =	swait.ge [sflag:s11], $0x80  }
0x5f: {  	[sflag:s11] =	ssyncset.done $0x0  }
0x60: {  	[sflag:s11] =	ssyncadd.s32 $0xFFFFFF80  }
0x61: {  	[tilespmem:s18], [sflag:$0x1] =	stream.indirect.gather [hbm4b:s1+s12], $0x80, s16, s12, $0xb8;
	[tilespmem:$0x10200] =	vst v63  }
0x62: {  	s28 =	rddreg [dreg:$0x6]  }
0x63: {  	[tilespmem:s19], [sflag:$0x1] =	stream.indirect.gather [hbm4b:s4+s12], $0x80, s17, s12, $0xb8;
	[tilespmem:$0x10200] =	vst v63  }
0x64: {  	s25 =	sadd.s32 s21, s28  }
0x65: {  	[hbm4b:s25+s2] =	stream.linear.scatter [tilespmem:s13], [sflag:$0x2], $0x4000, $0x38;
	[tilespmem:$0x10200] =	vst v63  }
0x66: {  	_ =	swait.ge [sflag:s11], $0x4000  }
0x67: {  	s29 =	rddreg [dreg:$0x5];
	[sflag:s11] =	ssyncset.done $0x0  }
0x68: {  	[sflag:s11] =	ssyncadd.s32 $0xFFFFC000;
	s25 =	sadd.s32 s21, s29  }
0x69: {  	[hbm4b:s25+s2] =	stream.linear.scatter [tilespmem:s14], [sflag:$0x2], $0x4000, $0x38;
	[tilespmem:$0x10200] =	vst v63  }
0x6a: {  	_ =	swait.ge [sflag:s11], $0x4000  }
0x6b: {  	[sflag:s11] =	ssyncset.done $0x0  }
0x6c: {  	[sflag:s11] =	ssyncadd.s32 $0xFFFFC000  }
0x6d: {  	_ =	swait.ge [sflag:s15], $0x4000  }
0x6e: {  	s30 =	sand.u32 $0x7C00, s22;
	[sflag:s15] =	ssyncset.done $0x0  }
0x6f: {  	s26 =	sand.u32 $0x300, s22;
	s25 =	sadd.s32 s7, s30;
	[sflag:s15] =	ssyncadd.s32 $0xFFFFC000  }
0x70: {  	s25 =	sor.u32 s26, s25;
	_ =	swait.ge [sflag:s15], $0x4000  }
0x71: {  	s25 =	sshrl.u32 s25, $0x3;
	[sflag:s15] =	ssyncset.done $0x0  }
0x72: {  	s31 =	sadd.s32 s5, s25;
	[sflag:s15] =	ssyncadd.s32 $0xFFFFC000  }
0x73: {  	[tilespmem:s2], [sflag:$0x2] =	stream.linear.gather [hbm4b:s31+s2], $0x80, $0x38;
	[tilespmem:$0x10200] =	vst v63  }
0x74: {  	_ =	swait.ge [sflag:s11], $0x80  }
0x75: {  	[sflag:s11] =	ssyncset.done $0x0  }
0x76: {  	s25 =	sadd.s32 s6, s25;
	[sflag:s11] =	ssyncadd.s32 $0xFFFFFF80  }
0x77: {  	[tilespmem:s12], [sflag:$0x2] =	stream.linear.gather [hbm4b:s25+s2], $0x80, $0x38;
	[tilespmem:$0x10200] =	vst v63  }
0x78: {  	_ =	swait.ge [sflag:s11], $0x80  }
0x79: {  	[sflag:s11] =	ssyncset.done $0x0  }
0x7a: {  	[sflag:s11] =	ssyncadd.s32 $0xFFFFFF80  }
0x7b: {  	[tilespmem:s13], [sflag:$0x1] =	stream.indirect.gather [hbm4b:s1+s12], $0x80, s2, s12, $0xb8;
	[tilespmem:$0x10200] =	vst v63  }
0x7c: {  	s28 =	rddreg [dreg:$0x3]  }
0x7d: {  	[tilespmem:s14], [sflag:$0x1] =	stream.indirect.gather [hbm4b:s4+s12], $0x80, s12, s12, $0xb8;
	[tilespmem:$0x10200] =	vst v63  }
0x7e: {  	s25 =	sadd.s32 s21, s28  }
0x7f: {  	[hbm4b:s25+s2] =	stream.linear.scatter [tilespmem:s18], [sflag:$0x2], $0x4000, $0x38;
	[tilespmem:$0x10200] =	vst v63  }
0x80: {  	_ =	swait.ge [sflag:s11], $0x4000  }
0x81: {  	s29 =	rddreg [dreg:$0x4];
	[sflag:s11] =	ssyncset.done $0x0  }
0x82: {  	[sflag:s11] =	ssyncadd.s32 $0xFFFFC000;
	s25 =	sadd.s32 s21, s29  }
0x83: {  	[hbm4b:s25+s2] =	stream.linear.scatter [tilespmem:s19], [sflag:$0x2], $0x4000, $0x38;
	[tilespmem:$0x10200] =	vst v63  }
0x84: {  	_ =	swait.ge [sflag:s11], $0x4000  }
0x85: {  	p0 =	sne.s32 s23, $0x27000;
	s22 =	sadd.s32 $0x100, s22;
	[sflag:s11] =	ssyncset.done $0x0  }
0x86: {  	s24 =	smov.u32 s23;
	s30 =	sadd.s32 $0xFFFFFF00, s22;
	[sflag:s11] =	ssyncadd.s32 $0xFFFFC000  }
.Ltmp0:
0x87: {  	s31 =	sadd.s32 $0xFFFFFF80, s22;
	_ =	swait.ge [sflag:s15], $0x4000;
	(pc) =	sbr.rel @p0 .LBB2_2-.Ltmp0, $4  }
0x88: {  	s21 =	smov.u32 s24;
	s24 =	sand.u32 $0x3C00, s30;
	[sflag:s15] =	ssyncset.done $0x0  }
0x89: {  	s24 =	sadd.s32 s7, s24;
	s25 =	sand.u32 $0x380, s31;
	[sflag:s15] =	ssyncadd.s32 $0xFFFFC000  }
0x8a: {  	s24 =	sor.u32 s24, s25;
	_ =	swait.ge [sflag:s15], $0x4000  }
0x8b: {  	s23 =	sadd.s32 $0x1000, s23;
	s25 =	sshrl.u32 s24, $0x3;
	[sflag:s15] =	ssyncset.done $0x0  }
0x8c: {  	s23 =	sadd.s32 s5, s25;
	[sflag:s15] =	ssyncadd.s32 $0xFFFFC000  }
0x8d: {  	[tilespmem:s16], [sflag:$0x2] =	stream.linear.gather [hbm4b:s23+s2], $0x80, $0x38;
	[tilespmem:$0x10200] =	vst v63  }
0x8e: {  	_ =	swait.ge [sflag:s11], $0x80  }
0x8f: {  	[sflag:s11] =	ssyncset.done $0x0  }
0x90: {  	s30 =	sadd.s32 s6, s25;
	[sflag:s11] =	ssyncadd.s32 $0xFFFFFF80  }
0x91: {  	[tilespmem:s17], [sflag:$0x2] =	stream.linear.gather [hbm4b:s30+s2], $0x80, $0x38;
	[tilespmem:$0x10200] =	vst v63  }
0x92: {  	_ =	swait.ge [sflag:s11], $0x80  }
0x93: {  	[sflag:s11] =	ssyncset.done $0x0  }
0x94: {  	[sflag:s11] =	ssyncadd.s32 $0xFFFFFF80  }
0x95: {  	[tilespmem:s18], [sflag:$0x1] =	stream.indirect.gather [hbm4b:s1+s12], $0x80, s16, s12, $0xb8;
	[tilespmem:$0x10200] =	vst v63  }
0x96: {  	s31 =	rddreg [dreg:$0x6]  }
0x97: {  	[tilespmem:s19], [sflag:$0x1] =	stream.indirect.gather [hbm4b:s4+s12], $0x80, s17, s12, $0xb8;
	[tilespmem:$0x10200] =	vst v63  }
0x98: {  	s23 =	sadd.s32 s21, s31  }
0x99: {  	[hbm4b:s23+s2] =	stream.linear.scatter [tilespmem:s13], [sflag:$0x2], $0x4000, $0x38;
	[tilespmem:$0x10200] =	vst v63  }
0x9a: {  	_ =	swait.ge [sflag:s11], $0x4000  }
0x9b: {  	s24 =	rddreg [dreg:$0x5];
	[sflag:s11] =	ssyncset.done $0x0  }
0x9c: {  	[sflag:s11] =	ssyncadd.s32 $0xFFFFC000;
	s23 =	sadd.s32 s21, s24  }
0x9d: {  	[hbm4b:s23+s2] =	stream.linear.scatter [tilespmem:s14], [sflag:$0x2], $0x4000, $0x38;
	[tilespmem:$0x10200] =	vst v63  }
0x9e: {  	_ =	swait.ge [sflag:s11], $0x4000  }
0x9f: {  	[sflag:s11] =	ssyncset.done $0x0  }
0xa0: {  	[sflag:s11] =	ssyncadd.s32 $0xFFFFC000  }
0xa1: {  	_ =	swait.ge [sflag:s15], $0x4000  }
0xa2: {  	s25 =	sand.u32 $0x7C00, s22;
	[sflag:s15] =	ssyncset.done $0x0  }
0xa3: {  	s26 =	sand.u32 $0x300, s22;
	s23 =	sadd.s32 s7, s25;
	[sflag:s15] =	ssyncadd.s32 $0xFFFFC000  }
0xa4: {  	s22 =	sor.u32 s26, s23;
	_ =	swait.ge [sflag:s15], $0x4000  }
0xa5: {  	s22 =	sshrl.u32 s22, $0x3;
	[sflag:s15] =	ssyncset.done $0x0  }
0xa6: {  	s28 =	sadd.s32 s5, s22;
	[sflag:s15] =	ssyncadd.s32 $0xFFFFC000  }
0xa7: {  	[tilespmem:s2], [sflag:$0x2] =	stream.linear.gather [hbm4b:s28+s2], $0x80, $0x38;
	[tilespmem:$0x10200] =	vst v63  }
0xa8: {  	_ =	swait.ge [sflag:s11], $0x80  }
0xa9: {  	[sflag:s11] =	ssyncset.done $0x0  }
0xaa: {  	s22 =	sadd.s32 s6, s22;
	[sflag:s11] =	ssyncadd.s32 $0xFFFFFF80  }
0xab: {  	[tilespmem:s12], [sflag:$0x2] =	stream.linear.gather [hbm4b:s22+s2], $0x80, $0x38;
	[tilespmem:$0x10200] =	vst v63  }
0xac: {  	_ =	swait.ge [sflag:s11], $0x80  }
0xad: {  	[sflag:s11] =	ssyncset.done $0x0  }
0xae: {  	[sflag:s11] =	ssyncadd.s32 $0xFFFFFF80  }
0xaf: {  	[tilespmem:s13], [sflag:$0x1] =	stream.indirect.gather [hbm4b:s1+s12], $0x80, s2, s12, $0xb8;
	[tilespmem:$0x10200] =	vst v63  }
0xb0: {  	s29 =	rddreg [dreg:$0x3]  }
0xb1: {  	[tilespmem:s14], [sflag:$0x1] =	stream.indirect.gather [hbm4b:s4+s12], $0x80, s12, s12, $0xb8;
	[tilespmem:$0x10200] =	vst v63  }
0xb2: {  	s22 =	sadd.s32 s21, s29  }
0xb3: {  	[hbm4b:s22+s2] =	stream.linear.scatter [tilespmem:s18], [sflag:$0x2], $0x4000, $0x38;
	[tilespmem:$0x10200] =	vst v63  }
0xb4: {  	_ =	swait.ge [sflag:s11], $0x4000  }
0xb5: {  	s30 =	rddreg [dreg:$0x4];
	[sflag:s11] =	ssyncset.done $0x0  }
0xb6: {  	[sflag:s11] =	ssyncadd.s32 $0xFFFFC000;
	s31 =	sadd.s32 s21, s30  }
0xb7: {  	[hbm4b:s31+s2] =	stream.linear.scatter [tilespmem:s19], [sflag:$0x2], $0x4000, $0x38;
	[tilespmem:$0x10200] =	vst v63  }
0xb8: {  	_ =	swait.ge [sflag:s11], $0x4000  }
0xb9: {  	[sflag:s11] =	ssyncset.done $0x0  }
0xba: {  	s20 =	sadd.s32 $0x1, s20;
	[sflag:s11] =	ssyncadd.s32 $0xFFFFC000  }
0xbb: {  	p0 =	sne.s32 s20, s10;
	_ =	swait.ge [sflag:s15], $0x4000  }
.Ltmp1:
0xbc: {  	[sflag:s15] =	ssyncset.done $0x0;
	(pc) =	sbr.rel @p0 .LBB2_1-.Ltmp1, $4  }
0xbd: {  	[sflag:s15] =	ssyncadd.s32 $0xFFFFC000  }
0xbe: {  	_ =	swait.ge [sflag:s15], $0x4000  }
0xbf: {  	[sflag:s15] =	ssyncset.done $0x0  }
0xc0: {  	[sflag:s15] =	ssyncadd.s32 $0xFFFFC000  }
0xc1: {  	_ =	sfence.sel $0x180000  }
0xc2: {  	[bflag:$0x0] =	sbarrier.arrive $0xFFFF  }
0xc3: {  	p0 =	sne.s32 s3, $0x0;
	_ =	strace $0x9000004D  }
0xc4: {  	s0 =	sadd.s32 @!p0 $0x100000, s0;
	[bflag:$0x2] =	sbarrier.arrive $0xFFFF  }
0xc5: {  	[sflag:s0] =	ssyncadd.tile.s32 @!p0 $0x1;
	_ =	shalt  }
.Lfunc_end2:
_tile_overlayer_lowered:
.L_overlay_start_2:
0xc6: {  	(tag) =	ssettag $0x2  }
0xc7: {  	s0 =	rddreg [dreg:$0x0];
	s2 =	stileid.u32  }
0xc8: {  	s1 =	rddreg [dreg:$0x1];
	p0 =	sne.s32 s2, $0x0  }
0xc9: {  	s3 =	rddreg [dreg:$0x2];
	[bflag:$0x3] =	sbarrier.arrive $0xFFFF;
	s2 =	simm.s32 @!p0 $0x1C02  }
0xca: {  	[timem:s3], [sflag:s2] =	dma.local @!p0 [hbm:s0], s1  }
0xcb: {  	s0 =	simm.s32 @!p0 $0x2  }
0xcc: {  	_ =	swait.ge @!p0 [sflag:s0], s1  }
0xcd: {  	s1 =	ssub.s32 @!p0 $0x0, s1;
	[sflag:s0] =	ssyncset.done @!p0 $0x0  }
0xce: {  	[sflag:s0] =	ssyncadd.s32 @!p0 s1  }
0xcf: {  	[bflag:$0x3] =	sbarrier.arrive $0xFFFF  }
0xd0: {  	_ =	shalt  }

// kernel: kernel.24.cloned.1.call-start
scs
__scs_entry_jumppad:
0x0: {  	(pc) =	sbr.rel $0x88, $3  }
0x1: {  	(tag) =	ssettag $0x0;
	lr =	simm.s32 $0x1  }
0x2: {  	[smem:$0x3F93] =	sst lr;
	_ =	strace $0xD0000000  }
0x3: {  	_ = 	snop  }
0x4: {  	_ = 	snop  }
0x5: {  	_ = 	snop  }
0x6: {  	_ = 	snop  }
0x7: {  	_ = 	snop  }
__scs_overlays_trampoline_lowered:
0x8: {  	[smem:$0x3FA2] =	sst s0  }
0x9: {  	[smem:$0x3FA3] =	sst s1  }
0xa: {  	[smem:$0x3FA4] =	sst s2  }
0xb: {  	[smem:$0x3FA5] =	sst s3  }
0xc: {  	[smem:$0x3FA6] =	sst s4  }
0xd: {  	[smem:$0x3FA7] =	sst s5  }
0xe: {  	[smem:$0x3FA8] =	sst s6  }
0xf: {  	[smem:$0x3FA9] =	sst s7  }
0x10: {  	[smem:$0x3FAA] =	sst s8  }
0x11: {  	[smem:$0x3FAB] =	sst s9;
	s0 =	simm.s32 @!p0 $0x0  }
0x12: {  	s1 =	sld [smem:$0x3F91];
	s0 =	simm.s32 @p0 $0x1  }
0x13: {  	[smem:$0x3FAC] =	sst s0;
	s0 =	simm.s32 @!p1 $0x0  }
0x14: {  	s2 =	sld [smem:$0x3F90];
	s0 =	simm.s32 @p1 $0x1  }
0x15: {  	[smem:$0x3FAD] =	sst s0;
	s0 =	simm.s32 @!p2 $0x0  }
0x16: {  	s3 =	sld [smem:$0x3FDB];
	s0 =	simm.s32 @p2 $0x1  }
0x17: {  	s4 =	simm.s32 $0x1BF5;
	[smem:$0x3FAF] =	sst s0  }
0x18: {  	s0 =	sld [smem:$0x3F92];
	_ =	swait.ge [sflag:s4], $0x0  }
0x19: {  	s7 =	sld [smem:$0x3F93]  }
0x1a: {  	s8 =	sadd.s32 $0xFFFFE003, lr  }
0x1b: {  	s9 =	sadd.s32 $0xFFFFFEF7, lr;
	s5 =	simm.s32 $0xFFFFFFFF;
	p2 =	slt.u32 s8, $0xFFFFF086  }
0x1c: {  	p1 =	slt.u32 s9, $0xF7A;
	s5 =	simm.s32 @!p2 $0x0  }
0x1d: {  	s5 =	simm.s32 @p1 $0x1;
	p0 =	seq.s32 s7, s2  }
0x1e: {  	s7 =	smul.u32 @!p0 $0xF7A, s2;
	p2 =	seq.s32 @!p0 s5, $0x0  }
0x1f: {  	s9 =	smul.u32 $0xF7A, s1;
	s8 =	simm.s32 @!p0 $0x1BF5;
	p2 =	por !p2, p0  }
0x20: {  	[sflag:s8] =	ssyncset.s32 @!p0 $0xFFFFF086;
	s6 =	sadd.s32 @!p0 s3, s7;
	s7 =	simm.s32 @!p0 $0x108  }
0x21: {  	s3 =	sadd.s32 s3, s9;
	s6 =	sadd.s32 @!p0 $0x88, s6;
	s7 =	simm.s32 @p2 $0x1082  }
0x22: {  	[simem:s7], [sflag:s8] =	dma.local @!p0 [hbm:s6], $0xF7A  }
0x23: {  	s9 =	sor.u32 $0xD0000000, s2;
	s6 =	simm.s32 $0x108;
	_ =	swait.ge @!p0 [sflag:s8], $0x0  }
0x24: {  	s3 =	sadd.s32 $0x88, s3;
	s6 =	simm.s32 @!p1 $0x1082;
	[sflag:s4] =	ssyncset.s32 $0xFFFFF086  }
0x25: {  	[simem:s6], [sflag:s4] =	dma.local [hbm:s3], $0xF7A  }
0x26: {  	[smem:$0x3F93] =	sst s1;
	(tag) =	ssettag s2;
	_ =	strace s9  }
0x27: {  	s1 =	sld [smem:$0x3FA3]  }
0x28: {  	s2 =	sld [smem:$0x3FA4]  }
0x29: {  	s4 =	sld [smem:$0x3FA6]  }
0x2a: {  	p0 =	seq.s32 s5, $0x0;
	s5 =	sld [smem:$0x3FA7]  }
0x2b: {  	s6 =	sld [smem:$0x3FA8]  }
0x2c: {  	s7 =	sld [smem:$0x3FA9]  }
0x2d: {  	s3 =	simm.s32 $0x108;
	s8 =	sld [smem:$0x3FAA]  }
0x2e: {  	s3 =	simm.s32 @!p0 $0x1082;
	s9 =	sld [smem:$0x3FAB]  }
0x2f: {  	lr =	sadd.s32 s0, s3;
	s0 =	sld [smem:$0x3FA2]  }
0x30: {  	s3 =	sld [smem:$0x3FA5]  }
0x31: {  	[smem:$0x3FAE] =	sst s10  }
0x32: {  	s10 =	sld [smem:$0x3FAC];
	_ =	sdelay $0x3  }
0x33: {  	p0 =	seq.s32 s10, $0x1;
	s10 =	sld [smem:$0x3FAE];
	_ =	sdelay $0x3  }
0x34: {  	[smem:$0x3FAE] =	sst s10  }
0x35: {  	s10 =	sld [smem:$0x3FAD];
	_ =	sdelay $0x3  }
0x36: {  	p1 =	seq.s32 s10, $0x1;
	s10 =	sld [smem:$0x3FAE];
	_ =	sdelay $0x3  }
0x37: {  	[smem:$0x3FAE] =	sst s10  }
0x38: {  	s10 =	sld [smem:$0x3FAF]  }
0x39: {  	_ = 	snop;
	(pc) =	sbr.ind lr, $3  }
0x3a: {  	_ = 	snop  }
0x3b: {  	_ = 	snop  }
0x3c: {  	p2 =	seq.s32 s10, $0x1;
	s10 =	sld [smem:$0x3FAE]  }
0x3d: {  	_ =	shalt  }
0x3e: {  	_ =	shalt  }
0x3f: {  	_ =	shalt  }
0x40: {  	_ =	shalt  }
0x41: {  	_ =	shalt  }
0x42: {  	_ =	shalt  }
0x43: {  	_ =	shalt  }
0x44: {  	_ =	shalt  }
0x45: {  	_ =	shalt  }
0x46: {  	_ =	shalt  }
0x47: {  	_ =	shalt  }
0x48: {  	_ =	shalt  }
0x49: {  	_ =	shalt  }
0x4a: {  	_ =	shalt  }
0x4b: {  	_ =	shalt  }
0x4c: {  	_ =	shalt  }
0x4d: {  	_ =	shalt  }
0x4e: {  	_ =	shalt  }
0x4f: {  	_ =	shalt  }
0x50: {  	_ =	shalt  }
0x51: {  	_ =	shalt  }
0x52: {  	_ =	shalt  }
0x53: {  	_ =	shalt  }
0x54: {  	_ =	shalt  }
0x55: {  	_ =	shalt  }
0x56: {  	_ =	shalt  }
0x57: {  	_ =	shalt  }
0x58: {  	_ =	shalt  }
0x59: {  	_ =	shalt  }
0x5a: {  	_ =	shalt  }
0x5b: {  	_ =	shalt  }
0x5c: {  	_ =	shalt  }
0x5d: {  	_ =	shalt  }
0x5e: {  	_ =	shalt  }
0x5f: {  	_ =	shalt  }
0x60: {  	_ =	shalt  }
0x61: {  	_ =	shalt  }
0x62: {  	_ =	shalt  }
0x63: {  	_ =	shalt  }
0x64: {  	_ =	shalt  }
0x65: {  	_ =	shalt  }
0x66: {  	_ =	shalt  }
0x67: {  	_ =	shalt  }
0x68: {  	_ =	shalt  }
0x69: {  	_ =	shalt  }
0x6a: {  	_ =	shalt  }
0x6b: {  	_ =	shalt  }
0x6c: {  	_ =	shalt  }
0x6d: {  	_ =	shalt  }
0x6e: {  	_ =	shalt  }
0x6f: {  	_ =	shalt  }
0x70: {  	_ =	shalt  }
0x71: {  	_ =	shalt  }
0x72: {  	_ =	shalt  }
0x73: {  	_ =	shalt  }
0x74: {  	_ =	shalt  }
0x75: {  	_ =	shalt  }
0x76: {  	_ =	shalt  }
0x77: {  	_ =	shalt  }
0x78: {  	_ =	shalt  }
0x79: {  	_ =	shalt  }
0x7a: {  	_ =	shalt  }
0x7b: {  	_ =	shalt  }
0x7c: {  	_ =	shalt  }
0x7d: {  	_ =	shalt  }
0x7e: {  	_ =	shalt  }
0x7f: {  	_ =	shalt  }
0x80: {  	_ =	shalt  }
0x81: {  	_ =	shalt  }
0x82: {  	_ =	shalt  }
0x83: {  	_ =	shalt  }
0x84: {  	_ =	shalt  }
0x85: {  	_ =	shalt  }
0x86: {  	_ =	shalt  }
0x87: {  	_ =	shalt  }
.Lfunc_end0:
.L_simem_size_0:
called_computation.3_lowered:
.L_overlay_start_0:
0x88: {  	s2 =	sld [smem:$0x3FD9]  }
0x89: {  	s3 =	sld [smem:$0x3FFE];
	_ =	sdelay $0x1  }
0x8a: {  	s1 =	srdreg.scid  }
0x8b: {  	s0 =	sand.u32 $0x1, s1  }
0x8c: {  	s16 =	sshll.u32 s0, $0xA;
	s2 =	sadd.s32 s3, s2  }
0x8d: {  	s2 =	sadd.s32 s2, s16  }
0x8e: {  	[smem:$0x3FBA] =	sst s2  }
0x8f: {  	_ = 	snop  }
0x90: {  	(tm) =	ssettm $0x1  }
0x91: {  	s17 =	sld [smem:$0x3FFB];
	_ =	sdelay $0x3  }
0x92: {  	_ =	strace s17  }
0x93: {  	s2 =	sld [smem:$0x3FFC];
	_ =	sdelay $0x3  }
0x94: {  	_ =	strace s2  }
0x95: {  	s2 =	sld [smem:$0x3FFD];
	_ =	sdelay $0x3  }
0x96: {  	_ =	strace s2  }
0x97: {  	_ =	strace $0x8FFFFFFF  }
0x98: {  	s18 =	sld [smem:$0x3FDB];
	_ =	sdelay $0x1  }
0x99: {  	s19 =	simm.s32 $_scs_section_size  }
0x9a: {  	s4 =	simm.s32 $_size__tile_overlayer_lowered;
	s5 =	simm.s32 $_tile_overlayer_lowered  }
0x9b: {  	s22 =	simm.s32 $0x1BFF;
	s21 =	sshll.u32 s5, $0x1;
	s2 =	sadd.s32 s19, s18  }
0x9c: {  	s6 =	simm.s32 $0x0;
	s20 =	sshll.u32 s4, $0x1;
	s4 =	sadd.s32 s21, s2  }
0x9d: {  	[timem:s6], [sflag:s22] =	dma.local [hbm:s4], s20  }
0x9e: {  	_ =	swait.ge [sflag:s22], s20  }
0x9f: {  	s3 =	ssub.s32 $0x0, s20;
	[sflag:s22] =	ssyncset.done $0x0  }
0xa0: {  	[sflag:s22] =	ssyncadd.s32 s3;
	_ =	sdelay $0x1  }
0xa1: {  	s23 =	simm.s32 $0x1B8B  }
0xa2: {  	_ =	swait.ge [sflag:s23], $0x1  }
0xa3: {  	[sflag:s23] =	ssyncset.done $0x0  }
0xa4: {  	s25 =	simm.s32 $0x1B8E;
	s24 =	sld [smem:$0x3FFE];
	[sflag:s23] =	ssyncadd.s32 $0xFFFFFFFF  }
0xa5: {  	s26 =	simm.s32 $execute0_lowered;
	[smem:$0x3FD2] =	sst s25  }
0xa6: {  	s4 =	sshll.u32 s26, $0x1;
	_ =	strace $0x8000004F;
	[dreg:$0x1] =	wrdreg $0xFFFFFFFF  }
0xa7: {  	s28 =	simm.s32 $_size_execute0_lowered;
	s2 =	sadd.s32 s2, s4;
	[dreg:$0x0] =	wrdreg $0x0  }
0xa8: {  	s4 =	sshll.u32 s28, $0x1;
	[dreg:$0x2] =	wrdreg s2  }
0xa9: {  	[dreg:$0x3] =	wrdreg s4  }
0xaa: {  	[dreg:$0x4] =	wrdreg $0xC0  }
0xab: {  	_ =	task [dreg:s6], $0x5FFFF  }
0xac: {  	[dreg:$0x1] =	wrdreg $0xFFFFFFFF  }
0xad: {  	[dreg:$0x0] =	wrdreg $0x60  }
0xae: {  	[dreg:$0x2] =	wrdreg s24  }
0xaf: {  	[dreg:$0x3] =	wrdreg $0x0  }
0xb0: {  	[dreg:$0x4] =	wrdreg $0x9  }
0xb1: {  	_ =	task.clear_ibuf [dreg:s6], $0x5FFFF;
	_ =	strace $0x9000004F  }
0xb2: {  	s29 =	simm.s32 $0x9;
	_ =	strace $0x80000051  }
0xb3: {  	_ =	swait.ge [sflag:s29], $0x1  }
0xb4: {  	[sflag:s29] =	ssyncadd.s32 $0xFFFFFFFF  }
0xb5: {  	_ =	strace $0x90000051  }
0xb6: {  	_ =	sfence  }
0xb7: {  	s30 =	sld [smem:$0x0];
	_ =	sdelay $0x2  }
0xb8: {  	s31 =	sshll.u32 s1, $0xD;
	s1 =	sshrl.u32 s1, $0x2  }
0xb9: {  	s3 =	sand.u32 $0x4000, s31;
	s1 =	sadd.s32 s1, s30  }
0xba: {  	s0 =	sor.u32 s3, s0;
	s1 =	sshll.u32 s1, $0x11  }
0xbb: {  	s0 =	sor.u32 s1, s0  }
0xbc: {  	s0 =	sadd.s32 $0x8F2B, s0  }
0xbd: {  	[sflag:s0] =	ssyncadd.remote.s32 $0x1  }
0xbe: {  	_ =	sfence.sel $0xFFFF  }
0xbf: {  	[dreg:$0x0] =	wrdreg $0xFFFFFFFF;
	(pc) =	sbr.abs _section_cstart, $3  }
0xc0: {  	[dreg:$0x1] =	wrdreg $0xFFFFFFFF  }
0xc1: {  	_ =	task.clear_ibuf [dreg:s6], $0x2FFFF;
	_ =	strace $0x9FFFFFFF  }
0xc2: {  	(tm) =	ssettm $0x7FFFFFFF  }
0xc3: {  	_ =	shalt  }
tec
execute0_lowered:
.L_overlay_start_1:
0x0: {  	(tag) =	ssettag $0x1  }
0x1: {  	s0 =	srdreg.scid;
	s6 =	rddreg [dreg:$0x0]  }
0x2: {  	s2 =	rddreg [dreg:$0x1];
	s5 =	sand.u32 $0x1, s0  }
0x3: {  	s0 =	stileid.u32;
	s4 =	smul.u32 $0x2800000, s5  }
0x4: {  	s3 =	simm.s32 $0x0;
	s24 =	simm.s32 $0x14000;
	s7 =	smul.u32 $0x280000, s0  }
0x5: {  	s25 =	simm.s32 $0x80;
	s26 =	simm.s32 $0x0;
	s28 =	smul.u32 $0xA00, s0  }
0x6: {  	[smem:$0x7FF] =	sst s3;
	s19 =	sadd.s32 $0x74A00, s6;
	s8 =	smul.u32 $0x50000, s0  }
0x7: {  	_ =	strace $0x80000050;
	s29 =	ssub.s32 $0x2, s5;
	s16 =	smul.u32 $0x140000, s5  }
0x8: {  	s15 =	smul.u32 $0x14000, s0;
	s9 =	sshrl.u32 s29, $0x1;
	s4 =	sadd.s32 s7, s4  }
0x9: {  	s21 =	sadd.s32 s28, s6;
	s8 =	sshrl.u32 s8, $0x2;
	s7 =	ssub.s32 s29, s9  }
0xa: {  	s10 =	sadd.s32 s16, s15;
	s12 =	sadd.s32 $0x4000, s15;
	s17 =	sadd.s32 $0x8000, s15  }
0xb: {  	s18 =	sadd.s32 $0xC000, s15;
	s23 =	sadd.s32 $0x10000, s15;
	s4 =	sshrl.u32 s4, $0x3  }
0xc: {  	s5 =	sadd.s32 s8, s2;
	s11 =	sshrl.u32 s10, $0x3;
	s13 =	sadd.s32 s16, s12  }
0xd: {  	s12 =	sadd.s32 s12, s2;
	s14 =	sadd.s32 s17, s2;
	s17 =	sadd.s32 s16, s17  }
0xe: {  	s22 =	sadd.s32 s16, s18;
	s31 =	sadd.s32 s16, s23;
	s16 =	sadd.s32 s18, s2  }
0xf: {  	s18 =	sadd.s32 s23, s2;
	s21 =	sadd.s32 $0x5E00, s21;
	s23 =	simm.s32 $0x1  }
0x10: {  	s20 =	sadd.s32 s4, s6;
	s4 =	sadd.s32 $0x25E00, s6;
	s6 =	smax.u32 s7, $0x1  }
0x11: {  	s7 =	sadd.s32 $0x4000, s5;
	s8 =	sadd.s32 $0x8000, s5;
	s9 =	sadd.s32 $0xC000, s5  }
0x12: {  	s10 =	sadd.s32 $0x10000, s5;
	s11 =	sadd.s32 s19, s11;
	s13 =	sshrl.u32 s13, $0x3  }
0x13: {  	s17 =	sshrl.u32 s17, $0x3;
	s30 =	sshrl.u32 s22, $0x3;
	s22 =	sshrl.u32 s31, $0x3  }
0x14: {  	s13 =	sadd.s32 s19, s13;
	s15 =	sadd.s32 s19, s17;
	s17 =	sadd.s32 s19, s30  }
0x15: {  	s19 =	sadd.s32 s19, s22;
	s20 =	sadd.s32 $0xA74A00, s20;
	s22 =	simm.s32 $0x14080  }
.LBB2_1:
0x16: {  	[tilespmem:s22], [sflag:$0x1] =	stream.linear.gather [hbm4b:s4+s3], $0x4000, $0x38;
	[tilespmem:$0x18080] =	vst v63  }
0x17: {  	_ =	swait.ge [sflag:s23], $0x4000  }
0x18: {  	[sflag:s23] =	ssyncset.done $0x0  }
0x19: {  	[sflag:s23] =	ssyncadd.s32 $0xFFFFC000  }
0x1a: {  	[spmem:s5] =	stream.linear.scatter [tilespmem:s22], [sflag:$0x1], $0x4000, $0x38;
	[tilespmem:$0x18080] =	vst v63  }
0x1b: {  	_ =	swait.ge [sflag:s23], $0x4000  }
0x1c: {  	[sflag:s23] =	ssyncset.done $0x0  }
0x1d: {  	[sflag:s23] =	ssyncadd.s32 $0xFFFFC000  }
0x1e: {  	[spmem:s7] =	stream.linear.scatter [tilespmem:s22], [sflag:$0x1], $0x4000, $0x38;
	[tilespmem:$0x18080] =	vst v63  }
0x1f: {  	_ =	swait.ge [sflag:s23], $0x4000  }
0x20: {  	[sflag:s23] =	ssyncset.done $0x0  }
0x21: {  	[sflag:s23] =	ssyncadd.s32 $0xFFFFC000  }
0x22: {  	[spmem:s8] =	stream.linear.scatter [tilespmem:s22], [sflag:$0x1], $0x4000, $0x38;
	[tilespmem:$0x18080] =	vst v63  }
0x23: {  	_ =	swait.ge [sflag:s23], $0x4000  }
0x24: {  	[sflag:s23] =	ssyncset.done $0x0  }
0x25: {  	[sflag:s23] =	ssyncadd.s32 $0xFFFFC000  }
0x26: {  	[spmem:s9] =	stream.linear.scatter [tilespmem:s22], [sflag:$0x1], $0x4000, $0x38;
	[tilespmem:$0x18080] =	vst v63  }
0x27: {  	_ =	swait.ge [sflag:s23], $0x4000  }
0x28: {  	[sflag:s23] =	ssyncset.done $0x0  }
0x29: {  	[sflag:s23] =	ssyncadd.s32 $0xFFFFC000  }
0x2a: {  	[spmem:s10] =	stream.linear.scatter [tilespmem:s22], [sflag:$0x1], $0x4000, $0x38;
	[tilespmem:$0x18080] =	vst v63  }
0x2b: {  	_ =	swait.ge [sflag:s23], $0x4000  }
0x2c: {  	[sflag:s23] =	ssyncset.done $0x0  }
0x2d: {  	[sflag:s23] =	ssyncadd.s32 $0xFFFFC000  }
0x2e: {  	s28 =	sadd.s32 $0x0, s21;
	[bflag:$0x0] =	sbarrier.arrive $0xFFFF  }
0x2f: {  	[tilespmem:s24], [sflag:$0x1] =	stream.linear.gather [hbm4b:s28+s3], $0x80, $0x38;
	[tilespmem:$0x18080] =	vst v63  }
0x30: {  	_ =	swait.ge [sflag:s23], $0x80  }
0x31: {  	[sflag:s23] =	ssyncset.done $0x0  }
0x32: {  	[sflag:s23] =	ssyncadd.s32 $0xFFFFFF80  }
0x33: {  	[tilespmem:s22], [sflag:$0x1] =	stream.linear.gather [hbm4b:s20+s3], $0x4000, $0x38;
	[tilespmem:$0x18080] =	vst v63  }
0x34: {  	_ =	swait.ge [sflag:s23], $0x4000  }
0x35: {  	[sflag:s23] =	ssyncset.done $0x0  }
0x36: {  	[sflag:s23] =	ssyncadd.s32 $0xFFFFC000  }
0x37: {  	[spmem:s2] =	stream.indirect.scatter.add.f32 [tilespmem:s22], [sflag:$0x1], $0x80, s24, s25, $0xb8;
	[tilespmem:$0x18080] =	vst v63  }
0x38: {  	s29 =	simm.s32 $0x10;
	_ =	swait.ge [sflag:s23], $0x4000  }
0x39: {  	s30 =	simm.s32 $0x20;
	s28 =	sadd.s32 $0x800, s20;
	[sflag:s23] =	ssyncset.done $0x0  }
.LBB2_2:
0x3a: {  	s31 =	sadd.s32 s29, s21  }
0x3b: {  	[sflag:s23] =	ssyncadd.s32 $0xFFFFC000;
	s29 =	smov.u32 s30;
	s1 =	sadd.s32 $0x10, s30  }
0x3c: {  	[tilespmem:s24], [sflag:$0x1] =	stream.linear.gather [hbm4b:s31+s3], $0x80, $0x38;
	[tilespmem:$0x18080] =	vst v63  }
0x3d: {  	p0 =	sne.s32 s30, $0x9F0;
	_ =	swait.ge [sflag:s23], $0x80  }
0x3e: {  	[sflag:s23] =	ssyncset.done $0x0  }
0x3f: {  	[sflag:s23] =	ssyncadd.s32 $0xFFFFFF80  }
0x40: {  	[tilespmem:s22], [sflag:$0x1] =	stream.linear.gather [hbm4b:s28+s3], $0x4000, $0x38;
	[tilespmem:$0x18080] =	vst v63  }
0x41: {  	_ =	swait.ge [sflag:s23], $0x4000  }
.Ltmp0:
0x42: {  	[sflag:s23] =	ssyncset.done $0x0;
	(pc) =	sbr.rel @p0 .LBB2_2-.Ltmp0, $4  }
0x43: {  	[sflag:s23] =	ssyncadd.s32 $0xFFFFC000  }
0x44: {  	[spmem:s2] =	stream.indirect.scatter.add.f32 [tilespmem:s22], [sflag:$0x1], $0x80, s24, s25, $0xb8;
	[tilespmem:$0x18080] =	vst v63  }
0x45: {  	_ =	swait.ge [sflag:s23], $0x4000  }
0x46: {  	s30 =	smov.u32 s1;
	s28 =	sadd.s32 $0x800, s28;
	[sflag:s23] =	ssyncset.done $0x0  }
0x47: {  	s1 =	sadd.s32 s29, s21;
	[sflag:s23] =	ssyncadd.s32 $0xFFFFC000  }
0x48: {  	[tilespmem:s24], [sflag:$0x1] =	stream.linear.gather [hbm4b:s1+s3], $0x80, $0x38;
	[tilespmem:$0x18080] =	vst v63  }
0x49: {  	_ =	swait.ge [sflag:s23], $0x80  }
0x4a: {  	[sflag:s23] =	ssyncset.done $0x0  }
0x4b: {  	[sflag:s23] =	ssyncadd.s32 $0xFFFFFF80  }
0x4c: {  	[tilespmem:s22], [sflag:$0x1] =	stream.linear.gather [hbm4b:s28+s3], $0x4000, $0x38;
	[tilespmem:$0x18080] =	vst v63  }
0x4d: {  	_ =	swait.ge [sflag:s23], $0x4000  }
0x4e: {  	[sflag:s23] =	ssyncset.done $0x0  }
0x4f: {  	[sflag:s23] =	ssyncadd.s32 $0xFFFFC000  }
0x50: {  	[spmem:s2] =	stream.indirect.scatter.add.f32 [tilespmem:s22], [sflag:$0x1], $0x80, s24, s25, $0xb8;
	[tilespmem:$0x18080] =	vst v63  }
0x51: {  	_ =	swait.ge [sflag:s23], $0x4000  }
0x52: {  	[sflag:s23] =	ssyncset.done $0x0  }
0x53: {  	[sflag:s23] =	ssyncadd.s32 $0xFFFFC000  }
0x54: {  	[bflag:$0x0] =	sbarrier.arrive $0xFFFF  }
0x55: {  	[tilespmem:s22], [sflag:$0x1] =	stream.linear.gather [spmem:s5], $0x4000, $0x38;
	[tilespmem:$0x18080] =	vst v63  }
0x56: {  	_ =	swait.ge [sflag:s23], $0x4000  }
0x57: {  	[sflag:s23] =	ssyncset.done $0x0  }
0x58: {  	[sflag:s23] =	ssyncadd.s32 $0xFFFFC000  }
0x59: {  	[hbm4b:s11+s3] =	stream.linear.scatter [tilespmem:s22], [sflag:$0x1], $0x4000, $0x38;
	[tilespmem:$0x18080] =	vst v63  }
0x5a: {  	_ =	swait.ge [sflag:s23], $0x4000  }
0x5b: {  	[sflag:s23] =	ssyncset.done $0x0  }
0x5c: {  	[sflag:s23] =	ssyncadd.s32 $0xFFFFC000  }
0x5d: {  	[tilespmem:s22], [sflag:$0x1] =	stream.linear.gather [spmem:s12], $0x4000, $0x38;
	[tilespmem:$0x18080] =	vst v63  }
0x5e: {  	_ =	swait.ge [sflag:s23], $0x4000  }
0x5f: {  	[sflag:s23] =	ssyncset.done $0x0  }
0x60: {  	[sflag:s23] =	ssyncadd.s32 $0xFFFFC000  }
0x61: {  	[hbm4b:s13+s3] =	stream.linear.scatter [tilespmem:s22], [sflag:$0x1], $0x4000, $0x38;
	[tilespmem:$0x18080] =	vst v63  }
0x62: {  	_ =	swait.ge [sflag:s23], $0x4000  }
0x63: {  	[sflag:s23] =	ssyncset.done $0x0  }
0x64: {  	[sflag:s23] =	ssyncadd.s32 $0xFFFFC000  }
0x65: {  	[tilespmem:s22], [sflag:$0x1] =	stream.linear.gather [spmem:s14], $0x4000, $0x38;
	[tilespmem:$0x18080] =	vst v63  }
0x66: {  	_ =	swait.ge [sflag:s23], $0x4000  }
0x67: {  	[sflag:s23] =	ssyncset.done $0x0  }
0x68: {  	[sflag:s23] =	ssyncadd.s32 $0xFFFFC000  }
0x69: {  	[hbm4b:s15+s3] =	stream.linear.scatter [tilespmem:s22], [sflag:$0x1], $0x4000, $0x38;
	[tilespmem:$0x18080] =	vst v63  }
0x6a: {  	_ =	swait.ge [sflag:s23], $0x4000  }
0x6b: {  	[sflag:s23] =	ssyncset.done $0x0  }
0x6c: {  	[sflag:s23] =	ssyncadd.s32 $0xFFFFC000  }
0x6d: {  	[tilespmem:s22], [sflag:$0x1] =	stream.linear.gather [spmem:s16], $0x4000, $0x38;
	[tilespmem:$0x18080] =	vst v63  }
0x6e: {  	_ =	swait.ge [sflag:s23], $0x4000  }
0x6f: {  	[sflag:s23] =	ssyncset.done $0x0  }
0x70: {  	[sflag:s23] =	ssyncadd.s32 $0xFFFFC000  }
0x71: {  	[hbm4b:s17+s3] =	stream.linear.scatter [tilespmem:s22], [sflag:$0x1], $0x4000, $0x38;
	[tilespmem:$0x18080] =	vst v63  }
0x72: {  	_ =	swait.ge [sflag:s23], $0x4000  }
0x73: {  	[sflag:s23] =	ssyncset.done $0x0  }
0x74: {  	[sflag:s23] =	ssyncadd.s32 $0xFFFFC000  }
0x75: {  	[tilespmem:s22], [sflag:$0x1] =	stream.linear.gather [spmem:s18], $0x4000, $0x38;
	[tilespmem:$0x18080] =	vst v63  }
0x76: {  	s26 =	sadd.s32 $0x1, s26;
	_ =	swait.ge [sflag:s23], $0x4000  }
0x77: {  	p0 =	sne.s32 s26, s6;
	[sflag:s23] =	ssyncset.done $0x0  }
.Ltmp1:
0x78: {  	[sflag:s23] =	ssyncadd.s32 $0xFFFFC000;
	(pc) =	sbr.rel @p0 .LBB2_1-.Ltmp1, $4  }
0x79: {  	[hbm4b:s19+s3] =	stream.linear.scatter [tilespmem:s22], [sflag:$0x1], $0x4000, $0x38;
	[tilespmem:$0x18080] =	vst v63  }
0x7a: {  	_ =	swait.ge [sflag:s23], $0x4000  }
0x7b: {  	[sflag:s23] =	ssyncset.done $0x0  }
0x7c: {  	[sflag:s23] =	ssyncadd.s32 $0xFFFFC000  }
0x7d: {  	_ =	sfence.sel $0x180000  }
0x7e: {  	[bflag:$0x0] =	sbarrier.arrive $0xFFFF  }
0x7f: {  	_ =	strace $0x90000050  }
0x80: {  	[bflag:$0x2] =	sbarrier.arrive $0xFFFF  }
0x81: {  	p0 =	sne.s32 s0, $0x0;
	s0 =	rddreg [dreg:$0x2]  }
0x82: {  	s0 =	sadd.s32 @!p0 $0x100000, s0  }
0x83: {  	[sflag:s0] =	ssyncadd.tile.s32 @!p0 $0x1;
	_ =	shalt  }
.Lfunc_end2:
_tile_overlayer_lowered:
.L_overlay_start_2:
0x84: {  	(tag) =	ssettag $0x2  }
0x85: {  	s0 =	rddreg [dreg:$0x0];
	s2 =	stileid.u32  }
0x86: {  	s1 =	rddreg [dreg:$0x1];
	p0 =	sne.s32 s2, $0x0  }
0x87: {  	s3 =	rddreg [dreg:$0x2];
	[bflag:$0x3] =	sbarrier.arrive $0xFFFF;
	s2 =	simm.s32 @!p0 $0x1C01  }
0x88: {  	[timem:s3], [sflag:s2] =	dma.local @!p0 [hbm:s0], s1  }
0x89: {  	s0 =	simm.s32 @!p0 $0x1  }
0x8a: {  	_ =	swait.ge @!p0 [sflag:s0], s1  }
0x8b: {  	s1 =	ssub.s32 @!p0 $0x0, s1;
	[sflag:s0] =	ssyncset.done @!p0 $0x0  }
0x8c: {  	[sflag:s0] =	ssyncadd.s32 @!p0 s1  }
0x8d: {  	[bflag:$0x3] =	sbarrier.arrive $0xFFFF  }
0x8e: {  	_ =	shalt  }

// kernel: kernel.27.cloned.1.call-start
scs
__scs_entry_jumppad:
0x0: {  	(pc) =	sbr.rel $0x88, $3  }
0x1: {  	(tag) =	ssettag $0x0;
	lr =	simm.s32 $0x1  }
0x2: {  	[smem:$0x3F93] =	sst lr;
	_ =	strace $0xD0000000  }
0x3: {  	_ = 	snop  }
0x4: {  	_ = 	snop  }
0x5: {  	_ = 	snop  }
0x6: {  	_ = 	snop  }
0x7: {  	_ = 	snop  }
__scs_overlays_trampoline_lowered:
0x8: {  	[smem:$0x3FA2] =	sst s0  }
0x9: {  	[smem:$0x3FA3] =	sst s1  }
0xa: {  	[smem:$0x3FA4] =	sst s2  }
0xb: {  	[smem:$0x3FA5] =	sst s3  }
0xc: {  	[smem:$0x3FA6] =	sst s4  }
0xd: {  	[smem:$0x3FA7] =	sst s5  }
0xe: {  	[smem:$0x3FA8] =	sst s6  }
0xf: {  	[smem:$0x3FA9] =	sst s7  }
0x10: {  	[smem:$0x3FAA] =	sst s8  }
0x11: {  	[smem:$0x3FAB] =	sst s9;
	s0 =	simm.s32 @!p0 $0x0  }
0x12: {  	s1 =	sld [smem:$0x3F91];
	s0 =	simm.s32 @p0 $0x1  }
0x13: {  	[smem:$0x3FAC] =	sst s0;
	s0 =	simm.s32 @!p1 $0x0  }
0x14: {  	s2 =	sld [smem:$0x3F90];
	s0 =	simm.s32 @p1 $0x1  }
0x15: {  	[smem:$0x3FAD] =	sst s0;
	s0 =	simm.s32 @!p2 $0x0  }
0x16: {  	s3 =	sld [smem:$0x3FDB];
	s0 =	simm.s32 @p2 $0x1  }
0x17: {  	s4 =	simm.s32 $0x1BF5;
	[smem:$0x3FAF] =	sst s0  }
0x18: {  	s0 =	sld [smem:$0x3F92];
	_ =	swait.ge [sflag:s4], $0x0  }
0x19: {  	s7 =	sld [smem:$0x3F93]  }
0x1a: {  	s8 =	sadd.s32 $0xFFFFE003, lr  }
0x1b: {  	s9 =	sadd.s32 $0xFFFFFEF7, lr;
	s5 =	simm.s32 $0xFFFFFFFF;
	p2 =	slt.u32 s8, $0xFFFFF086  }
0x1c: {  	p1 =	slt.u32 s9, $0xF7A;
	s5 =	simm.s32 @!p2 $0x0  }
0x1d: {  	s5 =	simm.s32 @p1 $0x1;
	p0 =	seq.s32 s7, s2  }
0x1e: {  	s7 =	smul.u32 @!p0 $0xF7A, s2;
	p2 =	seq.s32 @!p0 s5, $0x0  }
0x1f: {  	s9 =	smul.u32 $0xF7A, s1;
	s8 =	simm.s32 @!p0 $0x1BF5;
	p2 =	por !p2, p0  }
0x20: {  	[sflag:s8] =	ssyncset.s32 @!p0 $0xFFFFF086;
	s6 =	sadd.s32 @!p0 s3, s7;
	s7 =	simm.s32 @!p0 $0x108  }
0x21: {  	s3 =	sadd.s32 s3, s9;
	s6 =	sadd.s32 @!p0 $0x88, s6;
	s7 =	simm.s32 @p2 $0x1082  }
0x22: {  	[simem:s7], [sflag:s8] =	dma.local @!p0 [hbm:s6], $0xF7A  }
0x23: {  	s9 =	sor.u32 $0xD0000000, s2;
	s6 =	simm.s32 $0x108;
	_ =	swait.ge @!p0 [sflag:s8], $0x0  }
0x24: {  	s3 =	sadd.s32 $0x88, s3;
	s6 =	simm.s32 @!p1 $0x1082;
	[sflag:s4] =	ssyncset.s32 $0xFFFFF086  }
0x25: {  	[simem:s6], [sflag:s4] =	dma.local [hbm:s3], $0xF7A  }
0x26: {  	[smem:$0x3F93] =	sst s1;
	(tag) =	ssettag s2;
	_ =	strace s9  }
0x27: {  	s1 =	sld [smem:$0x3FA3]  }
0x28: {  	s2 =	sld [smem:$0x3FA4]  }
0x29: {  	s4 =	sld [smem:$0x3FA6]  }
0x2a: {  	p0 =	seq.s32 s5, $0x0;
	s5 =	sld [smem:$0x3FA7]  }
0x2b: {  	s6 =	sld [smem:$0x3FA8]  }
0x2c: {  	s7 =	sld [smem:$0x3FA9]  }
0x2d: {  	s3 =	simm.s32 $0x108;
	s8 =	sld [smem:$0x3FAA]  }
0x2e: {  	s3 =	simm.s32 @!p0 $0x1082;
	s9 =	sld [smem:$0x3FAB]  }
0x2f: {  	lr =	sadd.s32 s0, s3;
	s0 =	sld [smem:$0x3FA2]  }
0x30: {  	s3 =	sld [smem:$0x3FA5]  }
0x31: {  	[smem:$0x3FAE] =	sst s10  }
0x32: {  	s10 =	sld [smem:$0x3FAC];
	_ =	sdelay $0x3  }
0x33: {  	p0 =	seq.s32 s10, $0x1;
	s10 =	sld [smem:$0x3FAE];
	_ =	sdelay $0x3  }
0x34: {  	[smem:$0x3FAE] =	sst s10  }
0x35: {  	s10 =	sld [smem:$0x3FAD];
	_ =	sdelay $0x3  }
0x36: {  	p1 =	seq.s32 s10, $0x1;
	s10 =	sld [smem:$0x3FAE];
	_ =	sdelay $0x3  }
0x37: {  	[smem:$0x3FAE] =	sst s10  }
0x38: {  	s10 =	sld [smem:$0x3FAF]  }
0x39: {  	_ = 	snop;
	(pc) =	sbr.ind lr, $3  }
0x3a: {  	_ = 	snop  }
0x3b: {  	_ = 	snop  }
0x3c: {  	p2 =	seq.s32 s10, $0x1;
	s10 =	sld [smem:$0x3FAE]  }
0x3d: {  	_ =	shalt  }
0x3e: {  	_ =	shalt  }
0x3f: {  	_ =	shalt  }
0x40: {  	_ =	shalt  }
0x41: {  	_ =	shalt  }
0x42: {  	_ =	shalt  }
0x43: {  	_ =	shalt  }
0x44: {  	_ =	shalt  }
0x45: {  	_ =	shalt  }
0x46: {  	_ =	shalt  }
0x47: {  	_ =	shalt  }
0x48: {  	_ =	shalt  }
0x49: {  	_ =	shalt  }
0x4a: {  	_ =	shalt  }
0x4b: {  	_ =	shalt  }
0x4c: {  	_ =	shalt  }
0x4d: {  	_ =	shalt  }
0x4e: {  	_ =	shalt  }
0x4f: {  	_ =	shalt  }
0x50: {  	_ =	shalt  }
0x51: {  	_ =	shalt  }
0x52: {  	_ =	shalt  }
0x53: {  	_ =	shalt  }
0x54: {  	_ =	shalt  }
0x55: {  	_ =	shalt  }
0x56: {  	_ =	shalt  }
0x57: {  	_ =	shalt  }
0x58: {  	_ =	shalt  }
0x59: {  	_ =	shalt  }
0x5a: {  	_ =	shalt  }
0x5b: {  	_ =	shalt  }
0x5c: {  	_ =	shalt  }
0x5d: {  	_ =	shalt  }
0x5e: {  	_ =	shalt  }
0x5f: {  	_ =	shalt  }
0x60: {  	_ =	shalt  }
0x61: {  	_ =	shalt  }
0x62: {  	_ =	shalt  }
0x63: {  	_ =	shalt  }
0x64: {  	_ =	shalt  }
0x65: {  	_ =	shalt  }
0x66: {  	_ =	shalt  }
0x67: {  	_ =	shalt  }
0x68: {  	_ =	shalt  }
0x69: {  	_ =	shalt  }
0x6a: {  	_ =	shalt  }
0x6b: {  	_ =	shalt  }
0x6c: {  	_ =	shalt  }
0x6d: {  	_ =	shalt  }
0x6e: {  	_ =	shalt  }
0x6f: {  	_ =	shalt  }
0x70: {  	_ =	shalt  }
0x71: {  	_ =	shalt  }
0x72: {  	_ =	shalt  }
0x73: {  	_ =	shalt  }
0x74: {  	_ =	shalt  }
0x75: {  	_ =	shalt  }
0x76: {  	_ =	shalt  }
0x77: {  	_ =	shalt  }
0x78: {  	_ =	shalt  }
0x79: {  	_ =	shalt  }
0x7a: {  	_ =	shalt  }
0x7b: {  	_ =	shalt  }
0x7c: {  	_ =	shalt  }
0x7d: {  	_ =	shalt  }
0x7e: {  	_ =	shalt  }
0x7f: {  	_ =	shalt  }
0x80: {  	_ =	shalt  }
0x81: {  	_ =	shalt  }
0x82: {  	_ =	shalt  }
0x83: {  	_ =	shalt  }
0x84: {  	_ =	shalt  }
0x85: {  	_ =	shalt  }
0x86: {  	_ =	shalt  }
0x87: {  	_ =	shalt  }
.Lfunc_end0:
.L_simem_size_0:
called_computation.4_lowered:
.L_overlay_start_0:
0x88: {  	s2 =	sld [smem:$0x3FD9]  }
0x89: {  	s3 =	sld [smem:$0x3FFE];
	_ =	sdelay $0x1  }
0x8a: {  	s1 =	srdreg.scid  }
0x8b: {  	s0 =	sand.u32 $0x1, s1  }
0x8c: {  	s17 =	sshll.u32 s0, $0xA;
	s2 =	sadd.s32 s3, s2  }
0x8d: {  	s2 =	sadd.s32 s2, s17  }
0x8e: {  	[smem:$0x3FBA] =	sst s2  }
0x8f: {  	_ = 	snop  }
0x90: {  	s2 =	sld [smem:$0x3FD0];
	(tm) =	ssettm $0x1  }
0x91: {  	s18 =	sld [smem:$0x3FFB];
	_ =	sdelay $0x3  }
0x92: {  	_ =	strace s18  }
0x93: {  	s3 =	sld [smem:$0x3FFC];
	_ =	sdelay $0x3  }
0x94: {  	_ =	strace s3  }
0x95: {  	s3 =	sld [smem:$0x3FFD];
	_ =	sdelay $0x3  }
0x96: {  	_ =	strace s3  }
0x97: {  	_ =	strace $0x8FFFFFFF  }
0x98: {  	s19 =	sld [smem:$0x3FDB];
	_ =	sdelay $0x1  }
0x99: {  	s4 =	simm.s32 $_scs_section_size  }
0x9a: {  	s5 =	simm.s32 $_size__tile_overlayer_lowered;
	s6 =	simm.s32 $_tile_overlayer_lowered  }
0x9b: {  	s22 =	simm.s32 $0x1BFF;
	s21 =	sshll.u32 s6, $0x1;
	s3 =	sadd.s32 s4, s19  }
0x9c: {  	s7 =	simm.s32 $0x0;
	s20 =	sshll.u32 s5, $0x1;
	s5 =	sadd.s32 s21, s3  }
0x9d: {  	[timem:s7], [sflag:s22] =	dma.local [hbm:s5], s20  }
0x9e: {  	_ =	swait.ge [sflag:s22], s20  }
0x9f: {  	s4 =	ssub.s32 $0x0, s20;
	[sflag:s22] =	ssyncset.done $0x0  }
0xa0: {  	[sflag:s22] =	ssyncadd.s32 s4;
	_ =	sdelay $0x1  }
0xa1: {  	s23 =	simm.s32 $0x1B8B  }
0xa2: {  	_ =	swait.ge [sflag:s23], $0x1  }
0xa3: {  	[sflag:s23] =	ssyncset.done $0x0  }
0xa4: {  	s25 =	simm.s32 $0x1B8E;
	s24 =	sld [smem:$0x3FFE];
	[sflag:s23] =	ssyncadd.s32 $0xFFFFFFFF  }
0xa5: {  	s26 =	simm.s32 $execute0_lowered;
	[smem:$0x3FD2] =	sst s25  }
0xa6: {  	s5 =	sshll.u32 s26, $0x1;
	_ =	strace $0x80000052;
	[dreg:$0x1] =	wrdreg $0xFFFFFFFF  }
0xa7: {  	s28 =	simm.s32 $_size_execute0_lowered;
	s3 =	sadd.s32 s3, s5;
	[dreg:$0x0] =	wrdreg $0x0  }
0xa8: {  	s5 =	sshll.u32 s28, $0x1;
	[dreg:$0x2] =	wrdreg s3  }
0xa9: {  	[dreg:$0x3] =	wrdreg s5  }
0xaa: {  	[dreg:$0x4] =	wrdreg $0xC0  }
0xab: {  	_ =	task [dreg:s7], $0x5FFFF  }
0xac: {  	[dreg:$0x1] =	wrdreg $0xFFFFFFFF  }
0xad: {  	[dreg:$0x0] =	wrdreg $0x60  }
0xae: {  	[dreg:$0x2] =	wrdreg s2  }
0xaf: {  	[dreg:$0x3] =	wrdreg s24  }
0xb0: {  	[dreg:$0x4] =	wrdreg $0x9  }
0xb1: {  	_ =	task.clear_ibuf [dreg:s7], $0x5FFFF;
	_ =	strace $0x90000052  }
0xb2: {  	s29 =	simm.s32 $0x9;
	_ =	strace $0x80000054  }
0xb3: {  	_ =	swait.ge [sflag:s29], $0x1  }
0xb4: {  	[sflag:s29] =	ssyncadd.s32 $0xFFFFFFFF  }
0xb5: {  	_ =	strace $0x90000054  }
0xb6: {  	_ =	sfence  }
0xb7: {  	s30 =	sld [smem:$0x0];
	_ =	sdelay $0x2  }
0xb8: {  	s31 =	sshll.u32 s1, $0xD;
	s1 =	sshrl.u32 s1, $0x2  }
0xb9: {  	s3 =	sand.u32 $0x4000, s31;
	s1 =	sadd.s32 s1, s30  }
0xba: {  	s0 =	sor.u32 s3, s0;
	s1 =	sshll.u32 s1, $0x11  }
0xbb: {  	s0 =	sor.u32 s1, s0  }
0xbc: {  	s0 =	sadd.s32 $0x8F2B, s0  }
0xbd: {  	[sflag:s0] =	ssyncadd.remote.s32 $0x1  }
0xbe: {  	_ =	sfence.sel $0xFFFF  }
0xbf: {  	[dreg:$0x0] =	wrdreg $0xFFFFFFFF;
	(pc) =	sbr.abs _section_cstart, $3  }
0xc0: {  	[dreg:$0x1] =	wrdreg $0xFFFFFFFF  }
0xc1: {  	_ =	task.clear_ibuf [dreg:s7], $0x2FFFF;
	_ =	strace $0x9FFFFFFF  }
0xc2: {  	(tm) =	ssettm $0x7FFFFFFF  }
0xc3: {  	_ =	shalt  }
tec
execute0_lowered:
.L_overlay_start_1:
0x0: {  	(tag) =	ssettag $0x1  }
0x1: {  	s1 =	rddreg [dreg:$0x0]  }
0x2: {  	s8 =	rddreg [dreg:$0x1]  }
0x3: {  	s0 =	rddreg [dreg:$0x2];
	s2 =	simm.s32 $0x0  }
0x4: {  	s6 =	srdreg.scid;
	s3 =	stileid.u32;
	s18 =	simm.s32 $0x8200  }
0x5: {  	s19 =	simm.s32 $0xC200;
	s20 =	simm.s32 $0x0;
	[smem:$0x7FF] =	sst s2  }
0x6: {  	s4 =	sadd.s32 $0x26600, s8;
	s5 =	sadd.s32 $0x1AE00, s8;
	s10 =	smul.u32 $0xA0, s3  }
0x7: {  	s9 =	sand.u32 $0x1, s6;
	s7 =	sshll.u32 s3, $0x1;
	s16 =	smul.u32 $0x50000, s3  }
0x8: {  	s6 =	sadd.s32 $0xFE00, s8;
	s12 =	sadd.s32 $0x4D800, s8;
	s11 =	smul.u32 $0x50, s9  }
0x9: {  	s14 =	sadd.s32 $0x54D800, s8;
	s7 =	sor.u32 s9, s7;
	s17 =	smul.u32 $0x28000, s9  }
0xa: {  	_ =	strace $0x80000053;
	s13 =	ssub.s32 $0x2, s9;
	s7 =	smul.u32 $0x2C00, s7  }
0xb: {  	s26 =	sshrl.u32 s13, $0x1;
	s31 =	sadd.s32 s16, s14;
	s10 =	sadd.s32 s11, s10  }
0xc: {  	s28 =	ssub.s32 s13, s26;
	s11 =	simm.s32 $0x2;
	s29 =	sshrl.u32 s7, $0x3  }
0xd: {  	s13 =	simm.s32 $0x200;
	s10 =	sshll.u32 s10, $0xB;
	s8 =	sadd.s32 s5, s29  }
0xe: {  	s15 =	sadd.s32 s10, s12;
	s10 =	sadd.s32 s10, s14;
	s12 =	sadd.s32 s16, s12  }
0xf: {  	s9 =	sadd.s32 s6, s29;
	s14 =	simm.s32 $0x4200;
	s15 =	sadd.s32 $0x800, s15  }
0x10: {  	s16 =	simm.s32 $0x100;
	s30 =	sadd.s32 $0x800, s10;
	[dreg:$0x3] =	wrdreg s15  }
0x11: {  	s10 =	sadd.s32 s17, s31;
	s12 =	sadd.s32 s17, s12;
	[dreg:$0x4] =	wrdreg s30  }
0x12: {  	s17 =	simm.s32 $0x180;
	[dreg:$0x5] =	wrdreg s10;
	s10 =	smax.u32 s28, $0x1  }
0x13: {  	[dreg:$0x6] =	wrdreg s12;
	s12 =	simm.s32 $0x80;
	s15 =	simm.s32 $0x1  }
.LBB2_1:
0x14: {  	[tilespmem:s2], [sflag:$0x2] =	stream.linear.gather [hbm4b:s8+s2], $0x80, $0x38;
	[tilespmem:$0x10200] =	vst v63  }
0x15: {  	_ =	swait.ge [sflag:s11], $0x80  }
0x16: {  	[sflag:s11] =	ssyncset.done $0x0  }
0x17: {  	[sflag:s11] =	ssyncadd.s32 $0xFFFFFF80  }
0x18: {  	[tilespmem:s12], [sflag:$0x2] =	stream.linear.gather [hbm4b:s9+s2], $0x80, $0x38;
	[tilespmem:$0x10200] =	vst v63  }
0x19: {  	_ =	swait.ge [sflag:s11], $0x80  }
0x1a: {  	[sflag:s11] =	ssyncset.done $0x0  }
0x1b: {  	[sflag:s11] =	ssyncadd.s32 $0xFFFFFF80  }
0x1c: {  	[tilespmem:s13], [sflag:$0x1] =	stream.indirect.gather [hbm4b:s1+s12], $0x80, s2, s12, $0xb8;
	[tilespmem:$0x10200] =	vst v63  }
0x1d: {  	_ = 	snop  }
0x1e: {  	[tilespmem:s14], [sflag:$0x1] =	stream.indirect.gather [hbm4b:s4+s12], $0x80, s12, s12, $0xb8;
	[tilespmem:$0x10200] =	vst v63  }
0x1f: {  	s21 =	simm.s32 $0x0;
	_ =	swait.ge [sflag:s15], $0x4000  }
0x20: {  	s22 =	simm.s32 $0x80;
	s21 =	sand.u32 $0x3C00, s21;
	[sflag:s15] =	ssyncset.done $0x0  }
0x21: {  	s22 =	sand.u32 $0x380, s22;
	s21 =	sadd.s32 s7, s21;
	[sflag:s15] =	ssyncadd.s32 $0xFFFFC000  }
0x22: {  	s21 =	sor.u32 s21, s22;
	_ =	swait.ge [sflag:s15], $0x4000  }
0x23: {  	s21 =	sshrl.u32 s21, $0x3;
	[sflag:s15] =	ssyncset.done $0x0  }
0x24: {  	s31 =	sadd.s32 s5, s21;
	[sflag:s15] =	ssyncadd.s32 $0xFFFFC000  }
0x25: {  	[tilespmem:s16], [sflag:$0x2] =	stream.linear.gather [hbm4b:s31+s2], $0x80, $0x38;
	[tilespmem:$0x10200] =	vst v63  }
0x26: {  	_ =	swait.ge [sflag:s11], $0x80  }
0x27: {  	[sflag:s11] =	ssyncset.done $0x0  }
0x28: {  	s21 =	sadd.s32 s6, s21;
	[sflag:s11] =	ssyncadd.s32 $0xFFFFFF80  }
0x29: {  	[tilespmem:s17], [sflag:$0x2] =	stream.linear.gather [hbm4b:s21+s2], $0x80, $0x38;
	[tilespmem:$0x10200] =	vst v63  }
0x2a: {  	_ =	swait.ge [sflag:s11], $0x80  }
0x2b: {  	[sflag:s11] =	ssyncset.done $0x0  }
0x2c: {  	[sflag:s11] =	ssyncadd.s32 $0xFFFFFF80  }
0x2d: {  	[tilespmem:s18], [sflag:$0x1] =	stream.indirect.gather [hbm4b:s1+s12], $0x80, s16, s12, $0xb8;
	[tilespmem:$0x10200] =	vst v63  }
0x2e: {  	s23 =	rddreg [dreg:$0x6]  }
0x2f: {  	[tilespmem:s19], [sflag:$0x1] =	stream.indirect.gather [hbm4b:s4+s12], $0x80, s17, s12, $0xb8;
	[tilespmem:$0x10200] =	vst v63  }
0x30: {  	s21 =	sadd.s32 $0x0, s23  }
0x31: {  	[hbm4b:s21+s2] =	stream.linear.scatter [tilespmem:s13], [sflag:$0x2], $0x4000, $0x38;
	[tilespmem:$0x10200] =	vst v63  }
0x32: {  	_ =	swait.ge [sflag:s11], $0x4000  }
0x33: {  	s24 =	rddreg [dreg:$0x5];
	[sflag:s11] =	ssyncset.done $0x0  }
0x34: {  	[sflag:s11] =	ssyncadd.s32 $0xFFFFC000;
	s21 =	sadd.s32 $0x0, s24  }
0x35: {  	[hbm4b:s21+s2] =	stream.linear.scatter [tilespmem:s14], [sflag:$0x2], $0x4000, $0x38;
	[tilespmem:$0x10200] =	vst v63  }
0x36: {  	_ =	swait.ge [sflag:s11], $0x4000  }
0x37: {  	[sflag:s11] =	ssyncset.done $0x0  }
0x38: {  	[sflag:s11] =	ssyncadd.s32 $0xFFFFC000  }
0x39: {  	_ =	swait.ge [sflag:s15], $0x4000  }
0x3a: {  	s25 =	sand.u32 $0x7C00, s16;
	[sflag:s15] =	ssyncset.done $0x0  }
0x3b: {  	s26 =	sand.u32 $0x300, s16;
	s21 =	sadd.s32 s7, s25;
	[sflag:s15] =	ssyncadd.s32 $0xFFFFC000  }
0x3c: {  	s21 =	sor.u32 s26, s21;
	_ =	swait.ge [sflag:s15], $0x4000  }
0x3d: {  	s21 =	sshrl.u32 s21, $0x3;
	[sflag:s15] =	ssyncset.done $0x0  }
0x3e: {  	s28 =	sadd.s32 s5, s21;
	[sflag:s15] =	ssyncadd.s32 $0xFFFFC000  }
0x3f: {  	[tilespmem:s2], [sflag:$0x2] =	stream.linear.gather [hbm4b:s28+s2], $0x80, $0x38;
	[tilespmem:$0x10200] =	vst v63  }
0x40: {  	_ =	swait.ge [sflag:s11], $0x80  }
0x41: {  	[sflag:s11] =	ssyncset.done $0x0  }
0x42: {  	s21 =	sadd.s32 s6, s21;
	[sflag:s11] =	ssyncadd.s32 $0xFFFFFF80  }
0x43: {  	[tilespmem:s12], [sflag:$0x2] =	stream.linear.gather [hbm4b:s21+s2], $0x80, $0x38;
	[tilespmem:$0x10200] =	vst v63  }
0x44: {  	_ =	swait.ge [sflag:s11], $0x80  }
0x45: {  	[sflag:s11] =	ssyncset.done $0x0  }
0x46: {  	[sflag:s11] =	ssyncadd.s32 $0xFFFFFF80  }
0x47: {  	[tilespmem:s13], [sflag:$0x1] =	stream.indirect.gather [hbm4b:s1+s12], $0x80, s2, s12, $0xb8;
	[tilespmem:$0x10200] =	vst v63  }
0x48: {  	s29 =	rddreg [dreg:$0x3]  }
0x49: {  	[tilespmem:s14], [sflag:$0x1] =	stream.indirect.gather [hbm4b:s4+s12], $0x80, s12, s12, $0xb8;
	[tilespmem:$0x10200] =	vst v63  }
0x4a: {  	s21 =	sadd.s32 $0x0, s29  }
0x4b: {  	[hbm4b:s21+s2] =	stream.linear.scatter [tilespmem:s18], [sflag:$0x2], $0x4000, $0x38;
	[tilespmem:$0x10200] =	vst v63  }
0x4c: {  	_ =	swait.ge [sflag:s11], $0x4000  }
0x4d: {  	s30 =	rddreg [dreg:$0x4];
	[sflag:s11] =	ssyncset.done $0x0  }
0x4e: {  	[sflag:s11] =	ssyncadd.s32 $0xFFFFC000;
	s21 =	sadd.s32 $0x0, s30  }
0x4f: {  	[hbm4b:s21+s2] =	stream.linear.scatter [tilespmem:s19], [sflag:$0x2], $0x4000, $0x38;
	[tilespmem:$0x10200] =	vst v63  }
0x50: {  	_ =	swait.ge [sflag:s11], $0x4000  }
0x51: {  	[sflag:s11] =	ssyncset.done $0x0  }
0x52: {  	s31 =	simm.s32 $0x100;
	[sflag:s11] =	ssyncadd.s32 $0xFFFFC000  }
0x53: {  	s22 =	sand.u32 $0x3C00, s31;
	_ =	swait.ge [sflag:s15], $0x4000  }
0x54: {  	s22 =	sadd.s32 s7, s22;
	s23 =	simm.s32 $0x180;
	[sflag:s15] =	ssyncset.done $0x0  }
0x55: {  	s24 =	sand.u32 $0x380, s23;
	s23 =	simm.s32 $0x2000;
	[sflag:s15] =	ssyncadd.s32 $0xFFFFC000  }
0x56: {  	s24 =	sor.u32 s22, s24;
	s22 =	simm.s32 $0x200;
	_ =	swait.ge [sflag:s15], $0x4000  }
0x57: {  	s25 =	sshrl.u32 s24, $0x3;
	s21 =	simm.s32 $0x1000;
	[sflag:s15] =	ssyncset.done $0x0  }
.LBB2_2:
0x58: {  	s24 =	sadd.s32 s5, s25;
	[sflag:s15] =	ssyncadd.s32 $0xFFFFC000  }
0x59: {  	[tilespmem:s16], [sflag:$0x2] =	stream.linear.gather [hbm4b:s24+s2], $0x80, $0x38;
	[tilespmem:$0x10200] =	vst v63  }
0x5a: {  	_ =	swait.ge [sflag:s11], $0x80  }
0x5b: {  	[sflag:s11] =	ssyncset.done $0x0  }
0x5c: {  	s26 =	sadd.s32 s6, s25;
	[sflag:s11] =	ssyncadd.s32 $0xFFFFFF80  }
0x5d: {  	[tilespmem:s17], [sflag:$0x2] =	stream.linear.gather [hbm4b:s26+s2], $0x80, $0x38;
	[tilespmem:$0x10200] =	vst v63  }
0x5e: {  	_ =	swait.ge [sflag:s11], $0x80  }
0x5f: {  	[sflag:s11] =	ssyncset.done $0x0  }
0x60: {  	[sflag:s11] =	ssyncadd.s32 $0xFFFFFF80  }
0x61: {  	[tilespmem:s18], [sflag:$0x1] =	stream.indirect.gather [hbm4b:s1+s12], $0x80, s16, s12, $0xb8;
	[tilespmem:$0x10200] =	vst v63  }
0x62: {  	s28 =	rddreg [dreg:$0x6]  }
0x63: {  	[tilespmem:s19], [sflag:$0x1] =	stream.indirect.gather [hbm4b:s4+s12], $0x80, s17, s12, $0xb8;
	[tilespmem:$0x10200] =	vst v63  }
0x64: {  	s25 =	sadd.s32 s21, s28  }
0x65: {  	[hbm4b:s25+s2] =	stream.linear.scatter [tilespmem:s13], [sflag:$0x2], $0x4000, $0x38;
	[tilespmem:$0x10200] =	vst v63  }
0x66: {  	_ =	swait.ge [sflag:s11], $0x4000  }
0x67: {  	s29 =	rddreg [dreg:$0x5];
	[sflag:s11] =	ssyncset.done $0x0  }
0x68: {  	[sflag:s11] =	ssyncadd.s32 $0xFFFFC000;
	s25 =	sadd.s32 s21, s29  }
0x69: {  	[hbm4b:s25+s2] =	stream.linear.scatter [tilespmem:s14], [sflag:$0x2], $0x4000, $0x38;
	[tilespmem:$0x10200] =	vst v63  }
0x6a: {  	_ =	swait.ge [sflag:s11], $0x4000  }
0x6b: {  	[sflag:s11] =	ssyncset.done $0x0  }
0x6c: {  	[sflag:s11] =	ssyncadd.s32 $0xFFFFC000  }
0x6d: {  	_ =	swait.ge [sflag:s15], $0x4000  }
0x6e: {  	s30 =	sand.u32 $0x7C00, s22;
	[sflag:s15] =	ssyncset.done $0x0  }
0x6f: {  	s26 =	sand.u32 $0x300, s22;
	s25 =	sadd.s32 s7, s30;
	[sflag:s15] =	ssyncadd.s32 $0xFFFFC000  }
0x70: {  	s25 =	sor.u32 s26, s25;
	_ =	swait.ge [sflag:s15], $0x4000  }
0x71: {  	s25 =	sshrl.u32 s25, $0x3;
	[sflag:s15] =	ssyncset.done $0x0  }
0x72: {  	s31 =	sadd.s32 s5, s25;
	[sflag:s15] =	ssyncadd.s32 $0xFFFFC000  }
0x73: {  	[tilespmem:s2], [sflag:$0x2] =	stream.linear.gather [hbm4b:s31+s2], $0x80, $0x38;
	[tilespmem:$0x10200] =	vst v63  }
0x74: {  	_ =	swait.ge [sflag:s11], $0x80  }
0x75: {  	[sflag:s11] =	ssyncset.done $0x0  }
0x76: {  	s25 =	sadd.s32 s6, s25;
	[sflag:s11] =	ssyncadd.s32 $0xFFFFFF80  }
0x77: {  	[tilespmem:s12], [sflag:$0x2] =	stream.linear.gather [hbm4b:s25+s2], $0x80, $0x38;
	[tilespmem:$0x10200] =	vst v63  }
0x78: {  	_ =	swait.ge [sflag:s11], $0x80  }
0x79: {  	[sflag:s11] =	ssyncset.done $0x0  }
0x7a: {  	[sflag:s11] =	ssyncadd.s32 $0xFFFFFF80  }
0x7b: {  	[tilespmem:s13], [sflag:$0x1] =	stream.indirect.gather [hbm4b:s1+s12], $0x80, s2, s12, $0xb8;
	[tilespmem:$0x10200] =	vst v63  }
0x7c: {  	s28 =	rddreg [dreg:$0x3]  }
0x7d: {  	[tilespmem:s14], [sflag:$0x1] =	stream.indirect.gather [hbm4b:s4+s12], $0x80, s12, s12, $0xb8;
	[tilespmem:$0x10200] =	vst v63  }
0x7e: {  	s25 =	sadd.s32 s21, s28  }
0x7f: {  	[hbm4b:s25+s2] =	stream.linear.scatter [tilespmem:s18], [sflag:$0x2], $0x4000, $0x38;
	[tilespmem:$0x10200] =	vst v63  }
0x80: {  	_ =	swait.ge [sflag:s11], $0x4000  }
0x81: {  	s29 =	rddreg [dreg:$0x4];
	[sflag:s11] =	ssyncset.done $0x0  }
0x82: {  	[sflag:s11] =	ssyncadd.s32 $0xFFFFC000;
	s25 =	sadd.s32 s21, s29  }
0x83: {  	[hbm4b:s25+s2] =	stream.linear.scatter [tilespmem:s19], [sflag:$0x2], $0x4000, $0x38;
	[tilespmem:$0x10200] =	vst v63  }
0x84: {  	_ =	swait.ge [sflag:s11], $0x4000  }
0x85: {  	p0 =	sne.s32 s23, $0x27000;
	s22 =	sadd.s32 $0x100, s22;
	[sflag:s11] =	ssyncset.done $0x0  }
0x86: {  	s24 =	smov.u32 s23;
	s30 =	sadd.s32 $0xFFFFFF00, s22;
	[sflag:s11] =	ssyncadd.s32 $0xFFFFC000  }
.Ltmp0:
0x87: {  	s31 =	sadd.s32 $0xFFFFFF80, s22;
	_ =	swait.ge [sflag:s15], $0x4000;
	(pc) =	sbr.rel @p0 .LBB2_2-.Ltmp0, $4  }
0x88: {  	s21 =	smov.u32 s24;
	s24 =	sand.u32 $0x3C00, s30;
	[sflag:s15] =	ssyncset.done $0x0  }
0x89: {  	s24 =	sadd.s32 s7, s24;
	s25 =	sand.u32 $0x380, s31;
	[sflag:s15] =	ssyncadd.s32 $0xFFFFC000  }
0x8a: {  	s24 =	sor.u32 s24, s25;
	_ =	swait.ge [sflag:s15], $0x4000  }
0x8b: {  	s23 =	sadd.s32 $0x1000, s23;
	s25 =	sshrl.u32 s24, $0x3;
	[sflag:s15] =	ssyncset.done $0x0  }
0x8c: {  	s23 =	sadd.s32 s5, s25;
	[sflag:s15] =	ssyncadd.s32 $0xFFFFC000  }
0x8d: {  	[tilespmem:s16], [sflag:$0x2] =	stream.linear.gather [hbm4b:s23+s2], $0x80, $0x38;
	[tilespmem:$0x10200] =	vst v63  }
0x8e: {  	_ =	swait.ge [sflag:s11], $0x80  }
0x8f: {  	[sflag:s11] =	ssyncset.done $0x0  }
0x90: {  	s30 =	sadd.s32 s6, s25;
	[sflag:s11] =	ssyncadd.s32 $0xFFFFFF80  }
0x91: {  	[tilespmem:s17], [sflag:$0x2] =	stream.linear.gather [hbm4b:s30+s2], $0x80, $0x38;
	[tilespmem:$0x10200] =	vst v63  }
0x92: {  	_ =	swait.ge [sflag:s11], $0x80  }
0x93: {  	[sflag:s11] =	ssyncset.done $0x0  }
0x94: {  	[sflag:s11] =	ssyncadd.s32 $0xFFFFFF80  }
0x95: {  	[tilespmem:s18], [sflag:$0x1] =	stream.indirect.gather [hbm4b:s1+s12], $0x80, s16, s12, $0xb8;
	[tilespmem:$0x10200] =	vst v63  }
0x96: {  	s31 =	rddreg [dreg:$0x6]  }
0x97: {  	[tilespmem:s19], [sflag:$0x1] =	stream.indirect.gather [hbm4b:s4+s12], $0x80, s17, s12, $0xb8;
	[tilespmem:$0x10200] =	vst v63  }
0x98: {  	s23 =	sadd.s32 s21, s31  }
0x99: {  	[hbm4b:s23+s2] =	stream.linear.scatter [tilespmem:s13], [sflag:$0x2], $0x4000, $0x38;
	[tilespmem:$0x10200] =	vst v63  }
0x9a: {  	_ =	swait.ge [sflag:s11], $0x4000  }
0x9b: {  	s24 =	rddreg [dreg:$0x5];
	[sflag:s11] =	ssyncset.done $0x0  }
0x9c: {  	[sflag:s11] =	ssyncadd.s32 $0xFFFFC000;
	s23 =	sadd.s32 s21, s24  }
0x9d: {  	[hbm4b:s23+s2] =	stream.linear.scatter [tilespmem:s14], [sflag:$0x2], $0x4000, $0x38;
	[tilespmem:$0x10200] =	vst v63  }
0x9e: {  	_ =	swait.ge [sflag:s11], $0x4000  }
0x9f: {  	[sflag:s11] =	ssyncset.done $0x0  }
0xa0: {  	[sflag:s11] =	ssyncadd.s32 $0xFFFFC000  }
0xa1: {  	_ =	swait.ge [sflag:s15], $0x4000  }
0xa2: {  	s25 =	sand.u32 $0x7C00, s22;
	[sflag:s15] =	ssyncset.done $0x0  }
0xa3: {  	s26 =	sand.u32 $0x300, s22;
	s23 =	sadd.s32 s7, s25;
	[sflag:s15] =	ssyncadd.s32 $0xFFFFC000  }
0xa4: {  	s22 =	sor.u32 s26, s23;
	_ =	swait.ge [sflag:s15], $0x4000  }
0xa5: {  	s22 =	sshrl.u32 s22, $0x3;
	[sflag:s15] =	ssyncset.done $0x0  }
0xa6: {  	s28 =	sadd.s32 s5, s22;
	[sflag:s15] =	ssyncadd.s32 $0xFFFFC000  }
0xa7: {  	[tilespmem:s2], [sflag:$0x2] =	stream.linear.gather [hbm4b:s28+s2], $0x80, $0x38;
	[tilespmem:$0x10200] =	vst v63  }
0xa8: {  	_ =	swait.ge [sflag:s11], $0x80  }
0xa9: {  	[sflag:s11] =	ssyncset.done $0x0  }
0xaa: {  	s22 =	sadd.s32 s6, s22;
	[sflag:s11] =	ssyncadd.s32 $0xFFFFFF80  }
0xab: {  	[tilespmem:s12], [sflag:$0x2] =	stream.linear.gather [hbm4b:s22+s2], $0x80, $0x38;
	[tilespmem:$0x10200] =	vst v63  }
0xac: {  	_ =	swait.ge [sflag:s11], $0x80  }
0xad: {  	[sflag:s11] =	ssyncset.done $0x0  }
0xae: {  	[sflag:s11] =	ssyncadd.s32 $0xFFFFFF80  }
0xaf: {  	[tilespmem:s13], [sflag:$0x1] =	stream.indirect.gather [hbm4b:s1+s12], $0x80, s2, s12, $0xb8;
	[tilespmem:$0x10200] =	vst v63  }
0xb0: {  	s29 =	rddreg [dreg:$0x3]  }
0xb1: {  	[tilespmem:s14], [sflag:$0x1] =	stream.indirect.gather [hbm4b:s4+s12], $0x80, s12, s12, $0xb8;
	[tilespmem:$0x10200] =	vst v63  }
0xb2: {  	s22 =	sadd.s32 s21, s29  }
0xb3: {  	[hbm4b:s22+s2] =	stream.linear.scatter [tilespmem:s18], [sflag:$0x2], $0x4000, $0x38;
	[tilespmem:$0x10200] =	vst v63  }
0xb4: {  	_ =	swait.ge [sflag:s11], $0x4000  }
0xb5: {  	s30 =	rddreg [dreg:$0x4];
	[sflag:s11] =	ssyncset.done $0x0  }
0xb6: {  	[sflag:s11] =	ssyncadd.s32 $0xFFFFC000;
	s31 =	sadd.s32 s21, s30  }
0xb7: {  	[hbm4b:s31+s2] =	stream.linear.scatter [tilespmem:s19], [sflag:$0x2], $0x4000, $0x38;
	[tilespmem:$0x10200] =	vst v63  }
0xb8: {  	_ =	swait.ge [sflag:s11], $0x4000  }
0xb9: {  	[sflag:s11] =	ssyncset.done $0x0  }
0xba: {  	s20 =	sadd.s32 $0x1, s20;
	[sflag:s11] =	ssyncadd.s32 $0xFFFFC000  }
0xbb: {  	p0 =	sne.s32 s20, s10;
	_ =	swait.ge [sflag:s15], $0x4000  }
.Ltmp1:
0xbc: {  	[sflag:s15] =	ssyncset.done $0x0;
	(pc) =	sbr.rel @p0 .LBB2_1-.Ltmp1, $4  }
0xbd: {  	[sflag:s15] =	ssyncadd.s32 $0xFFFFC000  }
0xbe: {  	_ =	swait.ge [sflag:s15], $0x4000  }
0xbf: {  	[sflag:s15] =	ssyncset.done $0x0  }
0xc0: {  	[sflag:s15] =	ssyncadd.s32 $0xFFFFC000  }
0xc1: {  	_ =	sfence.sel $0x180000  }
0xc2: {  	[bflag:$0x0] =	sbarrier.arrive $0xFFFF  }
0xc3: {  	p0 =	sne.s32 s3, $0x0;
	_ =	strace $0x90000053  }
0xc4: {  	s0 =	sadd.s32 @!p0 $0x100000, s0;
	[bflag:$0x2] =	sbarrier.arrive $0xFFFF  }
0xc5: {  	[sflag:s0] =	ssyncadd.tile.s32 @!p0 $0x1;
	_ =	shalt  }
.Lfunc_end2:
_tile_overlayer_lowered:
.L_overlay_start_2:
0xc6: {  	(tag) =	ssettag $0x2  }
0xc7: {  	s0 =	rddreg [dreg:$0x0];
	s2 =	stileid.u32  }
0xc8: {  	s1 =	rddreg [dreg:$0x1];
	p0 =	sne.s32 s2, $0x0  }
0xc9: {  	s3 =	rddreg [dreg:$0x2];
	[bflag:$0x3] =	sbarrier.arrive $0xFFFF;
	s2 =	simm.s32 @!p0 $0x1C02  }
0xca: {  	[timem:s3], [sflag:s2] =	dma.local @!p0 [hbm:s0], s1  }
0xcb: {  	s0 =	simm.s32 @!p0 $0x2  }
0xcc: {  	_ =	swait.ge @!p0 [sflag:s0], s1  }
0xcd: {  	s1 =	ssub.s32 @!p0 $0x0, s1;
	[sflag:s0] =	ssyncset.done @!p0 $0x0  }
0xce: {  	[sflag:s0] =	ssyncadd.s32 @!p0 s1  }
0xcf: {  	[bflag:$0x3] =	sbarrier.arrive $0xFFFF  }
0xd0: {  	_ =	shalt  }

// kernel: kernel.30.cloned.1.call-start
scs
__scs_entry_jumppad:
0x0: {  	(pc) =	sbr.rel $0x88, $3  }
0x1: {  	(tag) =	ssettag $0x0;
	lr =	simm.s32 $0x1  }
0x2: {  	[smem:$0x3F93] =	sst lr;
	_ =	strace $0xD0000000  }
0x3: {  	_ = 	snop  }
0x4: {  	_ = 	snop  }
0x5: {  	_ = 	snop  }
0x6: {  	_ = 	snop  }
0x7: {  	_ = 	snop  }
__scs_overlays_trampoline_lowered:
0x8: {  	[smem:$0x3FA2] =	sst s0  }
0x9: {  	[smem:$0x3FA3] =	sst s1  }
0xa: {  	[smem:$0x3FA4] =	sst s2  }
0xb: {  	[smem:$0x3FA5] =	sst s3  }
0xc: {  	[smem:$0x3FA6] =	sst s4  }
0xd: {  	[smem:$0x3FA7] =	sst s5  }
0xe: {  	[smem:$0x3FA8] =	sst s6  }
0xf: {  	[smem:$0x3FA9] =	sst s7  }
0x10: {  	[smem:$0x3FAA] =	sst s8  }
0x11: {  	[smem:$0x3FAB] =	sst s9;
	s0 =	simm.s32 @!p0 $0x0  }
0x12: {  	s1 =	sld [smem:$0x3F91];
	s0 =	simm.s32 @p0 $0x1  }
0x13: {  	[smem:$0x3FAC] =	sst s0;
	s0 =	simm.s32 @!p1 $0x0  }
0x14: {  	s2 =	sld [smem:$0x3F90];
	s0 =	simm.s32 @p1 $0x1  }
0x15: {  	[smem:$0x3FAD] =	sst s0;
	s0 =	simm.s32 @!p2 $0x0  }
0x16: {  	s3 =	sld [smem:$0x3FDB];
	s0 =	simm.s32 @p2 $0x1  }
0x17: {  	s4 =	simm.s32 $0x1BF5;
	[smem:$0x3FAF] =	sst s0  }
0x18: {  	s0 =	sld [smem:$0x3F92];
	_ =	swait.ge [sflag:s4], $0x0  }
0x19: {  	s7 =	sld [smem:$0x3F93]  }
0x1a: {  	s8 =	sadd.s32 $0xFFFFE003, lr  }
0x1b: {  	s9 =	sadd.s32 $0xFFFFFEF7, lr;
	s5 =	simm.s32 $0xFFFFFFFF;
	p2 =	slt.u32 s8, $0xFFFFF086  }
0x1c: {  	p1 =	slt.u32 s9, $0xF7A;
	s5 =	simm.s32 @!p2 $0x0  }
0x1d: {  	s5 =	simm.s32 @p1 $0x1;
	p0 =	seq.s32 s7, s2  }
0x1e: {  	s7 =	smul.u32 @!p0 $0xF7A, s2;
	p2 =	seq.s32 @!p0 s5, $0x0  }
0x1f: {  	s9 =	smul.u32 $0xF7A, s1;
	s8 =	simm.s32 @!p0 $0x1BF5;
	p2 =	por !p2, p0  }
0x20: {  	[sflag:s8] =	ssyncset.s32 @!p0 $0xFFFFF086;
	s6 =	sadd.s32 @!p0 s3, s7;
	s7 =	simm.s32 @!p0 $0x108  }
0x21: {  	s3 =	sadd.s32 s3, s9;
	s6 =	sadd.s32 @!p0 $0x88, s6;
	s7 =	simm.s32 @p2 $0x1082  }
0x22: {  	[simem:s7], [sflag:s8] =	dma.local @!p0 [hbm:s6], $0xF7A  }
0x23: {  	s9 =	sor.u32 $0xD0000000, s2;
	s6 =	simm.s32 $0x108;
	_ =	swait.ge @!p0 [sflag:s8], $0x0  }
0x24: {  	s3 =	sadd.s32 $0x88, s3;
	s6 =	simm.s32 @!p1 $0x1082;
	[sflag:s4] =	ssyncset.s32 $0xFFFFF086  }
0x25: {  	[simem:s6], [sflag:s4] =	dma.local [hbm:s3], $0xF7A  }
0x26: {  	[smem:$0x3F93] =	sst s1;
	(tag) =	ssettag s2;
	_ =	strace s9  }
0x27: {  	s1 =	sld [smem:$0x3FA3]  }
0x28: {  	s2 =	sld [smem:$0x3FA4]  }
0x29: {  	s4 =	sld [smem:$0x3FA6]  }
0x2a: {  	p0 =	seq.s32 s5, $0x0;
	s5 =	sld [smem:$0x3FA7]  }
0x2b: {  	s6 =	sld [smem:$0x3FA8]  }
0x2c: {  	s7 =	sld [smem:$0x3FA9]  }
0x2d: {  	s3 =	simm.s32 $0x108;
	s8 =	sld [smem:$0x3FAA]  }
0x2e: {  	s3 =	simm.s32 @!p0 $0x1082;
	s9 =	sld [smem:$0x3FAB]  }
0x2f: {  	lr =	sadd.s32 s0, s3;
	s0 =	sld [smem:$0x3FA2]  }
0x30: {  	s3 =	sld [smem:$0x3FA5]  }
0x31: {  	[smem:$0x3FAE] =	sst s10  }
0x32: {  	s10 =	sld [smem:$0x3FAC];
	_ =	sdelay $0x3  }
0x33: {  	p0 =	seq.s32 s10, $0x1;
	s10 =	sld [smem:$0x3FAE];
	_ =	sdelay $0x3  }
0x34: {  	[smem:$0x3FAE] =	sst s10  }
0x35: {  	s10 =	sld [smem:$0x3FAD];
	_ =	sdelay $0x3  }
0x36: {  	p1 =	seq.s32 s10, $0x1;
	s10 =	sld [smem:$0x3FAE];
	_ =	sdelay $0x3  }
0x37: {  	[smem:$0x3FAE] =	sst s10  }
0x38: {  	s10 =	sld [smem:$0x3FAF]  }
0x39: {  	_ = 	snop;
	(pc) =	sbr.ind lr, $3  }
0x3a: {  	_ = 	snop  }
0x3b: {  	_ = 	snop  }
0x3c: {  	p2 =	seq.s32 s10, $0x1;
	s10 =	sld [smem:$0x3FAE]  }
0x3d: {  	_ =	shalt  }
0x3e: {  	_ =	shalt  }
0x3f: {  	_ =	shalt  }
0x40: {  	_ =	shalt  }
0x41: {  	_ =	shalt  }
0x42: {  	_ =	shalt  }
0x43: {  	_ =	shalt  }
0x44: {  	_ =	shalt  }
0x45: {  	_ =	shalt  }
0x46: {  	_ =	shalt  }
0x47: {  	_ =	shalt  }
0x48: {  	_ =	shalt  }
0x49: {  	_ =	shalt  }
0x4a: {  	_ =	shalt  }
0x4b: {  	_ =	shalt  }
0x4c: {  	_ =	shalt  }
0x4d: {  	_ =	shalt  }
0x4e: {  	_ =	shalt  }
0x4f: {  	_ =	shalt  }
0x50: {  	_ =	shalt  }
0x51: {  	_ =	shalt  }
0x52: {  	_ =	shalt  }
0x53: {  	_ =	shalt  }
0x54: {  	_ =	shalt  }
0x55: {  	_ =	shalt  }
0x56: {  	_ =	shalt  }
0x57: {  	_ =	shalt  }
0x58: {  	_ =	shalt  }
0x59: {  	_ =	shalt  }
0x5a: {  	_ =	shalt  }
0x5b: {  	_ =	shalt  }
0x5c: {  	_ =	shalt  }
0x5d: {  	_ =	shalt  }
0x5e: {  	_ =	shalt  }
0x5f: {  	_ =	shalt  }
0x60: {  	_ =	shalt  }
0x61: {  	_ =	shalt  }
0x62: {  	_ =	shalt  }
0x63: {  	_ =	shalt  }
0x64: {  	_ =	shalt  }
0x65: {  	_ =	shalt  }
0x66: {  	_ =	shalt  }
0x67: {  	_ =	shalt  }
0x68: {  	_ =	shalt  }
0x69: {  	_ =	shalt  }
0x6a: {  	_ =	shalt  }
0x6b: {  	_ =	shalt  }
0x6c: {  	_ =	shalt  }
0x6d: {  	_ =	shalt  }
0x6e: {  	_ =	shalt  }
0x6f: {  	_ =	shalt  }
0x70: {  	_ =	shalt  }
0x71: {  	_ =	shalt  }
0x72: {  	_ =	shalt  }
0x73: {  	_ =	shalt  }
0x74: {  	_ =	shalt  }
0x75: {  	_ =	shalt  }
0x76: {  	_ =	shalt  }
0x77: {  	_ =	shalt  }
0x78: {  	_ =	shalt  }
0x79: {  	_ =	shalt  }
0x7a: {  	_ =	shalt  }
0x7b: {  	_ =	shalt  }
0x7c: {  	_ =	shalt  }
0x7d: {  	_ =	shalt  }
0x7e: {  	_ =	shalt  }
0x7f: {  	_ =	shalt  }
0x80: {  	_ =	shalt  }
0x81: {  	_ =	shalt  }
0x82: {  	_ =	shalt  }
0x83: {  	_ =	shalt  }
0x84: {  	_ =	shalt  }
0x85: {  	_ =	shalt  }
0x86: {  	_ =	shalt  }
0x87: {  	_ =	shalt  }
.Lfunc_end0:
.L_simem_size_0:
called_computation.5_lowered:
.L_overlay_start_0:
0x88: {  	s2 =	sld [smem:$0x3FD9]  }
0x89: {  	s3 =	sld [smem:$0x3FFE];
	_ =	sdelay $0x1  }
0x8a: {  	s1 =	srdreg.scid  }
0x8b: {  	s0 =	sand.u32 $0x1, s1  }
0x8c: {  	s16 =	sshll.u32 s0, $0xA;
	s2 =	sadd.s32 s3, s2  }
0x8d: {  	s2 =	sadd.s32 s2, s16  }
0x8e: {  	[smem:$0x3FBA] =	sst s2  }
0x8f: {  	_ = 	snop  }
0x90: {  	(tm) =	ssettm $0x1  }
0x91: {  	s17 =	sld [smem:$0x3FFB];
	_ =	sdelay $0x3  }
0x92: {  	_ =	strace s17  }
0x93: {  	s2 =	sld [smem:$0x3FFC];
	_ =	sdelay $0x3  }
0x94: {  	_ =	strace s2  }
0x95: {  	s2 =	sld [smem:$0x3FFD];
	_ =	sdelay $0x3  }
0x96: {  	_ =	strace s2  }
0x97: {  	_ =	strace $0x8FFFFFFF  }
0x98: {  	s18 =	sld [smem:$0x3FDB];
	_ =	sdelay $0x1  }
0x99: {  	s19 =	simm.s32 $_scs_section_size  }
0x9a: {  	s4 =	simm.s32 $_size__tile_overlayer_lowered;
	s5 =	simm.s32 $_tile_overlayer_lowered  }
0x9b: {  	s22 =	simm.s32 $0x1BFF;
	s21 =	sshll.u32 s5, $0x1;
	s2 =	sadd.s32 s19, s18  }
0x9c: {  	s6 =	simm.s32 $0x0;
	s20 =	sshll.u32 s4, $0x1;
	s4 =	sadd.s32 s21, s2  }
0x9d: {  	[timem:s6], [sflag:s22] =	dma.local [hbm:s4], s20  }
0x9e: {  	_ =	swait.ge [sflag:s22], s20  }
0x9f: {  	s3 =	ssub.s32 $0x0, s20;
	[sflag:s22] =	ssyncset.done $0x0  }
0xa0: {  	[sflag:s22] =	ssyncadd.s32 s3;
	_ =	sdelay $0x1  }
0xa1: {  	s23 =	simm.s32 $0x1B8B  }
0xa2: {  	_ =	swait.ge [sflag:s23], $0x1  }
0xa3: {  	[sflag:s23] =	ssyncset.done $0x0  }
0xa4: {  	s25 =	simm.s32 $0x1B8E;
	s24 =	sld [smem:$0x3FFE];
	[sflag:s23] =	ssyncadd.s32 $0xFFFFFFFF  }
0xa5: {  	s26 =	simm.s32 $execute0_lowered;
	[smem:$0x3FD2] =	sst s25  }
0xa6: {  	s4 =	sshll.u32 s26, $0x1;
	_ =	strace $0x80000055;
	[dreg:$0x1] =	wrdreg $0xFFFFFFFF  }
0xa7: {  	s28 =	simm.s32 $_size_execute0_lowered;
	s2 =	sadd.s32 s2, s4;
	[dreg:$0x0] =	wrdreg $0x0  }
0xa8: {  	s4 =	sshll.u32 s28, $0x1;
	[dreg:$0x2] =	wrdreg s2  }
0xa9: {  	[dreg:$0x3] =	wrdreg s4  }
0xaa: {  	[dreg:$0x4] =	wrdreg $0xC0  }
0xab: {  	_ =	task [dreg:s6], $0x5FFFF  }
0xac: {  	[dreg:$0x1] =	wrdreg $0xFFFFFFFF  }
0xad: {  	[dreg:$0x0] =	wrdreg $0x60  }
0xae: {  	[dreg:$0x2] =	wrdreg s24  }
0xaf: {  	[dreg:$0x3] =	wrdreg $0x0  }
0xb0: {  	[dreg:$0x4] =	wrdreg $0x9  }
0xb1: {  	_ =	task.clear_ibuf [dreg:s6], $0x5FFFF;
	_ =	strace $0x90000055  }
0xb2: {  	s29 =	simm.s32 $0x9;
	_ =	strace $0x80000057  }
0xb3: {  	_ =	swait.ge [sflag:s29], $0x1  }
0xb4: {  	[sflag:s29] =	ssyncadd.s32 $0xFFFFFFFF  }
0xb5: {  	_ =	strace $0x90000057  }
0xb6: {  	_ =	sfence  }
0xb7: {  	s30 =	sld [smem:$0x0];
	_ =	sdelay $0x2  }
0xb8: {  	s31 =	sshll.u32 s1, $0xD;
	s1 =	sshrl.u32 s1, $0x2  }
0xb9: {  	s3 =	sand.u32 $0x4000, s31;
	s1 =	sadd.s32 s1, s30  }
0xba: {  	s0 =	sor.u32 s3, s0;
	s1 =	sshll.u32 s1, $0x11  }
0xbb: {  	s0 =	sor.u32 s1, s0  }
0xbc: {  	s0 =	sadd.s32 $0x8F2B, s0  }
0xbd: {  	[sflag:s0] =	ssyncadd.remote.s32 $0x1  }
0xbe: {  	_ =	sfence.sel $0xFFFF  }
0xbf: {  	[dreg:$0x0] =	wrdreg $0xFFFFFFFF;
	(pc) =	sbr.abs _section_cstart, $3  }
0xc0: {  	[dreg:$0x1] =	wrdreg $0xFFFFFFFF  }
0xc1: {  	_ =	task.clear_ibuf [dreg:s6], $0x2FFFF;
	_ =	strace $0x9FFFFFFF  }
0xc2: {  	(tm) =	ssettm $0x7FFFFFFF  }
0xc3: {  	_ =	shalt  }
tec
execute0_lowered:
.L_overlay_start_1:
0x0: {  	(tag) =	ssettag $0x1  }
0x1: {  	s0 =	srdreg.scid;
	s6 =	rddreg [dreg:$0x0]  }
0x2: {  	s2 =	rddreg [dreg:$0x1];
	s5 =	sand.u32 $0x1, s0  }
0x3: {  	s0 =	stileid.u32;
	s4 =	smul.u32 $0x2800000, s5  }
0x4: {  	s3 =	simm.s32 $0x0;
	s24 =	simm.s32 $0x14000;
	s7 =	smul.u32 $0x280000, s0  }
0x5: {  	s25 =	simm.s32 $0x80;
	s26 =	simm.s32 $0x0;
	s28 =	smul.u32 $0xA00, s0  }
0x6: {  	[smem:$0x7FF] =	sst s3;
	s19 =	sadd.s32 $0x26600, s6;
	s8 =	smul.u32 $0x50000, s0  }
0x7: {  	_ =	strace $0x80000056;
	s29 =	ssub.s32 $0x2, s5;
	s16 =	smul.u32 $0x140000, s5  }
0x8: {  	s15 =	smul.u32 $0x14000, s0;
	s9 =	sshrl.u32 s29, $0x1;
	s4 =	sadd.s32 s7, s4  }
0x9: {  	s21 =	sadd.s32 s28, s6;
	s8 =	sshrl.u32 s8, $0x2;
	s7 =	ssub.s32 s29, s9  }
0xa: {  	s10 =	sadd.s32 s16, s15;
	s12 =	sadd.s32 $0x4000, s15;
	s17 =	sadd.s32 $0x8000, s15  }
0xb: {  	s18 =	sadd.s32 $0xC000, s15;
	s23 =	sadd.s32 $0x10000, s15;
	s4 =	sshrl.u32 s4, $0x3  }
0xc: {  	s5 =	sadd.s32 s8, s2;
	s11 =	sshrl.u32 s10, $0x3;
	s13 =	sadd.s32 s16, s12  }
0xd: {  	s12 =	sadd.s32 s12, s2;
	s14 =	sadd.s32 s17, s2;
	s17 =	sadd.s32 s16, s17  }
0xe: {  	s22 =	sadd.s32 s16, s18;
	s31 =	sadd.s32 s16, s23;
	s16 =	sadd.s32 s18, s2  }
0xf: {  	s18 =	sadd.s32 s23, s2;
	s21 =	sadd.s32 $0x5E00, s21;
	s23 =	simm.s32 $0x1  }
0x10: {  	s20 =	sadd.s32 s4, s6;
	s4 =	sadd.s32 $0x25E00, s6;
	s6 =	smax.u32 s7, $0x1  }
0x11: {  	s7 =	sadd.s32 $0x4000, s5;
	s8 =	sadd.s32 $0x8000, s5;
	s9 =	sadd.s32 $0xC000, s5  }
0x12: {  	s10 =	sadd.s32 $0x10000, s5;
	s11 =	sadd.s32 s19, s11;
	s13 =	sshrl.u32 s13, $0x3  }
0x13: {  	s17 =	sshrl.u32 s17, $0x3;
	s30 =	sshrl.u32 s22, $0x3;
	s22 =	sshrl.u32 s31, $0x3  }
0x14: {  	s13 =	sadd.s32 s19, s13;
	s15 =	sadd.s32 s19, s17;
	s17 =	sadd.s32 s19, s30  }
0x15: {  	s19 =	sadd.s32 s19, s22;
	s20 =	sadd.s32 $0xA4D800, s20;
	s22 =	simm.s32 $0x14080  }
.LBB2_1:
0x16: {  	[tilespmem:s22], [sflag:$0x1] =	stream.linear.gather [hbm4b:s4+s3], $0x4000, $0x38;
	[tilespmem:$0x18080] =	vst v63  }
0x17: {  	_ =	swait.ge [sflag:s23], $0x4000  }
0x18: {  	[sflag:s23] =	ssyncset.done $0x0  }
0x19: {  	[sflag:s23] =	ssyncadd.s32 $0xFFFFC000  }
0x1a: {  	[spmem:s5] =	stream.linear.scatter [tilespmem:s22], [sflag:$0x1], $0x4000, $0x38;
	[tilespmem:$0x18080] =	vst v63  }
0x1b: {  	_ =	swait.ge [sflag:s23], $0x4000  }
0x1c: {  	[sflag:s23] =	ssyncset.done $0x0  }
0x1d: {  	[sflag:s23] =	ssyncadd.s32 $0xFFFFC000  }
0x1e: {  	[spmem:s7] =	stream.linear.scatter [tilespmem:s22], [sflag:$0x1], $0x4000, $0x38;
	[tilespmem:$0x18080] =	vst v63  }
0x1f: {  	_ =	swait.ge [sflag:s23], $0x4000  }
0x20: {  	[sflag:s23] =	ssyncset.done $0x0  }
0x21: {  	[sflag:s23] =	ssyncadd.s32 $0xFFFFC000  }
0x22: {  	[spmem:s8] =	stream.linear.scatter [tilespmem:s22], [sflag:$0x1], $0x4000, $0x38;
	[tilespmem:$0x18080] =	vst v63  }
0x23: {  	_ =	swait.ge [sflag:s23], $0x4000  }
0x24: {  	[sflag:s23] =	ssyncset.done $0x0  }
0x25: {  	[sflag:s23] =	ssyncadd.s32 $0xFFFFC000  }
0x26: {  	[spmem:s9] =	stream.linear.scatter [tilespmem:s22], [sflag:$0x1], $0x4000, $0x38;
	[tilespmem:$0x18080] =	vst v63  }
0x27: {  	_ =	swait.ge [sflag:s23], $0x4000  }
0x28: {  	[sflag:s23] =	ssyncset.done $0x0  }
0x29: {  	[sflag:s23] =	ssyncadd.s32 $0xFFFFC000  }
0x2a: {  	[spmem:s10] =	stream.linear.scatter [tilespmem:s22], [sflag:$0x1], $0x4000, $0x38;
	[tilespmem:$0x18080] =	vst v63  }
0x2b: {  	_ =	swait.ge [sflag:s23], $0x4000  }
0x2c: {  	[sflag:s23] =	ssyncset.done $0x0  }
0x2d: {  	[sflag:s23] =	ssyncadd.s32 $0xFFFFC000  }
0x2e: {  	s28 =	sadd.s32 $0x0, s21;
	[bflag:$0x0] =	sbarrier.arrive $0xFFFF  }
0x2f: {  	[tilespmem:s24], [sflag:$0x1] =	stream.linear.gather [hbm4b:s28+s3], $0x80, $0x38;
	[tilespmem:$0x18080] =	vst v63  }
0x30: {  	_ =	swait.ge [sflag:s23], $0x80  }
0x31: {  	[sflag:s23] =	ssyncset.done $0x0  }
0x32: {  	[sflag:s23] =	ssyncadd.s32 $0xFFFFFF80  }
0x33: {  	[tilespmem:s22], [sflag:$0x1] =	stream.linear.gather [hbm4b:s20+s3], $0x4000, $0x38;
	[tilespmem:$0x18080] =	vst v63  }
0x34: {  	_ =	swait.ge [sflag:s23], $0x4000  }
0x35: {  	[sflag:s23] =	ssyncset.done $0x0  }
0x36: {  	[sflag:s23] =	ssyncadd.s32 $0xFFFFC000  }
0x37: {  	[spmem:s2] =	stream.indirect.scatter.add.f32 [tilespmem:s22], [sflag:$0x1], $0x80, s24, s25, $0xb8;
	[tilespmem:$0x18080] =	vst v63  }
0x38: {  	s29 =	simm.s32 $0x10;
	_ =	swait.ge [sflag:s23], $0x4000  }
0x39: {  	s30 =	simm.s32 $0x20;
	s28 =	sadd.s32 $0x800, s20;
	[sflag:s23] =	ssyncset.done $0x0  }
.LBB2_2:
0x3a: {  	s31 =	sadd.s32 s29, s21  }
0x3b: {  	[sflag:s23] =	ssyncadd.s32 $0xFFFFC000;
	s29 =	smov.u32 s30;
	s1 =	sadd.s32 $0x10, s30  }
0x3c: {  	[tilespmem:s24], [sflag:$0x1] =	stream.linear.gather [hbm4b:s31+s3], $0x80, $0x38;
	[tilespmem:$0x18080] =	vst v63  }
0x3d: {  	p0 =	sne.s32 s30, $0x9F0;
	_ =	swait.ge [sflag:s23], $0x80  }
0x3e: {  	[sflag:s23] =	ssyncset.done $0x0  }
0x3f: {  	[sflag:s23] =	ssyncadd.s32 $0xFFFFFF80  }
0x40: {  	[tilespmem:s22], [sflag:$0x1] =	stream.linear.gather [hbm4b:s28+s3], $0x4000, $0x38;
	[tilespmem:$0x18080] =	vst v63  }
0x41: {  	_ =	swait.ge [sflag:s23], $0x4000  }
.Ltmp0:
0x42: {  	[sflag:s23] =	ssyncset.done $0x0;
	(pc) =	sbr.rel @p0 .LBB2_2-.Ltmp0, $4  }
0x43: {  	[sflag:s23] =	ssyncadd.s32 $0xFFFFC000  }
0x44: {  	[spmem:s2] =	stream.indirect.scatter.add.f32 [tilespmem:s22], [sflag:$0x1], $0x80, s24, s25, $0xb8;
	[tilespmem:$0x18080] =	vst v63  }
0x45: {  	_ =	swait.ge [sflag:s23], $0x4000  }
0x46: {  	s30 =	smov.u32 s1;
	s28 =	sadd.s32 $0x800, s28;
	[sflag:s23] =	ssyncset.done $0x0  }
0x47: {  	s1 =	sadd.s32 s29, s21;
	[sflag:s23] =	ssyncadd.s32 $0xFFFFC000  }
0x48: {  	[tilespmem:s24], [sflag:$0x1] =	stream.linear.gather [hbm4b:s1+s3], $0x80, $0x38;
	[tilespmem:$0x18080] =	vst v63  }
0x49: {  	_ =	swait.ge [sflag:s23], $0x80  }
0x4a: {  	[sflag:s23] =	ssyncset.done $0x0  }
0x4b: {  	[sflag:s23] =	ssyncadd.s32 $0xFFFFFF80  }
0x4c: {  	[tilespmem:s22], [sflag:$0x1] =	stream.linear.gather [hbm4b:s28+s3], $0x4000, $0x38;
	[tilespmem:$0x18080] =	vst v63  }
0x4d: {  	_ =	swait.ge [sflag:s23], $0x4000  }
0x4e: {  	[sflag:s23] =	ssyncset.done $0x0  }
0x4f: {  	[sflag:s23] =	ssyncadd.s32 $0xFFFFC000  }
0x50: {  	[spmem:s2] =	stream.indirect.scatter.add.f32 [tilespmem:s22], [sflag:$0x1], $0x80, s24, s25, $0xb8;
	[tilespmem:$0x18080] =	vst v63  }
0x51: {  	_ =	swait.ge [sflag:s23], $0x4000  }
0x52: {  	[sflag:s23] =	ssyncset.done $0x0  }
0x53: {  	[sflag:s23] =	ssyncadd.s32 $0xFFFFC000  }
0x54: {  	[bflag:$0x0] =	sbarrier.arrive $0xFFFF  }
0x55: {  	[tilespmem:s22], [sflag:$0x1] =	stream.linear.gather [spmem:s5], $0x4000, $0x38;
	[tilespmem:$0x18080] =	vst v63  }
0x56: {  	_ =	swait.ge [sflag:s23], $0x4000  }
0x57: {  	[sflag:s23] =	ssyncset.done $0x0  }
0x58: {  	[sflag:s23] =	ssyncadd.s32 $0xFFFFC000  }
0x59: {  	[hbm4b:s11+s3] =	stream.linear.scatter [tilespmem:s22], [sflag:$0x1], $0x4000, $0x38;
	[tilespmem:$0x18080] =	vst v63  }
0x5a: {  	_ =	swait.ge [sflag:s23], $0x4000  }
0x5b: {  	[sflag:s23] =	ssyncset.done $0x0  }
0x5c: {  	[sflag:s23] =	ssyncadd.s32 $0xFFFFC000  }
0x5d: {  	[tilespmem:s22], [sflag:$0x1] =	stream.linear.gather [spmem:s12], $0x4000, $0x38;
	[tilespmem:$0x18080] =	vst v63  }
0x5e: {  	_ =	swait.ge [sflag:s23], $0x4000  }
0x5f: {  	[sflag:s23] =	ssyncset.done $0x0  }
0x60: {  	[sflag:s23] =	ssyncadd.s32 $0xFFFFC000  }
0x61: {  	[hbm4b:s13+s3] =	stream.linear.scatter [tilespmem:s22], [sflag:$0x1], $0x4000, $0x38;
	[tilespmem:$0x18080] =	vst v63  }
0x62: {  	_ =	swait.ge [sflag:s23], $0x4000  }
0x63: {  	[sflag:s23] =	ssyncset.done $0x0  }
0x64: {  	[sflag:s23] =	ssyncadd.s32 $0xFFFFC000  }
0x65: {  	[tilespmem:s22], [sflag:$0x1] =	stream.linear.gather [spmem:s14], $0x4000, $0x38;
	[tilespmem:$0x18080] =	vst v63  }
0x66: {  	_ =	swait.ge [sflag:s23], $0x4000  }
0x67: {  	[sflag:s23] =	ssyncset.done $0x0  }
0x68: {  	[sflag:s23] =	ssyncadd.s32 $0xFFFFC000  }
0x69: {  	[hbm4b:s15+s3] =	stream.linear.scatter [tilespmem:s22], [sflag:$0x1], $0x4000, $0x38;
	[tilespmem:$0x18080] =	vst v63  }
0x6a: {  	_ =	swait.ge [sflag:s23], $0x4000  }
0x6b: {  	[sflag:s23] =	ssyncset.done $0x0  }
0x6c: {  	[sflag:s23] =	ssyncadd.s32 $0xFFFFC000  }
0x6d: {  	[tilespmem:s22], [sflag:$0x1] =	stream.linear.gather [spmem:s16], $0x4000, $0x38;
	[tilespmem:$0x18080] =	vst v63  }
0x6e: {  	_ =	swait.ge [sflag:s23], $0x4000  }
0x6f: {  	[sflag:s23] =	ssyncset.done $0x0  }
0x70: {  	[sflag:s23] =	ssyncadd.s32 $0xFFFFC000  }
0x71: {  	[hbm4b:s17+s3] =	stream.linear.scatter [tilespmem:s22], [sflag:$0x1], $0x4000, $0x38;
	[tilespmem:$0x18080] =	vst v63  }
0x72: {  	_ =	swait.ge [sflag:s23], $0x4000  }
0x73: {  	[sflag:s23] =	ssyncset.done $0x0  }
0x74: {  	[sflag:s23] =	ssyncadd.s32 $0xFFFFC000  }
0x75: {  	[tilespmem:s22], [sflag:$0x1] =	stream.linear.gather [spmem:s18], $0x4000, $0x38;
	[tilespmem:$0x18080] =	vst v63  }
0x76: {  	s26 =	sadd.s32 $0x1, s26;
	_ =	swait.ge [sflag:s23], $0x4000  }
0x77: {  	p0 =	sne.s32 s26, s6;
	[sflag:s23] =	ssyncset.done $0x0  }
.Ltmp1:
0x78: {  	[sflag:s23] =	ssyncadd.s32 $0xFFFFC000;
	(pc) =	sbr.rel @p0 .LBB2_1-.Ltmp1, $4  }
0x79: {  	[hbm4b:s19+s3] =	stream.linear.scatter [tilespmem:s22], [sflag:$0x1], $0x4000, $0x38;
	[tilespmem:$0x18080] =	vst v63  }
0x7a: {  	_ =	swait.ge [sflag:s23], $0x4000  }
0x7b: {  	[sflag:s23] =	ssyncset.done $0x0  }
0x7c: {  	[sflag:s23] =	ssyncadd.s32 $0xFFFFC000  }
0x7d: {  	_ =	sfence.sel $0x180000  }
0x7e: {  	[bflag:$0x0] =	sbarrier.arrive $0xFFFF  }
0x7f: {  	_ =	strace $0x90000056  }
0x80: {  	[bflag:$0x2] =	sbarrier.arrive $0xFFFF  }
0x81: {  	p0 =	sne.s32 s0, $0x0;
	s0 =	rddreg [dreg:$0x2]  }
0x82: {  	s0 =	sadd.s32 @!p0 $0x100000, s0  }
0x83: {  	[sflag:s0] =	ssyncadd.tile.s32 @!p0 $0x1;
	_ =	shalt  }
.Lfunc_end2:
_tile_overlayer_lowered:
.L_overlay_start_2:
0x84: {  	(tag) =	ssettag $0x2  }
0x85: {  	s0 =	rddreg [dreg:$0x0];
	s2 =	stileid.u32  }
0x86: {  	s1 =	rddreg [dreg:$0x1];
	p0 =	sne.s32 s2, $0x0  }
0x87: {  	s3 =	rddreg [dreg:$0x2];
	[bflag:$0x3] =	sbarrier.arrive $0xFFFF;
	s2 =	simm.s32 @!p0 $0x1C01  }
0x88: {  	[timem:s3], [sflag:s2] =	dma.local @!p0 [hbm:s0], s1  }
0x89: {  	s0 =	simm.s32 @!p0 $0x1  }
0x8a: {  	_ =	swait.ge @!p0 [sflag:s0], s1  }
0x8b: {  	s1 =	ssub.s32 @!p0 $0x0, s1;
	[sflag:s0] =	ssyncset.done @!p0 $0x0  }
0x8c: {  	[sflag:s0] =	ssyncadd.s32 @!p0 s1  }
0x8d: {  	[bflag:$0x3] =	sbarrier.arrive $0xFFFF  }
0x8e: {  	_ =	shalt  }

</sc_bundles>
